<compile_context>
chip_gen: v7x
topology: tpu7x:2x2x1
jax: 0.10.2.dev20260603
libtpu: 0.0.44.dev20260713+nightly
codegen_flags: <defaults>
</compile_context>

<pallas_src>
import functools

import jax
import jax.numpy as jnp
from jax import lax
from jax.experimental import pallas as pl
from jax.experimental.pallas import tpu as pltpu
from jax.experimental.pallas import tpu_sc as plsc

_INV_SQRT_2PI = 0.3989422804014327
_INV_PI = 0.3183098861837907
_PI_HI = 3.140625
_PI_MID = 0.0009676535897932384
_C3 = -1.0 / 6.0
_C5 = 1.0 / 120.0
_C7 = -1.0 / 5040.0
_C9 = 1.0 / 362880.0

_NW = 32
_CHUNK = 2048
_CB = _CHUNK // 128


def _bfv(v):
    b = lax.bitcast_convert_type(v, jnp.int32)
    r = (b + 32767 + ((b >> 16) & 1)) & (-65536)
    return lax.bitcast_convert_type(r, jnp.float32)


def _sin(s):
    t = s * _INV_PI
    half = jnp.where(t >= 0.0, 0.5, -0.5)
    ni = (t + half).astype(jnp.int32)
    nf = ni.astype(jnp.float32)
    sign = jnp.where((ni & 1) == 1, -1.0, 1.0)
    r = (s - nf * _PI_HI) - nf * _PI_MID
    r2 = r * r
    p = r * (1.0 + r2 * (_C3 + r2 * (_C5 + r2 * (_C7 + r2 * _C9))))
    return sign * p


def _make(N):
    M = N // 128
    rows_w = N // _NW
    n_chunks = rows_w // _CHUNK
    mesh = plsc.VectorSubcoreMesh(core_axis_name="c", subcore_axis_name="s")

    @functools.partial(
        pl.kernel,
        mesh=mesh,
        out_type=jax.ShapeDtypeStruct((4 * M * 128,), jnp.float32),
        scratch_types=[
            pltpu.VMEM((64,), jnp.float32),
            pltpu.VMEM((64,), jnp.float32),
            pltpu.VMEM((_CHUNK,), jnp.float32),
            pltpu.VMEM((_CHUNK,), jnp.float32),
            pltpu.VMEM((2 * _CB * 1024,), jnp.float32),
            pltpu.VMEM((4 * _CHUNK,), jnp.float32),
        ],
    )
    def sck(wf_hbm, wb_hbm, x_hbm, y_hbm, z_hbm, out_hbm,
            wf_v, wb_v, x_v, y_v, z_v, o_v):
        wid = lax.axis_index("s") * 2 + lax.axis_index("c")
        pltpu.sync_copy(wf_hbm, wf_v)
        pltpu.sync_copy(wb_hbm, wb_v)

        wa = wf_v[pl.ds(0, 16)]
        wz1 = wb_v[pl.ds(16, 16)]
        wz2 = wb_v[pl.ds(32, 16)]
        wo = wb_v[pl.ds(48, 16)]

        row0_w = wid * rows_w
        for c in range(n_chunks):
            row0 = row0_w + c * _CHUNK
            cb0 = row0 // 128
            pltpu.sync_copy(x_hbm.at[pl.ds(row0, _CHUNK)], x_v)
            pltpu.sync_copy(y_hbm.at[pl.ds(row0, _CHUNK)], y_v)
            for rb in range(2):
                pltpu.sync_copy(
                    z_hbm.at[pl.ds(rb * M * 1024 + cb0 * 1024, _CB * 1024)],
                    z_v.at[pl.ds(rb * _CB * 1024, _CB * 1024)])

            def body(t, carry):
                cbl = t // 8
                l0 = (t % 8) * 16
                x = x_v[pl.ds(cbl * 128 + l0, 16)]
                y = y_v[pl.ds(cbl * 128 + l0, 16)]
                s1 = wa[0] * x + wa[1] * y
                s2 = wa[2] * x + wa[3] * y
                for kp in range(8):
                    k0, k1 = 2 * kp, 2 * kp + 1
                    rb0, sb0 = k0 // 8, k0 % 8
                    rb1, sb1 = k1 // 8, k1 % 8
                    za = z_v[pl.ds(((rb0 * _CB + cbl) * 8 + sb0) * 128 + l0, 16)]
                    zc = z_v[pl.ds(((rb1 * _CB + cbl) * 8 + sb1) * 128 + l0, 16)]
                    zra, zrb = _bfv(za), _bfv(zc)
                    s1 = s1 + wz1[k0] * zra + wz1[k1] * zrb
                    s2 = s2 + wz2[k0] * zra + wz2[k1] * zrb
                h1 = _sin(s1)
                pre2 = s2 + wa[4] * h1
                h2 = _INV_SQRT_2PI * jnp.exp(-0.5 * pre2 * pre2)
                h1b, h2b = _bfv(h1), _bfv(h2)
                for j in range(3):
                    p = wo[j] * h1b + wo[3 + j] * h2b
                    o_v[pl.ds((4 * cbl + j) * 128 + l0, 16)] = 1.0 / (1.0 + jnp.exp(-p))
                o_v[pl.ds((4 * cbl + 3) * 128 + l0, 16)] = jnp.zeros((16,), jnp.float32)
                return carry

            lax.fori_loop(0, _CB * 8, body, 0)
            pltpu.sync_copy(o_v, out_hbm.at[pl.ds(4 * row0, 4 * _CHUNK)])

    return sck


@jax.jit
def _run_sc(X, Y, Z, w1, w2, w_out):
    N = X.shape[0]
    M = N // 128
    Xf = X.reshape(N)
    Yf = Y.reshape(N)
    Zf = Z.reshape(M, 128, 2, 8).transpose(2, 0, 3, 1).reshape(2 * M * 8 * 128)

    z5 = jnp.zeros((11,), jnp.float32)
    z10 = jnp.zeros((10,), jnp.float32)
    wf = jnp.concatenate([w1[:2], w2[:3], z5, w1[2:], w2[3:],
                          w_out[0], w_out[1], z10])
    wb = wf.astype(jnp.bfloat16).astype(jnp.float32)

    out_flat = _make(N)(wf, wb, Xf, Yf, Zf)
    o4 = out_flat.reshape(4 * M, 128)
    return o4.reshape(M, 4, 128).transpose(0, 2, 1).reshape(N, 4)[:, :3]


def kernel(X, Y, R, Z, w1, w2, w_out):
    del R
    return _run_sc(X, Y, Z, w1, w2, w_out)

# --- scband reference (transcript-rebuilt; emitter-appended) ---
"""Pipeline reference for scband-node-cppn-60232621359503 (READ-ONLY COPY).

The authoritative reference and input builder live on the scoring server;
editing this copy changes nothing except your own understanding.
"""

import jax, jax.numpy as jnp
import numpy as np

N = 262144
Z_SIZE = 16
OUT = 3
Z_SCALE = 1.0


def _gaus(x):
    # Fun.funs['gaus'] = 1/sqrt(2*pi) * e^(-x^2/2)
    return (1.0 / jnp.sqrt(2.0 * jnp.pi)) * jnp.exp(-0.5 * jnp.square(x))


def setup_inputs(seed: int = 0) -> dict:
    key = jax.random.key(seed)
    ks = jax.random.split(key, 7)
    X = jax.random.normal(ks[0], (N, 1), dtype=jnp.float32)
    Y = jax.random.normal(ks[1], (N, 1), dtype=jnp.float32)
    R = jax.random.uniform(ks[2], (N, 1), dtype=jnp.float32)
    Z = jax.random.normal(ks[3], (N, Z_SIZE), dtype=jnp.float32)
    # edge weights drawn like _get_new_weight: normal(0, 1.7)
    w1 = jax.random.normal(ks[4], (2 + Z_SIZE,), dtype=jnp.float32) * 1.7
    w2 = jax.random.normal(ks[5], (3 + Z_SIZE,), dtype=jnp.float32) * 1.7
    w_out = jax.random.normal(ks[6], (2, OUT), dtype=jnp.float32) * 1.7
    return {"X": X, "Y": Y, "R": R, "Z": Z, "w1": w1, "w2": w2, "w_out": w_out}


def reference(X, Y, R, Z, w1, w2, w_out):
    # Faithful evaluation of a fixed Node_CPPN graph in topological order.
    # Node value = fun( sum_{p in prev(node)} weight(p, node) * value(p) ).
    # Graph (after random_init_weights + one mutate adding a node/edge):
    #   inputs: x, y, z0..z15  (R is an input arg of forward but is never a
    #   graph node in Node_CPPN, so it does not influence the output)
    #   hidden h1 = sin(w1[0]*x + w1[1]*y + sum_i w1[2+i]*z_i)
    #   hidden h2 = gaus(w2[0]*x + w2[1]*y + w2[2]*h1 + sum_i w2[3+i]*z_i)
    #   outputs o_j = sigmoid(w_out[0,j]*h1 + w_out[1,j]*h2)
    Zs = Z / Z_SCALE
    pre1 = X * w1[0] + Y * w1[1] + Zs @ w1[2:][:, None]
    h1 = jnp.sin(pre1)
    pre2 = X * w2[0] + Y * w2[1] + h1 * w2[2] + Zs @ w2[3:][:, None]
    h2 = _gaus(pre2)
    H = jnp.concatenate([h1, h2], axis=1)  # [N, 2]
    out = jax.nn.sigmoid(H @ w_out)  # [N, OUT], output nodes use Fun('sigm')
    return out

if __name__ == "__main__":
    import jax
    _d = setup_inputs()
    print(jax.jit(kernel)(*tuple(_d.values())))

</pallas_src>

<mosaic_0001>
#map = affine_map<(d0, d1) -> (0)>
module attributes {stable_mosaic.version = 14 : i64} {
  func.func @sck(%arg0: i32, %arg1: i32, %arg2: memref<64xf32, #tpu.memory_space<hbm>>, %arg3: memref<64xf32, #tpu.memory_space<hbm>>, %arg4: memref<262144xf32, #tpu.memory_space<hbm>>, %arg5: memref<262144xf32, #tpu.memory_space<hbm>>, %arg6: memref<4194304xf32, #tpu.memory_space<hbm>>, %arg7: memref<1048576xf32, #tpu.memory_space<hbm>>, %arg8: memref<64xf32, #tpu.memory_space<vmem>>, %arg9: memref<64xf32, #tpu.memory_space<vmem>>, %arg10: memref<2048xf32, #tpu.memory_space<vmem>>, %arg11: memref<2048xf32, #tpu.memory_space<vmem>>, %arg12: memref<32768xf32, #tpu.memory_space<vmem>>, %arg13: memref<8192xf32, #tpu.memory_space<vmem>>) attributes {dimension_semantics = [#tpu.dimension_semantics<core_parallel>, #tpu.dimension_semantics<subcore_parallel>], iteration_bounds = array<i64: 2, 16>, scalar_prefetch = 0 : i64, scratch_operands = 6 : i64, tpu.core_type = #tpu.core_type<sc_vector_subcore>, window_params = [{transform_indices = #map}, {transform_indices = #map}, {transform_indices = #map}, {transform_indices = #map}, {transform_indices = #map}, {transform_indices = #map}]} {
    %mul3A = arith.constant 2 : i32
    %mul3A_0 = arith.muli %arg1, %mul3A : i32
    %add3A = arith.addi %mul3A_0, %arg0 : i32
    "tpu.region"() ({
      %run_scoped3A = tpu.sem_alloc : memref<!tpu.dma_semaphore, #tpu.memory_space<semaphore_mem>>
      tpu.enqueue_dma source(%arg2 : memref<64xf32, #tpu.memory_space<hbm>>) target(%arg8 : memref<64xf32, #tpu.memory_space<vmem>>) target_semaphore(%run_scoped3A : memref<!tpu.dma_semaphore, #tpu.memory_space<semaphore_mem>>)
      tpu.wait_dma2 semaphore(%run_scoped3A : memref<!tpu.dma_semaphore, #tpu.memory_space<semaphore_mem>>) src(%arg2 : memref<64xf32, #tpu.memory_space<hbm>>) dst(%arg8 : memref<64xf32, #tpu.memory_space<vmem>>)
      tpu.yield
    }) : () -> ()
    "tpu.region"() ({
      %run_scoped3A = tpu.sem_alloc : memref<!tpu.dma_semaphore, #tpu.memory_space<semaphore_mem>>
      tpu.enqueue_dma source(%arg3 : memref<64xf32, #tpu.memory_space<hbm>>) target(%arg9 : memref<64xf32, #tpu.memory_space<vmem>>) target_semaphore(%run_scoped3A : memref<!tpu.dma_semaphore, #tpu.memory_space<semaphore_mem>>)
      tpu.wait_dma2 semaphore(%run_scoped3A : memref<!tpu.dma_semaphore, #tpu.memory_space<semaphore_mem>>) src(%arg3 : memref<64xf32, #tpu.memory_space<hbm>>) dst(%arg9 : memref<64xf32, #tpu.memory_space<vmem>>)
      tpu.yield
    }) : () -> ()
    %get3A = arith.constant 0 : index
    %get3A_1 = tpu.vector_load %arg8[%get3A] {strides = array<i32>} : memref<64xf32, #tpu.memory_space<vmem>>, vector<16xf32>,
    %get3A_2 = vector.shape_cast %get3A_1 : vector<16xf32> to vector<16xf32>
    %get3A_3 = arith.constant 16 : index
    %get3A_4 = tpu.vector_load %arg9[%get3A_3] {strides = array<i32>} : memref<64xf32, #tpu.memory_space<vmem>>, vector<16xf32>,
    %get3A_5 = vector.shape_cast %get3A_4 : vector<16xf32> to vector<16xf32>
    %get3A_6 = arith.constant 32 : index
    %get3A_7 = tpu.vector_load %arg9[%get3A_6] {strides = array<i32>} : memref<64xf32, #tpu.memory_space<vmem>>, vector<16xf32>,
    %get3A_8 = vector.shape_cast %get3A_7 : vector<16xf32> to vector<16xf32>
    %get3A_9 = arith.constant 48 : index
    %get3A_10 = tpu.vector_load %arg9[%get3A_9] {strides = array<i32>} : memref<64xf32, #tpu.memory_space<vmem>>, vector<16xf32>,
    %get3A_11 = vector.shape_cast %get3A_10 : vector<16xf32> to vector<16xf32>
    %mul3A_12 = arith.constant 8192 : i32
    %mul3A_13 = arith.muli %add3A, %mul3A_12 : i32
    %add3A_14 = arith.constant 0 : i32
    %add3A_15 = arith.addi %mul3A_13, %add3A_14 : i32
    %jit3A = arith.constant 128 : i32
    %div3A = arith.divsi %add3A_15, %jit3A : i32
    %sign3A = arith.constant 0 : i32
    %sign3A_16 = arith.cmpi sgt, %add3A_15, %sign3A : i32
    %sign3A_17 = arith.extui %sign3A_16 : i1 to i32
    %sign3A_18 = arith.constant 0 : i32
    %sign3A_19 = arith.cmpi slt, %add3A_15, %sign3A_18 : i32
    %sign3A_20 = arith.extui %sign3A_19 : i1 to i32
    %sign3A_21 = arith.subi %sign3A_17, %sign3A_20 : i32
    %sign3A_22 = arith.constant 0 : i32
    %sign3A_23 = arith.cmpi sgt, %jit3A, %sign3A_22 : i32
    %sign3A_24 = arith.extui %sign3A_23 : i1 to i32
    %sign3A_25 = arith.constant 0 : i32
    %sign3A_26 = arith.cmpi slt, %jit3A, %sign3A_25 : i32
    %sign3A_27 = arith.extui %sign3A_26 : i1 to i32
    %sign3A_28 = arith.subi %sign3A_24, %sign3A_27 : i32
    %ne3A = arith.cmpi ne, %sign3A_21, %sign3A_28 : i32
    %rem3A = arith.remsi %add3A_15, %jit3A : i32
    %ne3A_29 = arith.constant 0 : i32
    %ne3A_30 = arith.cmpi ne, %rem3A, %ne3A_29 : i32
    %and3A = arith.andi %ne3A, %ne3A_30 : i1
    %sub3A = arith.constant 1 : i32
    %sub3A_31 = arith.subi %div3A, %sub3A : i32
    %select_n3A = arith.select %and3A, %sub3A_31, %div3A : i32
    "tpu.region"() ({
      %run_scoped3A = tpu.sem_alloc : memref<!tpu.dma_semaphore, #tpu.memory_space<semaphore_mem>>
      %dma_start3A = tpu.memref_slice %arg4[%add3A_15] : memref<262144xf32, #tpu.memory_space<hbm>> -> memref<2048xf32, #tpu.memory_space<hbm>>
      %dma_start3A_173 = tpu.memref_slice %arg4[%add3A_15] : memref<262144xf32, #tpu.memory_space<hbm>> -> memref<2048xf32, #tpu.memory_space<hbm>>
      tpu.enqueue_dma source(%dma_start3A_173 : memref<2048xf32, #tpu.memory_space<hbm>>) target(%arg10 : memref<2048xf32, #tpu.memory_space<vmem>>) target_semaphore(%run_scoped3A : memref<!tpu.dma_semaphore, #tpu.memory_space<semaphore_mem>>)
      %dma_wait3A = tpu.memref_slice %arg4[%add3A_15] : memref<262144xf32, #tpu.memory_space<hbm>> -> memref<2048xf32, #tpu.memory_space<hbm>>
      %dma_wait3A_174 = tpu.memref_slice %arg4[%add3A_15] : memref<262144xf32, #tpu.memory_space<hbm>> -> memref<2048xf32, #tpu.memory_space<hbm>>
      tpu.wait_dma2 semaphore(%run_scoped3A : memref<!tpu.dma_semaphore, #tpu.memory_space<semaphore_mem>>) src(%dma_wait3A_174 : memref<2048xf32, #tpu.memory_space<hbm>>) dst(%arg10 : memref<2048xf32, #tpu.memory_space<vmem>>)
      tpu.yield
    }) : () -> ()
    "tpu.region"() ({
      %run_scoped3A = tpu.sem_alloc : memref<!tpu.dma_semaphore, #tpu.memory_space<semaphore_mem>>
      %dma_start3A = tpu.memref_slice %arg5[%add3A_15] : memref<262144xf32, #tpu.memory_space<hbm>> -> memref<2048xf32, #tpu.memory_space<hbm>>
      %dma_start3A_173 = tpu.memref_slice %arg5[%add3A_15] : memref<262144xf32, #tpu.memory_space<hbm>> -> memref<2048xf32, #tpu.memory_space<hbm>>
      tpu.enqueue_dma source(%dma_start3A_173 : memref<2048xf32, #tpu.memory_space<hbm>>) target(%arg11 : memref<2048xf32, #tpu.memory_space<vmem>>) target_semaphore(%run_scoped3A : memref<!tpu.dma_semaphore, #tpu.memory_space<semaphore_mem>>)
      %dma_wait3A = tpu.memref_slice %arg5[%add3A_15] : memref<262144xf32, #tpu.memory_space<hbm>> -> memref<2048xf32, #tpu.memory_space<hbm>>
      %dma_wait3A_174 = tpu.memref_slice %arg5[%add3A_15] : memref<262144xf32, #tpu.memory_space<hbm>> -> memref<2048xf32, #tpu.memory_space<hbm>>
      tpu.wait_dma2 semaphore(%run_scoped3A : memref<!tpu.dma_semaphore, #tpu.memory_space<semaphore_mem>>) src(%dma_wait3A_174 : memref<2048xf32, #tpu.memory_space<hbm>>) dst(%arg11 : memref<2048xf32, #tpu.memory_space<vmem>>)
      tpu.yield
    }) : () -> ()
    %mul3A_32 = arith.constant 1024 : i32
    %mul3A_33 = arith.muli %select_n3A, %mul3A_32 : i32
    %add3A_34 = arith.constant 0 : i32
    %add3A_35 = arith.addi %add3A_34, %mul3A_33 : i32
    "tpu.region"() ({
      %run_scoped3A = tpu.sem_alloc : memref<!tpu.dma_semaphore, #tpu.memory_space<semaphore_mem>>
      %dma_start3A = arith.constant 0 : i32
      %dma_start3A_173 = tpu.memref_slice %arg12[%dma_start3A] : memref<32768xf32, #tpu.memory_space<vmem>> -> memref<16384xf32, #tpu.memory_space<vmem>>
      %dma_start3A_174 = tpu.memref_slice %arg6[%add3A_35] : memref<4194304xf32, #tpu.memory_space<hbm>> -> memref<16384xf32, #tpu.memory_space<hbm>>
      %dma_start3A_175 = arith.constant 0 : i32
      %dma_start3A_176 = tpu.memref_slice %arg12[%dma_start3A_175] : memref<32768xf32, #tpu.memory_space<vmem>> -> memref<16384xf32, #tpu.memory_space<vmem>>
      %dma_start3A_177 = tpu.memref_slice %arg6[%add3A_35] : memref<4194304xf32, #tpu.memory_space<hbm>> -> memref<16384xf32, #tpu.memory_space<hbm>>
      tpu.enqueue_dma source(%dma_start3A_177 : memref<16384xf32, #tpu.memory_space<hbm>>) target(%dma_start3A_176 : memref<16384xf32, #tpu.memory_space<vmem>>) target_semaphore(%run_scoped3A : memref<!tpu.dma_semaphore, #tpu.memory_space<semaphore_mem>>)
      %dma_wait3A = arith.constant 0 : i32
      %dma_wait3A_178 = tpu.memref_slice %arg12[%dma_wait3A] : memref<32768xf32, #tpu.memory_space<vmem>> -> memref<16384xf32, #tpu.memory_space<vmem>>
      %dma_wait3A_179 = tpu.memref_slice %arg6[%add3A_35] : memref<4194304xf32, #tpu.memory_space<hbm>> -> memref<16384xf32, #tpu.memory_space<hbm>>
      %dma_wait3A_180 = arith.constant 0 : i32
      %dma_wait3A_181 = tpu.memref_slice %arg12[%dma_wait3A_180] : memref<32768xf32, #tpu.memory_space<vmem>> -> memref<16384xf32, #tpu.memory_space<vmem>>
      %dma_wait3A_182 = tpu.memref_slice %arg6[%add3A_35] : memref<4194304xf32, #tpu.memory_space<hbm>> -> memref<16384xf32, #tpu.memory_space<hbm>>
      tpu.wait_dma2 semaphore(%run_scoped3A : memref<!tpu.dma_semaphore, #tpu.memory_space<semaphore_mem>>) src(%dma_wait3A_182 : memref<16384xf32, #tpu.memory_space<hbm>>) dst(%dma_wait3A_181 : memref<16384xf32, #tpu.memory_space<vmem>>)
      tpu.yield
    }) : () -> ()
    %mul3A_36 = arith.constant 1024 : i32
    %mul3A_37 = arith.muli %select_n3A, %mul3A_36 : i32
    %add3A_38 = arith.constant 2097152 : i32
    %add3A_39 = arith.addi %add3A_38, %mul3A_37 : i32
    "tpu.region"() ({
      %run_scoped3A = tpu.sem_alloc : memref<!tpu.dma_semaphore, #tpu.memory_space<semaphore_mem>>
      %dma_start3A = arith.constant 16384 : i32
      %dma_start3A_173 = tpu.memref_slice %arg12[%dma_start3A] : memref<32768xf32, #tpu.memory_space<vmem>> -> memref<16384xf32, #tpu.memory_space<vmem>>
      %dma_start3A_174 = tpu.memref_slice %arg6[%add3A_39] : memref<4194304xf32, #tpu.memory_space<hbm>> -> memref<16384xf32, #tpu.memory_space<hbm>>
      %dma_start3A_175 = arith.constant 16384 : i32
      %dma_start3A_176 = tpu.memref_slice %arg12[%dma_start3A_175] : memref<32768xf32, #tpu.memory_space<vmem>> -> memref<16384xf32, #tpu.memory_space<vmem>>
      %dma_start3A_177 = tpu.memref_slice %arg6[%add3A_39] : memref<4194304xf32, #tpu.memory_space<hbm>> -> memref<16384xf32, #tpu.memory_space<hbm>>
      tpu.enqueue_dma source(%dma_start3A_177 : memref<16384xf32, #tpu.memory_space<hbm>>) target(%dma_start3A_176 : memref<16384xf32, #tpu.memory_space<vmem>>) target_semaphore(%run_scoped3A : memref<!tpu.dma_semaphore, #tpu.memory_space<semaphore_mem>>)
      %dma_wait3A = arith.constant 16384 : i32
      %dma_wait3A_178 = tpu.memref_slice %arg12[%dma_wait3A] : memref<32768xf32, #tpu.memory_space<vmem>> -> memref<16384xf32, #tpu.memory_space<vmem>>
      %dma_wait3A_179 = tpu.memref_slice %arg6[%add3A_39] : memref<4194304xf32, #tpu.memory_space<hbm>> -> memref<16384xf32, #tpu.memory_space<hbm>>
      %dma_wait3A_180 = arith.constant 16384 : i32
      %dma_wait3A_181 = tpu.memref_slice %arg12[%dma_wait3A_180] : memref<32768xf32, #tpu.memory_space<vmem>> -> memref<16384xf32, #tpu.memory_space<vmem>>
      %dma_wait3A_182 = tpu.memref_slice %arg6[%add3A_39] : memref<4194304xf32, #tpu.memory_space<hbm>> -> memref<16384xf32, #tpu.memory_space<hbm>>
      tpu.wait_dma2 semaphore(%run_scoped3A : memref<!tpu.dma_semaphore, #tpu.memory_space<semaphore_mem>>) src(%dma_wait3A_182 : memref<16384xf32, #tpu.memory_space<hbm>>) dst(%dma_wait3A_181 : memref<16384xf32, #tpu.memory_space<vmem>>)
      tpu.yield
    }) : () -> ()
    %scan3A = arith.constant 0 : i32
    %scan3A_40 = arith.constant 0 : i32
    %scan3A_41 = arith.constant 128 : i32
    %scan3A_42 = arith.addi %scan3A_40, %scan3A_41 : i32
    %scan3A_43 = arith.constant 1 : i32
    scf.for %scan3A_173 = %scan3A_40 to %scan3A_42 step %scan3A_43  : i32 {
      %jit3A_174 = arith.constant 8 : i32
      %div3A_175 = arith.divsi %scan3A_173, %jit3A_174 : i32
      %sign3A_176 = arith.constant 0 : i32
      %sign3A_177 = arith.cmpi sgt, %scan3A_173, %sign3A_176 : i32
      %sign3A_178 = arith.extui %sign3A_177 : i1 to i32
      %sign3A_179 = arith.constant 0 : i32
      %sign3A_180 = arith.cmpi slt, %scan3A_173, %sign3A_179 : i32
      %sign3A_181 = arith.extui %sign3A_180 : i1 to i32
      %sign3A_182 = arith.subi %sign3A_178, %sign3A_181 : i32
      %sign3A_183 = arith.constant 0 : i32
      %sign3A_184 = arith.cmpi sgt, %jit3A_174, %sign3A_183 : i32
      %sign3A_185 = arith.extui %sign3A_184 : i1 to i32
      %sign3A_186 = arith.constant 0 : i32
      %sign3A_187 = arith.cmpi slt, %jit3A_174, %sign3A_186 : i32
      %sign3A_188 = arith.extui %sign3A_187 : i1 to i32
      %sign3A_189 = arith.subi %sign3A_185, %sign3A_188 : i32
      %ne3A_190 = arith.cmpi ne, %sign3A_182, %sign3A_189 : i32
      %rem3A_191 = arith.remsi %scan3A_173, %jit3A_174 : i32
      %ne3A_192 = arith.constant 0 : i32
      %ne3A_193 = arith.cmpi ne, %rem3A_191, %ne3A_192 : i32
      %and3A_194 = arith.andi %ne3A_190, %ne3A_193 : i1
      %sub3A_195 = arith.constant 1 : i32
      %sub3A_196 = arith.subi %div3A_175, %sub3A_195 : i32
      %select_n3A_197 = arith.select %and3A_194, %sub3A_196, %div3A_175 : i32
      %jit3A_198 = arith.constant 8 : i32
      %eq3A = arith.constant 0 : i32
      %eq3A_199 = arith.cmpi eq, %jit3A_198, %eq3A : i32
      %jit3A_200 = arith.constant 1 : i32
      %select_n3A_201 = arith.select %eq3A_199, %jit3A_200, %jit3A_198 : i32
      %rem3A_202 = arith.remsi %scan3A_173, %select_n3A_201 : i32
      %ne3A_203 = arith.constant 0 : i32
      %ne3A_204 = arith.cmpi ne, %rem3A_202, %ne3A_203 : i32
      %lt3A = arith.constant 0 : i32
      %lt3A_205 = arith.cmpi slt, %rem3A_202, %lt3A : i32
      %lt3A_206 = arith.constant 0 : i32
      %lt3A_207 = arith.cmpi slt, %select_n3A_201, %lt3A_206 : i32
      %ne3A_208 = arith.xori %lt3A_205, %lt3A_207 : i1
      %and3A_209 = arith.andi %ne3A_208, %ne3A_204 : i1
      %add3A_210 = arith.addi %rem3A_202, %select_n3A_201 : i32
      %select_n3A_211 = arith.select %and3A_209, %add3A_210, %rem3A_202 : i32
      %mul3A_212 = arith.constant 16 : i32
      %mul3A_213 = arith.muli %select_n3A_211, %mul3A_212 : i32
      %mul3A_214 = arith.constant 128 : i32
      %mul3A_215 = arith.muli %select_n3A_197, %mul3A_214 : i32
      %add3A_216 = arith.addi %mul3A_215, %mul3A_213 : i32
      %get3A_217 = arith.index_cast %add3A_216 : i32 to index
      %get3A_218 = tpu.vector_load %arg10[%get3A_217] {strides = array<i32>} : memref<2048xf32, #tpu.memory_space<vmem>>, vector<16xf32>,
      %get3A_219 = vector.shape_cast %get3A_218 : vector<16xf32> to vector<16xf32>
      %mul3A_220 = arith.constant 128 : i32
      %mul3A_221 = arith.muli %select_n3A_197, %mul3A_220 : i32
      %add3A_222 = arith.addi %mul3A_221, %mul3A_213 : i32
      %get3A_223 = arith.index_cast %add3A_222 : i32 to index
      %get3A_224 = tpu.vector_load %arg11[%get3A_223] {strides = array<i32>} : memref<2048xf32, #tpu.memory_space<vmem>>, vector<16xf32>,
      %get3A_225 = vector.shape_cast %get3A_224 : vector<16xf32> to vector<16xf32>
      %slice3A = vector.extract_strided_slice %get3A_2 {offsets = [0], sizes = [1], strides = [1]} : vector<16xf32> to vector<1xf32>
      %squeeze3A = vector.extract %slice3A[0] : f32 from vector<1xf32>
      %mul3A_226 = vector.broadcast %squeeze3A : f32 to vector<16xf32>
      %mul3A_227 = arith.mulf %mul3A_226, %get3A_219 : vector<16xf32>
      %slice3A_228 = vector.extract_strided_slice %get3A_2 {offsets = [1], sizes = [1], strides = [1]} : vector<16xf32> to vector<1xf32>
      %squeeze3A_229 = vector.extract %slice3A_228[0] : f32 from vector<1xf32>
      %mul3A_230 = vector.broadcast %squeeze3A_229 : f32 to vector<16xf32>
      %mul3A_231 = arith.mulf %mul3A_230, %get3A_225 : vector<16xf32>
      %add3A_232 = arith.addf %mul3A_227, %mul3A_231 : vector<16xf32>
      %slice3A_233 = vector.extract_strided_slice %get3A_2 {offsets = [2], sizes = [1], strides = [1]} : vector<16xf32> to vector<1xf32>
      %squeeze3A_234 = vector.extract %slice3A_233[0] : f32 from vector<1xf32>
      %mul3A_235 = vector.broadcast %squeeze3A_234 : f32 to vector<16xf32>
      %mul3A_236 = arith.mulf %mul3A_235, %get3A_219 : vector<16xf32>
      %slice3A_237 = vector.extract_strided_slice %get3A_2 {offsets = [3], sizes = [1], strides = [1]} : vector<16xf32> to vector<1xf32>
      %squeeze3A_238 = vector.extract %slice3A_237[0] : f32 from vector<1xf32>
      %mul3A_239 = vector.broadcast %squeeze3A_238 : f32 to vector<16xf32>
      %mul3A_240 = arith.mulf %mul3A_239, %get3A_225 : vector<16xf32>
      %add3A_241 = arith.addf %mul3A_236, %mul3A_240 : vector<16xf32>
      %add3A_242 = arith.constant 0 : i32
      %add3A_243 = arith.addi %add3A_242, %select_n3A_197 : i32
      %mul3A_244 = arith.constant 8 : i32
      %mul3A_245 = arith.muli %add3A_243, %mul3A_244 : i32
      %add3A_246 = arith.constant 0 : i32
      %add3A_247 = arith.addi %mul3A_245, %add3A_246 : i32
      %mul3A_248 = arith.constant 128 : i32
      %mul3A_249 = arith.muli %add3A_247, %mul3A_248 : i32
      %add3A_250 = arith.addi %mul3A_249, %mul3A_213 : i32
      %get3A_251 = arith.index_cast %add3A_250 : i32 to index
      %get3A_252 = tpu.vector_load %arg12[%get3A_251] {strides = array<i32>} : memref<32768xf32, #tpu.memory_space<vmem>>, vector<16xf32>,
      %get3A_253 = vector.shape_cast %get3A_252 : vector<16xf32> to vector<16xf32>
      %add3A_254 = arith.constant 0 : i32
      %add3A_255 = arith.addi %add3A_254, %select_n3A_197 : i32
      %mul3A_256 = arith.constant 8 : i32
      %mul3A_257 = arith.muli %add3A_255, %mul3A_256 : i32
      %add3A_258 = arith.constant 1 : i32
      %add3A_259 = arith.addi %mul3A_257, %add3A_258 : i32
      %mul3A_260 = arith.constant 128 : i32
      %mul3A_261 = arith.muli %add3A_259, %mul3A_260 : i32
      %add3A_262 = arith.addi %mul3A_261, %mul3A_213 : i32
      %get3A_263 = arith.index_cast %add3A_262 : i32 to index
      %get3A_264 = tpu.vector_load %arg12[%get3A_263] {strides = array<i32>} : memref<32768xf32, #tpu.memory_space<vmem>>, vector<16xf32>,
      %get3A_265 = vector.shape_cast %get3A_264 : vector<16xf32> to vector<16xf32>
      %bitcast_convert_type3A = tpu.bitcast %get3A_253 : vector<16xf32> -> vector<16xi32>
      %add3A_266 = arith.constant 32767 : i32
      %add3A_267 = vector.broadcast %add3A_266 : i32 to vector<16xi32>
      %add3A_268 = arith.addi %bitcast_convert_type3A, %add3A_267 : vector<16xi32>
      %shift_right_arithmetic3A = arith.constant 16 : i32
      %shift_right_arithmetic3A_269 = vector.broadcast %shift_right_arithmetic3A : i32 to vector<16xi32>
      %shift_right_arithmetic3A_270 = arith.shrsi %bitcast_convert_type3A, %shift_right_arithmetic3A_269 : vector<16xi32>
      %and3A_271 = arith.constant 1 : i32
      %and3A_272 = vector.broadcast %and3A_271 : i32 to vector<16xi32>
      %and3A_273 = arith.andi %shift_right_arithmetic3A_270, %and3A_272 : vector<16xi32>
      %add3A_274 = arith.addi %add3A_268, %and3A_273 : vector<16xi32>
      %and3A_275 = arith.constant -65536 : i32
      %and3A_276 = vector.broadcast %and3A_275 : i32 to vector<16xi32>
      %and3A_277 = arith.andi %add3A_274, %and3A_276 : vector<16xi32>
      %bitcast_convert_type3A_278 = tpu.bitcast %and3A_277 : vector<16xi32> -> vector<16xf32>
      %bitcast_convert_type3A_279 = tpu.bitcast %get3A_265 : vector<16xf32> -> vector<16xi32>
      %add3A_280 = arith.constant 32767 : i32
      %add3A_281 = vector.broadcast %add3A_280 : i32 to vector<16xi32>
      %add3A_282 = arith.addi %bitcast_convert_type3A_279, %add3A_281 : vector<16xi32>
      %shift_right_arithmetic3A_283 = arith.constant 16 : i32
      %shift_right_arithmetic3A_284 = vector.broadcast %shift_right_arithmetic3A_283 : i32 to vector<16xi32>
      %shift_right_arithmetic3A_285 = arith.shrsi %bitcast_convert_type3A_279, %shift_right_arithmetic3A_284 : vector<16xi32>
      %and3A_286 = arith.constant 1 : i32
      %and3A_287 = vector.broadcast %and3A_286 : i32 to vector<16xi32>
      %and3A_288 = arith.andi %shift_right_arithmetic3A_285, %and3A_287 : vector<16xi32>
      %add3A_289 = arith.addi %add3A_282, %and3A_288 : vector<16xi32>
      %and3A_290 = arith.constant -65536 : i32
      %and3A_291 = vector.broadcast %and3A_290 : i32 to vector<16xi32>
      %and3A_292 = arith.andi %add3A_289, %and3A_291 : vector<16xi32>
      %bitcast_convert_type3A_293 = tpu.bitcast %and3A_292 : vector<16xi32> -> vector<16xf32>
      %slice3A_294 = vector.extract_strided_slice %get3A_5 {offsets = [0], sizes = [1], strides = [1]} : vector<16xf32> to vector<1xf32>
      %squeeze3A_295 = vector.extract %slice3A_294[0] : f32 from vector<1xf32>
      %mul3A_296 = vector.broadcast %squeeze3A_295 : f32 to vector<16xf32>
      %mul3A_297 = arith.mulf %mul3A_296, %bitcast_convert_type3A_278 : vector<16xf32>
      %add3A_298 = arith.addf %add3A_232, %mul3A_297 : vector<16xf32>
      %slice3A_299 = vector.extract_strided_slice %get3A_5 {offsets = [1], sizes = [1], strides = [1]} : vector<16xf32> to vector<1xf32>
      %squeeze3A_300 = vector.extract %slice3A_299[0] : f32 from vector<1xf32>
      %mul3A_301 = vector.broadcast %squeeze3A_300 : f32 to vector<16xf32>
      %mul3A_302 = arith.mulf %mul3A_301, %bitcast_convert_type3A_293 : vector<16xf32>
      %add3A_303 = arith.addf %add3A_298, %mul3A_302 : vector<16xf32>
      %slice3A_304 = vector.extract_strided_slice %get3A_8 {offsets = [0], sizes = [1], strides = [1]} : vector<16xf32> to vector<1xf32>
      %squeeze3A_305 = vector.extract %slice3A_304[0] : f32 from vector<1xf32>
      %mul3A_306 = vector.broadcast %squeeze3A_305 : f32 to vector<16xf32>
      %mul3A_307 = arith.mulf %mul3A_306, %bitcast_convert_type3A_278 : vector<16xf32>
      %add3A_308 = arith.addf %add3A_241, %mul3A_307 : vector<16xf32>
      %slice3A_309 = vector.extract_strided_slice %get3A_8 {offsets = [1], sizes = [1], strides = [1]} : vector<16xf32> to vector<1xf32>
      %squeeze3A_310 = vector.extract %slice3A_309[0] : f32 from vector<1xf32>
      %mul3A_311 = vector.broadcast %squeeze3A_310 : f32 to vector<16xf32>
      %mul3A_312 = arith.mulf %mul3A_311, %bitcast_convert_type3A_293 : vector<16xf32>
      %add3A_313 = arith.addf %add3A_308, %mul3A_312 : vector<16xf32>
      %add3A_314 = arith.constant 0 : i32
      %add3A_315 = arith.addi %add3A_314, %select_n3A_197 : i32
      %mul3A_316 = arith.constant 8 : i32
      %mul3A_317 = arith.muli %add3A_315, %mul3A_316 : i32
      %add3A_318 = arith.constant 2 : i32
      %add3A_319 = arith.addi %mul3A_317, %add3A_318 : i32
      %mul3A_320 = arith.constant 128 : i32
      %mul3A_321 = arith.muli %add3A_319, %mul3A_320 : i32
      %add3A_322 = arith.addi %mul3A_321, %mul3A_213 : i32
      %get3A_323 = arith.index_cast %add3A_322 : i32 to index
      %get3A_324 = tpu.vector_load %arg12[%get3A_323] {strides = array<i32>} : memref<32768xf32, #tpu.memory_space<vmem>>, vector<16xf32>,
      %get3A_325 = vector.shape_cast %get3A_324 : vector<16xf32> to vector<16xf32>
      %add3A_326 = arith.constant 0 : i32
      %add3A_327 = arith.addi %add3A_326, %select_n3A_197 : i32
      %mul3A_328 = arith.constant 8 : i32
      %mul3A_329 = arith.muli %add3A_327, %mul3A_328 : i32
      %add3A_330 = arith.constant 3 : i32
      %add3A_331 = arith.addi %mul3A_329, %add3A_330 : i32
      %mul3A_332 = arith.constant 128 : i32
      %mul3A_333 = arith.muli %add3A_331, %mul3A_332 : i32
      %add3A_334 = arith.addi %mul3A_333, %mul3A_213 : i32
      %get3A_335 = arith.index_cast %add3A_334 : i32 to index
      %get3A_336 = tpu.vector_load %arg12[%get3A_335] {strides = array<i32>} : memref<32768xf32, #tpu.memory_space<vmem>>, vector<16xf32>,
      %get3A_337 = vector.shape_cast %get3A_336 : vector<16xf32> to vector<16xf32>
      %bitcast_convert_type3A_338 = tpu.bitcast %get3A_325 : vector<16xf32> -> vector<16xi32>
      %add3A_339 = arith.constant 32767 : i32
      %add3A_340 = vector.broadcast %add3A_339 : i32 to vector<16xi32>
      %add3A_341 = arith.addi %bitcast_convert_type3A_338, %add3A_340 : vector<16xi32>
      %shift_right_arithmetic3A_342 = arith.constant 16 : i32
      %shift_right_arithmetic3A_343 = vector.broadcast %shift_right_arithmetic3A_342 : i32 to vector<16xi32>
      %shift_right_arithmetic3A_344 = arith.shrsi %bitcast_convert_type3A_338, %shift_right_arithmetic3A_343 : vector<16xi32>
      %and3A_345 = arith.constant 1 : i32
      %and3A_346 = vector.broadcast %and3A_345 : i32 to vector<16xi32>
      %and3A_347 = arith.andi %shift_right_arithmetic3A_344, %and3A_346 : vector<16xi32>
      %add3A_348 = arith.addi %add3A_341, %and3A_347 : vector<16xi32>
      %and3A_349 = arith.constant -65536 : i32
      %and3A_350 = vector.broadcast %and3A_349 : i32 to vector<16xi32>
      %and3A_351 = arith.andi %add3A_348, %and3A_350 : vector<16xi32>
      %bitcast_convert_type3A_352 = tpu.bitcast %and3A_351 : vector<16xi32> -> vector<16xf32>
      %bitcast_convert_type3A_353 = tpu.bitcast %get3A_337 : vector<16xf32> -> vector<16xi32>
      %add3A_354 = arith.constant 32767 : i32
      %add3A_355 = vector.broadcast %add3A_354 : i32 to vector<16xi32>
      %add3A_356 = arith.addi %bitcast_convert_type3A_353, %add3A_355 : vector<16xi32>
      %shift_right_arithmetic3A_357 = arith.constant 16 : i32
      %shift_right_arithmetic3A_358 = vector.broadcast %shift_right_arithmetic3A_357 : i32 to vector<16xi32>
      %shift_right_arithmetic3A_359 = arith.shrsi %bitcast_convert_type3A_353, %shift_right_arithmetic3A_358 : vector<16xi32>
      %and3A_360 = arith.constant 1 : i32
      %and3A_361 = vector.broadcast %and3A_360 : i32 to vector<16xi32>
      %and3A_362 = arith.andi %shift_right_arithmetic3A_359, %and3A_361 : vector<16xi32>
      %add3A_363 = arith.addi %add3A_356, %and3A_362 : vector<16xi32>
      %and3A_364 = arith.constant -65536 : i32
      %and3A_365 = vector.broadcast %and3A_364 : i32 to vector<16xi32>
      %and3A_366 = arith.andi %add3A_363, %and3A_365 : vector<16xi32>
      %bitcast_convert_type3A_367 = tpu.bitcast %and3A_366 : vector<16xi32> -> vector<16xf32>
      %slice3A_368 = vector.extract_strided_slice %get3A_5 {offsets = [2], sizes = [1], strides = [1]} : vector<16xf32> to vector<1xf32>
      %squeeze3A_369 = vector.extract %slice3A_368[0] : f32 from vector<1xf32>
      %mul3A_370 = vector.broadcast %squeeze3A_369 : f32 to vector<16xf32>
      %mul3A_371 = arith.mulf %mul3A_370, %bitcast_convert_type3A_352 : vector<16xf32>
      %add3A_372 = arith.addf %add3A_303, %mul3A_371 : vector<16xf32>
      %slice3A_373 = vector.extract_strided_slice %get3A_5 {offsets = [3], sizes = [1], strides = [1]} : vector<16xf32> to vector<1xf32>
      %squeeze3A_374 = vector.extract %slice3A_373[0] : f32 from vector<1xf32>
      %mul3A_375 = vector.broadcast %squeeze3A_374 : f32 to vector<16xf32>
      %mul3A_376 = arith.mulf %mul3A_375, %bitcast_convert_type3A_367 : vector<16xf32>
      %add3A_377 = arith.addf %add3A_372, %mul3A_376 : vector<16xf32>
      %slice3A_378 = vector.extract_strided_slice %get3A_8 {offsets = [2], sizes = [1], strides = [1]} : vector<16xf32> to vector<1xf32>
      %squeeze3A_379 = vector.extract %slice3A_378[0] : f32 from vector<1xf32>
      %mul3A_380 = vector.broadcast %squeeze3A_379 : f32 to vector<16xf32>
      %mul3A_381 = arith.mulf %mul3A_380, %bitcast_convert_type3A_352 : vector<16xf32>
      %add3A_382 = arith.addf %add3A_313, %mul3A_381 : vector<16xf32>
      %slice3A_383 = vector.extract_strided_slice %get3A_8 {offsets = [3], sizes = [1], strides = [1]} : vector<16xf32> to vector<1xf32>
      %squeeze3A_384 = vector.extract %slice3A_383[0] : f32 from vector<1xf32>
      %mul3A_385 = vector.broadcast %squeeze3A_384 : f32 to vector<16xf32>
      %mul3A_386 = arith.mulf %mul3A_385, %bitcast_convert_type3A_367 : vector<16xf32>
      %add3A_387 = arith.addf %add3A_382, %mul3A_386 : vector<16xf32>
      %add3A_388 = arith.constant 0 : i32
      %add3A_389 = arith.addi %add3A_388, %select_n3A_197 : i32
      %mul3A_390 = arith.constant 8 : i32
      %mul3A_391 = arith.muli %add3A_389, %mul3A_390 : i32
      %add3A_392 = arith.constant 4 : i32
      %add3A_393 = arith.addi %mul3A_391, %add3A_392 : i32
      %mul3A_394 = arith.constant 128 : i32
      %mul3A_395 = arith.muli %add3A_393, %mul3A_394 : i32
      %add3A_396 = arith.addi %mul3A_395, %mul3A_213 : i32
      %get3A_397 = arith.index_cast %add3A_396 : i32 to index
      %get3A_398 = tpu.vector_load %arg12[%get3A_397] {strides = array<i32>} : memref<32768xf32, #tpu.memory_space<vmem>>, vector<16xf32>,
      %get3A_399 = vector.shape_cast %get3A_398 : vector<16xf32> to vector<16xf32>
      %add3A_400 = arith.constant 0 : i32
      %add3A_401 = arith.addi %add3A_400, %select_n3A_197 : i32
      %mul3A_402 = arith.constant 8 : i32
      %mul3A_403 = arith.muli %add3A_401, %mul3A_402 : i32
      %add3A_404 = arith.constant 5 : i32
      %add3A_405 = arith.addi %mul3A_403, %add3A_404 : i32
      %mul3A_406 = arith.constant 128 : i32
      %mul3A_407 = arith.muli %add3A_405, %mul3A_406 : i32
      %add3A_408 = arith.addi %mul3A_407, %mul3A_213 : i32
      %get3A_409 = arith.index_cast %add3A_408 : i32 to index
      %get3A_410 = tpu.vector_load %arg12[%get3A_409] {strides = array<i32>} : memref<32768xf32, #tpu.memory_space<vmem>>, vector<16xf32>,
      %get3A_411 = vector.shape_cast %get3A_410 : vector<16xf32> to vector<16xf32>
      %bitcast_convert_type3A_412 = tpu.bitcast %get3A_399 : vector<16xf32> -> vector<16xi32>
      %add3A_413 = arith.constant 32767 : i32
      %add3A_414 = vector.broadcast %add3A_413 : i32 to vector<16xi32>
      %add3A_415 = arith.addi %bitcast_convert_type3A_412, %add3A_414 : vector<16xi32>
      %shift_right_arithmetic3A_416 = arith.constant 16 : i32
      %shift_right_arithmetic3A_417 = vector.broadcast %shift_right_arithmetic3A_416 : i32 to vector<16xi32>
      %shift_right_arithmetic3A_418 = arith.shrsi %bitcast_convert_type3A_412, %shift_right_arithmetic3A_417 : vector<16xi32>
      %and3A_419 = arith.constant 1 : i32
      %and3A_420 = vector.broadcast %and3A_419 : i32 to vector<16xi32>
      %and3A_421 = arith.andi %shift_right_arithmetic3A_418, %and3A_420 : vector<16xi32>
      %add3A_422 = arith.addi %add3A_415, %and3A_421 : vector<16xi32>
      %and3A_423 = arith.constant -65536 : i32
      %and3A_424 = vector.broadcast %and3A_423 : i32 to vector<16xi32>
      %and3A_425 = arith.andi %add3A_422, %and3A_424 : vector<16xi32>
      %bitcast_convert_type3A_426 = tpu.bitcast %and3A_425 : vector<16xi32> -> vector<16xf32>
      %bitcast_convert_type3A_427 = tpu.bitcast %get3A_411 : vector<16xf32> -> vector<16xi32>
      %add3A_428 = arith.constant 32767 : i32
      %add3A_429 = vector.broadcast %add3A_428 : i32 to vector<16xi32>
      %add3A_430 = arith.addi %bitcast_convert_type3A_427, %add3A_429 : vector<16xi32>
      %shift_right_arithmetic3A_431 = arith.constant 16 : i32
      %shift_right_arithmetic3A_432 = vector.broadcast %shift_right_arithmetic3A_431 : i32 to vector<16xi32>
      %shift_right_arithmetic3A_433 = arith.shrsi %bitcast_convert_type3A_427, %shift_right_arithmetic3A_432 : vector<16xi32>
      %and3A_434 = arith.constant 1 : i32
      %and3A_435 = vector.broadcast %and3A_434 : i32 to vector<16xi32>
      %and3A_436 = arith.andi %shift_right_arithmetic3A_433, %and3A_435 : vector<16xi32>
      %add3A_437 = arith.addi %add3A_430, %and3A_436 : vector<16xi32>
      %and3A_438 = arith.constant -65536 : i32
      %and3A_439 = vector.broadcast %and3A_438 : i32 to vector<16xi32>
      %and3A_440 = arith.andi %add3A_437, %and3A_439 : vector<16xi32>
      %bitcast_convert_type3A_441 = tpu.bitcast %and3A_440 : vector<16xi32> -> vector<16xf32>
      %slice3A_442 = vector.extract_strided_slice %get3A_5 {offsets = [4], sizes = [1], strides = [1]} : vector<16xf32> to vector<1xf32>
      %squeeze3A_443 = vector.extract %slice3A_442[0] : f32 from vector<1xf32>
      %mul3A_444 = vector.broadcast %squeeze3A_443 : f32 to vector<16xf32>
      %mul3A_445 = arith.mulf %mul3A_444, %bitcast_convert_type3A_426 : vector<16xf32>
      %add3A_446 = arith.addf %add3A_377, %mul3A_445 : vector<16xf32>
      %slice3A_447 = vector.extract_strided_slice %get3A_5 {offsets = [5], sizes = [1], strides = [1]} : vector<16xf32> to vector<1xf32>
      %squeeze3A_448 = vector.extract %slice3A_447[0] : f32 from vector<1xf32>
      %mul3A_449 = vector.broadcast %squeeze3A_448 : f32 to vector<16xf32>
      %mul3A_450 = arith.mulf %mul3A_449, %bitcast_convert_type3A_441 : vector<16xf32>
      %add3A_451 = arith.addf %add3A_446, %mul3A_450 : vector<16xf32>
      %slice3A_452 = vector.extract_strided_slice %get3A_8 {offsets = [4], sizes = [1], strides = [1]} : vector<16xf32> to vector<1xf32>
      %squeeze3A_453 = vector.extract %slice3A_452[0] : f32 from vector<1xf32>
      %mul3A_454 = vector.broadcast %squeeze3A_453 : f32 to vector<16xf32>
      %mul3A_455 = arith.mulf %mul3A_454, %bitcast_convert_type3A_426 : vector<16xf32>
      %add3A_456 = arith.addf %add3A_387, %mul3A_455 : vector<16xf32>
      %slice3A_457 = vector.extract_strided_slice %get3A_8 {offsets = [5], sizes = [1], strides = [1]} : vector<16xf32> to vector<1xf32>
      %squeeze3A_458 = vector.extract %slice3A_457[0] : f32 from vector<1xf32>
      %mul3A_459 = vector.broadcast %squeeze3A_458 : f32 to vector<16xf32>
      %mul3A_460 = arith.mulf %mul3A_459, %bitcast_convert_type3A_441 : vector<16xf32>
      %add3A_461 = arith.addf %add3A_456, %mul3A_460 : vector<16xf32>
      %add3A_462 = arith.constant 0 : i32
      %add3A_463 = arith.addi %add3A_462, %select_n3A_197 : i32
      %mul3A_464 = arith.constant 8 : i32
      %mul3A_465 = arith.muli %add3A_463, %mul3A_464 : i32
      %add3A_466 = arith.constant 6 : i32
      %add3A_467 = arith.addi %mul3A_465, %add3A_466 : i32
      %mul3A_468 = arith.constant 128 : i32
      %mul3A_469 = arith.muli %add3A_467, %mul3A_468 : i32
      %add3A_470 = arith.addi %mul3A_469, %mul3A_213 : i32
      %get3A_471 = arith.index_cast %add3A_470 : i32 to index
      %get3A_472 = tpu.vector_load %arg12[%get3A_471] {strides = array<i32>} : memref<32768xf32, #tpu.memory_space<vmem>>, vector<16xf32>,
      %get3A_473 = vector.shape_cast %get3A_472 : vector<16xf32> to vector<16xf32>
      %add3A_474 = arith.constant 0 : i32
      %add3A_475 = arith.addi %add3A_474, %select_n3A_197 : i32
      %mul3A_476 = arith.constant 8 : i32
      %mul3A_477 = arith.muli %add3A_475, %mul3A_476 : i32
      %add3A_478 = arith.constant 7 : i32
      %add3A_479 = arith.addi %mul3A_477, %add3A_478 : i32
      %mul3A_480 = arith.constant 128 : i32
      %mul3A_481 = arith.muli %add3A_479, %mul3A_480 : i32
      %add3A_482 = arith.addi %mul3A_481, %mul3A_213 : i32
      %get3A_483 = arith.index_cast %add3A_482 : i32 to index
      %get3A_484 = tpu.vector_load %arg12[%get3A_483] {strides = array<i32>} : memref<32768xf32, #tpu.memory_space<vmem>>, vector<16xf32>,
      %get3A_485 = vector.shape_cast %get3A_484 : vector<16xf32> to vector<16xf32>
      %bitcast_convert_type3A_486 = tpu.bitcast %get3A_473 : vector<16xf32> -> vector<16xi32>
      %add3A_487 = arith.constant 32767 : i32
      %add3A_488 = vector.broadcast %add3A_487 : i32 to vector<16xi32>
      %add3A_489 = arith.addi %bitcast_convert_type3A_486, %add3A_488 : vector<16xi32>
      %shift_right_arithmetic3A_490 = arith.constant 16 : i32
      %shift_right_arithmetic3A_491 = vector.broadcast %shift_right_arithmetic3A_490 : i32 to vector<16xi32>
      %shift_right_arithmetic3A_492 = arith.shrsi %bitcast_convert_type3A_486, %shift_right_arithmetic3A_491 : vector<16xi32>
      %and3A_493 = arith.constant 1 : i32
      %and3A_494 = vector.broadcast %and3A_493 : i32 to vector<16xi32>
      %and3A_495 = arith.andi %shift_right_arithmetic3A_492, %and3A_494 : vector<16xi32>
      %add3A_496 = arith.addi %add3A_489, %and3A_495 : vector<16xi32>
      %and3A_497 = arith.constant -65536 : i32
      %and3A_498 = vector.broadcast %and3A_497 : i32 to vector<16xi32>
      %and3A_499 = arith.andi %add3A_496, %and3A_498 : vector<16xi32>
      %bitcast_convert_type3A_500 = tpu.bitcast %and3A_499 : vector<16xi32> -> vector<16xf32>
      %bitcast_convert_type3A_501 = tpu.bitcast %get3A_485 : vector<16xf32> -> vector<16xi32>
      %add3A_502 = arith.constant 32767 : i32
      %add3A_503 = vector.broadcast %add3A_502 : i32 to vector<16xi32>
      %add3A_504 = arith.addi %bitcast_convert_type3A_501, %add3A_503 : vector<16xi32>
      %shift_right_arithmetic3A_505 = arith.constant 16 : i32
      %shift_right_arithmetic3A_506 = vector.broadcast %shift_right_arithmetic3A_505 : i32 to vector<16xi32>
      %shift_right_arithmetic3A_507 = arith.shrsi %bitcast_convert_type3A_501, %shift_right_arithmetic3A_506 : vector<16xi32>
      %and3A_508 = arith.constant 1 : i32
      %and3A_509 = vector.broadcast %and3A_508 : i32 to vector<16xi32>
      %and3A_510 = arith.andi %shift_right_arithmetic3A_507, %and3A_509 : vector<16xi32>
      %add3A_511 = arith.addi %add3A_504, %and3A_510 : vector<16xi32>
      %and3A_512 = arith.constant -65536 : i32
      %and3A_513 = vector.broadcast %and3A_512 : i32 to vector<16xi32>
      %and3A_514 = arith.andi %add3A_511, %and3A_513 : vector<16xi32>
      %bitcast_convert_type3A_515 = tpu.bitcast %and3A_514 : vector<16xi32> -> vector<16xf32>
      %slice3A_516 = vector.extract_strided_slice %get3A_5 {offsets = [6], sizes = [1], strides = [1]} : vector<16xf32> to vector<1xf32>
      %squeeze3A_517 = vector.extract %slice3A_516[0] : f32 from vector<1xf32>
      %mul3A_518 = vector.broadcast %squeeze3A_517 : f32 to vector<16xf32>
      %mul3A_519 = arith.mulf %mul3A_518, %bitcast_convert_type3A_500 : vector<16xf32>
      %add3A_520 = arith.addf %add3A_451, %mul3A_519 : vector<16xf32>
      %slice3A_521 = vector.extract_strided_slice %get3A_5 {offsets = [7], sizes = [1], strides = [1]} : vector<16xf32> to vector<1xf32>
      %squeeze3A_522 = vector.extract %slice3A_521[0] : f32 from vector<1xf32>
      %mul3A_523 = vector.broadcast %squeeze3A_522 : f32 to vector<16xf32>
      %mul3A_524 = arith.mulf %mul3A_523, %bitcast_convert_type3A_515 : vector<16xf32>
      %add3A_525 = arith.addf %add3A_520, %mul3A_524 : vector<16xf32>
      %slice3A_526 = vector.extract_strided_slice %get3A_8 {offsets = [6], sizes = [1], strides = [1]} : vector<16xf32> to vector<1xf32>
      %squeeze3A_527 = vector.extract %slice3A_526[0] : f32 from vector<1xf32>
      %mul3A_528 = vector.broadcast %squeeze3A_527 : f32 to vector<16xf32>
      %mul3A_529 = arith.mulf %mul3A_528, %bitcast_convert_type3A_500 : vector<16xf32>
      %add3A_530 = arith.addf %add3A_461, %mul3A_529 : vector<16xf32>
      %slice3A_531 = vector.extract_strided_slice %get3A_8 {offsets = [7], sizes = [1], strides = [1]} : vector<16xf32> to vector<1xf32>
      %squeeze3A_532 = vector.extract %slice3A_531[0] : f32 from vector<1xf32>
      %mul3A_533 = vector.broadcast %squeeze3A_532 : f32 to vector<16xf32>
      %mul3A_534 = arith.mulf %mul3A_533, %bitcast_convert_type3A_515 : vector<16xf32>
      %add3A_535 = arith.addf %add3A_530, %mul3A_534 : vector<16xf32>
      %add3A_536 = arith.constant 16 : i32
      %add3A_537 = arith.addi %add3A_536, %select_n3A_197 : i32
      %mul3A_538 = arith.constant 8 : i32
      %mul3A_539 = arith.muli %add3A_537, %mul3A_538 : i32
      %add3A_540 = arith.constant 0 : i32
      %add3A_541 = arith.addi %mul3A_539, %add3A_540 : i32
      %mul3A_542 = arith.constant 128 : i32
      %mul3A_543 = arith.muli %add3A_541, %mul3A_542 : i32
      %add3A_544 = arith.addi %mul3A_543, %mul3A_213 : i32
      %get3A_545 = arith.index_cast %add3A_544 : i32 to index
      %get3A_546 = tpu.vector_load %arg12[%get3A_545] {strides = array<i32>} : memref<32768xf32, #tpu.memory_space<vmem>>, vector<16xf32>,
      %get3A_547 = vector.shape_cast %get3A_546 : vector<16xf32> to vector<16xf32>
      %add3A_548 = arith.constant 16 : i32
      %add3A_549 = arith.addi %add3A_548, %select_n3A_197 : i32
      %mul3A_550 = arith.constant 8 : i32
      %mul3A_551 = arith.muli %add3A_549, %mul3A_550 : i32
      %add3A_552 = arith.constant 1 : i32
      %add3A_553 = arith.addi %mul3A_551, %add3A_552 : i32
      %mul3A_554 = arith.constant 128 : i32
      %mul3A_555 = arith.muli %add3A_553, %mul3A_554 : i32
      %add3A_556 = arith.addi %mul3A_555, %mul3A_213 : i32
      %get3A_557 = arith.index_cast %add3A_556 : i32 to index
      %get3A_558 = tpu.vector_load %arg12[%get3A_557] {strides = array<i32>} : memref<32768xf32, #tpu.memory_space<vmem>>, vector<16xf32>,
      %get3A_559 = vector.shape_cast %get3A_558 : vector<16xf32> to vector<16xf32>
      %bitcast_convert_type3A_560 = tpu.bitcast %get3A_547 : vector<16xf32> -> vector<16xi32>
      %add3A_561 = arith.constant 32767 : i32
      %add3A_562 = vector.broadcast %add3A_561 : i32 to vector<16xi32>
      %add3A_563 = arith.addi %bitcast_convert_type3A_560, %add3A_562 : vector<16xi32>
      %shift_right_arithmetic3A_564 = arith.constant 16 : i32
      %shift_right_arithmetic3A_565 = vector.broadcast %shift_right_arithmetic3A_564 : i32 to vector<16xi32>
      %shift_right_arithmetic3A_566 = arith.shrsi %bitcast_convert_type3A_560, %shift_right_arithmetic3A_565 : vector<16xi32>
      %and3A_567 = arith.constant 1 : i32
      %and3A_568 = vector.broadcast %and3A_567 : i32 to vector<16xi32>
      %and3A_569 = arith.andi %shift_right_arithmetic3A_566, %and3A_568 : vector<16xi32>
      %add3A_570 = arith.addi %add3A_563, %and3A_569 : vector<16xi32>
      %and3A_571 = arith.constant -65536 : i32
      %and3A_572 = vector.broadcast %and3A_571 : i32 to vector<16xi32>
      %and3A_573 = arith.andi %add3A_570, %and3A_572 : vector<16xi32>
      %bitcast_convert_type3A_574 = tpu.bitcast %and3A_573 : vector<16xi32> -> vector<16xf32>
      %bitcast_convert_type3A_575 = tpu.bitcast %get3A_559 : vector<16xf32> -> vector<16xi32>
      %add3A_576 = arith.constant 32767 : i32
      %add3A_577 = vector.broadcast %add3A_576 : i32 to vector<16xi32>
      %add3A_578 = arith.addi %bitcast_convert_type3A_575, %add3A_577 : vector<16xi32>
      %shift_right_arithmetic3A_579 = arith.constant 16 : i32
      %shift_right_arithmetic3A_580 = vector.broadcast %shift_right_arithmetic3A_579 : i32 to vector<16xi32>
      %shift_right_arithmetic3A_581 = arith.shrsi %bitcast_convert_type3A_575, %shift_right_arithmetic3A_580 : vector<16xi32>
      %and3A_582 = arith.constant 1 : i32
      %and3A_583 = vector.broadcast %and3A_582 : i32 to vector<16xi32>
      %and3A_584 = arith.andi %shift_right_arithmetic3A_581, %and3A_583 : vector<16xi32>
      %add3A_585 = arith.addi %add3A_578, %and3A_584 : vector<16xi32>
      %and3A_586 = arith.constant -65536 : i32
      %and3A_587 = vector.broadcast %and3A_586 : i32 to vector<16xi32>
      %and3A_588 = arith.andi %add3A_585, %and3A_587 : vector<16xi32>
      %bitcast_convert_type3A_589 = tpu.bitcast %and3A_588 : vector<16xi32> -> vector<16xf32>
      %slice3A_590 = vector.extract_strided_slice %get3A_5 {offsets = [8], sizes = [1], strides = [1]} : vector<16xf32> to vector<1xf32>
      %squeeze3A_591 = vector.extract %slice3A_590[0] : f32 from vector<1xf32>
      %mul3A_592 = vector.broadcast %squeeze3A_591 : f32 to vector<16xf32>
      %mul3A_593 = arith.mulf %mul3A_592, %bitcast_convert_type3A_574 : vector<16xf32>
      %add3A_594 = arith.addf %add3A_525, %mul3A_593 : vector<16xf32>
      %slice3A_595 = vector.extract_strided_slice %get3A_5 {offsets = [9], sizes = [1], strides = [1]} : vector<16xf32> to vector<1xf32>
      %squeeze3A_596 = vector.extract %slice3A_595[0] : f32 from vector<1xf32>
      %mul3A_597 = vector.broadcast %squeeze3A_596 : f32 to vector<16xf32>
      %mul3A_598 = arith.mulf %mul3A_597, %bitcast_convert_type3A_589 : vector<16xf32>
      %add3A_599 = arith.addf %add3A_594, %mul3A_598 : vector<16xf32>
      %slice3A_600 = vector.extract_strided_slice %get3A_8 {offsets = [8], sizes = [1], strides = [1]} : vector<16xf32> to vector<1xf32>
      %squeeze3A_601 = vector.extract %slice3A_600[0] : f32 from vector<1xf32>
      %mul3A_602 = vector.broadcast %squeeze3A_601 : f32 to vector<16xf32>
      %mul3A_603 = arith.mulf %mul3A_602, %bitcast_convert_type3A_574 : vector<16xf32>
      %add3A_604 = arith.addf %add3A_535, %mul3A_603 : vector<16xf32>
      %slice3A_605 = vector.extract_strided_slice %get3A_8 {offsets = [9], sizes = [1], strides = [1]} : vector<16xf32> to vector<1xf32>
      %squeeze3A_606 = vector.extract %slice3A_605[0] : f32 from vector<1xf32>
      %mul3A_607 = vector.broadcast %squeeze3A_606 : f32 to vector<16xf32>
      %mul3A_608 = arith.mulf %mul3A_607, %bitcast_convert_type3A_589 : vector<16xf32>
      %add3A_609 = arith.addf %add3A_604, %mul3A_608 : vector<16xf32>
      %add3A_610 = arith.constant 16 : i32
      %add3A_611 = arith.addi %add3A_610, %select_n3A_197 : i32
      %mul3A_612 = arith.constant 8 : i32
      %mul3A_613 = arith.muli %add3A_611, %mul3A_612 : i32
      %add3A_614 = arith.constant 2 : i32
      %add3A_615 = arith.addi %mul3A_613, %add3A_614 : i32
      %mul3A_616 = arith.constant 128 : i32
      %mul3A_617 = arith.muli %add3A_615, %mul3A_616 : i32
      %add3A_618 = arith.addi %mul3A_617, %mul3A_213 : i32
      %get3A_619 = arith.index_cast %add3A_618 : i32 to index
      %get3A_620 = tpu.vector_load %arg12[%get3A_619] {strides = array<i32>} : memref<32768xf32, #tpu.memory_space<vmem>>, vector<16xf32>,
      %get3A_621 = vector.shape_cast %get3A_620 : vector<16xf32> to vector<16xf32>
      %add3A_622 = arith.constant 16 : i32
      %add3A_623 = arith.addi %add3A_622, %select_n3A_197 : i32
      %mul3A_624 = arith.constant 8 : i32
      %mul3A_625 = arith.muli %add3A_623, %mul3A_624 : i32
      %add3A_626 = arith.constant 3 : i32
      %add3A_627 = arith.addi %mul3A_625, %add3A_626 : i32
      %mul3A_628 = arith.constant 128 : i32
      %mul3A_629 = arith.muli %add3A_627, %mul3A_628 : i32
      %add3A_630 = arith.addi %mul3A_629, %mul3A_213 : i32
      %get3A_631 = arith.index_cast %add3A_630 : i32 to index
      %get3A_632 = tpu.vector_load %arg12[%get3A_631] {strides = array<i32>} : memref<32768xf32, #tpu.memory_space<vmem>>, vector<16xf32>,
      %get3A_633 = vector.shape_cast %get3A_632 : vector<16xf32> to vector<16xf32>
      %bitcast_convert_type3A_634 = tpu.bitcast %get3A_621 : vector<16xf32> -> vector<16xi32>
      %add3A_635 = arith.constant 32767 : i32
      %add3A_636 = vector.broadcast %add3A_635 : i32 to vector<16xi32>
      %add3A_637 = arith.addi %bitcast_convert_type3A_634, %add3A_636 : vector<16xi32>
      %shift_right_arithmetic3A_638 = arith.constant 16 : i32
      %shift_right_arithmetic3A_639 = vector.broadcast %shift_right_arithmetic3A_638 : i32 to vector<16xi32>
      %shift_right_arithmetic3A_640 = arith.shrsi %bitcast_convert_type3A_634, %shift_right_arithmetic3A_639 : vector<16xi32>
      %and3A_641 = arith.constant 1 : i32
      %and3A_642 = vector.broadcast %and3A_641 : i32 to vector<16xi32>
      %and3A_643 = arith.andi %shift_right_arithmetic3A_640, %and3A_642 : vector<16xi32>
      %add3A_644 = arith.addi %add3A_637, %and3A_643 : vector<16xi32>
      %and3A_645 = arith.constant -65536 : i32
      %and3A_646 = vector.broadcast %and3A_645 : i32 to vector<16xi32>
      %and3A_647 = arith.andi %add3A_644, %and3A_646 : vector<16xi32>
      %bitcast_convert_type3A_648 = tpu.bitcast %and3A_647 : vector<16xi32> -> vector<16xf32>
      %bitcast_convert_type3A_649 = tpu.bitcast %get3A_633 : vector<16xf32> -> vector<16xi32>
      %add3A_650 = arith.constant 32767 : i32
      %add3A_651 = vector.broadcast %add3A_650 : i32 to vector<16xi32>
      %add3A_652 = arith.addi %bitcast_convert_type3A_649, %add3A_651 : vector<16xi32>
      %shift_right_arithmetic3A_653 = arith.constant 16 : i32
      %shift_right_arithmetic3A_654 = vector.broadcast %shift_right_arithmetic3A_653 : i32 to vector<16xi32>
      %shift_right_arithmetic3A_655 = arith.shrsi %bitcast_convert_type3A_649, %shift_right_arithmetic3A_654 : vector<16xi32>
      %and3A_656 = arith.constant 1 : i32
      %and3A_657 = vector.broadcast %and3A_656 : i32 to vector<16xi32>
      %and3A_658 = arith.andi %shift_right_arithmetic3A_655, %and3A_657 : vector<16xi32>
      %add3A_659 = arith.addi %add3A_652, %and3A_658 : vector<16xi32>
      %and3A_660 = arith.constant -65536 : i32
      %and3A_661 = vector.broadcast %and3A_660 : i32 to vector<16xi32>
      %and3A_662 = arith.andi %add3A_659, %and3A_661 : vector<16xi32>
      %bitcast_convert_type3A_663 = tpu.bitcast %and3A_662 : vector<16xi32> -> vector<16xf32>
      %slice3A_664 = vector.extract_strided_slice %get3A_5 {offsets = [10], sizes = [1], strides = [1]} : vector<16xf32> to vector<1xf32>
      %squeeze3A_665 = vector.extract %slice3A_664[0] : f32 from vector<1xf32>
      %mul3A_666 = vector.broadcast %squeeze3A_665 : f32 to vector<16xf32>
      %mul3A_667 = arith.mulf %mul3A_666, %bitcast_convert_type3A_648 : vector<16xf32>
      %add3A_668 = arith.addf %add3A_599, %mul3A_667 : vector<16xf32>
      %slice3A_669 = vector.extract_strided_slice %get3A_5 {offsets = [11], sizes = [1], strides = [1]} : vector<16xf32> to vector<1xf32>
      %squeeze3A_670 = vector.extract %slice3A_669[0] : f32 from vector<1xf32>
      %mul3A_671 = vector.broadcast %squeeze3A_670 : f32 to vector<16xf32>
      %mul3A_672 = arith.mulf %mul3A_671, %bitcast_convert_type3A_663 : vector<16xf32>
      %add3A_673 = arith.addf %add3A_668, %mul3A_672 : vector<16xf32>
      %slice3A_674 = vector.extract_strided_slice %get3A_8 {offsets = [10], sizes = [1], strides = [1]} : vector<16xf32> to vector<1xf32>
      %squeeze3A_675 = vector.extract %slice3A_674[0] : f32 from vector<1xf32>
      %mul3A_676 = vector.broadcast %squeeze3A_675 : f32 to vector<16xf32>
      %mul3A_677 = arith.mulf %mul3A_676, %bitcast_convert_type3A_648 : vector<16xf32>
      %add3A_678 = arith.addf %add3A_609, %mul3A_677 : vector<16xf32>
      %slice3A_679 = vector.extract_strided_slice %get3A_8 {offsets = [11], sizes = [1], strides = [1]} : vector<16xf32> to vector<1xf32>
      %squeeze3A_680 = vector.extract %slice3A_679[0] : f32 from vector<1xf32>
      %mul3A_681 = vector.broadcast %squeeze3A_680 : f32 to vector<16xf32>
      %mul3A_682 = arith.mulf %mul3A_681, %bitcast_convert_type3A_663 : vector<16xf32>
      %add3A_683 = arith.addf %add3A_678, %mul3A_682 : vector<16xf32>
      %add3A_684 = arith.constant 16 : i32
      %add3A_685 = arith.addi %add3A_684, %select_n3A_197 : i32
      %mul3A_686 = arith.constant 8 : i32
      %mul3A_687 = arith.muli %add3A_685, %mul3A_686 : i32
      %add3A_688 = arith.constant 4 : i32
      %add3A_689 = arith.addi %mul3A_687, %add3A_688 : i32
      %mul3A_690 = arith.constant 128 : i32
      %mul3A_691 = arith.muli %add3A_689, %mul3A_690 : i32
      %add3A_692 = arith.addi %mul3A_691, %mul3A_213 : i32
      %get3A_693 = arith.index_cast %add3A_692 : i32 to index
      %get3A_694 = tpu.vector_load %arg12[%get3A_693] {strides = array<i32>} : memref<32768xf32, #tpu.memory_space<vmem>>, vector<16xf32>,
      %get3A_695 = vector.shape_cast %get3A_694 : vector<16xf32> to vector<16xf32>
      %add3A_696 = arith.constant 16 : i32
      %add3A_697 = arith.addi %add3A_696, %select_n3A_197 : i32
      %mul3A_698 = arith.constant 8 : i32
      %mul3A_699 = arith.muli %add3A_697, %mul3A_698 : i32
      %add3A_700 = arith.constant 5 : i32
      %add3A_701 = arith.addi %mul3A_699, %add3A_700 : i32
      %mul3A_702 = arith.constant 128 : i32
      %mul3A_703 = arith.muli %add3A_701, %mul3A_702 : i32
      %add3A_704 = arith.addi %mul3A_703, %mul3A_213 : i32
      %get3A_705 = arith.index_cast %add3A_704 : i32 to index
      %get3A_706 = tpu.vector_load %arg12[%get3A_705] {strides = array<i32>} : memref<32768xf32, #tpu.memory_space<vmem>>, vector<16xf32>,
      %get3A_707 = vector.shape_cast %get3A_706 : vector<16xf32> to vector<16xf32>
      %bitcast_convert_type3A_708 = tpu.bitcast %get3A_695 : vector<16xf32> -> vector<16xi32>
      %add3A_709 = arith.constant 32767 : i32
      %add3A_710 = vector.broadcast %add3A_709 : i32 to vector<16xi32>
      %add3A_711 = arith.addi %bitcast_convert_type3A_708, %add3A_710 : vector<16xi32>
      %shift_right_arithmetic3A_712 = arith.constant 16 : i32
      %shift_right_arithmetic3A_713 = vector.broadcast %shift_right_arithmetic3A_712 : i32 to vector<16xi32>
      %shift_right_arithmetic3A_714 = arith.shrsi %bitcast_convert_type3A_708, %shift_right_arithmetic3A_713 : vector<16xi32>
      %and3A_715 = arith.constant 1 : i32
      %and3A_716 = vector.broadcast %and3A_715 : i32 to vector<16xi32>
      %and3A_717 = arith.andi %shift_right_arithmetic3A_714, %and3A_716 : vector<16xi32>
      %add3A_718 = arith.addi %add3A_711, %and3A_717 : vector<16xi32>
      %and3A_719 = arith.constant -65536 : i32
      %and3A_720 = vector.broadcast %and3A_719 : i32 to vector<16xi32>
      %and3A_721 = arith.andi %add3A_718, %and3A_720 : vector<16xi32>
      %bitcast_convert_type3A_722 = tpu.bitcast %and3A_721 : vector<16xi32> -> vector<16xf32>
      %bitcast_convert_type3A_723 = tpu.bitcast %get3A_707 : vector<16xf32> -> vector<16xi32>
      %add3A_724 = arith.constant 32767 : i32
      %add3A_725 = vector.broadcast %add3A_724 : i32 to vector<16xi32>
      %add3A_726 = arith.addi %bitcast_convert_type3A_723, %add3A_725 : vector<16xi32>
      %shift_right_arithmetic3A_727 = arith.constant 16 : i32
      %shift_right_arithmetic3A_728 = vector.broadcast %shift_right_arithmetic3A_727 : i32 to vector<16xi32>
      %shift_right_arithmetic3A_729 = arith.shrsi %bitcast_convert_type3A_723, %shift_right_arithmetic3A_728 : vector<16xi32>
      %and3A_730 = arith.constant 1 : i32
      %and3A_731 = vector.broadcast %and3A_730 : i32 to vector<16xi32>
      %and3A_732 = arith.andi %shift_right_arithmetic3A_729, %and3A_731 : vector<16xi32>
      %add3A_733 = arith.addi %add3A_726, %and3A_732 : vector<16xi32>
      %and3A_734 = arith.constant -65536 : i32
      %and3A_735 = vector.broadcast %and3A_734 : i32 to vector<16xi32>
      %and3A_736 = arith.andi %add3A_733, %and3A_735 : vector<16xi32>
      %bitcast_convert_type3A_737 = tpu.bitcast %and3A_736 : vector<16xi32> -> vector<16xf32>
      %slice3A_738 = vector.extract_strided_slice %get3A_5 {offsets = [12], sizes = [1], strides = [1]} : vector<16xf32> to vector<1xf32>
      %squeeze3A_739 = vector.extract %slice3A_738[0] : f32 from vector<1xf32>
      %mul3A_740 = vector.broadcast %squeeze3A_739 : f32 to vector<16xf32>
      %mul3A_741 = arith.mulf %mul3A_740, %bitcast_convert_type3A_722 : vector<16xf32>
      %add3A_742 = arith.addf %add3A_673, %mul3A_741 : vector<16xf32>
      %slice3A_743 = vector.extract_strided_slice %get3A_5 {offsets = [13], sizes = [1], strides = [1]} : vector<16xf32> to vector<1xf32>
      %squeeze3A_744 = vector.extract %slice3A_743[0] : f32 from vector<1xf32>
      %mul3A_745 = vector.broadcast %squeeze3A_744 : f32 to vector<16xf32>
      %mul3A_746 = arith.mulf %mul3A_745, %bitcast_convert_type3A_737 : vector<16xf32>
      %add3A_747 = arith.addf %add3A_742, %mul3A_746 : vector<16xf32>
      %slice3A_748 = vector.extract_strided_slice %get3A_8 {offsets = [12], sizes = [1], strides = [1]} : vector<16xf32> to vector<1xf32>
      %squeeze3A_749 = vector.extract %slice3A_748[0] : f32 from vector<1xf32>
      %mul3A_750 = vector.broadcast %squeeze3A_749 : f32 to vector<16xf32>
      %mul3A_751 = arith.mulf %mul3A_750, %bitcast_convert_type3A_722 : vector<16xf32>
      %add3A_752 = arith.addf %add3A_683, %mul3A_751 : vector<16xf32>
      %slice3A_753 = vector.extract_strided_slice %get3A_8 {offsets = [13], sizes = [1], strides = [1]} : vector<16xf32> to vector<1xf32>
      %squeeze3A_754 = vector.extract %slice3A_753[0] : f32 from vector<1xf32>
      %mul3A_755 = vector.broadcast %squeeze3A_754 : f32 to vector<16xf32>
      %mul3A_756 = arith.mulf %mul3A_755, %bitcast_convert_type3A_737 : vector<16xf32>
      %add3A_757 = arith.addf %add3A_752, %mul3A_756 : vector<16xf32>
      %add3A_758 = arith.constant 16 : i32
      %add3A_759 = arith.addi %add3A_758, %select_n3A_197 : i32
      %mul3A_760 = arith.constant 8 : i32
      %mul3A_761 = arith.muli %add3A_759, %mul3A_760 : i32
      %add3A_762 = arith.constant 6 : i32
      %add3A_763 = arith.addi %mul3A_761, %add3A_762 : i32
      %mul3A_764 = arith.constant 128 : i32
      %mul3A_765 = arith.muli %add3A_763, %mul3A_764 : i32
      %add3A_766 = arith.addi %mul3A_765, %mul3A_213 : i32
      %get3A_767 = arith.index_cast %add3A_766 : i32 to index
      %get3A_768 = tpu.vector_load %arg12[%get3A_767] {strides = array<i32>} : memref<32768xf32, #tpu.memory_space<vmem>>, vector<16xf32>,
      %get3A_769 = vector.shape_cast %get3A_768 : vector<16xf32> to vector<16xf32>
      %add3A_770 = arith.constant 16 : i32
      %add3A_771 = arith.addi %add3A_770, %select_n3A_197 : i32
      %mul3A_772 = arith.constant 8 : i32
      %mul3A_773 = arith.muli %add3A_771, %mul3A_772 : i32
      %add3A_774 = arith.constant 7 : i32
      %add3A_775 = arith.addi %mul3A_773, %add3A_774 : i32
      %mul3A_776 = arith.constant 128 : i32
      %mul3A_777 = arith.muli %add3A_775, %mul3A_776 : i32
      %add3A_778 = arith.addi %mul3A_777, %mul3A_213 : i32
      %get3A_779 = arith.index_cast %add3A_778 : i32 to index
      %get3A_780 = tpu.vector_load %arg12[%get3A_779] {strides = array<i32>} : memref<32768xf32, #tpu.memory_space<vmem>>, vector<16xf32>,
      %get3A_781 = vector.shape_cast %get3A_780 : vector<16xf32> to vector<16xf32>
      %bitcast_convert_type3A_782 = tpu.bitcast %get3A_769 : vector<16xf32> -> vector<16xi32>
      %add3A_783 = arith.constant 32767 : i32
      %add3A_784 = vector.broadcast %add3A_783 : i32 to vector<16xi32>
      %add3A_785 = arith.addi %bitcast_convert_type3A_782, %add3A_784 : vector<16xi32>
      %shift_right_arithmetic3A_786 = arith.constant 16 : i32
      %shift_right_arithmetic3A_787 = vector.broadcast %shift_right_arithmetic3A_786 : i32 to vector<16xi32>
      %shift_right_arithmetic3A_788 = arith.shrsi %bitcast_convert_type3A_782, %shift_right_arithmetic3A_787 : vector<16xi32>
      %and3A_789 = arith.constant 1 : i32
      %and3A_790 = vector.broadcast %and3A_789 : i32 to vector<16xi32>
      %and3A_791 = arith.andi %shift_right_arithmetic3A_788, %and3A_790 : vector<16xi32>
      %add3A_792 = arith.addi %add3A_785, %and3A_791 : vector<16xi32>
      %and3A_793 = arith.constant -65536 : i32
      %and3A_794 = vector.broadcast %and3A_793 : i32 to vector<16xi32>
      %and3A_795 = arith.andi %add3A_792, %and3A_794 : vector<16xi32>
      %bitcast_convert_type3A_796 = tpu.bitcast %and3A_795 : vector<16xi32> -> vector<16xf32>
      %bitcast_convert_type3A_797 = tpu.bitcast %get3A_781 : vector<16xf32> -> vector<16xi32>
      %add3A_798 = arith.constant 32767 : i32
      %add3A_799 = vector.broadcast %add3A_798 : i32 to vector<16xi32>
      %add3A_800 = arith.addi %bitcast_convert_type3A_797, %add3A_799 : vector<16xi32>
      %shift_right_arithmetic3A_801 = arith.constant 16 : i32
      %shift_right_arithmetic3A_802 = vector.broadcast %shift_right_arithmetic3A_801 : i32 to vector<16xi32>
      %shift_right_arithmetic3A_803 = arith.shrsi %bitcast_convert_type3A_797, %shift_right_arithmetic3A_802 : vector<16xi32>
      %and3A_804 = arith.constant 1 : i32
      %and3A_805 = vector.broadcast %and3A_804 : i32 to vector<16xi32>
      %and3A_806 = arith.andi %shift_right_arithmetic3A_803, %and3A_805 : vector<16xi32>
      %add3A_807 = arith.addi %add3A_800, %and3A_806 : vector<16xi32>
      %and3A_808 = arith.constant -65536 : i32
      %and3A_809 = vector.broadcast %and3A_808 : i32 to vector<16xi32>
      %and3A_810 = arith.andi %add3A_807, %and3A_809 : vector<16xi32>
      %bitcast_convert_type3A_811 = tpu.bitcast %and3A_810 : vector<16xi32> -> vector<16xf32>
      %slice3A_812 = vector.extract_strided_slice %get3A_5 {offsets = [14], sizes = [1], strides = [1]} : vector<16xf32> to vector<1xf32>
      %squeeze3A_813 = vector.extract %slice3A_812[0] : f32 from vector<1xf32>
      %mul3A_814 = vector.broadcast %squeeze3A_813 : f32 to vector<16xf32>
      %mul3A_815 = arith.mulf %mul3A_814, %bitcast_convert_type3A_796 : vector<16xf32>
      %add3A_816 = arith.addf %add3A_747, %mul3A_815 : vector<16xf32>
      %slice3A_817 = vector.extract_strided_slice %get3A_5 {offsets = [15], sizes = [1], strides = [1]} : vector<16xf32> to vector<1xf32>
      %squeeze3A_818 = vector.extract %slice3A_817[0] : f32 from vector<1xf32>
      %mul3A_819 = vector.broadcast %squeeze3A_818 : f32 to vector<16xf32>
      %mul3A_820 = arith.mulf %mul3A_819, %bitcast_convert_type3A_811 : vector<16xf32>
      %add3A_821 = arith.addf %add3A_816, %mul3A_820 : vector<16xf32>
      %slice3A_822 = vector.extract_strided_slice %get3A_8 {offsets = [14], sizes = [1], strides = [1]} : vector<16xf32> to vector<1xf32>
      %squeeze3A_823 = vector.extract %slice3A_822[0] : f32 from vector<1xf32>
      %mul3A_824 = vector.broadcast %squeeze3A_823 : f32 to vector<16xf32>
      %mul3A_825 = arith.mulf %mul3A_824, %bitcast_convert_type3A_796 : vector<16xf32>
      %add3A_826 = arith.addf %add3A_757, %mul3A_825 : vector<16xf32>
      %slice3A_827 = vector.extract_strided_slice %get3A_8 {offsets = [15], sizes = [1], strides = [1]} : vector<16xf32> to vector<1xf32>
      %squeeze3A_828 = vector.extract %slice3A_827[0] : f32 from vector<1xf32>
      %mul3A_829 = vector.broadcast %squeeze3A_828 : f32 to vector<16xf32>
      %mul3A_830 = arith.mulf %mul3A_829, %bitcast_convert_type3A_811 : vector<16xf32>
      %add3A_831 = arith.addf %add3A_826, %mul3A_830 : vector<16xf32>
      %mul3A_832 = arith.constant 0.318309873 : f32
      %mul3A_833 = vector.broadcast %mul3A_832 : f32 to vector<16xf32>
      %mul3A_834 = arith.mulf %add3A_821, %mul3A_833 : vector<16xf32>
      %ge3A = arith.constant 0.000000e+00 : f32
      %ge3A_835 = vector.broadcast %ge3A : f32 to vector<16xf32>
      %ge3A_836 = arith.cmpf oge, %mul3A_834, %ge3A_835 : vector<16xf32>
      %jit3A_837 = arith.constant 5.000000e-01 : f32
      %jit3A_838 = arith.constant -5.000000e-01 : f32
      %broadcast_in_dim3A = vector.broadcast %jit3A_837 : f32 to vector<16xf32>
      %broadcast_in_dim3A_839 = vector.broadcast %jit3A_838 : f32 to vector<16xf32>
      %select_n3A_840 = arith.select %ge3A_836, %broadcast_in_dim3A, %broadcast_in_dim3A_839 : vector<16xi1>, vector<16xf32>
      %add3A_841 = arith.addf %mul3A_834, %select_n3A_840 : vector<16xf32>
      %convert_element_type3A = arith.fptosi %add3A_841 : vector<16xf32> to vector<16xi32>
      %convert_element_type3A_842 = arith.sitofp %convert_element_type3A : vector<16xi32> to vector<16xf32>
      %and3A_843 = arith.constant 1 : i32
      %and3A_844 = vector.broadcast %and3A_843 : i32 to vector<16xi32>
      %and3A_845 = arith.andi %convert_element_type3A, %and3A_844 : vector<16xi32>
      %eq3A_846 = arith.constant 1 : i32
      %eq3A_847 = vector.broadcast %eq3A_846 : i32 to vector<16xi32>
      %eq3A_848 = arith.cmpi eq, %and3A_845, %eq3A_847 : vector<16xi32>
      %jit3A_849 = arith.constant -1.000000e+00 : f32
      %jit3A_850 = arith.constant 1.000000e+00 : f32
      %broadcast_in_dim3A_851 = vector.broadcast %jit3A_849 : f32 to vector<16xf32>
      %broadcast_in_dim3A_852 = vector.broadcast %jit3A_850 : f32 to vector<16xf32>
      %select_n3A_853 = arith.select %eq3A_848, %broadcast_in_dim3A_851, %broadcast_in_dim3A_852 : vector<16xi1>, vector<16xf32>
      %mul3A_854 = arith.constant 3.140625 : f32
      %mul3A_855 = vector.broadcast %mul3A_854 : f32 to vector<16xf32>
      %mul3A_856 = arith.mulf %convert_element_type3A_842, %mul3A_855 : vector<16xf32>
      %sub3A_857 = arith.subf %add3A_821, %mul3A_856 : vector<16xf32>
      %mul3A_858 = arith.constant 9.67653584E-4 : f32
      %mul3A_859 = vector.broadcast %mul3A_858 : f32 to vector<16xf32>
      %mul3A_860 = arith.mulf %convert_element_type3A_842, %mul3A_859 : vector<16xf32>
      %sub3A_861 = arith.subf %sub3A_857, %mul3A_860 : vector<16xf32>
      %mul3A_862 = arith.mulf %sub3A_861, %sub3A_861 : vector<16xf32>
      %mul3A_863 = arith.constant 2.75573188E-6 : f32
      %mul3A_864 = vector.broadcast %mul3A_863 : f32 to vector<16xf32>
      %mul3A_865 = arith.mulf %mul3A_862, %mul3A_864 : vector<16xf32>
      %add3A_866 = arith.constant -1.98412701E-4 : f32
      %add3A_867 = vector.broadcast %add3A_866 : f32 to vector<16xf32>
      %add3A_868 = arith.addf %add3A_867, %mul3A_865 : vector<16xf32>
      %mul3A_869 = arith.mulf %mul3A_862, %add3A_868 : vector<16xf32>
      %add3A_870 = arith.constant 0.00833333377 : f32
      %add3A_871 = vector.broadcast %add3A_870 : f32 to vector<16xf32>
      %add3A_872 = arith.addf %add3A_871, %mul3A_869 : vector<16xf32>
      %mul3A_873 = arith.mulf %mul3A_862, %add3A_872 : vector<16xf32>
      %add3A_874 = arith.constant -0.166666672 : f32
      %add3A_875 = vector.broadcast %add3A_874 : f32 to vector<16xf32>
      %add3A_876 = arith.addf %add3A_875, %mul3A_873 : vector<16xf32>
      %mul3A_877 = arith.mulf %mul3A_862, %add3A_876 : vector<16xf32>
      %add3A_878 = arith.constant 1.000000e+00 : f32
      %add3A_879 = vector.broadcast %add3A_878 : f32 to vector<16xf32>
      %add3A_880 = arith.addf %add3A_879, %mul3A_877 : vector<16xf32>
      %mul3A_881 = arith.mulf %sub3A_861, %add3A_880 : vector<16xf32>
      %mul3A_882 = arith.mulf %select_n3A_853, %mul3A_881 : vector<16xf32>
      %slice3A_883 = vector.extract_strided_slice %get3A_2 {offsets = [4], sizes = [1], strides = [1]} : vector<16xf32> to vector<1xf32>
      %squeeze3A_884 = vector.extract %slice3A_883[0] : f32 from vector<1xf32>
      %mul3A_885 = vector.broadcast %squeeze3A_884 : f32 to vector<16xf32>
      %mul3A_886 = arith.mulf %mul3A_885, %mul3A_882 : vector<16xf32>
      %add3A_887 = arith.addf %add3A_831, %mul3A_886 : vector<16xf32>
      %mul3A_888 = arith.constant -5.000000e-01 : f32
      %mul3A_889 = vector.broadcast %mul3A_888 : f32 to vector<16xf32>
      %mul3A_890 = arith.mulf %mul3A_889, %add3A_887 : vector<16xf32>
      %mul3A_891 = arith.mulf %mul3A_890, %add3A_887 : vector<16xf32>
      %exp3A = math.exp %mul3A_891 : vector<16xf32>
      %mul3A_892 = arith.constant 0.398942292 : f32
      %mul3A_893 = vector.broadcast %mul3A_892 : f32 to vector<16xf32>
      %mul3A_894 = arith.mulf %mul3A_893, %exp3A : vector<16xf32>
      %bitcast_convert_type3A_895 = tpu.bitcast %mul3A_882 : vector<16xf32> -> vector<16xi32>
      %add3A_896 = arith.constant 32767 : i32
      %add3A_897 = vector.broadcast %add3A_896 : i32 to vector<16xi32>
      %add3A_898 = arith.addi %bitcast_convert_type3A_895, %add3A_897 : vector<16xi32>
      %shift_right_arithmetic3A_899 = arith.constant 16 : i32
      %shift_right_arithmetic3A_900 = vector.broadcast %shift_right_arithmetic3A_899 : i32 to vector<16xi32>
      %shift_right_arithmetic3A_901 = arith.shrsi %bitcast_convert_type3A_895, %shift_right_arithmetic3A_900 : vector<16xi32>
      %and3A_902 = arith.constant 1 : i32
      %and3A_903 = vector.broadcast %and3A_902 : i32 to vector<16xi32>
      %and3A_904 = arith.andi %shift_right_arithmetic3A_901, %and3A_903 : vector<16xi32>
      %add3A_905 = arith.addi %add3A_898, %and3A_904 : vector<16xi32>
      %and3A_906 = arith.constant -65536 : i32
      %and3A_907 = vector.broadcast %and3A_906 : i32 to vector<16xi32>
      %and3A_908 = arith.andi %add3A_905, %and3A_907 : vector<16xi32>
      %bitcast_convert_type3A_909 = tpu.bitcast %and3A_908 : vector<16xi32> -> vector<16xf32>
      %bitcast_convert_type3A_910 = tpu.bitcast %mul3A_894 : vector<16xf32> -> vector<16xi32>
      %add3A_911 = arith.constant 32767 : i32
      %add3A_912 = vector.broadcast %add3A_911 : i32 to vector<16xi32>
      %add3A_913 = arith.addi %bitcast_convert_type3A_910, %add3A_912 : vector<16xi32>
      %shift_right_arithmetic3A_914 = arith.constant 16 : i32
      %shift_right_arithmetic3A_915 = vector.broadcast %shift_right_arithmetic3A_914 : i32 to vector<16xi32>
      %shift_right_arithmetic3A_916 = arith.shrsi %bitcast_convert_type3A_910, %shift_right_arithmetic3A_915 : vector<16xi32>
      %and3A_917 = arith.constant 1 : i32
      %and3A_918 = vector.broadcast %and3A_917 : i32 to vector<16xi32>
      %and3A_919 = arith.andi %shift_right_arithmetic3A_916, %and3A_918 : vector<16xi32>
      %add3A_920 = arith.addi %add3A_913, %and3A_919 : vector<16xi32>
      %and3A_921 = arith.constant -65536 : i32
      %and3A_922 = vector.broadcast %and3A_921 : i32 to vector<16xi32>
      %and3A_923 = arith.andi %add3A_920, %and3A_922 : vector<16xi32>
      %bitcast_convert_type3A_924 = tpu.bitcast %and3A_923 : vector<16xi32> -> vector<16xf32>
      %slice3A_925 = vector.extract_strided_slice %get3A_11 {offsets = [0], sizes = [1], strides = [1]} : vector<16xf32> to vector<1xf32>
      %squeeze3A_926 = vector.extract %slice3A_925[0] : f32 from vector<1xf32>
      %mul3A_927 = vector.broadcast %squeeze3A_926 : f32 to vector<16xf32>
      %mul3A_928 = arith.mulf %mul3A_927, %bitcast_convert_type3A_909 : vector<16xf32>
      %slice3A_929 = vector.extract_strided_slice %get3A_11 {offsets = [3], sizes = [1], strides = [1]} : vector<16xf32> to vector<1xf32>
      %squeeze3A_930 = vector.extract %slice3A_929[0] : f32 from vector<1xf32>
      %mul3A_931 = vector.broadcast %squeeze3A_930 : f32 to vector<16xf32>
      %mul3A_932 = arith.mulf %mul3A_931, %bitcast_convert_type3A_924 : vector<16xf32>
      %add3A_933 = arith.addf %mul3A_928, %mul3A_932 : vector<16xf32>
      %neg3A = arith.constant 0.000000e+00 : f32
      %neg3A_934 = vector.broadcast %neg3A : f32 to vector<16xf32>
      %neg3A_935 = arith.subf %neg3A_934, %add3A_933 : vector<16xf32>
      %exp3A_936 = math.exp %neg3A_935 : vector<16xf32>
      %add3A_937 = arith.constant 1.000000e+00 : f32
      %add3A_938 = vector.broadcast %add3A_937 : f32 to vector<16xf32>
      %add3A_939 = arith.addf %add3A_938, %exp3A_936 : vector<16xf32>
      %div3A_940 = arith.constant 1.000000e+00 : f32
      %div3A_941 = vector.broadcast %div3A_940 : f32 to vector<16xf32>
      %div3A_942 = arith.divf %div3A_941, %add3A_939 : vector<16xf32>
      %mul3A_943 = arith.constant 4 : i32
      %mul3A_944 = arith.muli %mul3A_943, %select_n3A_197 : i32
      %add3A_945 = arith.constant 0 : i32
      %add3A_946 = arith.addi %mul3A_944, %add3A_945 : i32
      %mul3A_947 = arith.constant 128 : i32
      %mul3A_948 = arith.muli %add3A_946, %mul3A_947 : i32
      %add3A_949 = arith.addi %mul3A_948, %mul3A_213 : i32
      %swap3A = arith.index_cast %add3A_949 : i32 to index
      %swap3A_950 = tpu.vector_load %arg13[%swap3A] {strides = array<i32>} : memref<8192xf32, #tpu.memory_space<vmem>>, vector<16xf32>,
      %swap3A_951 = vector.shape_cast %swap3A_950 : vector<16xf32> to vector<16xf32>
      %swap3A_952 = vector.shape_cast %div3A_942 : vector<16xf32> to vector<16xf32>
      tpu.vector_store %arg13[%swap3A], %swap3A_952 {strides = array<i32>} : memref<8192xf32, #tpu.memory_space<vmem>>, vector<16xf32>,
      %slice3A_953 = vector.extract_strided_slice %get3A_11 {offsets = [1], sizes = [1], strides = [1]} : vector<16xf32> to vector<1xf32>
      %squeeze3A_954 = vector.extract %slice3A_953[0] : f32 from vector<1xf32>
      %mul3A_955 = vector.broadcast %squeeze3A_954 : f32 to vector<16xf32>
      %mul3A_956 = arith.mulf %mul3A_955, %bitcast_convert_type3A_909 : vector<16xf32>
      %slice3A_957 = vector.extract_strided_slice %get3A_11 {offsets = [4], sizes = [1], strides = [1]} : vector<16xf32> to vector<1xf32>
      %squeeze3A_958 = vector.extract %slice3A_957[0] : f32 from vector<1xf32>
      %mul3A_959 = vector.broadcast %squeeze3A_958 : f32 to vector<16xf32>
      %mul3A_960 = arith.mulf %mul3A_959, %bitcast_convert_type3A_924 : vector<16xf32>
      %add3A_961 = arith.addf %mul3A_956, %mul3A_960 : vector<16xf32>
      %neg3A_962 = arith.constant 0.000000e+00 : f32
      %neg3A_963 = vector.broadcast %neg3A_962 : f32 to vector<16xf32>
      %neg3A_964 = arith.subf %neg3A_963, %add3A_961 : vector<16xf32>
      %exp3A_965 = math.exp %neg3A_964 : vector<16xf32>
      %add3A_966 = arith.constant 1.000000e+00 : f32
      %add3A_967 = vector.broadcast %add3A_966 : f32 to vector<16xf32>
      %add3A_968 = arith.addf %add3A_967, %exp3A_965 : vector<16xf32>
      %div3A_969 = arith.constant 1.000000e+00 : f32
      %div3A_970 = vector.broadcast %div3A_969 : f32 to vector<16xf32>
      %div3A_971 = arith.divf %div3A_970, %add3A_968 : vector<16xf32>
      %mul3A_972 = arith.constant 4 : i32
      %mul3A_973 = arith.muli %mul3A_972, %select_n3A_197 : i32
      %add3A_974 = arith.constant 1 : i32
      %add3A_975 = arith.addi %mul3A_973, %add3A_974 : i32
      %mul3A_976 = arith.constant 128 : i32
      %mul3A_977 = arith.muli %add3A_975, %mul3A_976 : i32
      %add3A_978 = arith.addi %mul3A_977, %mul3A_213 : i32
      %swap3A_979 = arith.index_cast %add3A_978 : i32 to index
      %swap3A_980 = tpu.vector_load %arg13[%swap3A_979] {strides = array<i32>} : memref<8192xf32, #tpu.memory_space<vmem>>, vector<16xf32>,
      %swap3A_981 = vector.shape_cast %swap3A_980 : vector<16xf32> to vector<16xf32>
      %swap3A_982 = vector.shape_cast %div3A_971 : vector<16xf32> to vector<16xf32>
      tpu.vector_store %arg13[%swap3A_979], %swap3A_982 {strides = array<i32>} : memref<8192xf32, #tpu.memory_space<vmem>>, vector<16xf32>,
      %slice3A_983 = vector.extract_strided_slice %get3A_11 {offsets = [2], sizes = [1], strides = [1]} : vector<16xf32> to vector<1xf32>
      %squeeze3A_984 = vector.extract %slice3A_983[0] : f32 from vector<1xf32>
      %mul3A_985 = vector.broadcast %squeeze3A_984 : f32 to vector<16xf32>
      %mul3A_986 = arith.mulf %mul3A_985, %bitcast_convert_type3A_909 : vector<16xf32>
      %slice3A_987 = vector.extract_strided_slice %get3A_11 {offsets = [5], sizes = [1], strides = [1]} : vector<16xf32> to vector<1xf32>
      %squeeze3A_988 = vector.extract %slice3A_987[0] : f32 from vector<1xf32>
      %mul3A_989 = vector.broadcast %squeeze3A_988 : f32 to vector<16xf32>
      %mul3A_990 = arith.mulf %mul3A_989, %bitcast_convert_type3A_924 : vector<16xf32>
      %add3A_991 = arith.addf %mul3A_986, %mul3A_990 : vector<16xf32>
      %neg3A_992 = arith.constant 0.000000e+00 : f32
      %neg3A_993 = vector.broadcast %neg3A_992 : f32 to vector<16xf32>
      %neg3A_994 = arith.subf %neg3A_993, %add3A_991 : vector<16xf32>
      %exp3A_995 = math.exp %neg3A_994 : vector<16xf32>
      %add3A_996 = arith.constant 1.000000e+00 : f32
      %add3A_997 = vector.broadcast %add3A_996 : f32 to vector<16xf32>
      %add3A_998 = arith.addf %add3A_997, %exp3A_995 : vector<16xf32>
      %div3A_999 = arith.constant 1.000000e+00 : f32
      %div3A_1000 = vector.broadcast %div3A_999 : f32 to vector<16xf32>
      %div3A_1001 = arith.divf %div3A_1000, %add3A_998 : vector<16xf32>
      %mul3A_1002 = arith.constant 4 : i32
      %mul3A_1003 = arith.muli %mul3A_1002, %select_n3A_197 : i32
      %add3A_1004 = arith.constant 2 : i32
      %add3A_1005 = arith.addi %mul3A_1003, %add3A_1004 : i32
      %mul3A_1006 = arith.constant 128 : i32
      %mul3A_1007 = arith.muli %add3A_1005, %mul3A_1006 : i32
      %add3A_1008 = arith.addi %mul3A_1007, %mul3A_213 : i32
      %swap3A_1009 = arith.index_cast %add3A_1008 : i32 to index
      %swap3A_1010 = tpu.vector_load %arg13[%swap3A_1009] {strides = array<i32>} : memref<8192xf32, #tpu.memory_space<vmem>>, vector<16xf32>,
      %swap3A_1011 = vector.shape_cast %swap3A_1010 : vector<16xf32> to vector<16xf32>
      %swap3A_1012 = vector.shape_cast %div3A_1001 : vector<16xf32> to vector<16xf32>
      tpu.vector_store %arg13[%swap3A_1009], %swap3A_1012 {strides = array<i32>} : memref<8192xf32, #tpu.memory_space<vmem>>, vector<16xf32>,
      %broadcast_in_dim3A_1013 = arith.constant 0.000000e+00 : f32
      %broadcast_in_dim3A_1014 = vector.broadcast %broadcast_in_dim3A_1013 : f32 to vector<16xf32>
      %mul3A_1015 = arith.constant 4 : i32
      %mul3A_1016 = arith.muli %mul3A_1015, %select_n3A_197 : i32
      %add3A_1017 = arith.constant 3 : i32
      %add3A_1018 = arith.addi %mul3A_1016, %add3A_1017 : i32
      %mul3A_1019 = arith.constant 128 : i32
      %mul3A_1020 = arith.muli %add3A_1018, %mul3A_1019 : i32
      %add3A_1021 = arith.addi %mul3A_1020, %mul3A_213 : i32
      %swap3A_1022 = arith.index_cast %add3A_1021 : i32 to index
      %swap3A_1023 = tpu.vector_load %arg13[%swap3A_1022] {strides = array<i32>} : memref<8192xf32, #tpu.memory_space<vmem>>, vector<16xf32>,
      %swap3A_1024 = vector.shape_cast %swap3A_1023 : vector<16xf32> to vector<16xf32>
      %swap3A_1025 = vector.shape_cast %broadcast_in_dim3A_1014 : vector<16xf32> to vector<16xf32>
      tpu.vector_store %arg13[%swap3A_1022], %swap3A_1025 {strides = array<i32>} : memref<8192xf32, #tpu.memory_space<vmem>>, vector<16xf32>,
    }
    %scan3A_44 = arith.constant 128 : i32
    %mul3A_45 = arith.constant 4 : i32
    %mul3A_46 = arith.muli %mul3A_45, %add3A_15 : i32
    "tpu.region"() ({
      %run_scoped3A = tpu.sem_alloc : memref<!tpu.dma_semaphore, #tpu.memory_space<semaphore_mem>>
      %dma_start3A = tpu.memref_slice %arg7[%mul3A_46] : memref<1048576xf32, #tpu.memory_space<hbm>> -> memref<8192xf32, #tpu.memory_space<hbm>>
      %dma_start3A_173 = tpu.memref_slice %arg7[%mul3A_46] : memref<1048576xf32, #tpu.memory_space<hbm>> -> memref<8192xf32, #tpu.memory_space<hbm>>
      tpu.enqueue_dma source(%arg13 : memref<8192xf32, #tpu.memory_space<vmem>>) target(%dma_start3A_173 : memref<8192xf32, #tpu.memory_space<hbm>>) target_semaphore(%run_scoped3A : memref<!tpu.dma_semaphore, #tpu.memory_space<semaphore_mem>>)
      %dma_wait3A = tpu.memref_slice %arg7[%mul3A_46] : memref<1048576xf32, #tpu.memory_space<hbm>> -> memref<8192xf32, #tpu.memory_space<hbm>>
      %dma_wait3A_174 = tpu.memref_slice %arg7[%mul3A_46] : memref<1048576xf32, #tpu.memory_space<hbm>> -> memref<8192xf32, #tpu.memory_space<hbm>>
      tpu.wait_dma2 semaphore(%run_scoped3A : memref<!tpu.dma_semaphore, #tpu.memory_space<semaphore_mem>>) src(%arg13 : memref<8192xf32, #tpu.memory_space<vmem>>) dst(%dma_wait3A_174 : memref<8192xf32, #tpu.memory_space<hbm>>)
      tpu.yield
    }) : () -> ()
    %add3A_47 = arith.constant 2048 : i32
    %add3A_48 = arith.addi %mul3A_13, %add3A_47 : i32
    %jit3A_49 = arith.constant 128 : i32
    %div3A_50 = arith.divsi %add3A_48, %jit3A_49 : i32
    %sign3A_51 = arith.constant 0 : i32
    %sign3A_52 = arith.cmpi sgt, %add3A_48, %sign3A_51 : i32
    %sign3A_53 = arith.extui %sign3A_52 : i1 to i32
    %sign3A_54 = arith.constant 0 : i32
    %sign3A_55 = arith.cmpi slt, %add3A_48, %sign3A_54 : i32
    %sign3A_56 = arith.extui %sign3A_55 : i1 to i32
    %sign3A_57 = arith.subi %sign3A_53, %sign3A_56 : i32
    %sign3A_58 = arith.constant 0 : i32
    %sign3A_59 = arith.cmpi sgt, %jit3A_49, %sign3A_58 : i32
    %sign3A_60 = arith.extui %sign3A_59 : i1 to i32
    %sign3A_61 = arith.constant 0 : i32
    %sign3A_62 = arith.cmpi slt, %jit3A_49, %sign3A_61 : i32
    %sign3A_63 = arith.extui %sign3A_62 : i1 to i32
    %sign3A_64 = arith.subi %sign3A_60, %sign3A_63 : i32
    %ne3A_65 = arith.cmpi ne, %sign3A_57, %sign3A_64 : i32
    %rem3A_66 = arith.remsi %add3A_48, %jit3A_49 : i32
    %ne3A_67 = arith.constant 0 : i32
    %ne3A_68 = arith.cmpi ne, %rem3A_66, %ne3A_67 : i32
    %and3A_69 = arith.andi %ne3A_65, %ne3A_68 : i1
    %sub3A_70 = arith.constant 1 : i32
    %sub3A_71 = arith.subi %div3A_50, %sub3A_70 : i32
    %select_n3A_72 = arith.select %and3A_69, %sub3A_71, %div3A_50 : i32
    "tpu.region"() ({
      %run_scoped3A = tpu.sem_alloc : memref<!tpu.dma_semaphore, #tpu.memory_space<semaphore_mem>>
      %dma_start3A = tpu.memref_slice %arg4[%add3A_48] : memref<262144xf32, #tpu.memory_space<hbm>> -> memref<2048xf32, #tpu.memory_space<hbm>>
      %dma_start3A_173 = tpu.memref_slice %arg4[%add3A_48] : memref<262144xf32, #tpu.memory_space<hbm>> -> memref<2048xf32, #tpu.memory_space<hbm>>
      tpu.enqueue_dma source(%dma_start3A_173 : memref<2048xf32, #tpu.memory_space<hbm>>) target(%arg10 : memref<2048xf32, #tpu.memory_space<vmem>>) target_semaphore(%run_scoped3A : memref<!tpu.dma_semaphore, #tpu.memory_space<semaphore_mem>>)
      %dma_wait3A = tpu.memref_slice %arg4[%add3A_48] : memref<262144xf32, #tpu.memory_space<hbm>> -> memref<2048xf32, #tpu.memory_space<hbm>>
      %dma_wait3A_174 = tpu.memref_slice %arg4[%add3A_48] : memref<262144xf32, #tpu.memory_space<hbm>> -> memref<2048xf32, #tpu.memory_space<hbm>>
      tpu.wait_dma2 semaphore(%run_scoped3A : memref<!tpu.dma_semaphore, #tpu.memory_space<semaphore_mem>>) src(%dma_wait3A_174 : memref<2048xf32, #tpu.memory_space<hbm>>) dst(%arg10 : memref<2048xf32, #tpu.memory_space<vmem>>)
      tpu.yield
    }) : () -> ()
    "tpu.region"() ({
      %run_scoped3A = tpu.sem_alloc : memref<!tpu.dma_semaphore, #tpu.memory_space<semaphore_mem>>
      %dma_start3A = tpu.memref_slice %arg5[%add3A_48] : memref<262144xf32, #tpu.memory_space<hbm>> -> memref<2048xf32, #tpu.memory_space<hbm>>
      %dma_start3A_173 = tpu.memref_slice %arg5[%add3A_48] : memref<262144xf32, #tpu.memory_space<hbm>> -> memref<2048xf32, #tpu.memory_space<hbm>>
      tpu.enqueue_dma source(%dma_start3A_173 : memref<2048xf32, #tpu.memory_space<hbm>>) target(%arg11 : memref<2048xf32, #tpu.memory_space<vmem>>) target_semaphore(%run_scoped3A : memref<!tpu.dma_semaphore, #tpu.memory_space<semaphore_mem>>)
      %dma_wait3A = tpu.memref_slice %arg5[%add3A_48] : memref<262144xf32, #tpu.memory_space<hbm>> -> memref<2048xf32, #tpu.memory_space<hbm>>
      %dma_wait3A_174 = tpu.memref_slice %arg5[%add3A_48] : memref<262144xf32, #tpu.memory_space<hbm>> -> memref<2048xf32, #tpu.memory_space<hbm>>
      tpu.wait_dma2 semaphore(%run_scoped3A : memref<!tpu.dma_semaphore, #tpu.memory_space<semaphore_mem>>) src(%dma_wait3A_174 : memref<2048xf32, #tpu.memory_space<hbm>>) dst(%arg11 : memref<2048xf32, #tpu.memory_space<vmem>>)
      tpu.yield
    }) : () -> ()
    %mul3A_73 = arith.constant 1024 : i32
    %mul3A_74 = arith.muli %select_n3A_72, %mul3A_73 : i32
    %add3A_75 = arith.constant 0 : i32
    %add3A_76 = arith.addi %add3A_75, %mul3A_74 : i32
    "tpu.region"() ({
      %run_scoped3A = tpu.sem_alloc : memref<!tpu.dma_semaphore, #tpu.memory_space<semaphore_mem>>
      %dma_start3A = arith.constant 0 : i32
      %dma_start3A_173 = tpu.memref_slice %arg12[%dma_start3A] : memref<32768xf32, #tpu.memory_space<vmem>> -> memref<16384xf32, #tpu.memory_space<vmem>>
      %dma_start3A_174 = tpu.memref_slice %arg6[%add3A_76] : memref<4194304xf32, #tpu.memory_space<hbm>> -> memref<16384xf32, #tpu.memory_space<hbm>>
      %dma_start3A_175 = arith.constant 0 : i32
      %dma_start3A_176 = tpu.memref_slice %arg12[%dma_start3A_175] : memref<32768xf32, #tpu.memory_space<vmem>> -> memref<16384xf32, #tpu.memory_space<vmem>>
      %dma_start3A_177 = tpu.memref_slice %arg6[%add3A_76] : memref<4194304xf32, #tpu.memory_space<hbm>> -> memref<16384xf32, #tpu.memory_space<hbm>>
      tpu.enqueue_dma source(%dma_start3A_177 : memref<16384xf32, #tpu.memory_space<hbm>>) target(%dma_start3A_176 : memref<16384xf32, #tpu.memory_space<vmem>>) target_semaphore(%run_scoped3A : memref<!tpu.dma_semaphore, #tpu.memory_space<semaphore_mem>>)
      %dma_wait3A = arith.constant 0 : i32
      %dma_wait3A_178 = tpu.memref_slice %arg12[%dma_wait3A] : memref<32768xf32, #tpu.memory_space<vmem>> -> memref<16384xf32, #tpu.memory_space<vmem>>
      %dma_wait3A_179 = tpu.memref_slice %arg6[%add3A_76] : memref<4194304xf32, #tpu.memory_space<hbm>> -> memref<16384xf32, #tpu.memory_space<hbm>>
      %dma_wait3A_180 = arith.constant 0 : i32
      %dma_wait3A_181 = tpu.memref_slice %arg12[%dma_wait3A_180] : memref<32768xf32, #tpu.memory_space<vmem>> -> memref<16384xf32, #tpu.memory_space<vmem>>
      %dma_wait3A_182 = tpu.memref_slice %arg6[%add3A_76] : memref<4194304xf32, #tpu.memory_space<hbm>> -> memref<16384xf32, #tpu.memory_space<hbm>>
      tpu.wait_dma2 semaphore(%run_scoped3A : memref<!tpu.dma_semaphore, #tpu.memory_space<semaphore_mem>>) src(%dma_wait3A_182 : memref<16384xf32, #tpu.memory_space<hbm>>) dst(%dma_wait3A_181 : memref<16384xf32, #tpu.memory_space<vmem>>)
      tpu.yield
    }) : () -> ()
    %mul3A_77 = arith.constant 1024 : i32
    %mul3A_78 = arith.muli %select_n3A_72, %mul3A_77 : i32
    %add3A_79 = arith.constant 2097152 : i32
    %add3A_80 = arith.addi %add3A_79, %mul3A_78 : i32
    "tpu.region"() ({
      %run_scoped3A = tpu.sem_alloc : memref<!tpu.dma_semaphore, #tpu.memory_space<semaphore_mem>>
      %dma_start3A = arith.constant 16384 : i32
      %dma_start3A_173 = tpu.memref_slice %arg12[%dma_start3A] : memref<32768xf32, #tpu.memory_space<vmem>> -> memref<16384xf32, #tpu.memory_space<vmem>>
      %dma_start3A_174 = tpu.memref_slice %arg6[%add3A_80] : memref<4194304xf32, #tpu.memory_space<hbm>> -> memref<16384xf32, #tpu.memory_space<hbm>>
      %dma_start3A_175 = arith.constant 16384 : i32
      %dma_start3A_176 = tpu.memref_slice %arg12[%dma_start3A_175] : memref<32768xf32, #tpu.memory_space<vmem>> -> memref<16384xf32, #tpu.memory_space<vmem>>
      %dma_start3A_177 = tpu.memref_slice %arg6[%add3A_80] : memref<4194304xf32, #tpu.memory_space<hbm>> -> memref<16384xf32, #tpu.memory_space<hbm>>
      tpu.enqueue_dma source(%dma_start3A_177 : memref<16384xf32, #tpu.memory_space<hbm>>) target(%dma_start3A_176 : memref<16384xf32, #tpu.memory_space<vmem>>) target_semaphore(%run_scoped3A : memref<!tpu.dma_semaphore, #tpu.memory_space<semaphore_mem>>)
      %dma_wait3A = arith.constant 16384 : i32
      %dma_wait3A_178 = tpu.memref_slice %arg12[%dma_wait3A] : memref<32768xf32, #tpu.memory_space<vmem>> -> memref<16384xf32, #tpu.memory_space<vmem>>
      %dma_wait3A_179 = tpu.memref_slice %arg6[%add3A_80] : memref<4194304xf32, #tpu.memory_space<hbm>> -> memref<16384xf32, #tpu.memory_space<hbm>>
      %dma_wait3A_180 = arith.constant 16384 : i32
      %dma_wait3A_181 = tpu.memref_slice %arg12[%dma_wait3A_180] : memref<32768xf32, #tpu.memory_space<vmem>> -> memref<16384xf32, #tpu.memory_space<vmem>>
      %dma_wait3A_182 = tpu.memref_slice %arg6[%add3A_80] : memref<4194304xf32, #tpu.memory_space<hbm>> -> memref<16384xf32, #tpu.memory_space<hbm>>
      tpu.wait_dma2 semaphore(%run_scoped3A : memref<!tpu.dma_semaphore, #tpu.memory_space<semaphore_mem>>) src(%dma_wait3A_182 : memref<16384xf32, #tpu.memory_space<hbm>>) dst(%dma_wait3A_181 : memref<16384xf32, #tpu.memory_space<vmem>>)
      tpu.yield
    }) : () -> ()
    %scan3A_81 = arith.constant 0 : i32
    %scan3A_82 = arith.constant 0 : i32
    %scan3A_83 = arith.constant 128 : i32
    %scan3A_84 = arith.addi %scan3A_82, %scan3A_83 : i32
    %scan3A_85 = arith.constant 1 : i32
    scf.for %scan3A_173 = %scan3A_82 to %scan3A_84 step %scan3A_85  : i32 {
      %jit3A_174 = arith.constant 8 : i32
      %div3A_175 = arith.divsi %scan3A_173, %jit3A_174 : i32
      %sign3A_176 = arith.constant 0 : i32
      %sign3A_177 = arith.cmpi sgt, %scan3A_173, %sign3A_176 : i32
      %sign3A_178 = arith.extui %sign3A_177 : i1 to i32
      %sign3A_179 = arith.constant 0 : i32
      %sign3A_180 = arith.cmpi slt, %scan3A_173, %sign3A_179 : i32
      %sign3A_181 = arith.extui %sign3A_180 : i1 to i32
      %sign3A_182 = arith.subi %sign3A_178, %sign3A_181 : i32
      %sign3A_183 = arith.constant 0 : i32
      %sign3A_184 = arith.cmpi sgt, %jit3A_174, %sign3A_183 : i32
      %sign3A_185 = arith.extui %sign3A_184 : i1 to i32
      %sign3A_186 = arith.constant 0 : i32
      %sign3A_187 = arith.cmpi slt, %jit3A_174, %sign3A_186 : i32
      %sign3A_188 = arith.extui %sign3A_187 : i1 to i32
      %sign3A_189 = arith.subi %sign3A_185, %sign3A_188 : i32
      %ne3A_190 = arith.cmpi ne, %sign3A_182, %sign3A_189 : i32
      %rem3A_191 = arith.remsi %scan3A_173, %jit3A_174 : i32
      %ne3A_192 = arith.constant 0 : i32
      %ne3A_193 = arith.cmpi ne, %rem3A_191, %ne3A_192 : i32
      %and3A_194 = arith.andi %ne3A_190, %ne3A_193 : i1
      %sub3A_195 = arith.constant 1 : i32
      %sub3A_196 = arith.subi %div3A_175, %sub3A_195 : i32
      %select_n3A_197 = arith.select %and3A_194, %sub3A_196, %div3A_175 : i32
      %jit3A_198 = arith.constant 8 : i32
      %eq3A = arith.constant 0 : i32
      %eq3A_199 = arith.cmpi eq, %jit3A_198, %eq3A : i32
      %jit3A_200 = arith.constant 1 : i32
      %select_n3A_201 = arith.select %eq3A_199, %jit3A_200, %jit3A_198 : i32
      %rem3A_202 = arith.remsi %scan3A_173, %select_n3A_201 : i32
      %ne3A_203 = arith.constant 0 : i32
      %ne3A_204 = arith.cmpi ne, %rem3A_202, %ne3A_203 : i32
      %lt3A = arith.constant 0 : i32
      %lt3A_205 = arith.cmpi slt, %rem3A_202, %lt3A : i32
      %lt3A_206 = arith.constant 0 : i32
      %lt3A_207 = arith.cmpi slt, %select_n3A_201, %lt3A_206 : i32
      %ne3A_208 = arith.xori %lt3A_205, %lt3A_207 : i1
      %and3A_209 = arith.andi %ne3A_208, %ne3A_204 : i1
      %add3A_210 = arith.addi %rem3A_202, %select_n3A_201 : i32
      %select_n3A_211 = arith.select %and3A_209, %add3A_210, %rem3A_202 : i32
      %mul3A_212 = arith.constant 16 : i32
      %mul3A_213 = arith.muli %select_n3A_211, %mul3A_212 : i32
      %mul3A_214 = arith.constant 128 : i32
      %mul3A_215 = arith.muli %select_n3A_197, %mul3A_214 : i32
      %add3A_216 = arith.addi %mul3A_215, %mul3A_213 : i32
      %get3A_217 = arith.index_cast %add3A_216 : i32 to index
      %get3A_218 = tpu.vector_load %arg10[%get3A_217] {strides = array<i32>} : memref<2048xf32, #tpu.memory_space<vmem>>, vector<16xf32>,
      %get3A_219 = vector.shape_cast %get3A_218 : vector<16xf32> to vector<16xf32>
      %mul3A_220 = arith.constant 128 : i32
      %mul3A_221 = arith.muli %select_n3A_197, %mul3A_220 : i32
      %add3A_222 = arith.addi %mul3A_221, %mul3A_213 : i32
      %get3A_223 = arith.index_cast %add3A_222 : i32 to index
      %get3A_224 = tpu.vector_load %arg11[%get3A_223] {strides = array<i32>} : memref<2048xf32, #tpu.memory_space<vmem>>, vector<16xf32>,
      %get3A_225 = vector.shape_cast %get3A_224 : vector<16xf32> to vector<16xf32>
      %slice3A = vector.extract_strided_slice %get3A_2 {offsets = [0], sizes = [1], strides = [1]} : vector<16xf32> to vector<1xf32>
      %squeeze3A = vector.extract %slice3A[0] : f32 from vector<1xf32>
      %mul3A_226 = vector.broadcast %squeeze3A : f32 to vector<16xf32>
      %mul3A_227 = arith.mulf %mul3A_226, %get3A_219 : vector<16xf32>
      %slice3A_228 = vector.extract_strided_slice %get3A_2 {offsets = [1], sizes = [1], strides = [1]} : vector<16xf32> to vector<1xf32>
      %squeeze3A_229 = vector.extract %slice3A_228[0] : f32 from vector<1xf32>
      %mul3A_230 = vector.broadcast %squeeze3A_229 : f32 to vector<16xf32>
      %mul3A_231 = arith.mulf %mul3A_230, %get3A_225 : vector<16xf32>
      %add3A_232 = arith.addf %mul3A_227, %mul3A_231 : vector<16xf32>
      %slice3A_233 = vector.extract_strided_slice %get3A_2 {offsets = [2], sizes = [1], strides = [1]} : vector<16xf32> to vector<1xf32>
      %squeeze3A_234 = vector.extract %slice3A_233[0] : f32 from vector<1xf32>
      %mul3A_235 = vector.broadcast %squeeze3A_234 : f32 to vector<16xf32>
      %mul3A_236 = arith.mulf %mul3A_235, %get3A_219 : vector<16xf32>
      %slice3A_237 = vector.extract_strided_slice %get3A_2 {offsets = [3], sizes = [1], strides = [1]} : vector<16xf32> to vector<1xf32>
      %squeeze3A_238 = vector.extract %slice3A_237[0] : f32 from vector<1xf32>
      %mul3A_239 = vector.broadcast %squeeze3A_238 : f32 to vector<16xf32>
      %mul3A_240 = arith.mulf %mul3A_239, %get3A_225 : vector<16xf32>
      %add3A_241 = arith.addf %mul3A_236, %mul3A_240 : vector<16xf32>
      %add3A_242 = arith.constant 0 : i32
      %add3A_243 = arith.addi %add3A_242, %select_n3A_197 : i32
      %mul3A_244 = arith.constant 8 : i32
      %mul3A_245 = arith.muli %add3A_243, %mul3A_244 : i32
      %add3A_246 = arith.constant 0 : i32
      %add3A_247 = arith.addi %mul3A_245, %add3A_246 : i32
      %mul3A_248 = arith.constant 128 : i32
      %mul3A_249 = arith.muli %add3A_247, %mul3A_248 : i32
      %add3A_250 = arith.addi %mul3A_249, %mul3A_213 : i32
      %get3A_251 = arith.index_cast %add3A_250 : i32 to index
      %get3A_252 = tpu.vector_load %arg12[%get3A_251] {strides = array<i32>} : memref<32768xf32, #tpu.memory_space<vmem>>, vector<16xf32>,
      %get3A_253 = vector.shape_cast %get3A_252 : vector<16xf32> to vector<16xf32>
      %add3A_254 = arith.constant 0 : i32
      %add3A_255 = arith.addi %add3A_254, %select_n3A_197 : i32
      %mul3A_256 = arith.constant 8 : i32
      %mul3A_257 = arith.muli %add3A_255, %mul3A_256 : i32
      %add3A_258 = arith.constant 1 : i32
      %add3A_259 = arith.addi %mul3A_257, %add3A_258 : i32
      %mul3A_260 = arith.constant 128 : i32
      %mul3A_261 = arith.muli %add3A_259, %mul3A_260 : i32
      %add3A_262 = arith.addi %mul3A_261, %mul3A_213 : i32
      %get3A_263 = arith.index_cast %add3A_262 : i32 to index
      %get3A_264 = tpu.vector_load %arg12[%get3A_263] {strides = array<i32>} : memref<32768xf32, #tpu.memory_space<vmem>>, vector<16xf32>,
      %get3A_265 = vector.shape_cast %get3A_264 : vector<16xf32> to vector<16xf32>
      %bitcast_convert_type3A = tpu.bitcast %get3A_253 : vector<16xf32> -> vector<16xi32>
      %add3A_266 = arith.constant 32767 : i32
      %add3A_267 = vector.broadcast %add3A_266 : i32 to vector<16xi32>
      %add3A_268 = arith.addi %bitcast_convert_type3A, %add3A_267 : vector<16xi32>
      %shift_right_arithmetic3A = arith.constant 16 : i32
      %shift_right_arithmetic3A_269 = vector.broadcast %shift_right_arithmetic3A : i32 to vector<16xi32>
      %shift_right_arithmetic3A_270 = arith.shrsi %bitcast_convert_type3A, %shift_right_arithmetic3A_269 : vector<16xi32>
      %and3A_271 = arith.constant 1 : i32
      %and3A_272 = vector.broadcast %and3A_271 : i32 to vector<16xi32>
      %and3A_273 = arith.andi %shift_right_arithmetic3A_270, %and3A_272 : vector<16xi32>
      %add3A_274 = arith.addi %add3A_268, %and3A_273 : vector<16xi32>
      %and3A_275 = arith.constant -65536 : i32
      %and3A_276 = vector.broadcast %and3A_275 : i32 to vector<16xi32>
      %and3A_277 = arith.andi %add3A_274, %and3A_276 : vector<16xi32>
      %bitcast_convert_type3A_278 = tpu.bitcast %and3A_277 : vector<16xi32> -> vector<16xf32>
      %bitcast_convert_type3A_279 = tpu.bitcast %get3A_265 : vector<16xf32> -> vector<16xi32>
      %add3A_280 = arith.constant 32767 : i32
      %add3A_281 = vector.broadcast %add3A_280 : i32 to vector<16xi32>
      %add3A_282 = arith.addi %bitcast_convert_type3A_279, %add3A_281 : vector<16xi32>
      %shift_right_arithmetic3A_283 = arith.constant 16 : i32
      %shift_right_arithmetic3A_284 = vector.broadcast %shift_right_arithmetic3A_283 : i32 to vector<16xi32>
      %shift_right_arithmetic3A_285 = arith.shrsi %bitcast_convert_type3A_279, %shift_right_arithmetic3A_284 : vector<16xi32>
      %and3A_286 = arith.constant 1 : i32
      %and3A_287 = vector.broadcast %and3A_286 : i32 to vector<16xi32>
      %and3A_288 = arith.andi %shift_right_arithmetic3A_285, %and3A_287 : vector<16xi32>
      %add3A_289 = arith.addi %add3A_282, %and3A_288 : vector<16xi32>
      %and3A_290 = arith.constant -65536 : i32
      %and3A_291 = vector.broadcast %and3A_290 : i32 to vector<16xi32>
      %and3A_292 = arith.andi %add3A_289, %and3A_291 : vector<16xi32>
      %bitcast_convert_type3A_293 = tpu.bitcast %and3A_292 : vector<16xi32> -> vector<16xf32>
      %slice3A_294 = vector.extract_strided_slice %get3A_5 {offsets = [0], sizes = [1], strides = [1]} : vector<16xf32> to vector<1xf32>
      %squeeze3A_295 = vector.extract %slice3A_294[0] : f32 from vector<1xf32>
      %mul3A_296 = vector.broadcast %squeeze3A_295 : f32 to vector<16xf32>
      %mul3A_297 = arith.mulf %mul3A_296, %bitcast_convert_type3A_278 : vector<16xf32>
      %add3A_298 = arith.addf %add3A_232, %mul3A_297 : vector<16xf32>
      %slice3A_299 = vector.extract_strided_slice %get3A_5 {offsets = [1], sizes = [1], strides = [1]} : vector<16xf32> to vector<1xf32>
      %squeeze3A_300 = vector.extract %slice3A_299[0] : f32 from vector<1xf32>
      %mul3A_301 = vector.broadcast %squeeze3A_300 : f32 to vector<16xf32>
      %mul3A_302 = arith.mulf %mul3A_301, %bitcast_convert_type3A_293 : vector<16xf32>
      %add3A_303 = arith.addf %add3A_298, %mul3A_302 : vector<16xf32>
      %slice3A_304 = vector.extract_strided_slice %get3A_8 {offsets = [0], sizes = [1], strides = [1]} : vector<16xf32> to vector<1xf32>
      %squeeze3A_305 = vector.extract %slice3A_304[0] : f32 from vector<1xf32>
      %mul3A_306 = vector.broadcast %squeeze3A_305 : f32 to vector<16xf32>
      %mul3A_307 = arith.mulf %mul3A_306, %bitcast_convert_type3A_278 : vector<16xf32>
      %add3A_308 = arith.addf %add3A_241, %mul3A_307 : vector<16xf32>
      %slice3A_309 = vector.extract_strided_slice %get3A_8 {offsets = [1], sizes = [1], strides = [1]} : vector<16xf32> to vector<1xf32>
      %squeeze3A_310 = vector.extract %slice3A_309[0] : f32 from vector<1xf32>
      %mul3A_311 = vector.broadcast %squeeze3A_310 : f32 to vector<16xf32>
      %mul3A_312 = arith.mulf %mul3A_311, %bitcast_convert_type3A_293 : vector<16xf32>
      %add3A_313 = arith.addf %add3A_308, %mul3A_312 : vector<16xf32>
      %add3A_314 = arith.constant 0 : i32
      %add3A_315 = arith.addi %add3A_314, %select_n3A_197 : i32
      %mul3A_316 = arith.constant 8 : i32
      %mul3A_317 = arith.muli %add3A_315, %mul3A_316 : i32
      %add3A_318 = arith.constant 2 : i32
      %add3A_319 = arith.addi %mul3A_317, %add3A_318 : i32
      %mul3A_320 = arith.constant 128 : i32
      %mul3A_321 = arith.muli %add3A_319, %mul3A_320 : i32
      %add3A_322 = arith.addi %mul3A_321, %mul3A_213 : i32
      %get3A_323 = arith.index_cast %add3A_322 : i32 to index
      %get3A_324 = tpu.vector_load %arg12[%get3A_323] {strides = array<i32>} : memref<32768xf32, #tpu.memory_space<vmem>>, vector<16xf32>,
      %get3A_325 = vector.shape_cast %get3A_324 : vector<16xf32> to vector<16xf32>
      %add3A_326 = arith.constant 0 : i32
      %add3A_327 = arith.addi %add3A_326, %select_n3A_197 : i32
      %mul3A_328 = arith.constant 8 : i32
      %mul3A_329 = arith.muli %add3A_327, %mul3A_328 : i32
      %add3A_330 = arith.constant 3 : i32
      %add3A_331 = arith.addi %mul3A_329, %add3A_330 : i32
      %mul3A_332 = arith.constant 128 : i32
      %mul3A_333 = arith.muli %add3A_331, %mul3A_332 : i32
      %add3A_334 = arith.addi %mul3A_333, %mul3A_213 : i32
      %get3A_335 = arith.index_cast %add3A_334 : i32 to index
      %get3A_336 = tpu.vector_load %arg12[%get3A_335] {strides = array<i32>} : memref<32768xf32, #tpu.memory_space<vmem>>, vector<16xf32>,
      %get3A_337 = vector.shape_cast %get3A_336 : vector<16xf32> to vector<16xf32>
      %bitcast_convert_type3A_338 = tpu.bitcast %get3A_325 : vector<16xf32> -> vector<16xi32>
      %add3A_339 = arith.constant 32767 : i32
      %add3A_340 = vector.broadcast %add3A_339 : i32 to vector<16xi32>
      %add3A_341 = arith.addi %bitcast_convert_type3A_338, %add3A_340 : vector<16xi32>
      %shift_right_arithmetic3A_342 = arith.constant 16 : i32
      %shift_right_arithmetic3A_343 = vector.broadcast %shift_right_arithmetic3A_342 : i32 to vector<16xi32>
      %shift_right_arithmetic3A_344 = arith.shrsi %bitcast_convert_type3A_338, %shift_right_arithmetic3A_343 : vector<16xi32>
      %and3A_345 = arith.constant 1 : i32
      %and3A_346 = vector.broadcast %and3A_345 : i32 to vector<16xi32>
      %and3A_347 = arith.andi %shift_right_arithmetic3A_344, %and3A_346 : vector<16xi32>
      %add3A_348 = arith.addi %add3A_341, %and3A_347 : vector<16xi32>
      %and3A_349 = arith.constant -65536 : i32
      %and3A_350 = vector.broadcast %and3A_349 : i32 to vector<16xi32>
      %and3A_351 = arith.andi %add3A_348, %and3A_350 : vector<16xi32>
      %bitcast_convert_type3A_352 = tpu.bitcast %and3A_351 : vector<16xi32> -> vector<16xf32>
      %bitcast_convert_type3A_353 = tpu.bitcast %get3A_337 : vector<16xf32> -> vector<16xi32>
      %add3A_354 = arith.constant 32767 : i32
      %add3A_355 = vector.broadcast %add3A_354 : i32 to vector<16xi32>
      %add3A_356 = arith.addi %bitcast_convert_type3A_353, %add3A_355 : vector<16xi32>
      %shift_right_arithmetic3A_357 = arith.constant 16 : i32
      %shift_right_arithmetic3A_358 = vector.broadcast %shift_right_arithmetic3A_357 : i32 to vector<16xi32>
      %shift_right_arithmetic3A_359 = arith.shrsi %bitcast_convert_type3A_353, %shift_right_arithmetic3A_358 : vector<16xi32>
      %and3A_360 = arith.constant 1 : i32
      %and3A_361 = vector.broadcast %and3A_360 : i32 to vector<16xi32>
      %and3A_362 = arith.andi %shift_right_arithmetic3A_359, %and3A_361 : vector<16xi32>
      %add3A_363 = arith.addi %add3A_356, %and3A_362 : vector<16xi32>
      %and3A_364 = arith.constant -65536 : i32
      %and3A_365 = vector.broadcast %and3A_364 : i32 to vector<16xi32>
      %and3A_366 = arith.andi %add3A_363, %and3A_365 : vector<16xi32>
      %bitcast_convert_type3A_367 = tpu.bitcast %and3A_366 : vector<16xi32> -> vector<16xf32>
      %slice3A_368 = vector.extract_strided_slice %get3A_5 {offsets = [2], sizes = [1], strides = [1]} : vector<16xf32> to vector<1xf32>
      %squeeze3A_369 = vector.extract %slice3A_368[0] : f32 from vector<1xf32>
      %mul3A_370 = vector.broadcast %squeeze3A_369 : f32 to vector<16xf32>
      %mul3A_371 = arith.mulf %mul3A_370, %bitcast_convert_type3A_352 : vector<16xf32>
      %add3A_372 = arith.addf %add3A_303, %mul3A_371 : vector<16xf32>
      %slice3A_373 = vector.extract_strided_slice %get3A_5 {offsets = [3], sizes = [1], strides = [1]} : vector<16xf32> to vector<1xf32>
      %squeeze3A_374 = vector.extract %slice3A_373[0] : f32 from vector<1xf32>
      %mul3A_375 = vector.broadcast %squeeze3A_374 : f32 to vector<16xf32>
      %mul3A_376 = arith.mulf %mul3A_375, %bitcast_convert_type3A_367 : vector<16xf32>
      %add3A_377 = arith.addf %add3A_372, %mul3A_376 : vector<16xf32>
      %slice3A_378 = vector.extract_strided_slice %get3A_8 {offsets = [2], sizes = [1], strides = [1]} : vector<16xf32> to vector<1xf32>
      %squeeze3A_379 = vector.extract %slice3A_378[0] : f32 from vector<1xf32>
      %mul3A_380 = vector.broadcast %squeeze3A_379 : f32 to vector<16xf32>
      %mul3A_381 = arith.mulf %mul3A_380, %bitcast_convert_type3A_352 : vector<16xf32>
      %add3A_382 = arith.addf %add3A_313, %mul3A_381 : vector<16xf32>
      %slice3A_383 = vector.extract_strided_slice %get3A_8 {offsets = [3], sizes = [1], strides = [1]} : vector<16xf32> to vector<1xf32>
      %squeeze3A_384 = vector.extract %slice3A_383[0] : f32 from vector<1xf32>
      %mul3A_385 = vector.broadcast %squeeze3A_384 : f32 to vector<16xf32>
      %mul3A_386 = arith.mulf %mul3A_385, %bitcast_convert_type3A_367 : vector<16xf32>
      %add3A_387 = arith.addf %add3A_382, %mul3A_386 : vector<16xf32>
      %add3A_388 = arith.constant 0 : i32
      %add3A_389 = arith.addi %add3A_388, %select_n3A_197 : i32
      %mul3A_390 = arith.constant 8 : i32
      %mul3A_391 = arith.muli %add3A_389, %mul3A_390 : i32
      %add3A_392 = arith.constant 4 : i32
      %add3A_393 = arith.addi %mul3A_391, %add3A_392 : i32
      %mul3A_394 = arith.constant 128 : i32
      %mul3A_395 = arith.muli %add3A_393, %mul3A_394 : i32
      %add3A_396 = arith.addi %mul3A_395, %mul3A_213 : i32
      %get3A_397 = arith.index_cast %add3A_396 : i32 to index
      %get3A_398 = tpu.vector_load %arg12[%get3A_397] {strides = array<i32>} : memref<32768xf32, #tpu.memory_space<vmem>>, vector<16xf32>,
      %get3A_399 = vector.shape_cast %get3A_398 : vector<16xf32> to vector<16xf32>
      %add3A_400 = arith.constant 0 : i32
      %add3A_401 = arith.addi %add3A_400, %select_n3A_197 : i32
      %mul3A_402 = arith.constant 8 : i32
      %mul3A_403 = arith.muli %add3A_401, %mul3A_402 : i32
      %add3A_404 = arith.constant 5 : i32
      %add3A_405 = arith.addi %mul3A_403, %add3A_404 : i32
      %mul3A_406 = arith.constant 128 : i32
      %mul3A_407 = arith.muli %add3A_405, %mul3A_406 : i32
      %add3A_408 = arith.addi %mul3A_407, %mul3A_213 : i32
      %get3A_409 = arith.index_cast %add3A_408 : i32 to index
      %get3A_410 = tpu.vector_load %arg12[%get3A_409] {strides = array<i32>} : memref<32768xf32, #tpu.memory_space<vmem>>, vector<16xf32>,
      %get3A_411 = vector.shape_cast %get3A_410 : vector<16xf32> to vector<16xf32>
      %bitcast_convert_type3A_412 = tpu.bitcast %get3A_399 : vector<16xf32> -> vector<16xi32>
      %add3A_413 = arith.constant 32767 : i32
      %add3A_414 = vector.broadcast %add3A_413 : i32 to vector<16xi32>
      %add3A_415 = arith.addi %bitcast_convert_type3A_412, %add3A_414 : vector<16xi32>
      %shift_right_arithmetic3A_416 = arith.constant 16 : i32
      %shift_right_arithmetic3A_417 = vector.broadcast %shift_right_arithmetic3A_416 : i32 to vector<16xi32>
      %shift_right_arithmetic3A_418 = arith.shrsi %bitcast_convert_type3A_412, %shift_right_arithmetic3A_417 : vector<16xi32>
      %and3A_419 = arith.constant 1 : i32
      %and3A_420 = vector.broadcast %and3A_419 : i32 to vector<16xi32>
      %and3A_421 = arith.andi %shift_right_arithmetic3A_418, %and3A_420 : vector<16xi32>
      %add3A_422 = arith.addi %add3A_415, %and3A_421 : vector<16xi32>
      %and3A_423 = arith.constant -65536 : i32
      %and3A_424 = vector.broadcast %and3A_423 : i32 to vector<16xi32>
      %and3A_425 = arith.andi %add3A_422, %and3A_424 : vector<16xi32>
      %bitcast_convert_type3A_426 = tpu.bitcast %and3A_425 : vector<16xi32> -> vector<16xf32>
      %bitcast_convert_type3A_427 = tpu.bitcast %get3A_411 : vector<16xf32> -> vector<16xi32>
      %add3A_428 = arith.constant 32767 : i32
      %add3A_429 = vector.broadcast %add3A_428 : i32 to vector<16xi32>
      %add3A_430 = arith.addi %bitcast_convert_type3A_427, %add3A_429 : vector<16xi32>
      %shift_right_arithmetic3A_431 = arith.constant 16 : i32
      %shift_right_arithmetic3A_432 = vector.broadcast %shift_right_arithmetic3A_431 : i32 to vector<16xi32>
      %shift_right_arithmetic3A_433 = arith.shrsi %bitcast_convert_type3A_427, %shift_right_arithmetic3A_432 : vector<16xi32>
      %and3A_434 = arith.constant 1 : i32
      %and3A_435 = vector.broadcast %and3A_434 : i32 to vector<16xi32>
      %and3A_436 = arith.andi %shift_right_arithmetic3A_433, %and3A_435 : vector<16xi32>
      %add3A_437 = arith.addi %add3A_430, %and3A_436 : vector<16xi32>
      %and3A_438 = arith.constant -65536 : i32
      %and3A_439 = vector.broadcast %and3A_438 : i32 to vector<16xi32>
      %and3A_440 = arith.andi %add3A_437, %and3A_439 : vector<16xi32>
      %bitcast_convert_type3A_441 = tpu.bitcast %and3A_440 : vector<16xi32> -> vector<16xf32>
      %slice3A_442 = vector.extract_strided_slice %get3A_5 {offsets = [4], sizes = [1], strides = [1]} : vector<16xf32> to vector<1xf32>
      %squeeze3A_443 = vector.extract %slice3A_442[0] : f32 from vector<1xf32>
      %mul3A_444 = vector.broadcast %squeeze3A_443 : f32 to vector<16xf32>
      %mul3A_445 = arith.mulf %mul3A_444, %bitcast_convert_type3A_426 : vector<16xf32>
      %add3A_446 = arith.addf %add3A_377, %mul3A_445 : vector<16xf32>
      %slice3A_447 = vector.extract_strided_slice %get3A_5 {offsets = [5], sizes = [1], strides = [1]} : vector<16xf32> to vector<1xf32>
      %squeeze3A_448 = vector.extract %slice3A_447[0] : f32 from vector<1xf32>
      %mul3A_449 = vector.broadcast %squeeze3A_448 : f32 to vector<16xf32>
      %mul3A_450 = arith.mulf %mul3A_449, %bitcast_convert_type3A_441 : vector<16xf32>
      %add3A_451 = arith.addf %add3A_446, %mul3A_450 : vector<16xf32>
      %slice3A_452 = vector.extract_strided_slice %get3A_8 {offsets = [4], sizes = [1], strides = [1]} : vector<16xf32> to vector<1xf32>
      %squeeze3A_453 = vector.extract %slice3A_452[0] : f32 from vector<1xf32>
      %mul3A_454 = vector.broadcast %squeeze3A_453 : f32 to vector<16xf32>
      %mul3A_455 = arith.mulf %mul3A_454, %bitcast_convert_type3A_426 : vector<16xf32>
      %add3A_456 = arith.addf %add3A_387, %mul3A_455 : vector<16xf32>
      %slice3A_457 = vector.extract_strided_slice %get3A_8 {offsets = [5], sizes = [1], strides = [1]} : vector<16xf32> to vector<1xf32>
      %squeeze3A_458 = vector.extract %slice3A_457[0] : f32 from vector<1xf32>
      %mul3A_459 = vector.broadcast %squeeze3A_458 : f32 to vector<16xf32>
      %mul3A_460 = arith.mulf %mul3A_459, %bitcast_convert_type3A_441 : vector<16xf32>
      %add3A_461 = arith.addf %add3A_456, %mul3A_460 : vector<16xf32>
      %add3A_462 = arith.constant 0 : i32
      %add3A_463 = arith.addi %add3A_462, %select_n3A_197 : i32
      %mul3A_464 = arith.constant 8 : i32
      %mul3A_465 = arith.muli %add3A_463, %mul3A_464 : i32
      %add3A_466 = arith.constant 6 : i32
      %add3A_467 = arith.addi %mul3A_465, %add3A_466 : i32
      %mul3A_468 = arith.constant 128 : i32
      %mul3A_469 = arith.muli %add3A_467, %mul3A_468 : i32
      %add3A_470 = arith.addi %mul3A_469, %mul3A_213 : i32
      %get3A_471 = arith.index_cast %add3A_470 : i32 to index
      %get3A_472 = tpu.vector_load %arg12[%get3A_471] {strides = array<i32>} : memref<32768xf32, #tpu.memory_space<vmem>>, vector<16xf32>,
      %get3A_473 = vector.shape_cast %get3A_472 : vector<16xf32> to vector<16xf32>
      %add3A_474 = arith.constant 0 : i32
      %add3A_475 = arith.addi %add3A_474, %select_n3A_197 : i32
      %mul3A_476 = arith.constant 8 : i32
      %mul3A_477 = arith.muli %add3A_475, %mul3A_476 : i32
      %add3A_478 = arith.constant 7 : i32
      %add3A_479 = arith.addi %mul3A_477, %add3A_478 : i32
      %mul3A_480 = arith.constant 128 : i32
      %mul3A_481 = arith.muli %add3A_479, %mul3A_480 : i32
      %add3A_482 = arith.addi %mul3A_481, %mul3A_213 : i32
      %get3A_483 = arith.index_cast %add3A_482 : i32 to index
      %get3A_484 = tpu.vector_load %arg12[%get3A_483] {strides = array<i32>} : memref<32768xf32, #tpu.memory_space<vmem>>, vector<16xf32>,
      %get3A_485 = vector.shape_cast %get3A_484 : vector<16xf32> to vector<16xf32>
      %bitcast_convert_type3A_486 = tpu.bitcast %get3A_473 : vector<16xf32> -> vector<16xi32>
      %add3A_487 = arith.constant 32767 : i32
      %add3A_488 = vector.broadcast %add3A_487 : i32 to vector<16xi32>
      %add3A_489 = arith.addi %bitcast_convert_type3A_486, %add3A_488 : vector<16xi32>
      %shift_right_arithmetic3A_490 = arith.constant 16 : i32
      %shift_right_arithmetic3A_491 = vector.broadcast %shift_right_arithmetic3A_490 : i32 to vector<16xi32>
      %shift_right_arithmetic3A_492 = arith.shrsi %bitcast_convert_type3A_486, %shift_right_arithmetic3A_491 : vector<16xi32>
      %and3A_493 = arith.constant 1 : i32
      %and3A_494 = vector.broadcast %and3A_493 : i32 to vector<16xi32>
      %and3A_495 = arith.andi %shift_right_arithmetic3A_492, %and3A_494 : vector<16xi32>
      %add3A_496 = arith.addi %add3A_489, %and3A_495 : vector<16xi32>
      %and3A_497 = arith.constant -65536 : i32
      %and3A_498 = vector.broadcast %and3A_497 : i32 to vector<16xi32>
      %and3A_499 = arith.andi %add3A_496, %and3A_498 : vector<16xi32>
      %bitcast_convert_type3A_500 = tpu.bitcast %and3A_499 : vector<16xi32> -> vector<16xf32>
      %bitcast_convert_type3A_501 = tpu.bitcast %get3A_485 : vector<16xf32> -> vector<16xi32>
      %add3A_502 = arith.constant 32767 : i32
      %add3A_503 = vector.broadcast %add3A_502 : i32 to vector<16xi32>
      %add3A_504 = arith.addi %bitcast_convert_type3A_501, %add3A_503 : vector<16xi32>
      %shift_right_arithmetic3A_505 = arith.constant 16 : i32
      %shift_right_arithmetic3A_506 = vector.broadcast %shift_right_arithmetic3A_505 : i32 to vector<16xi32>
      %shift_right_arithmetic3A_507 = arith.shrsi %bitcast_convert_type3A_501, %shift_right_arithmetic3A_506 : vector<16xi32>
      %and3A_508 = arith.constant 1 : i32
      %and3A_509 = vector.broadcast %and3A_508 : i32 to vector<16xi32>
      %and3A_510 = arith.andi %shift_right_arithmetic3A_507, %and3A_509 : vector<16xi32>
      %add3A_511 = arith.addi %add3A_504, %and3A_510 : vector<16xi32>
      %and3A_512 = arith.constant -65536 : i32
      %and3A_513 = vector.broadcast %and3A_512 : i32 to vector<16xi32>
      %and3A_514 = arith.andi %add3A_511, %and3A_513 : vector<16xi32>
      %bitcast_convert_type3A_515 = tpu.bitcast %and3A_514 : vector<16xi32> -> vector<16xf32>
      %slice3A_516 = vector.extract_strided_slice %get3A_5 {offsets = [6], sizes = [1], strides = [1]} : vector<16xf32> to vector<1xf32>
      %squeeze3A_517 = vector.extract %slice3A_516[0] : f32 from vector<1xf32>
      %mul3A_518 = vector.broadcast %squeeze3A_517 : f32 to vector<16xf32>
      %mul3A_519 = arith.mulf %mul3A_518, %bitcast_convert_type3A_500 : vector<16xf32>
      %add3A_520 = arith.addf %add3A_451, %mul3A_519 : vector<16xf32>
      %slice3A_521 = vector.extract_strided_slice %get3A_5 {offsets = [7], sizes = [1], strides = [1]} : vector<16xf32> to vector<1xf32>
      %squeeze3A_522 = vector.extract %slice3A_521[0] : f32 from vector<1xf32>
      %mul3A_523 = vector.broadcast %squeeze3A_522 : f32 to vector<16xf32>
      %mul3A_524 = arith.mulf %mul3A_523, %bitcast_convert_type3A_515 : vector<16xf32>
      %add3A_525 = arith.addf %add3A_520, %mul3A_524 : vector<16xf32>
      %slice3A_526 = vector.extract_strided_slice %get3A_8 {offsets = [6], sizes = [1], strides = [1]} : vector<16xf32> to vector<1xf32>
      %squeeze3A_527 = vector.extract %slice3A_526[0] : f32 from vector<1xf32>
      %mul3A_528 = vector.broadcast %squeeze3A_527 : f32 to vector<16xf32>
      %mul3A_529 = arith.mulf %mul3A_528, %bitcast_convert_type3A_500 : vector<16xf32>
      %add3A_530 = arith.addf %add3A_461, %mul3A_529 : vector<16xf32>
      %slice3A_531 = vector.extract_strided_slice %get3A_8 {offsets = [7], sizes = [1], strides = [1]} : vector<16xf32> to vector<1xf32>
      %squeeze3A_532 = vector.extract %slice3A_531[0] : f32 from vector<1xf32>
      %mul3A_533 = vector.broadcast %squeeze3A_532 : f32 to vector<16xf32>
      %mul3A_534 = arith.mulf %mul3A_533, %bitcast_convert_type3A_515 : vector<16xf32>
      %add3A_535 = arith.addf %add3A_530, %mul3A_534 : vector<16xf32>
      %add3A_536 = arith.constant 16 : i32
      %add3A_537 = arith.addi %add3A_536, %select_n3A_197 : i32
      %mul3A_538 = arith.constant 8 : i32
      %mul3A_539 = arith.muli %add3A_537, %mul3A_538 : i32
      %add3A_540 = arith.constant 0 : i32
      %add3A_541 = arith.addi %mul3A_539, %add3A_540 : i32
      %mul3A_542 = arith.constant 128 : i32
      %mul3A_543 = arith.muli %add3A_541, %mul3A_542 : i32
      %add3A_544 = arith.addi %mul3A_543, %mul3A_213 : i32
      %get3A_545 = arith.index_cast %add3A_544 : i32 to index
      %get3A_546 = tpu.vector_load %arg12[%get3A_545] {strides = array<i32>} : memref<32768xf32, #tpu.memory_space<vmem>>, vector<16xf32>,
      %get3A_547 = vector.shape_cast %get3A_546 : vector<16xf32> to vector<16xf32>
      %add3A_548 = arith.constant 16 : i32
      %add3A_549 = arith.addi %add3A_548, %select_n3A_197 : i32
      %mul3A_550 = arith.constant 8 : i32
      %mul3A_551 = arith.muli %add3A_549, %mul3A_550 : i32
      %add3A_552 = arith.constant 1 : i32
      %add3A_553 = arith.addi %mul3A_551, %add3A_552 : i32
      %mul3A_554 = arith.constant 128 : i32
      %mul3A_555 = arith.muli %add3A_553, %mul3A_554 : i32
      %add3A_556 = arith.addi %mul3A_555, %mul3A_213 : i32
      %get3A_557 = arith.index_cast %add3A_556 : i32 to index
      %get3A_558 = tpu.vector_load %arg12[%get3A_557] {strides = array<i32>} : memref<32768xf32, #tpu.memory_space<vmem>>, vector<16xf32>,
      %get3A_559 = vector.shape_cast %get3A_558 : vector<16xf32> to vector<16xf32>
      %bitcast_convert_type3A_560 = tpu.bitcast %get3A_547 : vector<16xf32> -> vector<16xi32>
      %add3A_561 = arith.constant 32767 : i32
      %add3A_562 = vector.broadcast %add3A_561 : i32 to vector<16xi32>
      %add3A_563 = arith.addi %bitcast_convert_type3A_560, %add3A_562 : vector<16xi32>
      %shift_right_arithmetic3A_564 = arith.constant 16 : i32
      %shift_right_arithmetic3A_565 = vector.broadcast %shift_right_arithmetic3A_564 : i32 to vector<16xi32>
      %shift_right_arithmetic3A_566 = arith.shrsi %bitcast_convert_type3A_560, %shift_right_arithmetic3A_565 : vector<16xi32>
      %and3A_567 = arith.constant 1 : i32
      %and3A_568 = vector.broadcast %and3A_567 : i32 to vector<16xi32>
      %and3A_569 = arith.andi %shift_right_arithmetic3A_566, %and3A_568 : vector<16xi32>
      %add3A_570 = arith.addi %add3A_563, %and3A_569 : vector<16xi32>
      %and3A_571 = arith.constant -65536 : i32
      %and3A_572 = vector.broadcast %and3A_571 : i32 to vector<16xi32>
      %and3A_573 = arith.andi %add3A_570, %and3A_572 : vector<16xi32>
      %bitcast_convert_type3A_574 = tpu.bitcast %and3A_573 : vector<16xi32> -> vector<16xf32>
      %bitcast_convert_type3A_575 = tpu.bitcast %get3A_559 : vector<16xf32> -> vector<16xi32>
      %add3A_576 = arith.constant 32767 : i32
      %add3A_577 = vector.broadcast %add3A_576 : i32 to vector<16xi32>
      %add3A_578 = arith.addi %bitcast_convert_type3A_575, %add3A_577 : vector<16xi32>
      %shift_right_arithmetic3A_579 = arith.constant 16 : i32
      %shift_right_arithmetic3A_580 = vector.broadcast %shift_right_arithmetic3A_579 : i32 to vector<16xi32>
      %shift_right_arithmetic3A_581 = arith.shrsi %bitcast_convert_type3A_575, %shift_right_arithmetic3A_580 : vector<16xi32>
      %and3A_582 = arith.constant 1 : i32
      %and3A_583 = vector.broadcast %and3A_582 : i32 to vector<16xi32>
      %and3A_584 = arith.andi %shift_right_arithmetic3A_581, %and3A_583 : vector<16xi32>
      %add3A_585 = arith.addi %add3A_578, %and3A_584 : vector<16xi32>
      %and3A_586 = arith.constant -65536 : i32
      %and3A_587 = vector.broadcast %and3A_586 : i32 to vector<16xi32>
      %and3A_588 = arith.andi %add3A_585, %and3A_587 : vector<16xi32>
      %bitcast_convert_type3A_589 = tpu.bitcast %and3A_588 : vector<16xi32> -> vector<16xf32>
      %slice3A_590 = vector.extract_strided_slice %get3A_5 {offsets = [8], sizes = [1], strides = [1]} : vector<16xf32> to vector<1xf32>
      %squeeze3A_591 = vector.extract %slice3A_590[0] : f32 from vector<1xf32>
      %mul3A_592 = vector.broadcast %squeeze3A_591 : f32 to vector<16xf32>
      %mul3A_593 = arith.mulf %mul3A_592, %bitcast_convert_type3A_574 : vector<16xf32>
      %add3A_594 = arith.addf %add3A_525, %mul3A_593 : vector<16xf32>
      %slice3A_595 = vector.extract_strided_slice %get3A_5 {offsets = [9], sizes = [1], strides = [1]} : vector<16xf32> to vector<1xf32>
      %squeeze3A_596 = vector.extract %slice3A_595[0] : f32 from vector<1xf32>
      %mul3A_597 = vector.broadcast %squeeze3A_596 : f32 to vector<16xf32>
      %mul3A_598 = arith.mulf %mul3A_597, %bitcast_convert_type3A_589 : vector<16xf32>
      %add3A_599 = arith.addf %add3A_594, %mul3A_598 : vector<16xf32>
      %slice3A_600 = vector.extract_strided_slice %get3A_8 {offsets = [8], sizes = [1], strides = [1]} : vector<16xf32> to vector<1xf32>
      %squeeze3A_601 = vector.extract %slice3A_600[0] : f32 from vector<1xf32>
      %mul3A_602 = vector.broadcast %squeeze3A_601 : f32 to vector<16xf32>
      %mul3A_603 = arith.mulf %mul3A_602, %bitcast_convert_type3A_574 : vector<16xf32>
      %add3A_604 = arith.addf %add3A_535, %mul3A_603 : vector<16xf32>
      %slice3A_605 = vector.extract_strided_slice %get3A_8 {offsets = [9], sizes = [1], strides = [1]} : vector<16xf32> to vector<1xf32>
      %squeeze3A_606 = vector.extract %slice3A_605[0] : f32 from vector<1xf32>
      %mul3A_607 = vector.broadcast %squeeze3A_606 : f32 to vector<16xf32>
      %mul3A_608 = arith.mulf %mul3A_607, %bitcast_convert_type3A_589 : vector<16xf32>
      %add3A_609 = arith.addf %add3A_604, %mul3A_608 : vector<16xf32>
      %add3A_610 = arith.constant 16 : i32
      %add3A_611 = arith.addi %add3A_610, %select_n3A_197 : i32
      %mul3A_612 = arith.constant 8 : i32
      %mul3A_613 = arith.muli %add3A_611, %mul3A_612 : i32
      %add3A_614 = arith.constant 2 : i32
      %add3A_615 = arith.addi %mul3A_613, %add3A_614 : i32
      %mul3A_616 = arith.constant 128 : i32
      %mul3A_617 = arith.muli %add3A_615, %mul3A_616 : i32
      %add3A_618 = arith.addi %mul3A_617, %mul3A_213 : i32
      %get3A_619 = arith.index_cast %add3A_618 : i32 to index
      %get3A_620 = tpu.vector_load %arg12[%get3A_619] {strides = array<i32>} : memref<32768xf32, #tpu.memory_space<vmem>>, vector<16xf32>,
      %get3A_621 = vector.shape_cast %get3A_620 : vector<16xf32> to vector<16xf32>
      %add3A_622 = arith.constant 16 : i32
      %add3A_623 = arith.addi %add3A_622, %select_n3A_197 : i32
      %mul3A_624 = arith.constant 8 : i32
      %mul3A_625 = arith.muli %add3A_623, %mul3A_624 : i32
      %add3A_626 = arith.constant 3 : i32
      %add3A_627 = arith.addi %mul3A_625, %add3A_626 : i32
      %mul3A_628 = arith.constant 128 : i32
      %mul3A_629 = arith.muli %add3A_627, %mul3A_628 : i32
      %add3A_630 = arith.addi %mul3A_629, %mul3A_213 : i32
      %get3A_631 = arith.index_cast %add3A_630 : i32 to index
      %get3A_632 = tpu.vector_load %arg12[%get3A_631] {strides = array<i32>} : memref<32768xf32, #tpu.memory_space<vmem>>, vector<16xf32>,
      %get3A_633 = vector.shape_cast %get3A_632 : vector<16xf32> to vector<16xf32>
      %bitcast_convert_type3A_634 = tpu.bitcast %get3A_621 : vector<16xf32> -> vector<16xi32>
      %add3A_635 = arith.constant 32767 : i32
      %add3A_636 = vector.broadcast %add3A_635 : i32 to vector<16xi32>
      %add3A_637 = arith.addi %bitcast_convert_type3A_634, %add3A_636 : vector<16xi32>
      %shift_right_arithmetic3A_638 = arith.constant 16 : i32
      %shift_right_arithmetic3A_639 = vector.broadcast %shift_right_arithmetic3A_638 : i32 to vector<16xi32>
      %shift_right_arithmetic3A_640 = arith.shrsi %bitcast_convert_type3A_634, %shift_right_arithmetic3A_639 : vector<16xi32>
      %and3A_641 = arith.constant 1 : i32
      %and3A_642 = vector.broadcast %and3A_641 : i32 to vector<16xi32>
      %and3A_643 = arith.andi %shift_right_arithmetic3A_640, %and3A_642 : vector<16xi32>
      %add3A_644 = arith.addi %add3A_637, %and3A_643 : vector<16xi32>
      %and3A_645 = arith.constant -65536 : i32
      %and3A_646 = vector.broadcast %and3A_645 : i32 to vector<16xi32>
      %and3A_647 = arith.andi %add3A_644, %and3A_646 : vector<16xi32>
      %bitcast_convert_type3A_648 = tpu.bitcast %and3A_647 : vector<16xi32> -> vector<16xf32>
      %bitcast_convert_type3A_649 = tpu.bitcast %get3A_633 : vector<16xf32> -> vector<16xi32>
      %add3A_650 = arith.constant 32767 : i32
      %add3A_651 = vector.broadcast %add3A_650 : i32 to vector<16xi32>
      %add3A_652 = arith.addi %bitcast_convert_type3A_649, %add3A_651 : vector<16xi32>
      %shift_right_arithmetic3A_653 = arith.constant 16 : i32
      %shift_right_arithmetic3A_654 = vector.broadcast %shift_right_arithmetic3A_653 : i32 to vector<16xi32>
      %shift_right_arithmetic3A_655 = arith.shrsi %bitcast_convert_type3A_649, %shift_right_arithmetic3A_654 : vector<16xi32>
      %and3A_656 = arith.constant 1 : i32
      %and3A_657 = vector.broadcast %and3A_656 : i32 to vector<16xi32>
      %and3A_658 = arith.andi %shift_right_arithmetic3A_655, %and3A_657 : vector<16xi32>
      %add3A_659 = arith.addi %add3A_652, %and3A_658 : vector<16xi32>
      %and3A_660 = arith.constant -65536 : i32
      %and3A_661 = vector.broadcast %and3A_660 : i32 to vector<16xi32>
      %and3A_662 = arith.andi %add3A_659, %and3A_661 : vector<16xi32>
      %bitcast_convert_type3A_663 = tpu.bitcast %and3A_662 : vector<16xi32> -> vector<16xf32>
      %slice3A_664 = vector.extract_strided_slice %get3A_5 {offsets = [10], sizes = [1], strides = [1]} : vector<16xf32> to vector<1xf32>
      %squeeze3A_665 = vector.extract %slice3A_664[0] : f32 from vector<1xf32>
      %mul3A_666 = vector.broadcast %squeeze3A_665 : f32 to vector<16xf32>
      %mul3A_667 = arith.mulf %mul3A_666, %bitcast_convert_type3A_648 : vector<16xf32>
      %add3A_668 = arith.addf %add3A_599, %mul3A_667 : vector<16xf32>
      %slice3A_669 = vector.extract_strided_slice %get3A_5 {offsets = [11], sizes = [1], strides = [1]} : vector<16xf32> to vector<1xf32>
      %squeeze3A_670 = vector.extract %slice3A_669[0] : f32 from vector<1xf32>
      %mul3A_671 = vector.broadcast %squeeze3A_670 : f32 to vector<16xf32>
      %mul3A_672 = arith.mulf %mul3A_671, %bitcast_convert_type3A_663 : vector<16xf32>
      %add3A_673 = arith.addf %add3A_668, %mul3A_672 : vector<16xf32>
      %slice3A_674 = vector.extract_strided_slice %get3A_8 {offsets = [10], sizes = [1], strides = [1]} : vector<16xf32> to vector<1xf32>
      %squeeze3A_675 = vector.extract %slice3A_674[0] : f32 from vector<1xf32>
      %mul3A_676 = vector.broadcast %squeeze3A_675 : f32 to vector<16xf32>
      %mul3A_677 = arith.mulf %mul3A_676, %bitcast_convert_type3A_648 : vector<16xf32>
      %add3A_678 = arith.addf %add3A_609, %mul3A_677 : vector<16xf32>
      %slice3A_679 = vector.extract_strided_slice %get3A_8 {offsets = [11], sizes = [1], strides = [1]} : vector<16xf32> to vector<1xf32>
      %squeeze3A_680 = vector.extract %slice3A_679[0] : f32 from vector<1xf32>
      %mul3A_681 = vector.broadcast %squeeze3A_680 : f32 to vector<16xf32>
      %mul3A_682 = arith.mulf %mul3A_681, %bitcast_convert_type3A_663 : vector<16xf32>
      %add3A_683 = arith.addf %add3A_678, %mul3A_682 : vector<16xf32>
      %add3A_684 = arith.constant 16 : i32
      %add3A_685 = arith.addi %add3A_684, %select_n3A_197 : i32
      %mul3A_686 = arith.constant 8 : i32
      %mul3A_687 = arith.muli %add3A_685, %mul3A_686 : i32
      %add3A_688 = arith.constant 4 : i32
      %add3A_689 = arith.addi %mul3A_687, %add3A_688 : i32
      %mul3A_690 = arith.constant 128 : i32
      %mul3A_691 = arith.muli %add3A_689, %mul3A_690 : i32
      %add3A_692 = arith.addi %mul3A_691, %mul3A_213 : i32
      %get3A_693 = arith.index_cast %add3A_692 : i32 to index
      %get3A_694 = tpu.vector_load %arg12[%get3A_693] {strides = array<i32>} : memref<32768xf32, #tpu.memory_space<vmem>>, vector<16xf32>,
      %get3A_695 = vector.shape_cast %get3A_694 : vector<16xf32> to vector<16xf32>
      %add3A_696 = arith.constant 16 : i32
      %add3A_697 = arith.addi %add3A_696, %select_n3A_197 : i32
      %mul3A_698 = arith.constant 8 : i32
      %mul3A_699 = arith.muli %add3A_697, %mul3A_698 : i32
      %add3A_700 = arith.constant 5 : i32
      %add3A_701 = arith.addi %mul3A_699, %add3A_700 : i32
      %mul3A_702 = arith.constant 128 : i32
      %mul3A_703 = arith.muli %add3A_701, %mul3A_702 : i32
      %add3A_704 = arith.addi %mul3A_703, %mul3A_213 : i32
      %get3A_705 = arith.index_cast %add3A_704 : i32 to index
      %get3A_706 = tpu.vector_load %arg12[%get3A_705] {strides = array<i32>} : memref<32768xf32, #tpu.memory_space<vmem>>, vector<16xf32>,
      %get3A_707 = vector.shape_cast %get3A_706 : vector<16xf32> to vector<16xf32>
      %bitcast_convert_type3A_708 = tpu.bitcast %get3A_695 : vector<16xf32> -> vector<16xi32>
      %add3A_709 = arith.constant 32767 : i32
      %add3A_710 = vector.broadcast %add3A_709 : i32 to vector<16xi32>
      %add3A_711 = arith.addi %bitcast_convert_type3A_708, %add3A_710 : vector<16xi32>
      %shift_right_arithmetic3A_712 = arith.constant 16 : i32
      %shift_right_arithmetic3A_713 = vector.broadcast %shift_right_arithmetic3A_712 : i32 to vector<16xi32>
      %shift_right_arithmetic3A_714 = arith.shrsi %bitcast_convert_type3A_708, %shift_right_arithmetic3A_713 : vector<16xi32>
      %and3A_715 = arith.constant 1 : i32
      %and3A_716 = vector.broadcast %and3A_715 : i32 to vector<16xi32>
      %and3A_717 = arith.andi %shift_right_arithmetic3A_714, %and3A_716 : vector<16xi32>
      %add3A_718 = arith.addi %add3A_711, %and3A_717 : vector<16xi32>
      %and3A_719 = arith.constant -65536 : i32
      %and3A_720 = vector.broadcast %and3A_719 : i32 to vector<16xi32>
      %and3A_721 = arith.andi %add3A_718, %and3A_720 : vector<16xi32>
      %bitcast_convert_type3A_722 = tpu.bitcast %and3A_721 : vector<16xi32> -> vector<16xf32>
      %bitcast_convert_type3A_723 = tpu.bitcast %get3A_707 : vector<16xf32> -> vector<16xi32>
      %add3A_724 = arith.constant 32767 : i32
      %add3A_725 = vector.broadcast %add3A_724 : i32 to vector<16xi32>
      %add3A_726 = arith.addi %bitcast_convert_type3A_723, %add3A_725 : vector<16xi32>
      %shift_right_arithmetic3A_727 = arith.constant 16 : i32
      %shift_right_arithmetic3A_728 = vector.broadcast %shift_right_arithmetic3A_727 : i32 to vector<16xi32>
      %shift_right_arithmetic3A_729 = arith.shrsi %bitcast_convert_type3A_723, %shift_right_arithmetic3A_728 : vector<16xi32>
      %and3A_730 = arith.constant 1 : i32
      %and3A_731 = vector.broadcast %and3A_730 : i32 to vector<16xi32>
      %and3A_732 = arith.andi %shift_right_arithmetic3A_729, %and3A_731 : vector<16xi32>
      %add3A_733 = arith.addi %add3A_726, %and3A_732 : vector<16xi32>
      %and3A_734 = arith.constant -65536 : i32
      %and3A_735 = vector.broadcast %and3A_734 : i32 to vector<16xi32>
      %and3A_736 = arith.andi %add3A_733, %and3A_735 : vector<16xi32>
      %bitcast_convert_type3A_737 = tpu.bitcast %and3A_736 : vector<16xi32> -> vector<16xf32>
      %slice3A_738 = vector.extract_strided_slice %get3A_5 {offsets = [12], sizes = [1], strides = [1]} : vector<16xf32> to vector<1xf32>
      %squeeze3A_739 = vector.extract %slice3A_738[0] : f32 from vector<1xf32>
      %mul3A_740 = vector.broadcast %squeeze3A_739 : f32 to vector<16xf32>
      %mul3A_741 = arith.mulf %mul3A_740, %bitcast_convert_type3A_722 : vector<16xf32>
      %add3A_742 = arith.addf %add3A_673, %mul3A_741 : vector<16xf32>
      %slice3A_743 = vector.extract_strided_slice %get3A_5 {offsets = [13], sizes = [1], strides = [1]} : vector<16xf32> to vector<1xf32>
      %squeeze3A_744 = vector.extract %slice3A_743[0] : f32 from vector<1xf32>
      %mul3A_745 = vector.broadcast %squeeze3A_744 : f32 to vector<16xf32>
      %mul3A_746 = arith.mulf %mul3A_745, %bitcast_convert_type3A_737 : vector<16xf32>
      %add3A_747 = arith.addf %add3A_742, %mul3A_746 : vector<16xf32>
      %slice3A_748 = vector.extract_strided_slice %get3A_8 {offsets = [12], sizes = [1], strides = [1]} : vector<16xf32> to vector<1xf32>
      %squeeze3A_749 = vector.extract %slice3A_748[0] : f32 from vector<1xf32>
      %mul3A_750 = vector.broadcast %squeeze3A_749 : f32 to vector<16xf32>
      %mul3A_751 = arith.mulf %mul3A_750, %bitcast_convert_type3A_722 : vector<16xf32>
      %add3A_752 = arith.addf %add3A_683, %mul3A_751 : vector<16xf32>
      %slice3A_753 = vector.extract_strided_slice %get3A_8 {offsets = [13], sizes = [1], strides = [1]} : vector<16xf32> to vector<1xf32>
      %squeeze3A_754 = vector.extract %slice3A_753[0] : f32 from vector<1xf32>
      %mul3A_755 = vector.broadcast %squeeze3A_754 : f32 to vector<16xf32>
      %mul3A_756 = arith.mulf %mul3A_755, %bitcast_convert_type3A_737 : vector<16xf32>
      %add3A_757 = arith.addf %add3A_752, %mul3A_756 : vector<16xf32>
      %add3A_758 = arith.constant 16 : i32
      %add3A_759 = arith.addi %add3A_758, %select_n3A_197 : i32
      %mul3A_760 = arith.constant 8 : i32
      %mul3A_761 = arith.muli %add3A_759, %mul3A_760 : i32
      %add3A_762 = arith.constant 6 : i32
      %add3A_763 = arith.addi %mul3A_761, %add3A_762 : i32
      %mul3A_764 = arith.constant 128 : i32
      %mul3A_765 = arith.muli %add3A_763, %mul3A_764 : i32
      %add3A_766 = arith.addi %mul3A_765, %mul3A_213 : i32
      %get3A_767 = arith.index_cast %add3A_766 : i32 to index
      %get3A_768 = tpu.vector_load %arg12[%get3A_767] {strides = array<i32>} : memref<32768xf32, #tpu.memory_space<vmem>>, vector<16xf32>,
      %get3A_769 = vector.shape_cast %get3A_768 : vector<16xf32> to vector<16xf32>
      %add3A_770 = arith.constant 16 : i32
      %add3A_771 = arith.addi %add3A_770, %select_n3A_197 : i32
      %mul3A_772 = arith.constant 8 : i32
      %mul3A_773 = arith.muli %add3A_771, %mul3A_772 : i32
      %add3A_774 = arith.constant 7 : i32
      %add3A_775 = arith.addi %mul3A_773, %add3A_774 : i32
      %mul3A_776 = arith.constant 128 : i32
      %mul3A_777 = arith.muli %add3A_775, %mul3A_776 : i32
      %add3A_778 = arith.addi %mul3A_777, %mul3A_213 : i32
      %get3A_779 = arith.index_cast %add3A_778 : i32 to index
      %get3A_780 = tpu.vector_load %arg12[%get3A_779] {strides = array<i32>} : memref<32768xf32, #tpu.memory_space<vmem>>, vector<16xf32>,
      %get3A_781 = vector.shape_cast %get3A_780 : vector<16xf32> to vector<16xf32>
      %bitcast_convert_type3A_782 = tpu.bitcast %get3A_769 : vector<16xf32> -> vector<16xi32>
      %add3A_783 = arith.constant 32767 : i32
      %add3A_784 = vector.broadcast %add3A_783 : i32 to vector<16xi32>
      %add3A_785 = arith.addi %bitcast_convert_type3A_782, %add3A_784 : vector<16xi32>
      %shift_right_arithmetic3A_786 = arith.constant 16 : i32
      %shift_right_arithmetic3A_787 = vector.broadcast %shift_right_arithmetic3A_786 : i32 to vector<16xi32>
      %shift_right_arithmetic3A_788 = arith.shrsi %bitcast_convert_type3A_782, %shift_right_arithmetic3A_787 : vector<16xi32>
      %and3A_789 = arith.constant 1 : i32
      %and3A_790 = vector.broadcast %and3A_789 : i32 to vector<16xi32>
      %and3A_791 = arith.andi %shift_right_arithmetic3A_788, %and3A_790 : vector<16xi32>
      %add3A_792 = arith.addi %add3A_785, %and3A_791 : vector<16xi32>
      %and3A_793 = arith.constant -65536 : i32
      %and3A_794 = vector.broadcast %and3A_793 : i32 to vector<16xi32>
      %and3A_795 = arith.andi %add3A_792, %and3A_794 : vector<16xi32>
      %bitcast_convert_type3A_796 = tpu.bitcast %and3A_795 : vector<16xi32> -> vector<16xf32>
      %bitcast_convert_type3A_797 = tpu.bitcast %get3A_781 : vector<16xf32> -> vector<16xi32>
      %add3A_798 = arith.constant 32767 : i32
      %add3A_799 = vector.broadcast %add3A_798 : i32 to vector<16xi32>
      %add3A_800 = arith.addi %bitcast_convert_type3A_797, %add3A_799 : vector<16xi32>
      %shift_right_arithmetic3A_801 = arith.constant 16 : i32
      %shift_right_arithmetic3A_802 = vector.broadcast %shift_right_arithmetic3A_801 : i32 to vector<16xi32>
      %shift_right_arithmetic3A_803 = arith.shrsi %bitcast_convert_type3A_797, %shift_right_arithmetic3A_802 : vector<16xi32>
      %and3A_804 = arith.constant 1 : i32
      %and3A_805 = vector.broadcast %and3A_804 : i32 to vector<16xi32>
      %and3A_806 = arith.andi %shift_right_arithmetic3A_803, %and3A_805 : vector<16xi32>
      %add3A_807 = arith.addi %add3A_800, %and3A_806 : vector<16xi32>
      %and3A_808 = arith.constant -65536 : i32
      %and3A_809 = vector.broadcast %and3A_808 : i32 to vector<16xi32>
      %and3A_810 = arith.andi %add3A_807, %and3A_809 : vector<16xi32>
      %bitcast_convert_type3A_811 = tpu.bitcast %and3A_810 : vector<16xi32> -> vector<16xf32>
      %slice3A_812 = vector.extract_strided_slice %get3A_5 {offsets = [14], sizes = [1], strides = [1]} : vector<16xf32> to vector<1xf32>
      %squeeze3A_813 = vector.extract %slice3A_812[0] : f32 from vector<1xf32>
      %mul3A_814 = vector.broadcast %squeeze3A_813 : f32 to vector<16xf32>
      %mul3A_815 = arith.mulf %mul3A_814, %bitcast_convert_type3A_796 : vector<16xf32>
      %add3A_816 = arith.addf %add3A_747, %mul3A_815 : vector<16xf32>
      %slice3A_817 = vector.extract_strided_slice %get3A_5 {offsets = [15], sizes = [1], strides = [1]} : vector<16xf32> to vector<1xf32>
      %squeeze3A_818 = vector.extract %slice3A_817[0] : f32 from vector<1xf32>
      %mul3A_819 = vector.broadcast %squeeze3A_818 : f32 to vector<16xf32>
      %mul3A_820 = arith.mulf %mul3A_819, %bitcast_convert_type3A_811 : vector<16xf32>
      %add3A_821 = arith.addf %add3A_816, %mul3A_820 : vector<16xf32>
      %slice3A_822 = vector.extract_strided_slice %get3A_8 {offsets = [14], sizes = [1], strides = [1]} : vector<16xf32> to vector<1xf32>
      %squeeze3A_823 = vector.extract %slice3A_822[0] : f32 from vector<1xf32>
      %mul3A_824 = vector.broadcast %squeeze3A_823 : f32 to vector<16xf32>
      %mul3A_825 = arith.mulf %mul3A_824, %bitcast_convert_type3A_796 : vector<16xf32>
      %add3A_826 = arith.addf %add3A_757, %mul3A_825 : vector<16xf32>
      %slice3A_827 = vector.extract_strided_slice %get3A_8 {offsets = [15], sizes = [1], strides = [1]} : vector<16xf32> to vector<1xf32>
      %squeeze3A_828 = vector.extract %slice3A_827[0] : f32 from vector<1xf32>
      %mul3A_829 = vector.broadcast %squeeze3A_828 : f32 to vector<16xf32>
      %mul3A_830 = arith.mulf %mul3A_829, %bitcast_convert_type3A_811 : vector<16xf32>
      %add3A_831 = arith.addf %add3A_826, %mul3A_830 : vector<16xf32>
      %mul3A_832 = arith.constant 0.318309873 : f32
      %mul3A_833 = vector.broadcast %mul3A_832 : f32 to vector<16xf32>
      %mul3A_834 = arith.mulf %add3A_821, %mul3A_833 : vector<16xf32>
      %ge3A = arith.constant 0.000000e+00 : f32
      %ge3A_835 = vector.broadcast %ge3A : f32 to vector<16xf32>
      %ge3A_836 = arith.cmpf oge, %mul3A_834, %ge3A_835 : vector<16xf32>
      %jit3A_837 = arith.constant 5.000000e-01 : f32
      %jit3A_838 = arith.constant -5.000000e-01 : f32
      %broadcast_in_dim3A = vector.broadcast %jit3A_837 : f32 to vector<16xf32>
      %broadcast_in_dim3A_839 = vector.broadcast %jit3A_838 : f32 to vector<16xf32>
      %select_n3A_840 = arith.select %ge3A_836, %broadcast_in_dim3A, %broadcast_in_dim3A_839 : vector<16xi1>, vector<16xf32>
      %add3A_841 = arith.addf %mul3A_834, %select_n3A_840 : vector<16xf32>
      %convert_element_type3A = arith.fptosi %add3A_841 : vector<16xf32> to vector<16xi32>
      %convert_element_type3A_842 = arith.sitofp %convert_element_type3A : vector<16xi32> to vector<16xf32>
      %and3A_843 = arith.constant 1 : i32
      %and3A_844 = vector.broadcast %and3A_843 : i32 to vector<16xi32>
      %and3A_845 = arith.andi %convert_element_type3A, %and3A_844 : vector<16xi32>
      %eq3A_846 = arith.constant 1 : i32
      %eq3A_847 = vector.broadcast %eq3A_846 : i32 to vector<16xi32>
      %eq3A_848 = arith.cmpi eq, %and3A_845, %eq3A_847 : vector<16xi32>
      %jit3A_849 = arith.constant -1.000000e+00 : f32
      %jit3A_850 = arith.constant 1.000000e+00 : f32
      %broadcast_in_dim3A_851 = vector.broadcast %jit3A_849 : f32 to vector<16xf32>
      %broadcast_in_dim3A_852 = vector.broadcast %jit3A_850 : f32 to vector<16xf32>
      %select_n3A_853 = arith.select %eq3A_848, %broadcast_in_dim3A_851, %broadcast_in_dim3A_852 : vector<16xi1>, vector<16xf32>
      %mul3A_854 = arith.constant 3.140625 : f32
      %mul3A_855 = vector.broadcast %mul3A_854 : f32 to vector<16xf32>
      %mul3A_856 = arith.mulf %convert_element_type3A_842, %mul3A_855 : vector<16xf32>
      %sub3A_857 = arith.subf %add3A_821, %mul3A_856 : vector<16xf32>
      %mul3A_858 = arith.constant 9.67653584E-4 : f32
      %mul3A_859 = vector.broadcast %mul3A_858 : f32 to vector<16xf32>
      %mul3A_860 = arith.mulf %convert_element_type3A_842, %mul3A_859 : vector<16xf32>
      %sub3A_861 = arith.subf %sub3A_857, %mul3A_860 : vector<16xf32>
      %mul3A_862 = arith.mulf %sub3A_861, %sub3A_861 : vector<16xf32>
      %mul3A_863 = arith.constant 2.75573188E-6 : f32
      %mul3A_864 = vector.broadcast %mul3A_863 : f32 to vector<16xf32>
      %mul3A_865 = arith.mulf %mul3A_862, %mul3A_864 : vector<16xf32>
      %add3A_866 = arith.constant -1.98412701E-4 : f32
      %add3A_867 = vector.broadcast %add3A_866 : f32 to vector<16xf32>
      %add3A_868 = arith.addf %add3A_867, %mul3A_865 : vector<16xf32>
      %mul3A_869 = arith.mulf %mul3A_862, %add3A_868 : vector<16xf32>
      %add3A_870 = arith.constant 0.00833333377 : f32
      %add3A_871 = vector.broadcast %add3A_870 : f32 to vector<16xf32>
      %add3A_872 = arith.addf %add3A_871, %mul3A_869 : vector<16xf32>
      %mul3A_873 = arith.mulf %mul3A_862, %add3A_872 : vector<16xf32>
      %add3A_874 = arith.constant -0.166666672 : f32
      %add3A_875 = vector.broadcast %add3A_874 : f32 to vector<16xf32>
      %add3A_876 = arith.addf %add3A_875, %mul3A_873 : vector<16xf32>
      %mul3A_877 = arith.mulf %mul3A_862, %add3A_876 : vector<16xf32>
      %add3A_878 = arith.constant 1.000000e+00 : f32
      %add3A_879 = vector.broadcast %add3A_878 : f32 to vector<16xf32>
      %add3A_880 = arith.addf %add3A_879, %mul3A_877 : vector<16xf32>
      %mul3A_881 = arith.mulf %sub3A_861, %add3A_880 : vector<16xf32>
      %mul3A_882 = arith.mulf %select_n3A_853, %mul3A_881 : vector<16xf32>
      %slice3A_883 = vector.extract_strided_slice %get3A_2 {offsets = [4], sizes = [1], strides = [1]} : vector<16xf32> to vector<1xf32>
      %squeeze3A_884 = vector.extract %slice3A_883[0] : f32 from vector<1xf32>
      %mul3A_885 = vector.broadcast %squeeze3A_884 : f32 to vector<16xf32>
      %mul3A_886 = arith.mulf %mul3A_885, %mul3A_882 : vector<16xf32>
      %add3A_887 = arith.addf %add3A_831, %mul3A_886 : vector<16xf32>
      %mul3A_888 = arith.constant -5.000000e-01 : f32
      %mul3A_889 = vector.broadcast %mul3A_888 : f32 to vector<16xf32>
      %mul3A_890 = arith.mulf %mul3A_889, %add3A_887 : vector<16xf32>
      %mul3A_891 = arith.mulf %mul3A_890, %add3A_887 : vector<16xf32>
      %exp3A = math.exp %mul3A_891 : vector<16xf32>
      %mul3A_892 = arith.constant 0.398942292 : f32
      %mul3A_893 = vector.broadcast %mul3A_892 : f32 to vector<16xf32>
      %mul3A_894 = arith.mulf %mul3A_893, %exp3A : vector<16xf32>
      %bitcast_convert_type3A_895 = tpu.bitcast %mul3A_882 : vector<16xf32> -> vector<16xi32>
      %add3A_896 = arith.constant 32767 : i32
      %add3A_897 = vector.broadcast %add3A_896 : i32 to vector<16xi32>
      %add3A_898 = arith.addi %bitcast_convert_type3A_895, %add3A_897 : vector<16xi32>
      %shift_right_arithmetic3A_899 = arith.constant 16 : i32
      %shift_right_arithmetic3A_900 = vector.broadcast %shift_right_arithmetic3A_899 : i32 to vector<16xi32>
      %shift_right_arithmetic3A_901 = arith.shrsi %bitcast_convert_type3A_895, %shift_right_arithmetic3A_900 : vector<16xi32>
      %and3A_902 = arith.constant 1 : i32
      %and3A_903 = vector.broadcast %and3A_902 : i32 to vector<16xi32>
      %and3A_904 = arith.andi %shift_right_arithmetic3A_901, %and3A_903 : vector<16xi32>
      %add3A_905 = arith.addi %add3A_898, %and3A_904 : vector<16xi32>
      %and3A_906 = arith.constant -65536 : i32
      %and3A_907 = vector.broadcast %and3A_906 : i32 to vector<16xi32>
      %and3A_908 = arith.andi %add3A_905, %and3A_907 : vector<16xi32>
      %bitcast_convert_type3A_909 = tpu.bitcast %and3A_908 : vector<16xi32> -> vector<16xf32>
      %bitcast_convert_type3A_910 = tpu.bitcast %mul3A_894 : vector<16xf32> -> vector<16xi32>
      %add3A_911 = arith.constant 32767 : i32
      %add3A_912 = vector.broadcast %add3A_911 : i32 to vector<16xi32>
      %add3A_913 = arith.addi %bitcast_convert_type3A_910, %add3A_912 : vector<16xi32>
      %shift_right_arithmetic3A_914 = arith.constant 16 : i32
      %shift_right_arithmetic3A_915 = vector.broadcast %shift_right_arithmetic3A_914 : i32 to vector<16xi32>
      %shift_right_arithmetic3A_916 = arith.shrsi %bitcast_convert_type3A_910, %shift_right_arithmetic3A_915 : vector<16xi32>
      %and3A_917 = arith.constant 1 : i32
      %and3A_918 = vector.broadcast %and3A_917 : i32 to vector<16xi32>
      %and3A_919 = arith.andi %shift_right_arithmetic3A_916, %and3A_918 : vector<16xi32>
      %add3A_920 = arith.addi %add3A_913, %and3A_919 : vector<16xi32>
      %and3A_921 = arith.constant -65536 : i32
      %and3A_922 = vector.broadcast %and3A_921 : i32 to vector<16xi32>
      %and3A_923 = arith.andi %add3A_920, %and3A_922 : vector<16xi32>
      %bitcast_convert_type3A_924 = tpu.bitcast %and3A_923 : vector<16xi32> -> vector<16xf32>
      %slice3A_925 = vector.extract_strided_slice %get3A_11 {offsets = [0], sizes = [1], strides = [1]} : vector<16xf32> to vector<1xf32>
      %squeeze3A_926 = vector.extract %slice3A_925[0] : f32 from vector<1xf32>
      %mul3A_927 = vector.broadcast %squeeze3A_926 : f32 to vector<16xf32>
      %mul3A_928 = arith.mulf %mul3A_927, %bitcast_convert_type3A_909 : vector<16xf32>
      %slice3A_929 = vector.extract_strided_slice %get3A_11 {offsets = [3], sizes = [1], strides = [1]} : vector<16xf32> to vector<1xf32>
      %squeeze3A_930 = vector.extract %slice3A_929[0] : f32 from vector<1xf32>
      %mul3A_931 = vector.broadcast %squeeze3A_930 : f32 to vector<16xf32>
      %mul3A_932 = arith.mulf %mul3A_931, %bitcast_convert_type3A_924 : vector<16xf32>
      %add3A_933 = arith.addf %mul3A_928, %mul3A_932 : vector<16xf32>
      %neg3A = arith.constant 0.000000e+00 : f32
      %neg3A_934 = vector.broadcast %neg3A : f32 to vector<16xf32>
      %neg3A_935 = arith.subf %neg3A_934, %add3A_933 : vector<16xf32>
      %exp3A_936 = math.exp %neg3A_935 : vector<16xf32>
      %add3A_937 = arith.constant 1.000000e+00 : f32
      %add3A_938 = vector.broadcast %add3A_937 : f32 to vector<16xf32>
      %add3A_939 = arith.addf %add3A_938, %exp3A_936 : vector<16xf32>
      %div3A_940 = arith.constant 1.000000e+00 : f32
      %div3A_941 = vector.broadcast %div3A_940 : f32 to vector<16xf32>
      %div3A_942 = arith.divf %div3A_941, %add3A_939 : vector<16xf32>
      %mul3A_943 = arith.constant 4 : i32
      %mul3A_944 = arith.muli %mul3A_943, %select_n3A_197 : i32
      %add3A_945 = arith.constant 0 : i32
      %add3A_946 = arith.addi %mul3A_944, %add3A_945 : i32
      %mul3A_947 = arith.constant 128 : i32
      %mul3A_948 = arith.muli %add3A_946, %mul3A_947 : i32
      %add3A_949 = arith.addi %mul3A_948, %mul3A_213 : i32
      %swap3A = arith.index_cast %add3A_949 : i32 to index
      %swap3A_950 = tpu.vector_load %arg13[%swap3A] {strides = array<i32>} : memref<8192xf32, #tpu.memory_space<vmem>>, vector<16xf32>,
      %swap3A_951 = vector.shape_cast %swap3A_950 : vector<16xf32> to vector<16xf32>
      %swap3A_952 = vector.shape_cast %div3A_942 : vector<16xf32> to vector<16xf32>
      tpu.vector_store %arg13[%swap3A], %swap3A_952 {strides = array<i32>} : memref<8192xf32, #tpu.memory_space<vmem>>, vector<16xf32>,
      %slice3A_953 = vector.extract_strided_slice %get3A_11 {offsets = [1], sizes = [1], strides = [1]} : vector<16xf32> to vector<1xf32>
      %squeeze3A_954 = vector.extract %slice3A_953[0] : f32 from vector<1xf32>
      %mul3A_955 = vector.broadcast %squeeze3A_954 : f32 to vector<16xf32>
      %mul3A_956 = arith.mulf %mul3A_955, %bitcast_convert_type3A_909 : vector<16xf32>
      %slice3A_957 = vector.extract_strided_slice %get3A_11 {offsets = [4], sizes = [1], strides = [1]} : vector<16xf32> to vector<1xf32>
      %squeeze3A_958 = vector.extract %slice3A_957[0] : f32 from vector<1xf32>
      %mul3A_959 = vector.broadcast %squeeze3A_958 : f32 to vector<16xf32>
      %mul3A_960 = arith.mulf %mul3A_959, %bitcast_convert_type3A_924 : vector<16xf32>
      %add3A_961 = arith.addf %mul3A_956, %mul3A_960 : vector<16xf32>
      %neg3A_962 = arith.constant 0.000000e+00 : f32
      %neg3A_963 = vector.broadcast %neg3A_962 : f32 to vector<16xf32>
      %neg3A_964 = arith.subf %neg3A_963, %add3A_961 : vector<16xf32>
      %exp3A_965 = math.exp %neg3A_964 : vector<16xf32>
      %add3A_966 = arith.constant 1.000000e+00 : f32
      %add3A_967 = vector.broadcast %add3A_966 : f32 to vector<16xf32>
      %add3A_968 = arith.addf %add3A_967, %exp3A_965 : vector<16xf32>
      %div3A_969 = arith.constant 1.000000e+00 : f32
      %div3A_970 = vector.broadcast %div3A_969 : f32 to vector<16xf32>
      %div3A_971 = arith.divf %div3A_970, %add3A_968 : vector<16xf32>
      %mul3A_972 = arith.constant 4 : i32
      %mul3A_973 = arith.muli %mul3A_972, %select_n3A_197 : i32
      %add3A_974 = arith.constant 1 : i32
      %add3A_975 = arith.addi %mul3A_973, %add3A_974 : i32
      %mul3A_976 = arith.constant 128 : i32
      %mul3A_977 = arith.muli %add3A_975, %mul3A_976 : i32
      %add3A_978 = arith.addi %mul3A_977, %mul3A_213 : i32
      %swap3A_979 = arith.index_cast %add3A_978 : i32 to index
      %swap3A_980 = tpu.vector_load %arg13[%swap3A_979] {strides = array<i32>} : memref<8192xf32, #tpu.memory_space<vmem>>, vector<16xf32>,
      %swap3A_981 = vector.shape_cast %swap3A_980 : vector<16xf32> to vector<16xf32>
      %swap3A_982 = vector.shape_cast %div3A_971 : vector<16xf32> to vector<16xf32>
      tpu.vector_store %arg13[%swap3A_979], %swap3A_982 {strides = array<i32>} : memref<8192xf32, #tpu.memory_space<vmem>>, vector<16xf32>,
      %slice3A_983 = vector.extract_strided_slice %get3A_11 {offsets = [2], sizes = [1], strides = [1]} : vector<16xf32> to vector<1xf32>
      %squeeze3A_984 = vector.extract %slice3A_983[0] : f32 from vector<1xf32>
      %mul3A_985 = vector.broadcast %squeeze3A_984 : f32 to vector<16xf32>
      %mul3A_986 = arith.mulf %mul3A_985, %bitcast_convert_type3A_909 : vector<16xf32>
      %slice3A_987 = vector.extract_strided_slice %get3A_11 {offsets = [5], sizes = [1], strides = [1]} : vector<16xf32> to vector<1xf32>
      %squeeze3A_988 = vector.extract %slice3A_987[0] : f32 from vector<1xf32>
      %mul3A_989 = vector.broadcast %squeeze3A_988 : f32 to vector<16xf32>
      %mul3A_990 = arith.mulf %mul3A_989, %bitcast_convert_type3A_924 : vector<16xf32>
      %add3A_991 = arith.addf %mul3A_986, %mul3A_990 : vector<16xf32>
      %neg3A_992 = arith.constant 0.000000e+00 : f32
      %neg3A_993 = vector.broadcast %neg3A_992 : f32 to vector<16xf32>
      %neg3A_994 = arith.subf %neg3A_993, %add3A_991 : vector<16xf32>
      %exp3A_995 = math.exp %neg3A_994 : vector<16xf32>
      %add3A_996 = arith.constant 1.000000e+00 : f32
      %add3A_997 = vector.broadcast %add3A_996 : f32 to vector<16xf32>
      %add3A_998 = arith.addf %add3A_997, %exp3A_995 : vector<16xf32>
      %div3A_999 = arith.constant 1.000000e+00 : f32
      %div3A_1000 = vector.broadcast %div3A_999 : f32 to vector<16xf32>
      %div3A_1001 = arith.divf %div3A_1000, %add3A_998 : vector<16xf32>
      %mul3A_1002 = arith.constant 4 : i32
      %mul3A_1003 = arith.muli %mul3A_1002, %select_n3A_197 : i32
      %add3A_1004 = arith.constant 2 : i32
      %add3A_1005 = arith.addi %mul3A_1003, %add3A_1004 : i32
      %mul3A_1006 = arith.constant 128 : i32
      %mul3A_1007 = arith.muli %add3A_1005, %mul3A_1006 : i32
      %add3A_1008 = arith.addi %mul3A_1007, %mul3A_213 : i32
      %swap3A_1009 = arith.index_cast %add3A_1008 : i32 to index
      %swap3A_1010 = tpu.vector_load %arg13[%swap3A_1009] {strides = array<i32>} : memref<8192xf32, #tpu.memory_space<vmem>>, vector<16xf32>,
      %swap3A_1011 = vector.shape_cast %swap3A_1010 : vector<16xf32> to vector<16xf32>
      %swap3A_1012 = vector.shape_cast %div3A_1001 : vector<16xf32> to vector<16xf32>
      tpu.vector_store %arg13[%swap3A_1009], %swap3A_1012 {strides = array<i32>} : memref<8192xf32, #tpu.memory_space<vmem>>, vector<16xf32>,
      %broadcast_in_dim3A_1013 = arith.constant 0.000000e+00 : f32
      %broadcast_in_dim3A_1014 = vector.broadcast %broadcast_in_dim3A_1013 : f32 to vector<16xf32>
      %mul3A_1015 = arith.constant 4 : i32
      %mul3A_1016 = arith.muli %mul3A_1015, %select_n3A_197 : i32
      %add3A_1017 = arith.constant 3 : i32
      %add3A_1018 = arith.addi %mul3A_1016, %add3A_1017 : i32
      %mul3A_1019 = arith.constant 128 : i32
      %mul3A_1020 = arith.muli %add3A_1018, %mul3A_1019 : i32
      %add3A_1021 = arith.addi %mul3A_1020, %mul3A_213 : i32
      %swap3A_1022 = arith.index_cast %add3A_1021 : i32 to index
      %swap3A_1023 = tpu.vector_load %arg13[%swap3A_1022] {strides = array<i32>} : memref<8192xf32, #tpu.memory_space<vmem>>, vector<16xf32>,
      %swap3A_1024 = vector.shape_cast %swap3A_1023 : vector<16xf32> to vector<16xf32>
      %swap3A_1025 = vector.shape_cast %broadcast_in_dim3A_1014 : vector<16xf32> to vector<16xf32>
      tpu.vector_store %arg13[%swap3A_1022], %swap3A_1025 {strides = array<i32>} : memref<8192xf32, #tpu.memory_space<vmem>>, vector<16xf32>,
    }
    %scan3A_86 = arith.constant 128 : i32
    %mul3A_87 = arith.constant 4 : i32
    %mul3A_88 = arith.muli %mul3A_87, %add3A_48 : i32
    "tpu.region"() ({
      %run_scoped3A = tpu.sem_alloc : memref<!tpu.dma_semaphore, #tpu.memory_space<semaphore_mem>>
      %dma_start3A = tpu.memref_slice %arg7[%mul3A_88] : memref<1048576xf32, #tpu.memory_space<hbm>> -> memref<8192xf32, #tpu.memory_space<hbm>>
      %dma_start3A_173 = tpu.memref_slice %arg7[%mul3A_88] : memref<1048576xf32, #tpu.memory_space<hbm>> -> memref<8192xf32, #tpu.memory_space<hbm>>
      tpu.enqueue_dma source(%arg13 : memref<8192xf32, #tpu.memory_space<vmem>>) target(%dma_start3A_173 : memref<8192xf32, #tpu.memory_space<hbm>>) target_semaphore(%run_scoped3A : memref<!tpu.dma_semaphore, #tpu.memory_space<semaphore_mem>>)
      %dma_wait3A = tpu.memref_slice %arg7[%mul3A_88] : memref<1048576xf32, #tpu.memory_space<hbm>> -> memref<8192xf32, #tpu.memory_space<hbm>>
      %dma_wait3A_174 = tpu.memref_slice %arg7[%mul3A_88] : memref<1048576xf32, #tpu.memory_space<hbm>> -> memref<8192xf32, #tpu.memory_space<hbm>>
      tpu.wait_dma2 semaphore(%run_scoped3A : memref<!tpu.dma_semaphore, #tpu.memory_space<semaphore_mem>>) src(%arg13 : memref<8192xf32, #tpu.memory_space<vmem>>) dst(%dma_wait3A_174 : memref<8192xf32, #tpu.memory_space<hbm>>)
      tpu.yield
    }) : () -> ()
    %add3A_89 = arith.constant 4096 : i32
    %add3A_90 = arith.addi %mul3A_13, %add3A_89 : i32
    %jit3A_91 = arith.constant 128 : i32
    %div3A_92 = arith.divsi %add3A_90, %jit3A_91 : i32
    %sign3A_93 = arith.constant 0 : i32
    %sign3A_94 = arith.cmpi sgt, %add3A_90, %sign3A_93 : i32
    %sign3A_95 = arith.extui %sign3A_94 : i1 to i32
    %sign3A_96 = arith.constant 0 : i32
    %sign3A_97 = arith.cmpi slt, %add3A_90, %sign3A_96 : i32
    %sign3A_98 = arith.extui %sign3A_97 : i1 to i32
    %sign3A_99 = arith.subi %sign3A_95, %sign3A_98 : i32
    %sign3A_100 = arith.constant 0 : i32
    %sign3A_101 = arith.cmpi sgt, %jit3A_91, %sign3A_100 : i32
    %sign3A_102 = arith.extui %sign3A_101 : i1 to i32
    %sign3A_103 = arith.constant 0 : i32
    %sign3A_104 = arith.cmpi slt, %jit3A_91, %sign3A_103 : i32
    %sign3A_105 = arith.extui %sign3A_104 : i1 to i32
    %sign3A_106 = arith.subi %sign3A_102, %sign3A_105 : i32
    %ne3A_107 = arith.cmpi ne, %sign3A_99, %sign3A_106 : i32
    %rem3A_108 = arith.remsi %add3A_90, %jit3A_91 : i32
    %ne3A_109 = arith.constant 0 : i32
    %ne3A_110 = arith.cmpi ne, %rem3A_108, %ne3A_109 : i32
    %and3A_111 = arith.andi %ne3A_107, %ne3A_110 : i1
    %sub3A_112 = arith.constant 1 : i32
    %sub3A_113 = arith.subi %div3A_92, %sub3A_112 : i32
    %select_n3A_114 = arith.select %and3A_111, %sub3A_113, %div3A_92 : i32
    "tpu.region"() ({
      %run_scoped3A = tpu.sem_alloc : memref<!tpu.dma_semaphore, #tpu.memory_space<semaphore_mem>>
      %dma_start3A = tpu.memref_slice %arg4[%add3A_90] : memref<262144xf32, #tpu.memory_space<hbm>> -> memref<2048xf32, #tpu.memory_space<hbm>>
      %dma_start3A_173 = tpu.memref_slice %arg4[%add3A_90] : memref<262144xf32, #tpu.memory_space<hbm>> -> memref<2048xf32, #tpu.memory_space<hbm>>
      tpu.enqueue_dma source(%dma_start3A_173 : memref<2048xf32, #tpu.memory_space<hbm>>) target(%arg10 : memref<2048xf32, #tpu.memory_space<vmem>>) target_semaphore(%run_scoped3A : memref<!tpu.dma_semaphore, #tpu.memory_space<semaphore_mem>>)
      %dma_wait3A = tpu.memref_slice %arg4[%add3A_90] : memref<262144xf32, #tpu.memory_space<hbm>> -> memref<2048xf32, #tpu.memory_space<hbm>>
      %dma_wait3A_174 = tpu.memref_slice %arg4[%add3A_90] : memref<262144xf32, #tpu.memory_space<hbm>> -> memref<2048xf32, #tpu.memory_space<hbm>>
      tpu.wait_dma2 semaphore(%run_scoped3A : memref<!tpu.dma_semaphore, #tpu.memory_space<semaphore_mem>>) src(%dma_wait3A_174 : memref<2048xf32, #tpu.memory_space<hbm>>) dst(%arg10 : memref<2048xf32, #tpu.memory_space<vmem>>)
      tpu.yield
    }) : () -> ()
    "tpu.region"() ({
      %run_scoped3A = tpu.sem_alloc : memref<!tpu.dma_semaphore, #tpu.memory_space<semaphore_mem>>
      %dma_start3A = tpu.memref_slice %arg5[%add3A_90] : memref<262144xf32, #tpu.memory_space<hbm>> -> memref<2048xf32, #tpu.memory_space<hbm>>
      %dma_start3A_173 = tpu.memref_slice %arg5[%add3A_90] : memref<262144xf32, #tpu.memory_space<hbm>> -> memref<2048xf32, #tpu.memory_space<hbm>>
      tpu.enqueue_dma source(%dma_start3A_173 : memref<2048xf32, #tpu.memory_space<hbm>>) target(%arg11 : memref<2048xf32, #tpu.memory_space<vmem>>) target_semaphore(%run_scoped3A : memref<!tpu.dma_semaphore, #tpu.memory_space<semaphore_mem>>)
      %dma_wait3A = tpu.memref_slice %arg5[%add3A_90] : memref<262144xf32, #tpu.memory_space<hbm>> -> memref<2048xf32, #tpu.memory_space<hbm>>
      %dma_wait3A_174 = tpu.memref_slice %arg5[%add3A_90] : memref<262144xf32, #tpu.memory_space<hbm>> -> memref<2048xf32, #tpu.memory_space<hbm>>
      tpu.wait_dma2 semaphore(%run_scoped3A : memref<!tpu.dma_semaphore, #tpu.memory_space<semaphore_mem>>) src(%dma_wait3A_174 : memref<2048xf32, #tpu.memory_space<hbm>>) dst(%arg11 : memref<2048xf32, #tpu.memory_space<vmem>>)
      tpu.yield
    }) : () -> ()
    %mul3A_115 = arith.constant 1024 : i32
    %mul3A_116 = arith.muli %select_n3A_114, %mul3A_115 : i32
    %add3A_117 = arith.constant 0 : i32
    %add3A_118 = arith.addi %add3A_117, %mul3A_116 : i32
    "tpu.region"() ({
      %run_scoped3A = tpu.sem_alloc : memref<!tpu.dma_semaphore, #tpu.memory_space<semaphore_mem>>
      %dma_start3A = arith.constant 0 : i32
      %dma_start3A_173 = tpu.memref_slice %arg12[%dma_start3A] : memref<32768xf32, #tpu.memory_space<vmem>> -> memref<16384xf32, #tpu.memory_space<vmem>>
      %dma_start3A_174 = tpu.memref_slice %arg6[%add3A_118] : memref<4194304xf32, #tpu.memory_space<hbm>> -> memref<16384xf32, #tpu.memory_space<hbm>>
      %dma_start3A_175 = arith.constant 0 : i32
      %dma_start3A_176 = tpu.memref_slice %arg12[%dma_start3A_175] : memref<32768xf32, #tpu.memory_space<vmem>> -> memref<16384xf32, #tpu.memory_space<vmem>>
      %dma_start3A_177 = tpu.memref_slice %arg6[%add3A_118] : memref<4194304xf32, #tpu.memory_space<hbm>> -> memref<16384xf32, #tpu.memory_space<hbm>>
      tpu.enqueue_dma source(%dma_start3A_177 : memref<16384xf32, #tpu.memory_space<hbm>>) target(%dma_start3A_176 : memref<16384xf32, #tpu.memory_space<vmem>>) target_semaphore(%run_scoped3A : memref<!tpu.dma_semaphore, #tpu.memory_space<semaphore_mem>>)
      %dma_wait3A = arith.constant 0 : i32
      %dma_wait3A_178 = tpu.memref_slice %arg12[%dma_wait3A] : memref<32768xf32, #tpu.memory_space<vmem>> -> memref<16384xf32, #tpu.memory_space<vmem>>
      %dma_wait3A_179 = tpu.memref_slice %arg6[%add3A_118] : memref<4194304xf32, #tpu.memory_space<hbm>> -> memref<16384xf32, #tpu.memory_space<hbm>>
      %dma_wait3A_180 = arith.constant 0 : i32
      %dma_wait3A_181 = tpu.memref_slice %arg12[%dma_wait3A_180] : memref<32768xf32, #tpu.memory_space<vmem>> -> memref<16384xf32, #tpu.memory_space<vmem>>
      %dma_wait3A_182 = tpu.memref_slice %arg6[%add3A_118] : memref<4194304xf32, #tpu.memory_space<hbm>> -> memref<16384xf32, #tpu.memory_space<hbm>>
      tpu.wait_dma2 semaphore(%run_scoped3A : memref<!tpu.dma_semaphore, #tpu.memory_space<semaphore_mem>>) src(%dma_wait3A_182 : memref<16384xf32, #tpu.memory_space<hbm>>) dst(%dma_wait3A_181 : memref<16384xf32, #tpu.memory_space<vmem>>)
      tpu.yield
    }) : () -> ()
    %mul3A_119 = arith.constant 1024 : i32
    %mul3A_120 = arith.muli %select_n3A_114, %mul3A_119 : i32
    %add3A_121 = arith.constant 2097152 : i32
    %add3A_122 = arith.addi %add3A_121, %mul3A_120 : i32
    "tpu.region"() ({
      %run_scoped3A = tpu.sem_alloc : memref<!tpu.dma_semaphore, #tpu.memory_space<semaphore_mem>>
      %dma_start3A = arith.constant 16384 : i32
      %dma_start3A_173 = tpu.memref_slice %arg12[%dma_start3A] : memref<32768xf32, #tpu.memory_space<vmem>> -> memref<16384xf32, #tpu.memory_space<vmem>>
      %dma_start3A_174 = tpu.memref_slice %arg6[%add3A_122] : memref<4194304xf32, #tpu.memory_space<hbm>> -> memref<16384xf32, #tpu.memory_space<hbm>>
      %dma_start3A_175 = arith.constant 16384 : i32
      %dma_start3A_176 = tpu.memref_slice %arg12[%dma_start3A_175] : memref<32768xf32, #tpu.memory_space<vmem>> -> memref<16384xf32, #tpu.memory_space<vmem>>
      %dma_start3A_177 = tpu.memref_slice %arg6[%add3A_122] : memref<4194304xf32, #tpu.memory_space<hbm>> -> memref<16384xf32, #tpu.memory_space<hbm>>
      tpu.enqueue_dma source(%dma_start3A_177 : memref<16384xf32, #tpu.memory_space<hbm>>) target(%dma_start3A_176 : memref<16384xf32, #tpu.memory_space<vmem>>) target_semaphore(%run_scoped3A : memref<!tpu.dma_semaphore, #tpu.memory_space<semaphore_mem>>)
      %dma_wait3A = arith.constant 16384 : i32
      %dma_wait3A_178 = tpu.memref_slice %arg12[%dma_wait3A] : memref<32768xf32, #tpu.memory_space<vmem>> -> memref<16384xf32, #tpu.memory_space<vmem>>
      %dma_wait3A_179 = tpu.memref_slice %arg6[%add3A_122] : memref<4194304xf32, #tpu.memory_space<hbm>> -> memref<16384xf32, #tpu.memory_space<hbm>>
      %dma_wait3A_180 = arith.constant 16384 : i32
      %dma_wait3A_181 = tpu.memref_slice %arg12[%dma_wait3A_180] : memref<32768xf32, #tpu.memory_space<vmem>> -> memref<16384xf32, #tpu.memory_space<vmem>>
      %dma_wait3A_182 = tpu.memref_slice %arg6[%add3A_122] : memref<4194304xf32, #tpu.memory_space<hbm>> -> memref<16384xf32, #tpu.memory_space<hbm>>
      tpu.wait_dma2 semaphore(%run_scoped3A : memref<!tpu.dma_semaphore, #tpu.memory_space<semaphore_mem>>) src(%dma_wait3A_182 : memref<16384xf32, #tpu.memory_space<hbm>>) dst(%dma_wait3A_181 : memref<16384xf32, #tpu.memory_space<vmem>>)
      tpu.yield
    }) : () -> ()
    %scan3A_123 = arith.constant 0 : i32
    %scan3A_124 = arith.constant 0 : i32
    %scan3A_125 = arith.constant 128 : i32
    %scan3A_126 = arith.addi %scan3A_124, %scan3A_125 : i32
    %scan3A_127 = arith.constant 1 : i32
    scf.for %scan3A_173 = %scan3A_124 to %scan3A_126 step %scan3A_127  : i32 {
      %jit3A_174 = arith.constant 8 : i32
      %div3A_175 = arith.divsi %scan3A_173, %jit3A_174 : i32
      %sign3A_176 = arith.constant 0 : i32
      %sign3A_177 = arith.cmpi sgt, %scan3A_173, %sign3A_176 : i32
      %sign3A_178 = arith.extui %sign3A_177 : i1 to i32
      %sign3A_179 = arith.constant 0 : i32
      %sign3A_180 = arith.cmpi slt, %scan3A_173, %sign3A_179 : i32
      %sign3A_181 = arith.extui %sign3A_180 : i1 to i32
      %sign3A_182 = arith.subi %sign3A_178, %sign3A_181 : i32
      %sign3A_183 = arith.constant 0 : i32
      %sign3A_184 = arith.cmpi sgt, %jit3A_174, %sign3A_183 : i32
      %sign3A_185 = arith.extui %sign3A_184 : i1 to i32
      %sign3A_186 = arith.constant 0 : i32
      %sign3A_187 = arith.cmpi slt, %jit3A_174, %sign3A_186 : i32
      %sign3A_188 = arith.extui %sign3A_187 : i1 to i32
      %sign3A_189 = arith.subi %sign3A_185, %sign3A_188 : i32
      %ne3A_190 = arith.cmpi ne, %sign3A_182, %sign3A_189 : i32
      %rem3A_191 = arith.remsi %scan3A_173, %jit3A_174 : i32
      %ne3A_192 = arith.constant 0 : i32
      %ne3A_193 = arith.cmpi ne, %rem3A_191, %ne3A_192 : i32
      %and3A_194 = arith.andi %ne3A_190, %ne3A_193 : i1
      %sub3A_195 = arith.constant 1 : i32
      %sub3A_196 = arith.subi %div3A_175, %sub3A_195 : i32
      %select_n3A_197 = arith.select %and3A_194, %sub3A_196, %div3A_175 : i32
      %jit3A_198 = arith.constant 8 : i32
      %eq3A = arith.constant 0 : i32
      %eq3A_199 = arith.cmpi eq, %jit3A_198, %eq3A : i32
      %jit3A_200 = arith.constant 1 : i32
      %select_n3A_201 = arith.select %eq3A_199, %jit3A_200, %jit3A_198 : i32
      %rem3A_202 = arith.remsi %scan3A_173, %select_n3A_201 : i32
      %ne3A_203 = arith.constant 0 : i32
      %ne3A_204 = arith.cmpi ne, %rem3A_202, %ne3A_203 : i32
      %lt3A = arith.constant 0 : i32
      %lt3A_205 = arith.cmpi slt, %rem3A_202, %lt3A : i32
      %lt3A_206 = arith.constant 0 : i32
      %lt3A_207 = arith.cmpi slt, %select_n3A_201, %lt3A_206 : i32
      %ne3A_208 = arith.xori %lt3A_205, %lt3A_207 : i1
      %and3A_209 = arith.andi %ne3A_208, %ne3A_204 : i1
      %add3A_210 = arith.addi %rem3A_202, %select_n3A_201 : i32
      %select_n3A_211 = arith.select %and3A_209, %add3A_210, %rem3A_202 : i32
      %mul3A_212 = arith.constant 16 : i32
      %mul3A_213 = arith.muli %select_n3A_211, %mul3A_212 : i32
      %mul3A_214 = arith.constant 128 : i32
      %mul3A_215 = arith.muli %select_n3A_197, %mul3A_214 : i32
      %add3A_216 = arith.addi %mul3A_215, %mul3A_213 : i32
      %get3A_217 = arith.index_cast %add3A_216 : i32 to index
      %get3A_218 = tpu.vector_load %arg10[%get3A_217] {strides = array<i32>} : memref<2048xf32, #tpu.memory_space<vmem>>, vector<16xf32>,
      %get3A_219 = vector.shape_cast %get3A_218 : vector<16xf32> to vector<16xf32>
      %mul3A_220 = arith.constant 128 : i32
      %mul3A_221 = arith.muli %select_n3A_197, %mul3A_220 : i32
      %add3A_222 = arith.addi %mul3A_221, %mul3A_213 : i32
      %get3A_223 = arith.index_cast %add3A_222 : i32 to index
      %get3A_224 = tpu.vector_load %arg11[%get3A_223] {strides = array<i32>} : memref<2048xf32, #tpu.memory_space<vmem>>, vector<16xf32>,
      %get3A_225 = vector.shape_cast %get3A_224 : vector<16xf32> to vector<16xf32>
      %slice3A = vector.extract_strided_slice %get3A_2 {offsets = [0], sizes = [1], strides = [1]} : vector<16xf32> to vector<1xf32>
      %squeeze3A = vector.extract %slice3A[0] : f32 from vector<1xf32>
      %mul3A_226 = vector.broadcast %squeeze3A : f32 to vector<16xf32>
      %mul3A_227 = arith.mulf %mul3A_226, %get3A_219 : vector<16xf32>
      %slice3A_228 = vector.extract_strided_slice %get3A_2 {offsets = [1], sizes = [1], strides = [1]} : vector<16xf32> to vector<1xf32>
      %squeeze3A_229 = vector.extract %slice3A_228[0] : f32 from vector<1xf32>
      %mul3A_230 = vector.broadcast %squeeze3A_229 : f32 to vector<16xf32>
      %mul3A_231 = arith.mulf %mul3A_230, %get3A_225 : vector<16xf32>
      %add3A_232 = arith.addf %mul3A_227, %mul3A_231 : vector<16xf32>
      %slice3A_233 = vector.extract_strided_slice %get3A_2 {offsets = [2], sizes = [1], strides = [1]} : vector<16xf32> to vector<1xf32>
      %squeeze3A_234 = vector.extract %slice3A_233[0] : f32 from vector<1xf32>
      %mul3A_235 = vector.broadcast %squeeze3A_234 : f32 to vector<16xf32>
      %mul3A_236 = arith.mulf %mul3A_235, %get3A_219 : vector<16xf32>
      %slice3A_237 = vector.extract_strided_slice %get3A_2 {offsets = [3], sizes = [1], strides = [1]} : vector<16xf32> to vector<1xf32>
      %squeeze3A_238 = vector.extract %slice3A_237[0] : f32 from vector<1xf32>
      %mul3A_239 = vector.broadcast %squeeze3A_238 : f32 to vector<16xf32>
      %mul3A_240 = arith.mulf %mul3A_239, %get3A_225 : vector<16xf32>
      %add3A_241 = arith.addf %mul3A_236, %mul3A_240 : vector<16xf32>
      %add3A_242 = arith.constant 0 : i32
      %add3A_243 = arith.addi %add3A_242, %select_n3A_197 : i32
      %mul3A_244 = arith.constant 8 : i32
      %mul3A_245 = arith.muli %add3A_243, %mul3A_244 : i32
      %add3A_246 = arith.constant 0 : i32
      %add3A_247 = arith.addi %mul3A_245, %add3A_246 : i32
      %mul3A_248 = arith.constant 128 : i32
      %mul3A_249 = arith.muli %add3A_247, %mul3A_248 : i32
      %add3A_250 = arith.addi %mul3A_249, %mul3A_213 : i32
      %get3A_251 = arith.index_cast %add3A_250 : i32 to index
      %get3A_252 = tpu.vector_load %arg12[%get3A_251] {strides = array<i32>} : memref<32768xf32, #tpu.memory_space<vmem>>, vector<16xf32>,
      %get3A_253 = vector.shape_cast %get3A_252 : vector<16xf32> to vector<16xf32>
      %add3A_254 = arith.constant 0 : i32
      %add3A_255 = arith.addi %add3A_254, %select_n3A_197 : i32
      %mul3A_256 = arith.constant 8 : i32
      %mul3A_257 = arith.muli %add3A_255, %mul3A_256 : i32
      %add3A_258 = arith.constant 1 : i32
      %add3A_259 = arith.addi %mul3A_257, %add3A_258 : i32
      %mul3A_260 = arith.constant 128 : i32
      %mul3A_261 = arith.muli %add3A_259, %mul3A_260 : i32
      %add3A_262 = arith.addi %mul3A_261, %mul3A_213 : i32
      %get3A_263 = arith.index_cast %add3A_262 : i32 to index
      %get3A_264 = tpu.vector_load %arg12[%get3A_263] {strides = array<i32>} : memref<32768xf32, #tpu.memory_space<vmem>>, vector<16xf32>,
      %get3A_265 = vector.shape_cast %get3A_264 : vector<16xf32> to vector<16xf32>
      %bitcast_convert_type3A = tpu.bitcast %get3A_253 : vector<16xf32> -> vector<16xi32>
      %add3A_266 = arith.constant 32767 : i32
      %add3A_267 = vector.broadcast %add3A_266 : i32 to vector<16xi32>
      %add3A_268 = arith.addi %bitcast_convert_type3A, %add3A_267 : vector<16xi32>
      %shift_right_arithmetic3A = arith.constant 16 : i32
      %shift_right_arithmetic3A_269 = vector.broadcast %shift_right_arithmetic3A : i32 to vector<16xi32>
      %shift_right_arithmetic3A_270 = arith.shrsi %bitcast_convert_type3A, %shift_right_arithmetic3A_269 : vector<16xi32>
      %and3A_271 = arith.constant 1 : i32
      %and3A_272 = vector.broadcast %and3A_271 : i32 to vector<16xi32>
      %and3A_273 = arith.andi %shift_right_arithmetic3A_270, %and3A_272 : vector<16xi32>
      %add3A_274 = arith.addi %add3A_268, %and3A_273 : vector<16xi32>
      %and3A_275 = arith.constant -65536 : i32
      %and3A_276 = vector.broadcast %and3A_275 : i32 to vector<16xi32>
      %and3A_277 = arith.andi %add3A_274, %and3A_276 : vector<16xi32>
      %bitcast_convert_type3A_278 = tpu.bitcast %and3A_277 : vector<16xi32> -> vector<16xf32>
      %bitcast_convert_type3A_279 = tpu.bitcast %get3A_265 : vector<16xf32> -> vector<16xi32>
      %add3A_280 = arith.constant 32767 : i32
      %add3A_281 = vector.broadcast %add3A_280 : i32 to vector<16xi32>
      %add3A_282 = arith.addi %bitcast_convert_type3A_279, %add3A_281 : vector<16xi32>
      %shift_right_arithmetic3A_283 = arith.constant 16 : i32
      %shift_right_arithmetic3A_284 = vector.broadcast %shift_right_arithmetic3A_283 : i32 to vector<16xi32>
      %shift_right_arithmetic3A_285 = arith.shrsi %bitcast_convert_type3A_279, %shift_right_arithmetic3A_284 : vector<16xi32>
      %and3A_286 = arith.constant 1 : i32
      %and3A_287 = vector.broadcast %and3A_286 : i32 to vector<16xi32>
      %and3A_288 = arith.andi %shift_right_arithmetic3A_285, %and3A_287 : vector<16xi32>
      %add3A_289 = arith.addi %add3A_282, %and3A_288 : vector<16xi32>
      %and3A_290 = arith.constant -65536 : i32
      %and3A_291 = vector.broadcast %and3A_290 : i32 to vector<16xi32>
      %and3A_292 = arith.andi %add3A_289, %and3A_291 : vector<16xi32>
      %bitcast_convert_type3A_293 = tpu.bitcast %and3A_292 : vector<16xi32> -> vector<16xf32>
      %slice3A_294 = vector.extract_strided_slice %get3A_5 {offsets = [0], sizes = [1], strides = [1]} : vector<16xf32> to vector<1xf32>
      %squeeze3A_295 = vector.extract %slice3A_294[0] : f32 from vector<1xf32>
      %mul3A_296 = vector.broadcast %squeeze3A_295 : f32 to vector<16xf32>
      %mul3A_297 = arith.mulf %mul3A_296, %bitcast_convert_type3A_278 : vector<16xf32>
      %add3A_298 = arith.addf %add3A_232, %mul3A_297 : vector<16xf32>
      %slice3A_299 = vector.extract_strided_slice %get3A_5 {offsets = [1], sizes = [1], strides = [1]} : vector<16xf32> to vector<1xf32>
      %squeeze3A_300 = vector.extract %slice3A_299[0] : f32 from vector<1xf32>
      %mul3A_301 = vector.broadcast %squeeze3A_300 : f32 to vector<16xf32>
      %mul3A_302 = arith.mulf %mul3A_301, %bitcast_convert_type3A_293 : vector<16xf32>
      %add3A_303 = arith.addf %add3A_298, %mul3A_302 : vector<16xf32>
      %slice3A_304 = vector.extract_strided_slice %get3A_8 {offsets = [0], sizes = [1], strides = [1]} : vector<16xf32> to vector<1xf32>
      %squeeze3A_305 = vector.extract %slice3A_304[0] : f32 from vector<1xf32>
      %mul3A_306 = vector.broadcast %squeeze3A_305 : f32 to vector<16xf32>
      %mul3A_307 = arith.mulf %mul3A_306, %bitcast_convert_type3A_278 : vector<16xf32>
      %add3A_308 = arith.addf %add3A_241, %mul3A_307 : vector<16xf32>
      %slice3A_309 = vector.extract_strided_slice %get3A_8 {offsets = [1], sizes = [1], strides = [1]} : vector<16xf32> to vector<1xf32>
      %squeeze3A_310 = vector.extract %slice3A_309[0] : f32 from vector<1xf32>
      %mul3A_311 = vector.broadcast %squeeze3A_310 : f32 to vector<16xf32>
      %mul3A_312 = arith.mulf %mul3A_311, %bitcast_convert_type3A_293 : vector<16xf32>
      %add3A_313 = arith.addf %add3A_308, %mul3A_312 : vector<16xf32>
      %add3A_314 = arith.constant 0 : i32
      %add3A_315 = arith.addi %add3A_314, %select_n3A_197 : i32
      %mul3A_316 = arith.constant 8 : i32
      %mul3A_317 = arith.muli %add3A_315, %mul3A_316 : i32
      %add3A_318 = arith.constant 2 : i32
      %add3A_319 = arith.addi %mul3A_317, %add3A_318 : i32
      %mul3A_320 = arith.constant 128 : i32
      %mul3A_321 = arith.muli %add3A_319, %mul3A_320 : i32
      %add3A_322 = arith.addi %mul3A_321, %mul3A_213 : i32
      %get3A_323 = arith.index_cast %add3A_322 : i32 to index
      %get3A_324 = tpu.vector_load %arg12[%get3A_323] {strides = array<i32>} : memref<32768xf32, #tpu.memory_space<vmem>>, vector<16xf32>,
      %get3A_325 = vector.shape_cast %get3A_324 : vector<16xf32> to vector<16xf32>
      %add3A_326 = arith.constant 0 : i32
      %add3A_327 = arith.addi %add3A_326, %select_n3A_197 : i32
      %mul3A_328 = arith.constant 8 : i32
      %mul3A_329 = arith.muli %add3A_327, %mul3A_328 : i32
      %add3A_330 = arith.constant 3 : i32
      %add3A_331 = arith.addi %mul3A_329, %add3A_330 : i32
      %mul3A_332 = arith.constant 128 : i32
      %mul3A_333 = arith.muli %add3A_331, %mul3A_332 : i32
      %add3A_334 = arith.addi %mul3A_333, %mul3A_213 : i32
      %get3A_335 = arith.index_cast %add3A_334 : i32 to index
      %get3A_336 = tpu.vector_load %arg12[%get3A_335] {strides = array<i32>} : memref<32768xf32, #tpu.memory_space<vmem>>, vector<16xf32>,
      %get3A_337 = vector.shape_cast %get3A_336 : vector<16xf32> to vector<16xf32>
      %bitcast_convert_type3A_338 = tpu.bitcast %get3A_325 : vector<16xf32> -> vector<16xi32>
      %add3A_339 = arith.constant 32767 : i32
      %add3A_340 = vector.broadcast %add3A_339 : i32 to vector<16xi32>
      %add3A_341 = arith.addi %bitcast_convert_type3A_338, %add3A_340 : vector<16xi32>
      %shift_right_arithmetic3A_342 = arith.constant 16 : i32
      %shift_right_arithmetic3A_343 = vector.broadcast %shift_right_arithmetic3A_342 : i32 to vector<16xi32>
      %shift_right_arithmetic3A_344 = arith.shrsi %bitcast_convert_type3A_338, %shift_right_arithmetic3A_343 : vector<16xi32>
      %and3A_345 = arith.constant 1 : i32
      %and3A_346 = vector.broadcast %and3A_345 : i32 to vector<16xi32>
      %and3A_347 = arith.andi %shift_right_arithmetic3A_344, %and3A_346 : vector<16xi32>
      %add3A_348 = arith.addi %add3A_341, %and3A_347 : vector<16xi32>
      %and3A_349 = arith.constant -65536 : i32
      %and3A_350 = vector.broadcast %and3A_349 : i32 to vector<16xi32>
      %and3A_351 = arith.andi %add3A_348, %and3A_350 : vector<16xi32>
      %bitcast_convert_type3A_352 = tpu.bitcast %and3A_351 : vector<16xi32> -> vector<16xf32>
      %bitcast_convert_type3A_353 = tpu.bitcast %get3A_337 : vector<16xf32> -> vector<16xi32>
      %add3A_354 = arith.constant 32767 : i32
      %add3A_355 = vector.broadcast %add3A_354 : i32 to vector<16xi32>
      %add3A_356 = arith.addi %bitcast_convert_type3A_353, %add3A_355 : vector<16xi32>
      %shift_right_arithmetic3A_357 = arith.constant 16 : i32
      %shift_right_arithmetic3A_358 = vector.broadcast %shift_right_arithmetic3A_357 : i32 to vector<16xi32>
      %shift_right_arithmetic3A_359 = arith.shrsi %bitcast_convert_type3A_353, %shift_right_arithmetic3A_358 : vector<16xi32>
      %and3A_360 = arith.constant 1 : i32
      %and3A_361 = vector.broadcast %and3A_360 : i32 to vector<16xi32>
      %and3A_362 = arith.andi %shift_right_arithmetic3A_359, %and3A_361 : vector<16xi32>
      %add3A_363 = arith.addi %add3A_356, %and3A_362 : vector<16xi32>
      %and3A_364 = arith.constant -65536 : i32
      %and3A_365 = vector.broadcast %and3A_364 : i32 to vector<16xi32>
      %and3A_366 = arith.andi %add3A_363, %and3A_365 : vector<16xi32>
      %bitcast_convert_type3A_367 = tpu.bitcast %and3A_366 : vector<16xi32> -> vector<16xf32>
      %slice3A_368 = vector.extract_strided_slice %get3A_5 {offsets = [2], sizes = [1], strides = [1]} : vector<16xf32> to vector<1xf32>
      %squeeze3A_369 = vector.extract %slice3A_368[0] : f32 from vector<1xf32>
      %mul3A_370 = vector.broadcast %squeeze3A_369 : f32 to vector<16xf32>
      %mul3A_371 = arith.mulf %mul3A_370, %bitcast_convert_type3A_352 : vector<16xf32>
      %add3A_372 = arith.addf %add3A_303, %mul3A_371 : vector<16xf32>
      %slice3A_373 = vector.extract_strided_slice %get3A_5 {offsets = [3], sizes = [1], strides = [1]} : vector<16xf32> to vector<1xf32>
      %squeeze3A_374 = vector.extract %slice3A_373[0] : f32 from vector<1xf32>
      %mul3A_375 = vector.broadcast %squeeze3A_374 : f32 to vector<16xf32>
      %mul3A_376 = arith.mulf %mul3A_375, %bitcast_convert_type3A_367 : vector<16xf32>
      %add3A_377 = arith.addf %add3A_372, %mul3A_376 : vector<16xf32>
      %slice3A_378 = vector.extract_strided_slice %get3A_8 {offsets = [2], sizes = [1], strides = [1]} : vector<16xf32> to vector<1xf32>
      %squeeze3A_379 = vector.extract %slice3A_378[0] : f32 from vector<1xf32>
      %mul3A_380 = vector.broadcast %squeeze3A_379 : f32 to vector<16xf32>
      %mul3A_381 = arith.mulf %mul3A_380, %bitcast_convert_type3A_352 : vector<16xf32>
      %add3A_382 = arith.addf %add3A_313, %mul3A_381 : vector<16xf32>
      %slice3A_383 = vector.extract_strided_slice %get3A_8 {offsets = [3], sizes = [1], strides = [1]} : vector<16xf32> to vector<1xf32>
      %squeeze3A_384 = vector.extract %slice3A_383[0] : f32 from vector<1xf32>
      %mul3A_385 = vector.broadcast %squeeze3A_384 : f32 to vector<16xf32>
      %mul3A_386 = arith.mulf %mul3A_385, %bitcast_convert_type3A_367 : vector<16xf32>
      %add3A_387 = arith.addf %add3A_382, %mul3A_386 : vector<16xf32>
      %add3A_388 = arith.constant 0 : i32
      %add3A_389 = arith.addi %add3A_388, %select_n3A_197 : i32
      %mul3A_390 = arith.constant 8 : i32
      %mul3A_391 = arith.muli %add3A_389, %mul3A_390 : i32
      %add3A_392 = arith.constant 4 : i32
      %add3A_393 = arith.addi %mul3A_391, %add3A_392 : i32
      %mul3A_394 = arith.constant 128 : i32
      %mul3A_395 = arith.muli %add3A_393, %mul3A_394 : i32
      %add3A_396 = arith.addi %mul3A_395, %mul3A_213 : i32
      %get3A_397 = arith.index_cast %add3A_396 : i32 to index
      %get3A_398 = tpu.vector_load %arg12[%get3A_397] {strides = array<i32>} : memref<32768xf32, #tpu.memory_space<vmem>>, vector<16xf32>,
      %get3A_399 = vector.shape_cast %get3A_398 : vector<16xf32> to vector<16xf32>
      %add3A_400 = arith.constant 0 : i32
      %add3A_401 = arith.addi %add3A_400, %select_n3A_197 : i32
      %mul3A_402 = arith.constant 8 : i32
      %mul3A_403 = arith.muli %add3A_401, %mul3A_402 : i32
      %add3A_404 = arith.constant 5 : i32
      %add3A_405 = arith.addi %mul3A_403, %add3A_404 : i32
      %mul3A_406 = arith.constant 128 : i32
      %mul3A_407 = arith.muli %add3A_405, %mul3A_406 : i32
      %add3A_408 = arith.addi %mul3A_407, %mul3A_213 : i32
      %get3A_409 = arith.index_cast %add3A_408 : i32 to index
      %get3A_410 = tpu.vector_load %arg12[%get3A_409] {strides = array<i32>} : memref<32768xf32, #tpu.memory_space<vmem>>, vector<16xf32>,
      %get3A_411 = vector.shape_cast %get3A_410 : vector<16xf32> to vector<16xf32>
      %bitcast_convert_type3A_412 = tpu.bitcast %get3A_399 : vector<16xf32> -> vector<16xi32>
      %add3A_413 = arith.constant 32767 : i32
      %add3A_414 = vector.broadcast %add3A_413 : i32 to vector<16xi32>
      %add3A_415 = arith.addi %bitcast_convert_type3A_412, %add3A_414 : vector<16xi32>
      %shift_right_arithmetic3A_416 = arith.constant 16 : i32
      %shift_right_arithmetic3A_417 = vector.broadcast %shift_right_arithmetic3A_416 : i32 to vector<16xi32>
      %shift_right_arithmetic3A_418 = arith.shrsi %bitcast_convert_type3A_412, %shift_right_arithmetic3A_417 : vector<16xi32>
      %and3A_419 = arith.constant 1 : i32
      %and3A_420 = vector.broadcast %and3A_419 : i32 to vector<16xi32>
      %and3A_421 = arith.andi %shift_right_arithmetic3A_418, %and3A_420 : vector<16xi32>
      %add3A_422 = arith.addi %add3A_415, %and3A_421 : vector<16xi32>
      %and3A_423 = arith.constant -65536 : i32
      %and3A_424 = vector.broadcast %and3A_423 : i32 to vector<16xi32>
      %and3A_425 = arith.andi %add3A_422, %and3A_424 : vector<16xi32>
      %bitcast_convert_type3A_426 = tpu.bitcast %and3A_425 : vector<16xi32> -> vector<16xf32>
      %bitcast_convert_type3A_427 = tpu.bitcast %get3A_411 : vector<16xf32> -> vector<16xi32>
      %add3A_428 = arith.constant 32767 : i32
      %add3A_429 = vector.broadcast %add3A_428 : i32 to vector<16xi32>
      %add3A_430 = arith.addi %bitcast_convert_type3A_427, %add3A_429 : vector<16xi32>
      %shift_right_arithmetic3A_431 = arith.constant 16 : i32
      %shift_right_arithmetic3A_432 = vector.broadcast %shift_right_arithmetic3A_431 : i32 to vector<16xi32>
      %shift_right_arithmetic3A_433 = arith.shrsi %bitcast_convert_type3A_427, %shift_right_arithmetic3A_432 : vector<16xi32>
      %and3A_434 = arith.constant 1 : i32
      %and3A_435 = vector.broadcast %and3A_434 : i32 to vector<16xi32>
      %and3A_436 = arith.andi %shift_right_arithmetic3A_433, %and3A_435 : vector<16xi32>
      %add3A_437 = arith.addi %add3A_430, %and3A_436 : vector<16xi32>
      %and3A_438 = arith.constant -65536 : i32
      %and3A_439 = vector.broadcast %and3A_438 : i32 to vector<16xi32>
      %and3A_440 = arith.andi %add3A_437, %and3A_439 : vector<16xi32>
      %bitcast_convert_type3A_441 = tpu.bitcast %and3A_440 : vector<16xi32> -> vector<16xf32>
      %slice3A_442 = vector.extract_strided_slice %get3A_5 {offsets = [4], sizes = [1], strides = [1]} : vector<16xf32> to vector<1xf32>
      %squeeze3A_443 = vector.extract %slice3A_442[0] : f32 from vector<1xf32>
      %mul3A_444 = vector.broadcast %squeeze3A_443 : f32 to vector<16xf32>
      %mul3A_445 = arith.mulf %mul3A_444, %bitcast_convert_type3A_426 : vector<16xf32>
      %add3A_446 = arith.addf %add3A_377, %mul3A_445 : vector<16xf32>
      %slice3A_447 = vector.extract_strided_slice %get3A_5 {offsets = [5], sizes = [1], strides = [1]} : vector<16xf32> to vector<1xf32>
      %squeeze3A_448 = vector.extract %slice3A_447[0] : f32 from vector<1xf32>
      %mul3A_449 = vector.broadcast %squeeze3A_448 : f32 to vector<16xf32>
      %mul3A_450 = arith.mulf %mul3A_449, %bitcast_convert_type3A_441 : vector<16xf32>
      %add3A_451 = arith.addf %add3A_446, %mul3A_450 : vector<16xf32>
      %slice3A_452 = vector.extract_strided_slice %get3A_8 {offsets = [4], sizes = [1], strides = [1]} : vector<16xf32> to vector<1xf32>
      %squeeze3A_453 = vector.extract %slice3A_452[0] : f32 from vector<1xf32>
      %mul3A_454 = vector.broadcast %squeeze3A_453 : f32 to vector<16xf32>
      %mul3A_455 = arith.mulf %mul3A_454, %bitcast_convert_type3A_426 : vector<16xf32>
      %add3A_456 = arith.addf %add3A_387, %mul3A_455 : vector<16xf32>
      %slice3A_457 = vector.extract_strided_slice %get3A_8 {offsets = [5], sizes = [1], strides = [1]} : vector<16xf32> to vector<1xf32>
      %squeeze3A_458 = vector.extract %slice3A_457[0] : f32 from vector<1xf32>
      %mul3A_459 = vector.broadcast %squeeze3A_458 : f32 to vector<16xf32>
      %mul3A_460 = arith.mulf %mul3A_459, %bitcast_convert_type3A_441 : vector<16xf32>
      %add3A_461 = arith.addf %add3A_456, %mul3A_460 : vector<16xf32>
      %add3A_462 = arith.constant 0 : i32
      %add3A_463 = arith.addi %add3A_462, %select_n3A_197 : i32
      %mul3A_464 = arith.constant 8 : i32
      %mul3A_465 = arith.muli %add3A_463, %mul3A_464 : i32
      %add3A_466 = arith.constant 6 : i32
      %add3A_467 = arith.addi %mul3A_465, %add3A_466 : i32
      %mul3A_468 = arith.constant 128 : i32
      %mul3A_469 = arith.muli %add3A_467, %mul3A_468 : i32
      %add3A_470 = arith.addi %mul3A_469, %mul3A_213 : i32
      %get3A_471 = arith.index_cast %add3A_470 : i32 to index
      %get3A_472 = tpu.vector_load %arg12[%get3A_471] {strides = array<i32>} : memref<32768xf32, #tpu.memory_space<vmem>>, vector<16xf32>,
      %get3A_473 = vector.shape_cast %get3A_472 : vector<16xf32> to vector<16xf32>
      %add3A_474 = arith.constant 0 : i32
      %add3A_475 = arith.addi %add3A_474, %select_n3A_197 : i32
      %mul3A_476 = arith.constant 8 : i32
      %mul3A_477 = arith.muli %add3A_475, %mul3A_476 : i32
      %add3A_478 = arith.constant 7 : i32
      %add3A_479 = arith.addi %mul3A_477, %add3A_478 : i32
      %mul3A_480 = arith.constant 128 : i32
      %mul3A_481 = arith.muli %add3A_479, %mul3A_480 : i32
      %add3A_482 = arith.addi %mul3A_481, %mul3A_213 : i32
      %get3A_483 = arith.index_cast %add3A_482 : i32 to index
      %get3A_484 = tpu.vector_load %arg12[%get3A_483] {strides = array<i32>} : memref<32768xf32, #tpu.memory_space<vmem>>, vector<16xf32>,
      %get3A_485 = vector.shape_cast %get3A_484 : vector<16xf32> to vector<16xf32>
      %bitcast_convert_type3A_486 = tpu.bitcast %get3A_473 : vector<16xf32> -> vector<16xi32>
      %add3A_487 = arith.constant 32767 : i32
      %add3A_488 = vector.broadcast %add3A_487 : i32 to vector<16xi32>
      %add3A_489 = arith.addi %bitcast_convert_type3A_486, %add3A_488 : vector<16xi32>
      %shift_right_arithmetic3A_490 = arith.constant 16 : i32
      %shift_right_arithmetic3A_491 = vector.broadcast %shift_right_arithmetic3A_490 : i32 to vector<16xi32>
      %shift_right_arithmetic3A_492 = arith.shrsi %bitcast_convert_type3A_486, %shift_right_arithmetic3A_491 : vector<16xi32>
      %and3A_493 = arith.constant 1 : i32
      %and3A_494 = vector.broadcast %and3A_493 : i32 to vector<16xi32>
      %and3A_495 = arith.andi %shift_right_arithmetic3A_492, %and3A_494 : vector<16xi32>
      %add3A_496 = arith.addi %add3A_489, %and3A_495 : vector<16xi32>
      %and3A_497 = arith.constant -65536 : i32
      %and3A_498 = vector.broadcast %and3A_497 : i32 to vector<16xi32>
      %and3A_499 = arith.andi %add3A_496, %and3A_498 : vector<16xi32>
      %bitcast_convert_type3A_500 = tpu.bitcast %and3A_499 : vector<16xi32> -> vector<16xf32>
      %bitcast_convert_type3A_501 = tpu.bitcast %get3A_485 : vector<16xf32> -> vector<16xi32>
      %add3A_502 = arith.constant 32767 : i32
      %add3A_503 = vector.broadcast %add3A_502 : i32 to vector<16xi32>
      %add3A_504 = arith.addi %bitcast_convert_type3A_501, %add3A_503 : vector<16xi32>
      %shift_right_arithmetic3A_505 = arith.constant 16 : i32
      %shift_right_arithmetic3A_506 = vector.broadcast %shift_right_arithmetic3A_505 : i32 to vector<16xi32>
      %shift_right_arithmetic3A_507 = arith.shrsi %bitcast_convert_type3A_501, %shift_right_arithmetic3A_506 : vector<16xi32>
      %and3A_508 = arith.constant 1 : i32
      %and3A_509 = vector.broadcast %and3A_508 : i32 to vector<16xi32>
      %and3A_510 = arith.andi %shift_right_arithmetic3A_507, %and3A_509 : vector<16xi32>
      %add3A_511 = arith.addi %add3A_504, %and3A_510 : vector<16xi32>
      %and3A_512 = arith.constant -65536 : i32
      %and3A_513 = vector.broadcast %and3A_512 : i32 to vector<16xi32>
      %and3A_514 = arith.andi %add3A_511, %and3A_513 : vector<16xi32>
      %bitcast_convert_type3A_515 = tpu.bitcast %and3A_514 : vector<16xi32> -> vector<16xf32>
      %slice3A_516 = vector.extract_strided_slice %get3A_5 {offsets = [6], sizes = [1], strides = [1]} : vector<16xf32> to vector<1xf32>
      %squeeze3A_517 = vector.extract %slice3A_516[0] : f32 from vector<1xf32>
      %mul3A_518 = vector.broadcast %squeeze3A_517 : f32 to vector<16xf32>
      %mul3A_519 = arith.mulf %mul3A_518, %bitcast_convert_type3A_500 : vector<16xf32>
      %add3A_520 = arith.addf %add3A_451, %mul3A_519 : vector<16xf32>
      %slice3A_521 = vector.extract_strided_slice %get3A_5 {offsets = [7], sizes = [1], strides = [1]} : vector<16xf32> to vector<1xf32>
      %squeeze3A_522 = vector.extract %slice3A_521[0] : f32 from vector<1xf32>
      %mul3A_523 = vector.broadcast %squeeze3A_522 : f32 to vector<16xf32>
      %mul3A_524 = arith.mulf %mul3A_523, %bitcast_convert_type3A_515 : vector<16xf32>
      %add3A_525 = arith.addf %add3A_520, %mul3A_524 : vector<16xf32>
      %slice3A_526 = vector.extract_strided_slice %get3A_8 {offsets = [6], sizes = [1], strides = [1]} : vector<16xf32> to vector<1xf32>
      %squeeze3A_527 = vector.extract %slice3A_526[0] : f32 from vector<1xf32>
      %mul3A_528 = vector.broadcast %squeeze3A_527 : f32 to vector<16xf32>
      %mul3A_529 = arith.mulf %mul3A_528, %bitcast_convert_type3A_500 : vector<16xf32>
      %add3A_530 = arith.addf %add3A_461, %mul3A_529 : vector<16xf32>
      %slice3A_531 = vector.extract_strided_slice %get3A_8 {offsets = [7], sizes = [1], strides = [1]} : vector<16xf32> to vector<1xf32>
      %squeeze3A_532 = vector.extract %slice3A_531[0] : f32 from vector<1xf32>
      %mul3A_533 = vector.broadcast %squeeze3A_532 : f32 to vector<16xf32>
      %mul3A_534 = arith.mulf %mul3A_533, %bitcast_convert_type3A_515 : vector<16xf32>
      %add3A_535 = arith.addf %add3A_530, %mul3A_534 : vector<16xf32>
      %add3A_536 = arith.constant 16 : i32
      %add3A_537 = arith.addi %add3A_536, %select_n3A_197 : i32
      %mul3A_538 = arith.constant 8 : i32
      %mul3A_539 = arith.muli %add3A_537, %mul3A_538 : i32
      %add3A_540 = arith.constant 0 : i32
      %add3A_541 = arith.addi %mul3A_539, %add3A_540 : i32
      %mul3A_542 = arith.constant 128 : i32
      %mul3A_543 = arith.muli %add3A_541, %mul3A_542 : i32
      %add3A_544 = arith.addi %mul3A_543, %mul3A_213 : i32
      %get3A_545 = arith.index_cast %add3A_544 : i32 to index
      %get3A_546 = tpu.vector_load %arg12[%get3A_545] {strides = array<i32>} : memref<32768xf32, #tpu.memory_space<vmem>>, vector<16xf32>,
      %get3A_547 = vector.shape_cast %get3A_546 : vector<16xf32> to vector<16xf32>
      %add3A_548 = arith.constant 16 : i32
      %add3A_549 = arith.addi %add3A_548, %select_n3A_197 : i32
      %mul3A_550 = arith.constant 8 : i32
      %mul3A_551 = arith.muli %add3A_549, %mul3A_550 : i32
      %add3A_552 = arith.constant 1 : i32
      %add3A_553 = arith.addi %mul3A_551, %add3A_552 : i32
      %mul3A_554 = arith.constant 128 : i32
      %mul3A_555 = arith.muli %add3A_553, %mul3A_554 : i32
      %add3A_556 = arith.addi %mul3A_555, %mul3A_213 : i32
      %get3A_557 = arith.index_cast %add3A_556 : i32 to index
      %get3A_558 = tpu.vector_load %arg12[%get3A_557] {strides = array<i32>} : memref<32768xf32, #tpu.memory_space<vmem>>, vector<16xf32>,
      %get3A_559 = vector.shape_cast %get3A_558 : vector<16xf32> to vector<16xf32>
      %bitcast_convert_type3A_560 = tpu.bitcast %get3A_547 : vector<16xf32> -> vector<16xi32>
      %add3A_561 = arith.constant 32767 : i32
      %add3A_562 = vector.broadcast %add3A_561 : i32 to vector<16xi32>
      %add3A_563 = arith.addi %bitcast_convert_type3A_560, %add3A_562 : vector<16xi32>
      %shift_right_arithmetic3A_564 = arith.constant 16 : i32
      %shift_right_arithmetic3A_565 = vector.broadcast %shift_right_arithmetic3A_564 : i32 to vector<16xi32>
      %shift_right_arithmetic3A_566 = arith.shrsi %bitcast_convert_type3A_560, %shift_right_arithmetic3A_565 : vector<16xi32>
      %and3A_567 = arith.constant 1 : i32
      %and3A_568 = vector.broadcast %and3A_567 : i32 to vector<16xi32>
      %and3A_569 = arith.andi %shift_right_arithmetic3A_566, %and3A_568 : vector<16xi32>
      %add3A_570 = arith.addi %add3A_563, %and3A_569 : vector<16xi32>
      %and3A_571 = arith.constant -65536 : i32
      %and3A_572 = vector.broadcast %and3A_571 : i32 to vector<16xi32>
      %and3A_573 = arith.andi %add3A_570, %and3A_572 : vector<16xi32>
      %bitcast_convert_type3A_574 = tpu.bitcast %and3A_573 : vector<16xi32> -> vector<16xf32>
      %bitcast_convert_type3A_575 = tpu.bitcast %get3A_559 : vector<16xf32> -> vector<16xi32>
      %add3A_576 = arith.constant 32767 : i32
      %add3A_577 = vector.broadcast %add3A_576 : i32 to vector<16xi32>
      %add3A_578 = arith.addi %bitcast_convert_type3A_575, %add3A_577 : vector<16xi32>
      %shift_right_arithmetic3A_579 = arith.constant 16 : i32
      %shift_right_arithmetic3A_580 = vector.broadcast %shift_right_arithmetic3A_579 : i32 to vector<16xi32>
      %shift_right_arithmetic3A_581 = arith.shrsi %bitcast_convert_type3A_575, %shift_right_arithmetic3A_580 : vector<16xi32>
      %and3A_582 = arith.constant 1 : i32
      %and3A_583 = vector.broadcast %and3A_582 : i32 to vector<16xi32>
      %and3A_584 = arith.andi %shift_right_arithmetic3A_581, %and3A_583 : vector<16xi32>
      %add3A_585 = arith.addi %add3A_578, %and3A_584 : vector<16xi32>
      %and3A_586 = arith.constant -65536 : i32
      %and3A_587 = vector.broadcast %and3A_586 : i32 to vector<16xi32>
      %and3A_588 = arith.andi %add3A_585, %and3A_587 : vector<16xi32>
      %bitcast_convert_type3A_589 = tpu.bitcast %and3A_588 : vector<16xi32> -> vector<16xf32>
      %slice3A_590 = vector.extract_strided_slice %get3A_5 {offsets = [8], sizes = [1], strides = [1]} : vector<16xf32> to vector<1xf32>
      %squeeze3A_591 = vector.extract %slice3A_590[0] : f32 from vector<1xf32>
      %mul3A_592 = vector.broadcast %squeeze3A_591 : f32 to vector<16xf32>
      %mul3A_593 = arith.mulf %mul3A_592, %bitcast_convert_type3A_574 : vector<16xf32>
      %add3A_594 = arith.addf %add3A_525, %mul3A_593 : vector<16xf32>
      %slice3A_595 = vector.extract_strided_slice %get3A_5 {offsets = [9], sizes = [1], strides = [1]} : vector<16xf32> to vector<1xf32>
      %squeeze3A_596 = vector.extract %slice3A_595[0] : f32 from vector<1xf32>
      %mul3A_597 = vector.broadcast %squeeze3A_596 : f32 to vector<16xf32>
      %mul3A_598 = arith.mulf %mul3A_597, %bitcast_convert_type3A_589 : vector<16xf32>
      %add3A_599 = arith.addf %add3A_594, %mul3A_598 : vector<16xf32>
      %slice3A_600 = vector.extract_strided_slice %get3A_8 {offsets = [8], sizes = [1], strides = [1]} : vector<16xf32> to vector<1xf32>
      %squeeze3A_601 = vector.extract %slice3A_600[0] : f32 from vector<1xf32>
      %mul3A_602 = vector.broadcast %squeeze3A_601 : f32 to vector<16xf32>
      %mul3A_603 = arith.mulf %mul3A_602, %bitcast_convert_type3A_574 : vector<16xf32>
      %add3A_604 = arith.addf %add3A_535, %mul3A_603 : vector<16xf32>
      %slice3A_605 = vector.extract_strided_slice %get3A_8 {offsets = [9], sizes = [1], strides = [1]} : vector<16xf32> to vector<1xf32>
      %squeeze3A_606 = vector.extract %slice3A_605[0] : f32 from vector<1xf32>
      %mul3A_607 = vector.broadcast %squeeze3A_606 : f32 to vector<16xf32>
      %mul3A_608 = arith.mulf %mul3A_607, %bitcast_convert_type3A_589 : vector<16xf32>
      %add3A_609 = arith.addf %add3A_604, %mul3A_608 : vector<16xf32>
      %add3A_610 = arith.constant 16 : i32
      %add3A_611 = arith.addi %add3A_610, %select_n3A_197 : i32
      %mul3A_612 = arith.constant 8 : i32
      %mul3A_613 = arith.muli %add3A_611, %mul3A_612 : i32
      %add3A_614 = arith.constant 2 : i32
      %add3A_615 = arith.addi %mul3A_613, %add3A_614 : i32
      %mul3A_616 = arith.constant 128 : i32
      %mul3A_617 = arith.muli %add3A_615, %mul3A_616 : i32
      %add3A_618 = arith.addi %mul3A_617, %mul3A_213 : i32
      %get3A_619 = arith.index_cast %add3A_618 : i32 to index
      %get3A_620 = tpu.vector_load %arg12[%get3A_619] {strides = array<i32>} : memref<32768xf32, #tpu.memory_space<vmem>>, vector<16xf32>,
      %get3A_621 = vector.shape_cast %get3A_620 : vector<16xf32> to vector<16xf32>
      %add3A_622 = arith.constant 16 : i32
      %add3A_623 = arith.addi %add3A_622, %select_n3A_197 : i32
      %mul3A_624 = arith.constant 8 : i32
      %mul3A_625 = arith.muli %add3A_623, %mul3A_624 : i32
      %add3A_626 = arith.constant 3 : i32
      %add3A_627 = arith.addi %mul3A_625, %add3A_626 : i32
      %mul3A_628 = arith.constant 128 : i32
      %mul3A_629 = arith.muli %add3A_627, %mul3A_628 : i32
      %add3A_630 = arith.addi %mul3A_629, %mul3A_213 : i32
      %get3A_631 = arith.index_cast %add3A_630 : i32 to index
      %get3A_632 = tpu.vector_load %arg12[%get3A_631] {strides = array<i32>} : memref<32768xf32, #tpu.memory_space<vmem>>, vector<16xf32>,
      %get3A_633 = vector.shape_cast %get3A_632 : vector<16xf32> to vector<16xf32>
      %bitcast_convert_type3A_634 = tpu.bitcast %get3A_621 : vector<16xf32> -> vector<16xi32>
      %add3A_635 = arith.constant 32767 : i32
      %add3A_636 = vector.broadcast %add3A_635 : i32 to vector<16xi32>
      %add3A_637 = arith.addi %bitcast_convert_type3A_634, %add3A_636 : vector<16xi32>
      %shift_right_arithmetic3A_638 = arith.constant 16 : i32
      %shift_right_arithmetic3A_639 = vector.broadcast %shift_right_arithmetic3A_638 : i32 to vector<16xi32>
      %shift_right_arithmetic3A_640 = arith.shrsi %bitcast_convert_type3A_634, %shift_right_arithmetic3A_639 : vector<16xi32>
      %and3A_641 = arith.constant 1 : i32
      %and3A_642 = vector.broadcast %and3A_641 : i32 to vector<16xi32>
      %and3A_643 = arith.andi %shift_right_arithmetic3A_640, %and3A_642 : vector<16xi32>
      %add3A_644 = arith.addi %add3A_637, %and3A_643 : vector<16xi32>
      %and3A_645 = arith.constant -65536 : i32
      %and3A_646 = vector.broadcast %and3A_645 : i32 to vector<16xi32>
      %and3A_647 = arith.andi %add3A_644, %and3A_646 : vector<16xi32>
      %bitcast_convert_type3A_648 = tpu.bitcast %and3A_647 : vector<16xi32> -> vector<16xf32>
      %bitcast_convert_type3A_649 = tpu.bitcast %get3A_633 : vector<16xf32> -> vector<16xi32>
      %add3A_650 = arith.constant 32767 : i32
      %add3A_651 = vector.broadcast %add3A_650 : i32 to vector<16xi32>
      %add3A_652 = arith.addi %bitcast_convert_type3A_649, %add3A_651 : vector<16xi32>
      %shift_right_arithmetic3A_653 = arith.constant 16 : i32
      %shift_right_arithmetic3A_654 = vector.broadcast %shift_right_arithmetic3A_653 : i32 to vector<16xi32>
      %shift_right_arithmetic3A_655 = arith.shrsi %bitcast_convert_type3A_649, %shift_right_arithmetic3A_654 : vector<16xi32>
      %and3A_656 = arith.constant 1 : i32
      %and3A_657 = vector.broadcast %and3A_656 : i32 to vector<16xi32>
      %and3A_658 = arith.andi %shift_right_arithmetic3A_655, %and3A_657 : vector<16xi32>
      %add3A_659 = arith.addi %add3A_652, %and3A_658 : vector<16xi32>
      %and3A_660 = arith.constant -65536 : i32
      %and3A_661 = vector.broadcast %and3A_660 : i32 to vector<16xi32>
      %and3A_662 = arith.andi %add3A_659, %and3A_661 : vector<16xi32>
      %bitcast_convert_type3A_663 = tpu.bitcast %and3A_662 : vector<16xi32> -> vector<16xf32>
      %slice3A_664 = vector.extract_strided_slice %get3A_5 {offsets = [10], sizes = [1], strides = [1]} : vector<16xf32> to vector<1xf32>
      %squeeze3A_665 = vector.extract %slice3A_664[0] : f32 from vector<1xf32>
      %mul3A_666 = vector.broadcast %squeeze3A_665 : f32 to vector<16xf32>
      %mul3A_667 = arith.mulf %mul3A_666, %bitcast_convert_type3A_648 : vector<16xf32>
      %add3A_668 = arith.addf %add3A_599, %mul3A_667 : vector<16xf32>
      %slice3A_669 = vector.extract_strided_slice %get3A_5 {offsets = [11], sizes = [1], strides = [1]} : vector<16xf32> to vector<1xf32>
      %squeeze3A_670 = vector.extract %slice3A_669[0] : f32 from vector<1xf32>
      %mul3A_671 = vector.broadcast %squeeze3A_670 : f32 to vector<16xf32>
      %mul3A_672 = arith.mulf %mul3A_671, %bitcast_convert_type3A_663 : vector<16xf32>
      %add3A_673 = arith.addf %add3A_668, %mul3A_672 : vector<16xf32>
      %slice3A_674 = vector.extract_strided_slice %get3A_8 {offsets = [10], sizes = [1], strides = [1]} : vector<16xf32> to vector<1xf32>
      %squeeze3A_675 = vector.extract %slice3A_674[0] : f32 from vector<1xf32>
      %mul3A_676 = vector.broadcast %squeeze3A_675 : f32 to vector<16xf32>
      %mul3A_677 = arith.mulf %mul3A_676, %bitcast_convert_type3A_648 : vector<16xf32>
      %add3A_678 = arith.addf %add3A_609, %mul3A_677 : vector<16xf32>
      %slice3A_679 = vector.extract_strided_slice %get3A_8 {offsets = [11], sizes = [1], strides = [1]} : vector<16xf32> to vector<1xf32>
      %squeeze3A_680 = vector.extract %slice3A_679[0] : f32 from vector<1xf32>
      %mul3A_681 = vector.broadcast %squeeze3A_680 : f32 to vector<16xf32>
      %mul3A_682 = arith.mulf %mul3A_681, %bitcast_convert_type3A_663 : vector<16xf32>
      %add3A_683 = arith.addf %add3A_678, %mul3A_682 : vector<16xf32>
      %add3A_684 = arith.constant 16 : i32
      %add3A_685 = arith.addi %add3A_684, %select_n3A_197 : i32
      %mul3A_686 = arith.constant 8 : i32
      %mul3A_687 = arith.muli %add3A_685, %mul3A_686 : i32
      %add3A_688 = arith.constant 4 : i32
      %add3A_689 = arith.addi %mul3A_687, %add3A_688 : i32
      %mul3A_690 = arith.constant 128 : i32
      %mul3A_691 = arith.muli %add3A_689, %mul3A_690 : i32
      %add3A_692 = arith.addi %mul3A_691, %mul3A_213 : i32
      %get3A_693 = arith.index_cast %add3A_692 : i32 to index
      %get3A_694 = tpu.vector_load %arg12[%get3A_693] {strides = array<i32>} : memref<32768xf32, #tpu.memory_space<vmem>>, vector<16xf32>,
      %get3A_695 = vector.shape_cast %get3A_694 : vector<16xf32> to vector<16xf32>
      %add3A_696 = arith.constant 16 : i32
      %add3A_697 = arith.addi %add3A_696, %select_n3A_197 : i32
      %mul3A_698 = arith.constant 8 : i32
      %mul3A_699 = arith.muli %add3A_697, %mul3A_698 : i32
      %add3A_700 = arith.constant 5 : i32
      %add3A_701 = arith.addi %mul3A_699, %add3A_700 : i32
      %mul3A_702 = arith.constant 128 : i32
      %mul3A_703 = arith.muli %add3A_701, %mul3A_702 : i32
      %add3A_704 = arith.addi %mul3A_703, %mul3A_213 : i32
      %get3A_705 = arith.index_cast %add3A_704 : i32 to index
      %get3A_706 = tpu.vector_load %arg12[%get3A_705] {strides = array<i32>} : memref<32768xf32, #tpu.memory_space<vmem>>, vector<16xf32>,
      %get3A_707 = vector.shape_cast %get3A_706 : vector<16xf32> to vector<16xf32>
      %bitcast_convert_type3A_708 = tpu.bitcast %get3A_695 : vector<16xf32> -> vector<16xi32>
      %add3A_709 = arith.constant 32767 : i32
      %add3A_710 = vector.broadcast %add3A_709 : i32 to vector<16xi32>
      %add3A_711 = arith.addi %bitcast_convert_type3A_708, %add3A_710 : vector<16xi32>
      %shift_right_arithmetic3A_712 = arith.constant 16 : i32
      %shift_right_arithmetic3A_713 = vector.broadcast %shift_right_arithmetic3A_712 : i32 to vector<16xi32>
      %shift_right_arithmetic3A_714 = arith.shrsi %bitcast_convert_type3A_708, %shift_right_arithmetic3A_713 : vector<16xi32>
      %and3A_715 = arith.constant 1 : i32
      %and3A_716 = vector.broadcast %and3A_715 : i32 to vector<16xi32>
      %and3A_717 = arith.andi %shift_right_arithmetic3A_714, %and3A_716 : vector<16xi32>
      %add3A_718 = arith.addi %add3A_711, %and3A_717 : vector<16xi32>
      %and3A_719 = arith.constant -65536 : i32
      %and3A_720 = vector.broadcast %and3A_719 : i32 to vector<16xi32>
      %and3A_721 = arith.andi %add3A_718, %and3A_720 : vector<16xi32>
      %bitcast_convert_type3A_722 = tpu.bitcast %and3A_721 : vector<16xi32> -> vector<16xf32>
      %bitcast_convert_type3A_723 = tpu.bitcast %get3A_707 : vector<16xf32> -> vector<16xi32>
      %add3A_724 = arith.constant 32767 : i32
      %add3A_725 = vector.broadcast %add3A_724 : i32 to vector<16xi32>
      %add3A_726 = arith.addi %bitcast_convert_type3A_723, %add3A_725 : vector<16xi32>
      %shift_right_arithmetic3A_727 = arith.constant 16 : i32
      %shift_right_arithmetic3A_728 = vector.broadcast %shift_right_arithmetic3A_727 : i32 to vector<16xi32>
      %shift_right_arithmetic3A_729 = arith.shrsi %bitcast_convert_type3A_723, %shift_right_arithmetic3A_728 : vector<16xi32>
      %and3A_730 = arith.constant 1 : i32
      %and3A_731 = vector.broadcast %and3A_730 : i32 to vector<16xi32>
      %and3A_732 = arith.andi %shift_right_arithmetic3A_729, %and3A_731 : vector<16xi32>
      %add3A_733 = arith.addi %add3A_726, %and3A_732 : vector<16xi32>
      %and3A_734 = arith.constant -65536 : i32
      %and3A_735 = vector.broadcast %and3A_734 : i32 to vector<16xi32>
      %and3A_736 = arith.andi %add3A_733, %and3A_735 : vector<16xi32>
      %bitcast_convert_type3A_737 = tpu.bitcast %and3A_736 : vector<16xi32> -> vector<16xf32>
      %slice3A_738 = vector.extract_strided_slice %get3A_5 {offsets = [12], sizes = [1], strides = [1]} : vector<16xf32> to vector<1xf32>
      %squeeze3A_739 = vector.extract %slice3A_738[0] : f32 from vector<1xf32>
      %mul3A_740 = vector.broadcast %squeeze3A_739 : f32 to vector<16xf32>
      %mul3A_741 = arith.mulf %mul3A_740, %bitcast_convert_type3A_722 : vector<16xf32>
      %add3A_742 = arith.addf %add3A_673, %mul3A_741 : vector<16xf32>
      %slice3A_743 = vector.extract_strided_slice %get3A_5 {offsets = [13], sizes = [1], strides = [1]} : vector<16xf32> to vector<1xf32>
      %squeeze3A_744 = vector.extract %slice3A_743[0] : f32 from vector<1xf32>
      %mul3A_745 = vector.broadcast %squeeze3A_744 : f32 to vector<16xf32>
      %mul3A_746 = arith.mulf %mul3A_745, %bitcast_convert_type3A_737 : vector<16xf32>
      %add3A_747 = arith.addf %add3A_742, %mul3A_746 : vector<16xf32>
      %slice3A_748 = vector.extract_strided_slice %get3A_8 {offsets = [12], sizes = [1], strides = [1]} : vector<16xf32> to vector<1xf32>
      %squeeze3A_749 = vector.extract %slice3A_748[0] : f32 from vector<1xf32>
      %mul3A_750 = vector.broadcast %squeeze3A_749 : f32 to vector<16xf32>
      %mul3A_751 = arith.mulf %mul3A_750, %bitcast_convert_type3A_722 : vector<16xf32>
      %add3A_752 = arith.addf %add3A_683, %mul3A_751 : vector<16xf32>
      %slice3A_753 = vector.extract_strided_slice %get3A_8 {offsets = [13], sizes = [1], strides = [1]} : vector<16xf32> to vector<1xf32>
      %squeeze3A_754 = vector.extract %slice3A_753[0] : f32 from vector<1xf32>
      %mul3A_755 = vector.broadcast %squeeze3A_754 : f32 to vector<16xf32>
      %mul3A_756 = arith.mulf %mul3A_755, %bitcast_convert_type3A_737 : vector<16xf32>
      %add3A_757 = arith.addf %add3A_752, %mul3A_756 : vector<16xf32>
      %add3A_758 = arith.constant 16 : i32
      %add3A_759 = arith.addi %add3A_758, %select_n3A_197 : i32
      %mul3A_760 = arith.constant 8 : i32
      %mul3A_761 = arith.muli %add3A_759, %mul3A_760 : i32
      %add3A_762 = arith.constant 6 : i32
      %add3A_763 = arith.addi %mul3A_761, %add3A_762 : i32
      %mul3A_764 = arith.constant 128 : i32
      %mul3A_765 = arith.muli %add3A_763, %mul3A_764 : i32
      %add3A_766 = arith.addi %mul3A_765, %mul3A_213 : i32
      %get3A_767 = arith.index_cast %add3A_766 : i32 to index
      %get3A_768 = tpu.vector_load %arg12[%get3A_767] {strides = array<i32>} : memref<32768xf32, #tpu.memory_space<vmem>>, vector<16xf32>,
      %get3A_769 = vector.shape_cast %get3A_768 : vector<16xf32> to vector<16xf32>
      %add3A_770 = arith.constant 16 : i32
      %add3A_771 = arith.addi %add3A_770, %select_n3A_197 : i32
      %mul3A_772 = arith.constant 8 : i32
      %mul3A_773 = arith.muli %add3A_771, %mul3A_772 : i32
      %add3A_774 = arith.constant 7 : i32
      %add3A_775 = arith.addi %mul3A_773, %add3A_774 : i32
      %mul3A_776 = arith.constant 128 : i32
      %mul3A_777 = arith.muli %add3A_775, %mul3A_776 : i32
      %add3A_778 = arith.addi %mul3A_777, %mul3A_213 : i32
      %get3A_779 = arith.index_cast %add3A_778 : i32 to index
      %get3A_780 = tpu.vector_load %arg12[%get3A_779] {strides = array<i32>} : memref<32768xf32, #tpu.memory_space<vmem>>, vector<16xf32>,
      %get3A_781 = vector.shape_cast %get3A_780 : vector<16xf32> to vector<16xf32>
      %bitcast_convert_type3A_782 = tpu.bitcast %get3A_769 : vector<16xf32> -> vector<16xi32>
      %add3A_783 = arith.constant 32767 : i32
      %add3A_784 = vector.broadcast %add3A_783 : i32 to vector<16xi32>
      %add3A_785 = arith.addi %bitcast_convert_type3A_782, %add3A_784 : vector<16xi32>
      %shift_right_arithmetic3A_786 = arith.constant 16 : i32
      %shift_right_arithmetic3A_787 = vector.broadcast %shift_right_arithmetic3A_786 : i32 to vector<16xi32>
      %shift_right_arithmetic3A_788 = arith.shrsi %bitcast_convert_type3A_782, %shift_right_arithmetic3A_787 : vector<16xi32>
      %and3A_789 = arith.constant 1 : i32
      %and3A_790 = vector.broadcast %and3A_789 : i32 to vector<16xi32>
      %and3A_791 = arith.andi %shift_right_arithmetic3A_788, %and3A_790 : vector<16xi32>
      %add3A_792 = arith.addi %add3A_785, %and3A_791 : vector<16xi32>
      %and3A_793 = arith.constant -65536 : i32
      %and3A_794 = vector.broadcast %and3A_793 : i32 to vector<16xi32>
      %and3A_795 = arith.andi %add3A_792, %and3A_794 : vector<16xi32>
      %bitcast_convert_type3A_796 = tpu.bitcast %and3A_795 : vector<16xi32> -> vector<16xf32>
      %bitcast_convert_type3A_797 = tpu.bitcast %get3A_781 : vector<16xf32> -> vector<16xi32>
      %add3A_798 = arith.constant 32767 : i32
      %add3A_799 = vector.broadcast %add3A_798 : i32 to vector<16xi32>
      %add3A_800 = arith.addi %bitcast_convert_type3A_797, %add3A_799 : vector<16xi32>
      %shift_right_arithmetic3A_801 = arith.constant 16 : i32
      %shift_right_arithmetic3A_802 = vector.broadcast %shift_right_arithmetic3A_801 : i32 to vector<16xi32>
      %shift_right_arithmetic3A_803 = arith.shrsi %bitcast_convert_type3A_797, %shift_right_arithmetic3A_802 : vector<16xi32>
      %and3A_804 = arith.constant 1 : i32
      %and3A_805 = vector.broadcast %and3A_804 : i32 to vector<16xi32>
      %and3A_806 = arith.andi %shift_right_arithmetic3A_803, %and3A_805 : vector<16xi32>
      %add3A_807 = arith.addi %add3A_800, %and3A_806 : vector<16xi32>
      %and3A_808 = arith.constant -65536 : i32
      %and3A_809 = vector.broadcast %and3A_808 : i32 to vector<16xi32>
      %and3A_810 = arith.andi %add3A_807, %and3A_809 : vector<16xi32>
      %bitcast_convert_type3A_811 = tpu.bitcast %and3A_810 : vector<16xi32> -> vector<16xf32>
      %slice3A_812 = vector.extract_strided_slice %get3A_5 {offsets = [14], sizes = [1], strides = [1]} : vector<16xf32> to vector<1xf32>
      %squeeze3A_813 = vector.extract %slice3A_812[0] : f32 from vector<1xf32>
      %mul3A_814 = vector.broadcast %squeeze3A_813 : f32 to vector<16xf32>
      %mul3A_815 = arith.mulf %mul3A_814, %bitcast_convert_type3A_796 : vector<16xf32>
      %add3A_816 = arith.addf %add3A_747, %mul3A_815 : vector<16xf32>
      %slice3A_817 = vector.extract_strided_slice %get3A_5 {offsets = [15], sizes = [1], strides = [1]} : vector<16xf32> to vector<1xf32>
      %squeeze3A_818 = vector.extract %slice3A_817[0] : f32 from vector<1xf32>
      %mul3A_819 = vector.broadcast %squeeze3A_818 : f32 to vector<16xf32>
      %mul3A_820 = arith.mulf %mul3A_819, %bitcast_convert_type3A_811 : vector<16xf32>
      %add3A_821 = arith.addf %add3A_816, %mul3A_820 : vector<16xf32>
      %slice3A_822 = vector.extract_strided_slice %get3A_8 {offsets = [14], sizes = [1], strides = [1]} : vector<16xf32> to vector<1xf32>
      %squeeze3A_823 = vector.extract %slice3A_822[0] : f32 from vector<1xf32>
      %mul3A_824 = vector.broadcast %squeeze3A_823 : f32 to vector<16xf32>
      %mul3A_825 = arith.mulf %mul3A_824, %bitcast_convert_type3A_796 : vector<16xf32>
      %add3A_826 = arith.addf %add3A_757, %mul3A_825 : vector<16xf32>
      %slice3A_827 = vector.extract_strided_slice %get3A_8 {offsets = [15], sizes = [1], strides = [1]} : vector<16xf32> to vector<1xf32>
      %squeeze3A_828 = vector.extract %slice3A_827[0] : f32 from vector<1xf32>
      %mul3A_829 = vector.broadcast %squeeze3A_828 : f32 to vector<16xf32>
      %mul3A_830 = arith.mulf %mul3A_829, %bitcast_convert_type3A_811 : vector<16xf32>
      %add3A_831 = arith.addf %add3A_826, %mul3A_830 : vector<16xf32>
      %mul3A_832 = arith.constant 0.318309873 : f32
      %mul3A_833 = vector.broadcast %mul3A_832 : f32 to vector<16xf32>
      %mul3A_834 = arith.mulf %add3A_821, %mul3A_833 : vector<16xf32>
      %ge3A = arith.constant 0.000000e+00 : f32
      %ge3A_835 = vector.broadcast %ge3A : f32 to vector<16xf32>
      %ge3A_836 = arith.cmpf oge, %mul3A_834, %ge3A_835 : vector<16xf32>
      %jit3A_837 = arith.constant 5.000000e-01 : f32
      %jit3A_838 = arith.constant -5.000000e-01 : f32
      %broadcast_in_dim3A = vector.broadcast %jit3A_837 : f32 to vector<16xf32>
      %broadcast_in_dim3A_839 = vector.broadcast %jit3A_838 : f32 to vector<16xf32>
      %select_n3A_840 = arith.select %ge3A_836, %broadcast_in_dim3A, %broadcast_in_dim3A_839 : vector<16xi1>, vector<16xf32>
      %add3A_841 = arith.addf %mul3A_834, %select_n3A_840 : vector<16xf32>
      %convert_element_type3A = arith.fptosi %add3A_841 : vector<16xf32> to vector<16xi32>
      %convert_element_type3A_842 = arith.sitofp %convert_element_type3A : vector<16xi32> to vector<16xf32>
      %and3A_843 = arith.constant 1 : i32
      %and3A_844 = vector.broadcast %and3A_843 : i32 to vector<16xi32>
      %and3A_845 = arith.andi %convert_element_type3A, %and3A_844 : vector<16xi32>
      %eq3A_846 = arith.constant 1 : i32
      %eq3A_847 = vector.broadcast %eq3A_846 : i32 to vector<16xi32>
      %eq3A_848 = arith.cmpi eq, %and3A_845, %eq3A_847 : vector<16xi32>
      %jit3A_849 = arith.constant -1.000000e+00 : f32
      %jit3A_850 = arith.constant 1.000000e+00 : f32
      %broadcast_in_dim3A_851 = vector.broadcast %jit3A_849 : f32 to vector<16xf32>
      %broadcast_in_dim3A_852 = vector.broadcast %jit3A_850 : f32 to vector<16xf32>
      %select_n3A_853 = arith.select %eq3A_848, %broadcast_in_dim3A_851, %broadcast_in_dim3A_852 : vector<16xi1>, vector<16xf32>
      %mul3A_854 = arith.constant 3.140625 : f32
      %mul3A_855 = vector.broadcast %mul3A_854 : f32 to vector<16xf32>
      %mul3A_856 = arith.mulf %convert_element_type3A_842, %mul3A_855 : vector<16xf32>
      %sub3A_857 = arith.subf %add3A_821, %mul3A_856 : vector<16xf32>
      %mul3A_858 = arith.constant 9.67653584E-4 : f32
      %mul3A_859 = vector.broadcast %mul3A_858 : f32 to vector<16xf32>
      %mul3A_860 = arith.mulf %convert_element_type3A_842, %mul3A_859 : vector<16xf32>
      %sub3A_861 = arith.subf %sub3A_857, %mul3A_860 : vector<16xf32>
      %mul3A_862 = arith.mulf %sub3A_861, %sub3A_861 : vector<16xf32>
      %mul3A_863 = arith.constant 2.75573188E-6 : f32
      %mul3A_864 = vector.broadcast %mul3A_863 : f32 to vector<16xf32>
      %mul3A_865 = arith.mulf %mul3A_862, %mul3A_864 : vector<16xf32>
      %add3A_866 = arith.constant -1.98412701E-4 : f32
      %add3A_867 = vector.broadcast %add3A_866 : f32 to vector<16xf32>
      %add3A_868 = arith.addf %add3A_867, %mul3A_865 : vector<16xf32>
      %mul3A_869 = arith.mulf %mul3A_862, %add3A_868 : vector<16xf32>
      %add3A_870 = arith.constant 0.00833333377 : f32
      %add3A_871 = vector.broadcast %add3A_870 : f32 to vector<16xf32>
      %add3A_872 = arith.addf %add3A_871, %mul3A_869 : vector<16xf32>
      %mul3A_873 = arith.mulf %mul3A_862, %add3A_872 : vector<16xf32>
      %add3A_874 = arith.constant -0.166666672 : f32
      %add3A_875 = vector.broadcast %add3A_874 : f32 to vector<16xf32>
      %add3A_876 = arith.addf %add3A_875, %mul3A_873 : vector<16xf32>
      %mul3A_877 = arith.mulf %mul3A_862, %add3A_876 : vector<16xf32>
      %add3A_878 = arith.constant 1.000000e+00 : f32
      %add3A_879 = vector.broadcast %add3A_878 : f32 to vector<16xf32>
      %add3A_880 = arith.addf %add3A_879, %mul3A_877 : vector<16xf32>
      %mul3A_881 = arith.mulf %sub3A_861, %add3A_880 : vector<16xf32>
      %mul3A_882 = arith.mulf %select_n3A_853, %mul3A_881 : vector<16xf32>
      %slice3A_883 = vector.extract_strided_slice %get3A_2 {offsets = [4], sizes = [1], strides = [1]} : vector<16xf32> to vector<1xf32>
      %squeeze3A_884 = vector.extract %slice3A_883[0] : f32 from vector<1xf32>
      %mul3A_885 = vector.broadcast %squeeze3A_884 : f32 to vector<16xf32>
      %mul3A_886 = arith.mulf %mul3A_885, %mul3A_882 : vector<16xf32>
      %add3A_887 = arith.addf %add3A_831, %mul3A_886 : vector<16xf32>
      %mul3A_888 = arith.constant -5.000000e-01 : f32
      %mul3A_889 = vector.broadcast %mul3A_888 : f32 to vector<16xf32>
      %mul3A_890 = arith.mulf %mul3A_889, %add3A_887 : vector<16xf32>
      %mul3A_891 = arith.mulf %mul3A_890, %add3A_887 : vector<16xf32>
      %exp3A = math.exp %mul3A_891 : vector<16xf32>
      %mul3A_892 = arith.constant 0.398942292 : f32
      %mul3A_893 = vector.broadcast %mul3A_892 : f32 to vector<16xf32>
      %mul3A_894 = arith.mulf %mul3A_893, %exp3A : vector<16xf32>
      %bitcast_convert_type3A_895 = tpu.bitcast %mul3A_882 : vector<16xf32> -> vector<16xi32>
      %add3A_896 = arith.constant 32767 : i32
      %add3A_897 = vector.broadcast %add3A_896 : i32 to vector<16xi32>
      %add3A_898 = arith.addi %bitcast_convert_type3A_895, %add3A_897 : vector<16xi32>
      %shift_right_arithmetic3A_899 = arith.constant 16 : i32
      %shift_right_arithmetic3A_900 = vector.broadcast %shift_right_arithmetic3A_899 : i32 to vector<16xi32>
      %shift_right_arithmetic3A_901 = arith.shrsi %bitcast_convert_type3A_895, %shift_right_arithmetic3A_900 : vector<16xi32>
      %and3A_902 = arith.constant 1 : i32
      %and3A_903 = vector.broadcast %and3A_902 : i32 to vector<16xi32>
      %and3A_904 = arith.andi %shift_right_arithmetic3A_901, %and3A_903 : vector<16xi32>
      %add3A_905 = arith.addi %add3A_898, %and3A_904 : vector<16xi32>
      %and3A_906 = arith.constant -65536 : i32
      %and3A_907 = vector.broadcast %and3A_906 : i32 to vector<16xi32>
      %and3A_908 = arith.andi %add3A_905, %and3A_907 : vector<16xi32>
      %bitcast_convert_type3A_909 = tpu.bitcast %and3A_908 : vector<16xi32> -> vector<16xf32>
      %bitcast_convert_type3A_910 = tpu.bitcast %mul3A_894 : vector<16xf32> -> vector<16xi32>
      %add3A_911 = arith.constant 32767 : i32
      %add3A_912 = vector.broadcast %add3A_911 : i32 to vector<16xi32>
      %add3A_913 = arith.addi %bitcast_convert_type3A_910, %add3A_912 : vector<16xi32>
      %shift_right_arithmetic3A_914 = arith.constant 16 : i32
      %shift_right_arithmetic3A_915 = vector.broadcast %shift_right_arithmetic3A_914 : i32 to vector<16xi32>
      %shift_right_arithmetic3A_916 = arith.shrsi %bitcast_convert_type3A_910, %shift_right_arithmetic3A_915 : vector<16xi32>
      %and3A_917 = arith.constant 1 : i32
      %and3A_918 = vector.broadcast %and3A_917 : i32 to vector<16xi32>
      %and3A_919 = arith.andi %shift_right_arithmetic3A_916, %and3A_918 : vector<16xi32>
      %add3A_920 = arith.addi %add3A_913, %and3A_919 : vector<16xi32>
      %and3A_921 = arith.constant -65536 : i32
      %and3A_922 = vector.broadcast %and3A_921 : i32 to vector<16xi32>
      %and3A_923 = arith.andi %add3A_920, %and3A_922 : vector<16xi32>
      %bitcast_convert_type3A_924 = tpu.bitcast %and3A_923 : vector<16xi32> -> vector<16xf32>
      %slice3A_925 = vector.extract_strided_slice %get3A_11 {offsets = [0], sizes = [1], strides = [1]} : vector<16xf32> to vector<1xf32>
      %squeeze3A_926 = vector.extract %slice3A_925[0] : f32 from vector<1xf32>
      %mul3A_927 = vector.broadcast %squeeze3A_926 : f32 to vector<16xf32>
      %mul3A_928 = arith.mulf %mul3A_927, %bitcast_convert_type3A_909 : vector<16xf32>
      %slice3A_929 = vector.extract_strided_slice %get3A_11 {offsets = [3], sizes = [1], strides = [1]} : vector<16xf32> to vector<1xf32>
      %squeeze3A_930 = vector.extract %slice3A_929[0] : f32 from vector<1xf32>
      %mul3A_931 = vector.broadcast %squeeze3A_930 : f32 to vector<16xf32>
      %mul3A_932 = arith.mulf %mul3A_931, %bitcast_convert_type3A_924 : vector<16xf32>
      %add3A_933 = arith.addf %mul3A_928, %mul3A_932 : vector<16xf32>
      %neg3A = arith.constant 0.000000e+00 : f32
      %neg3A_934 = vector.broadcast %neg3A : f32 to vector<16xf32>
      %neg3A_935 = arith.subf %neg3A_934, %add3A_933 : vector<16xf32>
      %exp3A_936 = math.exp %neg3A_935 : vector<16xf32>
      %add3A_937 = arith.constant 1.000000e+00 : f32
      %add3A_938 = vector.broadcast %add3A_937 : f32 to vector<16xf32>
      %add3A_939 = arith.addf %add3A_938, %exp3A_936 : vector<16xf32>
      %div3A_940 = arith.constant 1.000000e+00 : f32
      %div3A_941 = vector.broadcast %div3A_940 : f32 to vector<16xf32>
      %div3A_942 = arith.divf %div3A_941, %add3A_939 : vector<16xf32>
      %mul3A_943 = arith.constant 4 : i32
      %mul3A_944 = arith.muli %mul3A_943, %select_n3A_197 : i32
      %add3A_945 = arith.constant 0 : i32
      %add3A_946 = arith.addi %mul3A_944, %add3A_945 : i32
      %mul3A_947 = arith.constant 128 : i32
      %mul3A_948 = arith.muli %add3A_946, %mul3A_947 : i32
      %add3A_949 = arith.addi %mul3A_948, %mul3A_213 : i32
      %swap3A = arith.index_cast %add3A_949 : i32 to index
      %swap3A_950 = tpu.vector_load %arg13[%swap3A] {strides = array<i32>} : memref<8192xf32, #tpu.memory_space<vmem>>, vector<16xf32>,
      %swap3A_951 = vector.shape_cast %swap3A_950 : vector<16xf32> to vector<16xf32>
      %swap3A_952 = vector.shape_cast %div3A_942 : vector<16xf32> to vector<16xf32>
      tpu.vector_store %arg13[%swap3A], %swap3A_952 {strides = array<i32>} : memref<8192xf32, #tpu.memory_space<vmem>>, vector<16xf32>,
      %slice3A_953 = vector.extract_strided_slice %get3A_11 {offsets = [1], sizes = [1], strides = [1]} : vector<16xf32> to vector<1xf32>
      %squeeze3A_954 = vector.extract %slice3A_953[0] : f32 from vector<1xf32>
      %mul3A_955 = vector.broadcast %squeeze3A_954 : f32 to vector<16xf32>
      %mul3A_956 = arith.mulf %mul3A_955, %bitcast_convert_type3A_909 : vector<16xf32>
      %slice3A_957 = vector.extract_strided_slice %get3A_11 {offsets = [4], sizes = [1], strides = [1]} : vector<16xf32> to vector<1xf32>
      %squeeze3A_958 = vector.extract %slice3A_957[0] : f32 from vector<1xf32>
      %mul3A_959 = vector.broadcast %squeeze3A_958 : f32 to vector<16xf32>
      %mul3A_960 = arith.mulf %mul3A_959, %bitcast_convert_type3A_924 : vector<16xf32>
      %add3A_961 = arith.addf %mul3A_956, %mul3A_960 : vector<16xf32>
      %neg3A_962 = arith.constant 0.000000e+00 : f32
      %neg3A_963 = vector.broadcast %neg3A_962 : f32 to vector<16xf32>
      %neg3A_964 = arith.subf %neg3A_963, %add3A_961 : vector<16xf32>
      %exp3A_965 = math.exp %neg3A_964 : vector<16xf32>
      %add3A_966 = arith.constant 1.000000e+00 : f32
      %add3A_967 = vector.broadcast %add3A_966 : f32 to vector<16xf32>
      %add3A_968 = arith.addf %add3A_967, %exp3A_965 : vector<16xf32>
      %div3A_969 = arith.constant 1.000000e+00 : f32
      %div3A_970 = vector.broadcast %div3A_969 : f32 to vector<16xf32>
      %div3A_971 = arith.divf %div3A_970, %add3A_968 : vector<16xf32>
      %mul3A_972 = arith.constant 4 : i32
      %mul3A_973 = arith.muli %mul3A_972, %select_n3A_197 : i32
      %add3A_974 = arith.constant 1 : i32
      %add3A_975 = arith.addi %mul3A_973, %add3A_974 : i32
      %mul3A_976 = arith.constant 128 : i32
      %mul3A_977 = arith.muli %add3A_975, %mul3A_976 : i32
      %add3A_978 = arith.addi %mul3A_977, %mul3A_213 : i32
      %swap3A_979 = arith.index_cast %add3A_978 : i32 to index
      %swap3A_980 = tpu.vector_load %arg13[%swap3A_979] {strides = array<i32>} : memref<8192xf32, #tpu.memory_space<vmem>>, vector<16xf32>,
      %swap3A_981 = vector.shape_cast %swap3A_980 : vector<16xf32> to vector<16xf32>
      %swap3A_982 = vector.shape_cast %div3A_971 : vector<16xf32> to vector<16xf32>
      tpu.vector_store %arg13[%swap3A_979], %swap3A_982 {strides = array<i32>} : memref<8192xf32, #tpu.memory_space<vmem>>, vector<16xf32>,
      %slice3A_983 = vector.extract_strided_slice %get3A_11 {offsets = [2], sizes = [1], strides = [1]} : vector<16xf32> to vector<1xf32>
      %squeeze3A_984 = vector.extract %slice3A_983[0] : f32 from vector<1xf32>
      %mul3A_985 = vector.broadcast %squeeze3A_984 : f32 to vector<16xf32>
      %mul3A_986 = arith.mulf %mul3A_985, %bitcast_convert_type3A_909 : vector<16xf32>
      %slice3A_987 = vector.extract_strided_slice %get3A_11 {offsets = [5], sizes = [1], strides = [1]} : vector<16xf32> to vector<1xf32>
      %squeeze3A_988 = vector.extract %slice3A_987[0] : f32 from vector<1xf32>
      %mul3A_989 = vector.broadcast %squeeze3A_988 : f32 to vector<16xf32>
      %mul3A_990 = arith.mulf %mul3A_989, %bitcast_convert_type3A_924 : vector<16xf32>
      %add3A_991 = arith.addf %mul3A_986, %mul3A_990 : vector<16xf32>
      %neg3A_992 = arith.constant 0.000000e+00 : f32
      %neg3A_993 = vector.broadcast %neg3A_992 : f32 to vector<16xf32>
      %neg3A_994 = arith.subf %neg3A_993, %add3A_991 : vector<16xf32>
      %exp3A_995 = math.exp %neg3A_994 : vector<16xf32>
      %add3A_996 = arith.constant 1.000000e+00 : f32
      %add3A_997 = vector.broadcast %add3A_996 : f32 to vector<16xf32>
      %add3A_998 = arith.addf %add3A_997, %exp3A_995 : vector<16xf32>
      %div3A_999 = arith.constant 1.000000e+00 : f32
      %div3A_1000 = vector.broadcast %div3A_999 : f32 to vector<16xf32>
      %div3A_1001 = arith.divf %div3A_1000, %add3A_998 : vector<16xf32>
      %mul3A_1002 = arith.constant 4 : i32
      %mul3A_1003 = arith.muli %mul3A_1002, %select_n3A_197 : i32
      %add3A_1004 = arith.constant 2 : i32
      %add3A_1005 = arith.addi %mul3A_1003, %add3A_1004 : i32
      %mul3A_1006 = arith.constant 128 : i32
      %mul3A_1007 = arith.muli %add3A_1005, %mul3A_1006 : i32
      %add3A_1008 = arith.addi %mul3A_1007, %mul3A_213 : i32
      %swap3A_1009 = arith.index_cast %add3A_1008 : i32 to index
      %swap3A_1010 = tpu.vector_load %arg13[%swap3A_1009] {strides = array<i32>} : memref<8192xf32, #tpu.memory_space<vmem>>, vector<16xf32>,
      %swap3A_1011 = vector.shape_cast %swap3A_1010 : vector<16xf32> to vector<16xf32>
      %swap3A_1012 = vector.shape_cast %div3A_1001 : vector<16xf32> to vector<16xf32>
      tpu.vector_store %arg13[%swap3A_1009], %swap3A_1012 {strides = array<i32>} : memref<8192xf32, #tpu.memory_space<vmem>>, vector<16xf32>,
      %broadcast_in_dim3A_1013 = arith.constant 0.000000e+00 : f32
      %broadcast_in_dim3A_1014 = vector.broadcast %broadcast_in_dim3A_1013 : f32 to vector<16xf32>
      %mul3A_1015 = arith.constant 4 : i32
      %mul3A_1016 = arith.muli %mul3A_1015, %select_n3A_197 : i32
      %add3A_1017 = arith.constant 3 : i32
      %add3A_1018 = arith.addi %mul3A_1016, %add3A_1017 : i32
      %mul3A_1019 = arith.constant 128 : i32
      %mul3A_1020 = arith.muli %add3A_1018, %mul3A_1019 : i32
      %add3A_1021 = arith.addi %mul3A_1020, %mul3A_213 : i32
      %swap3A_1022 = arith.index_cast %add3A_1021 : i32 to index
      %swap3A_1023 = tpu.vector_load %arg13[%swap3A_1022] {strides = array<i32>} : memref<8192xf32, #tpu.memory_space<vmem>>, vector<16xf32>,
      %swap3A_1024 = vector.shape_cast %swap3A_1023 : vector<16xf32> to vector<16xf32>
      %swap3A_1025 = vector.shape_cast %broadcast_in_dim3A_1014 : vector<16xf32> to vector<16xf32>
      tpu.vector_store %arg13[%swap3A_1022], %swap3A_1025 {strides = array<i32>} : memref<8192xf32, #tpu.memory_space<vmem>>, vector<16xf32>,
    }
    %scan3A_128 = arith.constant 128 : i32
    %mul3A_129 = arith.constant 4 : i32
    %mul3A_130 = arith.muli %mul3A_129, %add3A_90 : i32
    "tpu.region"() ({
      %run_scoped3A = tpu.sem_alloc : memref<!tpu.dma_semaphore, #tpu.memory_space<semaphore_mem>>
      %dma_start3A = tpu.memref_slice %arg7[%mul3A_130] : memref<1048576xf32, #tpu.memory_space<hbm>> -> memref<8192xf32, #tpu.memory_space<hbm>>
      %dma_start3A_173 = tpu.memref_slice %arg7[%mul3A_130] : memref<1048576xf32, #tpu.memory_space<hbm>> -> memref<8192xf32, #tpu.memory_space<hbm>>
      tpu.enqueue_dma source(%arg13 : memref<8192xf32, #tpu.memory_space<vmem>>) target(%dma_start3A_173 : memref<8192xf32, #tpu.memory_space<hbm>>) target_semaphore(%run_scoped3A : memref<!tpu.dma_semaphore, #tpu.memory_space<semaphore_mem>>)
      %dma_wait3A = tpu.memref_slice %arg7[%mul3A_130] : memref<1048576xf32, #tpu.memory_space<hbm>> -> memref<8192xf32, #tpu.memory_space<hbm>>
      %dma_wait3A_174 = tpu.memref_slice %arg7[%mul3A_130] : memref<1048576xf32, #tpu.memory_space<hbm>> -> memref<8192xf32, #tpu.memory_space<hbm>>
      tpu.wait_dma2 semaphore(%run_scoped3A : memref<!tpu.dma_semaphore, #tpu.memory_space<semaphore_mem>>) src(%arg13 : memref<8192xf32, #tpu.memory_space<vmem>>) dst(%dma_wait3A_174 : memref<8192xf32, #tpu.memory_space<hbm>>)
      tpu.yield
    }) : () -> ()
    %add3A_131 = arith.constant 6144 : i32
    %add3A_132 = arith.addi %mul3A_13, %add3A_131 : i32
    %jit3A_133 = arith.constant 128 : i32
    %div3A_134 = arith.divsi %add3A_132, %jit3A_133 : i32
    %sign3A_135 = arith.constant 0 : i32
    %sign3A_136 = arith.cmpi sgt, %add3A_132, %sign3A_135 : i32
    %sign3A_137 = arith.extui %sign3A_136 : i1 to i32
    %sign3A_138 = arith.constant 0 : i32
    %sign3A_139 = arith.cmpi slt, %add3A_132, %sign3A_138 : i32
    %sign3A_140 = arith.extui %sign3A_139 : i1 to i32
    %sign3A_141 = arith.subi %sign3A_137, %sign3A_140 : i32
    %sign3A_142 = arith.constant 0 : i32
    %sign3A_143 = arith.cmpi sgt, %jit3A_133, %sign3A_142 : i32
    %sign3A_144 = arith.extui %sign3A_143 : i1 to i32
    %sign3A_145 = arith.constant 0 : i32
    %sign3A_146 = arith.cmpi slt, %jit3A_133, %sign3A_145 : i32
    %sign3A_147 = arith.extui %sign3A_146 : i1 to i32
    %sign3A_148 = arith.subi %sign3A_144, %sign3A_147 : i32
    %ne3A_149 = arith.cmpi ne, %sign3A_141, %sign3A_148 : i32
    %rem3A_150 = arith.remsi %add3A_132, %jit3A_133 : i32
    %ne3A_151 = arith.constant 0 : i32
    %ne3A_152 = arith.cmpi ne, %rem3A_150, %ne3A_151 : i32
    %and3A_153 = arith.andi %ne3A_149, %ne3A_152 : i1
    %sub3A_154 = arith.constant 1 : i32
    %sub3A_155 = arith.subi %div3A_134, %sub3A_154 : i32
    %select_n3A_156 = arith.select %and3A_153, %sub3A_155, %div3A_134 : i32
    "tpu.region"() ({
      %run_scoped3A = tpu.sem_alloc : memref<!tpu.dma_semaphore, #tpu.memory_space<semaphore_mem>>
      %dma_start3A = tpu.memref_slice %arg4[%add3A_132] : memref<262144xf32, #tpu.memory_space<hbm>> -> memref<2048xf32, #tpu.memory_space<hbm>>
      %dma_start3A_173 = tpu.memref_slice %arg4[%add3A_132] : memref<262144xf32, #tpu.memory_space<hbm>> -> memref<2048xf32, #tpu.memory_space<hbm>>
      tpu.enqueue_dma source(%dma_start3A_173 : memref<2048xf32, #tpu.memory_space<hbm>>) target(%arg10 : memref<2048xf32, #tpu.memory_space<vmem>>) target_semaphore(%run_scoped3A : memref<!tpu.dma_semaphore, #tpu.memory_space<semaphore_mem>>)
      %dma_wait3A = tpu.memref_slice %arg4[%add3A_132] : memref<262144xf32, #tpu.memory_space<hbm>> -> memref<2048xf32, #tpu.memory_space<hbm>>
      %dma_wait3A_174 = tpu.memref_slice %arg4[%add3A_132] : memref<262144xf32, #tpu.memory_space<hbm>> -> memref<2048xf32, #tpu.memory_space<hbm>>
      tpu.wait_dma2 semaphore(%run_scoped3A : memref<!tpu.dma_semaphore, #tpu.memory_space<semaphore_mem>>) src(%dma_wait3A_174 : memref<2048xf32, #tpu.memory_space<hbm>>) dst(%arg10 : memref<2048xf32, #tpu.memory_space<vmem>>)
      tpu.yield
    }) : () -> ()
    "tpu.region"() ({
      %run_scoped3A = tpu.sem_alloc : memref<!tpu.dma_semaphore, #tpu.memory_space<semaphore_mem>>
      %dma_start3A = tpu.memref_slice %arg5[%add3A_132] : memref<262144xf32, #tpu.memory_space<hbm>> -> memref<2048xf32, #tpu.memory_space<hbm>>
      %dma_start3A_173 = tpu.memref_slice %arg5[%add3A_132] : memref<262144xf32, #tpu.memory_space<hbm>> -> memref<2048xf32, #tpu.memory_space<hbm>>
      tpu.enqueue_dma source(%dma_start3A_173 : memref<2048xf32, #tpu.memory_space<hbm>>) target(%arg11 : memref<2048xf32, #tpu.memory_space<vmem>>) target_semaphore(%run_scoped3A : memref<!tpu.dma_semaphore, #tpu.memory_space<semaphore_mem>>)
      %dma_wait3A = tpu.memref_slice %arg5[%add3A_132] : memref<262144xf32, #tpu.memory_space<hbm>> -> memref<2048xf32, #tpu.memory_space<hbm>>
      %dma_wait3A_174 = tpu.memref_slice %arg5[%add3A_132] : memref<262144xf32, #tpu.memory_space<hbm>> -> memref<2048xf32, #tpu.memory_space<hbm>>
      tpu.wait_dma2 semaphore(%run_scoped3A : memref<!tpu.dma_semaphore, #tpu.memory_space<semaphore_mem>>) src(%dma_wait3A_174 : memref<2048xf32, #tpu.memory_space<hbm>>) dst(%arg11 : memref<2048xf32, #tpu.memory_space<vmem>>)
      tpu.yield
    }) : () -> ()
    %mul3A_157 = arith.constant 1024 : i32
    %mul3A_158 = arith.muli %select_n3A_156, %mul3A_157 : i32
    %add3A_159 = arith.constant 0 : i32
    %add3A_160 = arith.addi %add3A_159, %mul3A_158 : i32
    "tpu.region"() ({
      %run_scoped3A = tpu.sem_alloc : memref<!tpu.dma_semaphore, #tpu.memory_space<semaphore_mem>>
      %dma_start3A = arith.constant 0 : i32
      %dma_start3A_173 = tpu.memref_slice %arg12[%dma_start3A] : memref<32768xf32, #tpu.memory_space<vmem>> -> memref<16384xf32, #tpu.memory_space<vmem>>
      %dma_start3A_174 = tpu.memref_slice %arg6[%add3A_160] : memref<4194304xf32, #tpu.memory_space<hbm>> -> memref<16384xf32, #tpu.memory_space<hbm>>
      %dma_start3A_175 = arith.constant 0 : i32
      %dma_start3A_176 = tpu.memref_slice %arg12[%dma_start3A_175] : memref<32768xf32, #tpu.memory_space<vmem>> -> memref<16384xf32, #tpu.memory_space<vmem>>
      %dma_start3A_177 = tpu.memref_slice %arg6[%add3A_160] : memref<4194304xf32, #tpu.memory_space<hbm>> -> memref<16384xf32, #tpu.memory_space<hbm>>
      tpu.enqueue_dma source(%dma_start3A_177 : memref<16384xf32, #tpu.memory_space<hbm>>) target(%dma_start3A_176 : memref<16384xf32, #tpu.memory_space<vmem>>) target_semaphore(%run_scoped3A : memref<!tpu.dma_semaphore, #tpu.memory_space<semaphore_mem>>)
      %dma_wait3A = arith.constant 0 : i32
      %dma_wait3A_178 = tpu.memref_slice %arg12[%dma_wait3A] : memref<32768xf32, #tpu.memory_space<vmem>> -> memref<16384xf32, #tpu.memory_space<vmem>>
      %dma_wait3A_179 = tpu.memref_slice %arg6[%add3A_160] : memref<4194304xf32, #tpu.memory_space<hbm>> -> memref<16384xf32, #tpu.memory_space<hbm>>
      %dma_wait3A_180 = arith.constant 0 : i32
      %dma_wait3A_181 = tpu.memref_slice %arg12[%dma_wait3A_180] : memref<32768xf32, #tpu.memory_space<vmem>> -> memref<16384xf32, #tpu.memory_space<vmem>>
      %dma_wait3A_182 = tpu.memref_slice %arg6[%add3A_160] : memref<4194304xf32, #tpu.memory_space<hbm>> -> memref<16384xf32, #tpu.memory_space<hbm>>
      tpu.wait_dma2 semaphore(%run_scoped3A : memref<!tpu.dma_semaphore, #tpu.memory_space<semaphore_mem>>) src(%dma_wait3A_182 : memref<16384xf32, #tpu.memory_space<hbm>>) dst(%dma_wait3A_181 : memref<16384xf32, #tpu.memory_space<vmem>>)
      tpu.yield
    }) : () -> ()
    %mul3A_161 = arith.constant 1024 : i32
    %mul3A_162 = arith.muli %select_n3A_156, %mul3A_161 : i32
    %add3A_163 = arith.constant 2097152 : i32
    %add3A_164 = arith.addi %add3A_163, %mul3A_162 : i32
    "tpu.region"() ({
      %run_scoped3A = tpu.sem_alloc : memref<!tpu.dma_semaphore, #tpu.memory_space<semaphore_mem>>
      %dma_start3A = arith.constant 16384 : i32
      %dma_start3A_173 = tpu.memref_slice %arg12[%dma_start3A] : memref<32768xf32, #tpu.memory_space<vmem>> -> memref<16384xf32, #tpu.memory_space<vmem>>
      %dma_start3A_174 = tpu.memref_slice %arg6[%add3A_164] : memref<4194304xf32, #tpu.memory_space<hbm>> -> memref<16384xf32, #tpu.memory_space<hbm>>
      %dma_start3A_175 = arith.constant 16384 : i32
      %dma_start3A_176 = tpu.memref_slice %arg12[%dma_start3A_175] : memref<32768xf32, #tpu.memory_space<vmem>> -> memref<16384xf32, #tpu.memory_space<vmem>>
      %dma_start3A_177 = tpu.memref_slice %arg6[%add3A_164] : memref<4194304xf32, #tpu.memory_space<hbm>> -> memref<16384xf32, #tpu.memory_space<hbm>>
      tpu.enqueue_dma source(%dma_start3A_177 : memref<16384xf32, #tpu.memory_space<hbm>>) target(%dma_start3A_176 : memref<16384xf32, #tpu.memory_space<vmem>>) target_semaphore(%run_scoped3A : memref<!tpu.dma_semaphore, #tpu.memory_space<semaphore_mem>>)
      %dma_wait3A = arith.constant 16384 : i32
      %dma_wait3A_178 = tpu.memref_slice %arg12[%dma_wait3A] : memref<32768xf32, #tpu.memory_space<vmem>> -> memref<16384xf32, #tpu.memory_space<vmem>>
      %dma_wait3A_179 = tpu.memref_slice %arg6[%add3A_164] : memref<4194304xf32, #tpu.memory_space<hbm>> -> memref<16384xf32, #tpu.memory_space<hbm>>
      %dma_wait3A_180 = arith.constant 16384 : i32
      %dma_wait3A_181 = tpu.memref_slice %arg12[%dma_wait3A_180] : memref<32768xf32, #tpu.memory_space<vmem>> -> memref<16384xf32, #tpu.memory_space<vmem>>
      %dma_wait3A_182 = tpu.memref_slice %arg6[%add3A_164] : memref<4194304xf32, #tpu.memory_space<hbm>> -> memref<16384xf32, #tpu.memory_space<hbm>>
      tpu.wait_dma2 semaphore(%run_scoped3A : memref<!tpu.dma_semaphore, #tpu.memory_space<semaphore_mem>>) src(%dma_wait3A_182 : memref<16384xf32, #tpu.memory_space<hbm>>) dst(%dma_wait3A_181 : memref<16384xf32, #tpu.memory_space<vmem>>)
      tpu.yield
    }) : () -> ()
    %scan3A_165 = arith.constant 0 : i32
    %scan3A_166 = arith.constant 0 : i32
    %scan3A_167 = arith.constant 128 : i32
    %scan3A_168 = arith.addi %scan3A_166, %scan3A_167 : i32
    %scan3A_169 = arith.constant 1 : i32
    scf.for %scan3A_173 = %scan3A_166 to %scan3A_168 step %scan3A_169  : i32 {
      %jit3A_174 = arith.constant 8 : i32
      %div3A_175 = arith.divsi %scan3A_173, %jit3A_174 : i32
      %sign3A_176 = arith.constant 0 : i32
      %sign3A_177 = arith.cmpi sgt, %scan3A_173, %sign3A_176 : i32
      %sign3A_178 = arith.extui %sign3A_177 : i1 to i32
      %sign3A_179 = arith.constant 0 : i32
      %sign3A_180 = arith.cmpi slt, %scan3A_173, %sign3A_179 : i32
      %sign3A_181 = arith.extui %sign3A_180 : i1 to i32
      %sign3A_182 = arith.subi %sign3A_178, %sign3A_181 : i32
      %sign3A_183 = arith.constant 0 : i32
      %sign3A_184 = arith.cmpi sgt, %jit3A_174, %sign3A_183 : i32
      %sign3A_185 = arith.extui %sign3A_184 : i1 to i32
      %sign3A_186 = arith.constant 0 : i32
      %sign3A_187 = arith.cmpi slt, %jit3A_174, %sign3A_186 : i32
      %sign3A_188 = arith.extui %sign3A_187 : i1 to i32
      %sign3A_189 = arith.subi %sign3A_185, %sign3A_188 : i32
      %ne3A_190 = arith.cmpi ne, %sign3A_182, %sign3A_189 : i32
      %rem3A_191 = arith.remsi %scan3A_173, %jit3A_174 : i32
      %ne3A_192 = arith.constant 0 : i32
      %ne3A_193 = arith.cmpi ne, %rem3A_191, %ne3A_192 : i32
      %and3A_194 = arith.andi %ne3A_190, %ne3A_193 : i1
      %sub3A_195 = arith.constant 1 : i32
      %sub3A_196 = arith.subi %div3A_175, %sub3A_195 : i32
      %select_n3A_197 = arith.select %and3A_194, %sub3A_196, %div3A_175 : i32
      %jit3A_198 = arith.constant 8 : i32
      %eq3A = arith.constant 0 : i32
      %eq3A_199 = arith.cmpi eq, %jit3A_198, %eq3A : i32
      %jit3A_200 = arith.constant 1 : i32
      %select_n3A_201 = arith.select %eq3A_199, %jit3A_200, %jit3A_198 : i32
      %rem3A_202 = arith.remsi %scan3A_173, %select_n3A_201 : i32
      %ne3A_203 = arith.constant 0 : i32
      %ne3A_204 = arith.cmpi ne, %rem3A_202, %ne3A_203 : i32
      %lt3A = arith.constant 0 : i32
      %lt3A_205 = arith.cmpi slt, %rem3A_202, %lt3A : i32
      %lt3A_206 = arith.constant 0 : i32
      %lt3A_207 = arith.cmpi slt, %select_n3A_201, %lt3A_206 : i32
      %ne3A_208 = arith.xori %lt3A_205, %lt3A_207 : i1
      %and3A_209 = arith.andi %ne3A_208, %ne3A_204 : i1
      %add3A_210 = arith.addi %rem3A_202, %select_n3A_201 : i32
      %select_n3A_211 = arith.select %and3A_209, %add3A_210, %rem3A_202 : i32
      %mul3A_212 = arith.constant 16 : i32
      %mul3A_213 = arith.muli %select_n3A_211, %mul3A_212 : i32
      %mul3A_214 = arith.constant 128 : i32
      %mul3A_215 = arith.muli %select_n3A_197, %mul3A_214 : i32
      %add3A_216 = arith.addi %mul3A_215, %mul3A_213 : i32
      %get3A_217 = arith.index_cast %add3A_216 : i32 to index
      %get3A_218 = tpu.vector_load %arg10[%get3A_217] {strides = array<i32>} : memref<2048xf32, #tpu.memory_space<vmem>>, vector<16xf32>,
      %get3A_219 = vector.shape_cast %get3A_218 : vector<16xf32> to vector<16xf32>
      %mul3A_220 = arith.constant 128 : i32
      %mul3A_221 = arith.muli %select_n3A_197, %mul3A_220 : i32
      %add3A_222 = arith.addi %mul3A_221, %mul3A_213 : i32
      %get3A_223 = arith.index_cast %add3A_222 : i32 to index
      %get3A_224 = tpu.vector_load %arg11[%get3A_223] {strides = array<i32>} : memref<2048xf32, #tpu.memory_space<vmem>>, vector<16xf32>,
      %get3A_225 = vector.shape_cast %get3A_224 : vector<16xf32> to vector<16xf32>
      %slice3A = vector.extract_strided_slice %get3A_2 {offsets = [0], sizes = [1], strides = [1]} : vector<16xf32> to vector<1xf32>
      %squeeze3A = vector.extract %slice3A[0] : f32 from vector<1xf32>
      %mul3A_226 = vector.broadcast %squeeze3A : f32 to vector<16xf32>
      %mul3A_227 = arith.mulf %mul3A_226, %get3A_219 : vector<16xf32>
      %slice3A_228 = vector.extract_strided_slice %get3A_2 {offsets = [1], sizes = [1], strides = [1]} : vector<16xf32> to vector<1xf32>
      %squeeze3A_229 = vector.extract %slice3A_228[0] : f32 from vector<1xf32>
      %mul3A_230 = vector.broadcast %squeeze3A_229 : f32 to vector<16xf32>
      %mul3A_231 = arith.mulf %mul3A_230, %get3A_225 : vector<16xf32>
      %add3A_232 = arith.addf %mul3A_227, %mul3A_231 : vector<16xf32>
      %slice3A_233 = vector.extract_strided_slice %get3A_2 {offsets = [2], sizes = [1], strides = [1]} : vector<16xf32> to vector<1xf32>
      %squeeze3A_234 = vector.extract %slice3A_233[0] : f32 from vector<1xf32>
      %mul3A_235 = vector.broadcast %squeeze3A_234 : f32 to vector<16xf32>
      %mul3A_236 = arith.mulf %mul3A_235, %get3A_219 : vector<16xf32>
      %slice3A_237 = vector.extract_strided_slice %get3A_2 {offsets = [3], sizes = [1], strides = [1]} : vector<16xf32> to vector<1xf32>
      %squeeze3A_238 = vector.extract %slice3A_237[0] : f32 from vector<1xf32>
      %mul3A_239 = vector.broadcast %squeeze3A_238 : f32 to vector<16xf32>
      %mul3A_240 = arith.mulf %mul3A_239, %get3A_225 : vector<16xf32>
      %add3A_241 = arith.addf %mul3A_236, %mul3A_240 : vector<16xf32>
      %add3A_242 = arith.constant 0 : i32
      %add3A_243 = arith.addi %add3A_242, %select_n3A_197 : i32
      %mul3A_244 = arith.constant 8 : i32
      %mul3A_245 = arith.muli %add3A_243, %mul3A_244 : i32
      %add3A_246 = arith.constant 0 : i32
      %add3A_247 = arith.addi %mul3A_245, %add3A_246 : i32
      %mul3A_248 = arith.constant 128 : i32
      %mul3A_249 = arith.muli %add3A_247, %mul3A_248 : i32
      %add3A_250 = arith.addi %mul3A_249, %mul3A_213 : i32
      %get3A_251 = arith.index_cast %add3A_250 : i32 to index
      %get3A_252 = tpu.vector_load %arg12[%get3A_251] {strides = array<i32>} : memref<32768xf32, #tpu.memory_space<vmem>>, vector<16xf32>,
      %get3A_253 = vector.shape_cast %get3A_252 : vector<16xf32> to vector<16xf32>
      %add3A_254 = arith.constant 0 : i32
      %add3A_255 = arith.addi %add3A_254, %select_n3A_197 : i32
      %mul3A_256 = arith.constant 8 : i32
      %mul3A_257 = arith.muli %add3A_255, %mul3A_256 : i32
      %add3A_258 = arith.constant 1 : i32
      %add3A_259 = arith.addi %mul3A_257, %add3A_258 : i32
      %mul3A_260 = arith.constant 128 : i32
      %mul3A_261 = arith.muli %add3A_259, %mul3A_260 : i32
      %add3A_262 = arith.addi %mul3A_261, %mul3A_213 : i32
      %get3A_263 = arith.index_cast %add3A_262 : i32 to index
      %get3A_264 = tpu.vector_load %arg12[%get3A_263] {strides = array<i32>} : memref<32768xf32, #tpu.memory_space<vmem>>, vector<16xf32>,
      %get3A_265 = vector.shape_cast %get3A_264 : vector<16xf32> to vector<16xf32>
      %bitcast_convert_type3A = tpu.bitcast %get3A_253 : vector<16xf32> -> vector<16xi32>
      %add3A_266 = arith.constant 32767 : i32
      %add3A_267 = vector.broadcast %add3A_266 : i32 to vector<16xi32>
      %add3A_268 = arith.addi %bitcast_convert_type3A, %add3A_267 : vector<16xi32>
      %shift_right_arithmetic3A = arith.constant 16 : i32
      %shift_right_arithmetic3A_269 = vector.broadcast %shift_right_arithmetic3A : i32 to vector<16xi32>
      %shift_right_arithmetic3A_270 = arith.shrsi %bitcast_convert_type3A, %shift_right_arithmetic3A_269 : vector<16xi32>
      %and3A_271 = arith.constant 1 : i32
      %and3A_272 = vector.broadcast %and3A_271 : i32 to vector<16xi32>
      %and3A_273 = arith.andi %shift_right_arithmetic3A_270, %and3A_272 : vector<16xi32>
      %add3A_274 = arith.addi %add3A_268, %and3A_273 : vector<16xi32>
      %and3A_275 = arith.constant -65536 : i32
      %and3A_276 = vector.broadcast %and3A_275 : i32 to vector<16xi32>
      %and3A_277 = arith.andi %add3A_274, %and3A_276 : vector<16xi32>
      %bitcast_convert_type3A_278 = tpu.bitcast %and3A_277 : vector<16xi32> -> vector<16xf32>
      %bitcast_convert_type3A_279 = tpu.bitcast %get3A_265 : vector<16xf32> -> vector<16xi32>
      %add3A_280 = arith.constant 32767 : i32
      %add3A_281 = vector.broadcast %add3A_280 : i32 to vector<16xi32>
      %add3A_282 = arith.addi %bitcast_convert_type3A_279, %add3A_281 : vector<16xi32>
      %shift_right_arithmetic3A_283 = arith.constant 16 : i32
      %shift_right_arithmetic3A_284 = vector.broadcast %shift_right_arithmetic3A_283 : i32 to vector<16xi32>
      %shift_right_arithmetic3A_285 = arith.shrsi %bitcast_convert_type3A_279, %shift_right_arithmetic3A_284 : vector<16xi32>
      %and3A_286 = arith.constant 1 : i32
      %and3A_287 = vector.broadcast %and3A_286 : i32 to vector<16xi32>
      %and3A_288 = arith.andi %shift_right_arithmetic3A_285, %and3A_287 : vector<16xi32>
      %add3A_289 = arith.addi %add3A_282, %and3A_288 : vector<16xi32>
      %and3A_290 = arith.constant -65536 : i32
      %and3A_291 = vector.broadcast %and3A_290 : i32 to vector<16xi32>
      %and3A_292 = arith.andi %add3A_289, %and3A_291 : vector<16xi32>
      %bitcast_convert_type3A_293 = tpu.bitcast %and3A_292 : vector<16xi32> -> vector<16xf32>
      %slice3A_294 = vector.extract_strided_slice %get3A_5 {offsets = [0], sizes = [1], strides = [1]} : vector<16xf32> to vector<1xf32>
      %squeeze3A_295 = vector.extract %slice3A_294[0] : f32 from vector<1xf32>
      %mul3A_296 = vector.broadcast %squeeze3A_295 : f32 to vector<16xf32>
      %mul3A_297 = arith.mulf %mul3A_296, %bitcast_convert_type3A_278 : vector<16xf32>
      %add3A_298 = arith.addf %add3A_232, %mul3A_297 : vector<16xf32>
      %slice3A_299 = vector.extract_strided_slice %get3A_5 {offsets = [1], sizes = [1], strides = [1]} : vector<16xf32> to vector<1xf32>
      %squeeze3A_300 = vector.extract %slice3A_299[0] : f32 from vector<1xf32>
      %mul3A_301 = vector.broadcast %squeeze3A_300 : f32 to vector<16xf32>
      %mul3A_302 = arith.mulf %mul3A_301, %bitcast_convert_type3A_293 : vector<16xf32>
      %add3A_303 = arith.addf %add3A_298, %mul3A_302 : vector<16xf32>
      %slice3A_304 = vector.extract_strided_slice %get3A_8 {offsets = [0], sizes = [1], strides = [1]} : vector<16xf32> to vector<1xf32>
      %squeeze3A_305 = vector.extract %slice3A_304[0] : f32 from vector<1xf32>
      %mul3A_306 = vector.broadcast %squeeze3A_305 : f32 to vector<16xf32>
      %mul3A_307 = arith.mulf %mul3A_306, %bitcast_convert_type3A_278 : vector<16xf32>
      %add3A_308 = arith.addf %add3A_241, %mul3A_307 : vector<16xf32>
      %slice3A_309 = vector.extract_strided_slice %get3A_8 {offsets = [1], sizes = [1], strides = [1]} : vector<16xf32> to vector<1xf32>
      %squeeze3A_310 = vector.extract %slice3A_309[0] : f32 from vector<1xf32>
      %mul3A_311 = vector.broadcast %squeeze3A_310 : f32 to vector<16xf32>
      %mul3A_312 = arith.mulf %mul3A_311, %bitcast_convert_type3A_293 : vector<16xf32>
      %add3A_313 = arith.addf %add3A_308, %mul3A_312 : vector<16xf32>
      %add3A_314 = arith.constant 0 : i32
      %add3A_315 = arith.addi %add3A_314, %select_n3A_197 : i32
      %mul3A_316 = arith.constant 8 : i32
      %mul3A_317 = arith.muli %add3A_315, %mul3A_316 : i32
      %add3A_318 = arith.constant 2 : i32
      %add3A_319 = arith.addi %mul3A_317, %add3A_318 : i32
      %mul3A_320 = arith.constant 128 : i32
      %mul3A_321 = arith.muli %add3A_319, %mul3A_320 : i32
      %add3A_322 = arith.addi %mul3A_321, %mul3A_213 : i32
      %get3A_323 = arith.index_cast %add3A_322 : i32 to index
      %get3A_324 = tpu.vector_load %arg12[%get3A_323] {strides = array<i32>} : memref<32768xf32, #tpu.memory_space<vmem>>, vector<16xf32>,
      %get3A_325 = vector.shape_cast %get3A_324 : vector<16xf32> to vector<16xf32>
      %add3A_326 = arith.constant 0 : i32
      %add3A_327 = arith.addi %add3A_326, %select_n3A_197 : i32
      %mul3A_328 = arith.constant 8 : i32
      %mul3A_329 = arith.muli %add3A_327, %mul3A_328 : i32
      %add3A_330 = arith.constant 3 : i32
      %add3A_331 = arith.addi %mul3A_329, %add3A_330 : i32
      %mul3A_332 = arith.constant 128 : i32
      %mul3A_333 = arith.muli %add3A_331, %mul3A_332 : i32
      %add3A_334 = arith.addi %mul3A_333, %mul3A_213 : i32
      %get3A_335 = arith.index_cast %add3A_334 : i32 to index
      %get3A_336 = tpu.vector_load %arg12[%get3A_335] {strides = array<i32>} : memref<32768xf32, #tpu.memory_space<vmem>>, vector<16xf32>,
      %get3A_337 = vector.shape_cast %get3A_336 : vector<16xf32> to vector<16xf32>
      %bitcast_convert_type3A_338 = tpu.bitcast %get3A_325 : vector<16xf32> -> vector<16xi32>
      %add3A_339 = arith.constant 32767 : i32
      %add3A_340 = vector.broadcast %add3A_339 : i32 to vector<16xi32>
      %add3A_341 = arith.addi %bitcast_convert_type3A_338, %add3A_340 : vector<16xi32>
      %shift_right_arithmetic3A_342 = arith.constant 16 : i32
      %shift_right_arithmetic3A_343 = vector.broadcast %shift_right_arithmetic3A_342 : i32 to vector<16xi32>
      %shift_right_arithmetic3A_344 = arith.shrsi %bitcast_convert_type3A_338, %shift_right_arithmetic3A_343 : vector<16xi32>
      %and3A_345 = arith.constant 1 : i32
      %and3A_346 = vector.broadcast %and3A_345 : i32 to vector<16xi32>
      %and3A_347 = arith.andi %shift_right_arithmetic3A_344, %and3A_346 : vector<16xi32>
      %add3A_348 = arith.addi %add3A_341, %and3A_347 : vector<16xi32>
      %and3A_349 = arith.constant -65536 : i32
      %and3A_350 = vector.broadcast %and3A_349 : i32 to vector<16xi32>
      %and3A_351 = arith.andi %add3A_348, %and3A_350 : vector<16xi32>
      %bitcast_convert_type3A_352 = tpu.bitcast %and3A_351 : vector<16xi32> -> vector<16xf32>
      %bitcast_convert_type3A_353 = tpu.bitcast %get3A_337 : vector<16xf32> -> vector<16xi32>
      %add3A_354 = arith.constant 32767 : i32
      %add3A_355 = vector.broadcast %add3A_354 : i32 to vector<16xi32>
      %add3A_356 = arith.addi %bitcast_convert_type3A_353, %add3A_355 : vector<16xi32>
      %shift_right_arithmetic3A_357 = arith.constant 16 : i32
      %shift_right_arithmetic3A_358 = vector.broadcast %shift_right_arithmetic3A_357 : i32 to vector<16xi32>
      %shift_right_arithmetic3A_359 = arith.shrsi %bitcast_convert_type3A_353, %shift_right_arithmetic3A_358 : vector<16xi32>
      %and3A_360 = arith.constant 1 : i32
      %and3A_361 = vector.broadcast %and3A_360 : i32 to vector<16xi32>
      %and3A_362 = arith.andi %shift_right_arithmetic3A_359, %and3A_361 : vector<16xi32>
      %add3A_363 = arith.addi %add3A_356, %and3A_362 : vector<16xi32>
      %and3A_364 = arith.constant -65536 : i32
      %and3A_365 = vector.broadcast %and3A_364 : i32 to vector<16xi32>
      %and3A_366 = arith.andi %add3A_363, %and3A_365 : vector<16xi32>
      %bitcast_convert_type3A_367 = tpu.bitcast %and3A_366 : vector<16xi32> -> vector<16xf32>
      %slice3A_368 = vector.extract_strided_slice %get3A_5 {offsets = [2], sizes = [1], strides = [1]} : vector<16xf32> to vector<1xf32>
      %squeeze3A_369 = vector.extract %slice3A_368[0] : f32 from vector<1xf32>
      %mul3A_370 = vector.broadcast %squeeze3A_369 : f32 to vector<16xf32>
      %mul3A_371 = arith.mulf %mul3A_370, %bitcast_convert_type3A_352 : vector<16xf32>
      %add3A_372 = arith.addf %add3A_303, %mul3A_371 : vector<16xf32>
      %slice3A_373 = vector.extract_strided_slice %get3A_5 {offsets = [3], sizes = [1], strides = [1]} : vector<16xf32> to vector<1xf32>
      %squeeze3A_374 = vector.extract %slice3A_373[0] : f32 from vector<1xf32>
      %mul3A_375 = vector.broadcast %squeeze3A_374 : f32 to vector<16xf32>
      %mul3A_376 = arith.mulf %mul3A_375, %bitcast_convert_type3A_367 : vector<16xf32>
      %add3A_377 = arith.addf %add3A_372, %mul3A_376 : vector<16xf32>
      %slice3A_378 = vector.extract_strided_slice %get3A_8 {offsets = [2], sizes = [1], strides = [1]} : vector<16xf32> to vector<1xf32>
      %squeeze3A_379 = vector.extract %slice3A_378[0] : f32 from vector<1xf32>
      %mul3A_380 = vector.broadcast %squeeze3A_379 : f32 to vector<16xf32>
      %mul3A_381 = arith.mulf %mul3A_380, %bitcast_convert_type3A_352 : vector<16xf32>
      %add3A_382 = arith.addf %add3A_313, %mul3A_381 : vector<16xf32>
      %slice3A_383 = vector.extract_strided_slice %get3A_8 {offsets = [3], sizes = [1], strides = [1]} : vector<16xf32> to vector<1xf32>
      %squeeze3A_384 = vector.extract %slice3A_383[0] : f32 from vector<1xf32>
      %mul3A_385 = vector.broadcast %squeeze3A_384 : f32 to vector<16xf32>
      %mul3A_386 = arith.mulf %mul3A_385, %bitcast_convert_type3A_367 : vector<16xf32>
      %add3A_387 = arith.addf %add3A_382, %mul3A_386 : vector<16xf32>
      %add3A_388 = arith.constant 0 : i32
      %add3A_389 = arith.addi %add3A_388, %select_n3A_197 : i32
      %mul3A_390 = arith.constant 8 : i32
      %mul3A_391 = arith.muli %add3A_389, %mul3A_390 : i32
      %add3A_392 = arith.constant 4 : i32
      %add3A_393 = arith.addi %mul3A_391, %add3A_392 : i32
      %mul3A_394 = arith.constant 128 : i32
      %mul3A_395 = arith.muli %add3A_393, %mul3A_394 : i32
      %add3A_396 = arith.addi %mul3A_395, %mul3A_213 : i32
      %get3A_397 = arith.index_cast %add3A_396 : i32 to index
      %get3A_398 = tpu.vector_load %arg12[%get3A_397] {strides = array<i32>} : memref<32768xf32, #tpu.memory_space<vmem>>, vector<16xf32>,
      %get3A_399 = vector.shape_cast %get3A_398 : vector<16xf32> to vector<16xf32>
      %add3A_400 = arith.constant 0 : i32
      %add3A_401 = arith.addi %add3A_400, %select_n3A_197 : i32
      %mul3A_402 = arith.constant 8 : i32
      %mul3A_403 = arith.muli %add3A_401, %mul3A_402 : i32
      %add3A_404 = arith.constant 5 : i32
      %add3A_405 = arith.addi %mul3A_403, %add3A_404 : i32
      %mul3A_406 = arith.constant 128 : i32
      %mul3A_407 = arith.muli %add3A_405, %mul3A_406 : i32
      %add3A_408 = arith.addi %mul3A_407, %mul3A_213 : i32
      %get3A_409 = arith.index_cast %add3A_408 : i32 to index
      %get3A_410 = tpu.vector_load %arg12[%get3A_409] {strides = array<i32>} : memref<32768xf32, #tpu.memory_space<vmem>>, vector<16xf32>,
      %get3A_411 = vector.shape_cast %get3A_410 : vector<16xf32> to vector<16xf32>
      %bitcast_convert_type3A_412 = tpu.bitcast %get3A_399 : vector<16xf32> -> vector<16xi32>
      %add3A_413 = arith.constant 32767 : i32
      %add3A_414 = vector.broadcast %add3A_413 : i32 to vector<16xi32>
      %add3A_415 = arith.addi %bitcast_convert_type3A_412, %add3A_414 : vector<16xi32>
      %shift_right_arithmetic3A_416 = arith.constant 16 : i32
      %shift_right_arithmetic3A_417 = vector.broadcast %shift_right_arithmetic3A_416 : i32 to vector<16xi32>
      %shift_right_arithmetic3A_418 = arith.shrsi %bitcast_convert_type3A_412, %shift_right_arithmetic3A_417 : vector<16xi32>
      %and3A_419 = arith.constant 1 : i32
      %and3A_420 = vector.broadcast %and3A_419 : i32 to vector<16xi32>
      %and3A_421 = arith.andi %shift_right_arithmetic3A_418, %and3A_420 : vector<16xi32>
      %add3A_422 = arith.addi %add3A_415, %and3A_421 : vector<16xi32>
      %and3A_423 = arith.constant -65536 : i32
      %and3A_424 = vector.broadcast %and3A_423 : i32 to vector<16xi32>
      %and3A_425 = arith.andi %add3A_422, %and3A_424 : vector<16xi32>
      %bitcast_convert_type3A_426 = tpu.bitcast %and3A_425 : vector<16xi32> -> vector<16xf32>
      %bitcast_convert_type3A_427 = tpu.bitcast %get3A_411 : vector<16xf32> -> vector<16xi32>
      %add3A_428 = arith.constant 32767 : i32
      %add3A_429 = vector.broadcast %add3A_428 : i32 to vector<16xi32>
      %add3A_430 = arith.addi %bitcast_convert_type3A_427, %add3A_429 : vector<16xi32>
      %shift_right_arithmetic3A_431 = arith.constant 16 : i32
      %shift_right_arithmetic3A_432 = vector.broadcast %shift_right_arithmetic3A_431 : i32 to vector<16xi32>
      %shift_right_arithmetic3A_433 = arith.shrsi %bitcast_convert_type3A_427, %shift_right_arithmetic3A_432 : vector<16xi32>
      %and3A_434 = arith.constant 1 : i32
      %and3A_435 = vector.broadcast %and3A_434 : i32 to vector<16xi32>
      %and3A_436 = arith.andi %shift_right_arithmetic3A_433, %and3A_435 : vector<16xi32>
      %add3A_437 = arith.addi %add3A_430, %and3A_436 : vector<16xi32>
      %and3A_438 = arith.constant -65536 : i32
      %and3A_439 = vector.broadcast %and3A_438 : i32 to vector<16xi32>
      %and3A_440 = arith.andi %add3A_437, %and3A_439 : vector<16xi32>
      %bitcast_convert_type3A_441 = tpu.bitcast %and3A_440 : vector<16xi32> -> vector<16xf32>
      %slice3A_442 = vector.extract_strided_slice %get3A_5 {offsets = [4], sizes = [1], strides = [1]} : vector<16xf32> to vector<1xf32>
      %squeeze3A_443 = vector.extract %slice3A_442[0] : f32 from vector<1xf32>
      %mul3A_444 = vector.broadcast %squeeze3A_443 : f32 to vector<16xf32>
      %mul3A_445 = arith.mulf %mul3A_444, %bitcast_convert_type3A_426 : vector<16xf32>
      %add3A_446 = arith.addf %add3A_377, %mul3A_445 : vector<16xf32>
      %slice3A_447 = vector.extract_strided_slice %get3A_5 {offsets = [5], sizes = [1], strides = [1]} : vector<16xf32> to vector<1xf32>
      %squeeze3A_448 = vector.extract %slice3A_447[0] : f32 from vector<1xf32>
      %mul3A_449 = vector.broadcast %squeeze3A_448 : f32 to vector<16xf32>
      %mul3A_450 = arith.mulf %mul3A_449, %bitcast_convert_type3A_441 : vector<16xf32>
      %add3A_451 = arith.addf %add3A_446, %mul3A_450 : vector<16xf32>
      %slice3A_452 = vector.extract_strided_slice %get3A_8 {offsets = [4], sizes = [1], strides = [1]} : vector<16xf32> to vector<1xf32>
      %squeeze3A_453 = vector.extract %slice3A_452[0] : f32 from vector<1xf32>
      %mul3A_454 = vector.broadcast %squeeze3A_453 : f32 to vector<16xf32>
      %mul3A_455 = arith.mulf %mul3A_454, %bitcast_convert_type3A_426 : vector<16xf32>
      %add3A_456 = arith.addf %add3A_387, %mul3A_455 : vector<16xf32>
      %slice3A_457 = vector.extract_strided_slice %get3A_8 {offsets = [5], sizes = [1], strides = [1]} : vector<16xf32> to vector<1xf32>
      %squeeze3A_458 = vector.extract %slice3A_457[0] : f32 from vector<1xf32>
      %mul3A_459 = vector.broadcast %squeeze3A_458 : f32 to vector<16xf32>
      %mul3A_460 = arith.mulf %mul3A_459, %bitcast_convert_type3A_441 : vector<16xf32>
      %add3A_461 = arith.addf %add3A_456, %mul3A_460 : vector<16xf32>
      %add3A_462 = arith.constant 0 : i32
      %add3A_463 = arith.addi %add3A_462, %select_n3A_197 : i32
      %mul3A_464 = arith.constant 8 : i32
      %mul3A_465 = arith.muli %add3A_463, %mul3A_464 : i32
      %add3A_466 = arith.constant 6 : i32
      %add3A_467 = arith.addi %mul3A_465, %add3A_466 : i32
      %mul3A_468 = arith.constant 128 : i32
      %mul3A_469 = arith.muli %add3A_467, %mul3A_468 : i32
      %add3A_470 = arith.addi %mul3A_469, %mul3A_213 : i32
      %get3A_471 = arith.index_cast %add3A_470 : i32 to index
      %get3A_472 = tpu.vector_load %arg12[%get3A_471] {strides = array<i32>} : memref<32768xf32, #tpu.memory_space<vmem>>, vector<16xf32>,
      %get3A_473 = vector.shape_cast %get3A_472 : vector<16xf32> to vector<16xf32>
      %add3A_474 = arith.constant 0 : i32
      %add3A_475 = arith.addi %add3A_474, %select_n3A_197 : i32
      %mul3A_476 = arith.constant 8 : i32
      %mul3A_477 = arith.muli %add3A_475, %mul3A_476 : i32
      %add3A_478 = arith.constant 7 : i32
      %add3A_479 = arith.addi %mul3A_477, %add3A_478 : i32
      %mul3A_480 = arith.constant 128 : i32
      %mul3A_481 = arith.muli %add3A_479, %mul3A_480 : i32
      %add3A_482 = arith.addi %mul3A_481, %mul3A_213 : i32
      %get3A_483 = arith.index_cast %add3A_482 : i32 to index
      %get3A_484 = tpu.vector_load %arg12[%get3A_483] {strides = array<i32>} : memref<32768xf32, #tpu.memory_space<vmem>>, vector<16xf32>,
      %get3A_485 = vector.shape_cast %get3A_484 : vector<16xf32> to vector<16xf32>
      %bitcast_convert_type3A_486 = tpu.bitcast %get3A_473 : vector<16xf32> -> vector<16xi32>
      %add3A_487 = arith.constant 32767 : i32
      %add3A_488 = vector.broadcast %add3A_487 : i32 to vector<16xi32>
      %add3A_489 = arith.addi %bitcast_convert_type3A_486, %add3A_488 : vector<16xi32>
      %shift_right_arithmetic3A_490 = arith.constant 16 : i32
      %shift_right_arithmetic3A_491 = vector.broadcast %shift_right_arithmetic3A_490 : i32 to vector<16xi32>
      %shift_right_arithmetic3A_492 = arith.shrsi %bitcast_convert_type3A_486, %shift_right_arithmetic3A_491 : vector<16xi32>
      %and3A_493 = arith.constant 1 : i32
      %and3A_494 = vector.broadcast %and3A_493 : i32 to vector<16xi32>
      %and3A_495 = arith.andi %shift_right_arithmetic3A_492, %and3A_494 : vector<16xi32>
      %add3A_496 = arith.addi %add3A_489, %and3A_495 : vector<16xi32>
      %and3A_497 = arith.constant -65536 : i32
      %and3A_498 = vector.broadcast %and3A_497 : i32 to vector<16xi32>
      %and3A_499 = arith.andi %add3A_496, %and3A_498 : vector<16xi32>
      %bitcast_convert_type3A_500 = tpu.bitcast %and3A_499 : vector<16xi32> -> vector<16xf32>
      %bitcast_convert_type3A_501 = tpu.bitcast %get3A_485 : vector<16xf32> -> vector<16xi32>
      %add3A_502 = arith.constant 32767 : i32
      %add3A_503 = vector.broadcast %add3A_502 : i32 to vector<16xi32>
      %add3A_504 = arith.addi %bitcast_convert_type3A_501, %add3A_503 : vector<16xi32>
      %shift_right_arithmetic3A_505 = arith.constant 16 : i32
      %shift_right_arithmetic3A_506 = vector.broadcast %shift_right_arithmetic3A_505 : i32 to vector<16xi32>
      %shift_right_arithmetic3A_507 = arith.shrsi %bitcast_convert_type3A_501, %shift_right_arithmetic3A_506 : vector<16xi32>
      %and3A_508 = arith.constant 1 : i32
      %and3A_509 = vector.broadcast %and3A_508 : i32 to vector<16xi32>
      %and3A_510 = arith.andi %shift_right_arithmetic3A_507, %and3A_509 : vector<16xi32>
      %add3A_511 = arith.addi %add3A_504, %and3A_510 : vector<16xi32>
      %and3A_512 = arith.constant -65536 : i32
      %and3A_513 = vector.broadcast %and3A_512 : i32 to vector<16xi32>
      %and3A_514 = arith.andi %add3A_511, %and3A_513 : vector<16xi32>
      %bitcast_convert_type3A_515 = tpu.bitcast %and3A_514 : vector<16xi32> -> vector<16xf32>
      %slice3A_516 = vector.extract_strided_slice %get3A_5 {offsets = [6], sizes = [1], strides = [1]} : vector<16xf32> to vector<1xf32>
      %squeeze3A_517 = vector.extract %slice3A_516[0] : f32 from vector<1xf32>
      %mul3A_518 = vector.broadcast %squeeze3A_517 : f32 to vector<16xf32>
      %mul3A_519 = arith.mulf %mul3A_518, %bitcast_convert_type3A_500 : vector<16xf32>
      %add3A_520 = arith.addf %add3A_451, %mul3A_519 : vector<16xf32>
      %slice3A_521 = vector.extract_strided_slice %get3A_5 {offsets = [7], sizes = [1], strides = [1]} : vector<16xf32> to vector<1xf32>
      %squeeze3A_522 = vector.extract %slice3A_521[0] : f32 from vector<1xf32>
      %mul3A_523 = vector.broadcast %squeeze3A_522 : f32 to vector<16xf32>
      %mul3A_524 = arith.mulf %mul3A_523, %bitcast_convert_type3A_515 : vector<16xf32>
      %add3A_525 = arith.addf %add3A_520, %mul3A_524 : vector<16xf32>
      %slice3A_526 = vector.extract_strided_slice %get3A_8 {offsets = [6], sizes = [1], strides = [1]} : vector<16xf32> to vector<1xf32>
      %squeeze3A_527 = vector.extract %slice3A_526[0] : f32 from vector<1xf32>
      %mul3A_528 = vector.broadcast %squeeze3A_527 : f32 to vector<16xf32>
      %mul3A_529 = arith.mulf %mul3A_528, %bitcast_convert_type3A_500 : vector<16xf32>
      %add3A_530 = arith.addf %add3A_461, %mul3A_529 : vector<16xf32>
      %slice3A_531 = vector.extract_strided_slice %get3A_8 {offsets = [7], sizes = [1], strides = [1]} : vector<16xf32> to vector<1xf32>
      %squeeze3A_532 = vector.extract %slice3A_531[0] : f32 from vector<1xf32>
      %mul3A_533 = vector.broadcast %squeeze3A_532 : f32 to vector<16xf32>
      %mul3A_534 = arith.mulf %mul3A_533, %bitcast_convert_type3A_515 : vector<16xf32>
      %add3A_535 = arith.addf %add3A_530, %mul3A_534 : vector<16xf32>
      %add3A_536 = arith.constant 16 : i32
      %add3A_537 = arith.addi %add3A_536, %select_n3A_197 : i32
      %mul3A_538 = arith.constant 8 : i32
      %mul3A_539 = arith.muli %add3A_537, %mul3A_538 : i32
      %add3A_540 = arith.constant 0 : i32
      %add3A_541 = arith.addi %mul3A_539, %add3A_540 : i32
      %mul3A_542 = arith.constant 128 : i32
      %mul3A_543 = arith.muli %add3A_541, %mul3A_542 : i32
      %add3A_544 = arith.addi %mul3A_543, %mul3A_213 : i32
      %get3A_545 = arith.index_cast %add3A_544 : i32 to index
      %get3A_546 = tpu.vector_load %arg12[%get3A_545] {strides = array<i32>} : memref<32768xf32, #tpu.memory_space<vmem>>, vector<16xf32>,
      %get3A_547 = vector.shape_cast %get3A_546 : vector<16xf32> to vector<16xf32>
      %add3A_548 = arith.constant 16 : i32
      %add3A_549 = arith.addi %add3A_548, %select_n3A_197 : i32
      %mul3A_550 = arith.constant 8 : i32
      %mul3A_551 = arith.muli %add3A_549, %mul3A_550 : i32
      %add3A_552 = arith.constant 1 : i32
      %add3A_553 = arith.addi %mul3A_551, %add3A_552 : i32
      %mul3A_554 = arith.constant 128 : i32
      %mul3A_555 = arith.muli %add3A_553, %mul3A_554 : i32
      %add3A_556 = arith.addi %mul3A_555, %mul3A_213 : i32
      %get3A_557 = arith.index_cast %add3A_556 : i32 to index
      %get3A_558 = tpu.vector_load %arg12[%get3A_557] {strides = array<i32>} : memref<32768xf32, #tpu.memory_space<vmem>>, vector<16xf32>,
      %get3A_559 = vector.shape_cast %get3A_558 : vector<16xf32> to vector<16xf32>
      %bitcast_convert_type3A_560 = tpu.bitcast %get3A_547 : vector<16xf32> -> vector<16xi32>
      %add3A_561 = arith.constant 32767 : i32
      %add3A_562 = vector.broadcast %add3A_561 : i32 to vector<16xi32>
      %add3A_563 = arith.addi %bitcast_convert_type3A_560, %add3A_562 : vector<16xi32>
      %shift_right_arithmetic3A_564 = arith.constant 16 : i32
      %shift_right_arithmetic3A_565 = vector.broadcast %shift_right_arithmetic3A_564 : i32 to vector<16xi32>
      %shift_right_arithmetic3A_566 = arith.shrsi %bitcast_convert_type3A_560, %shift_right_arithmetic3A_565 : vector<16xi32>
      %and3A_567 = arith.constant 1 : i32
      %and3A_568 = vector.broadcast %and3A_567 : i32 to vector<16xi32>
      %and3A_569 = arith.andi %shift_right_arithmetic3A_566, %and3A_568 : vector<16xi32>
      %add3A_570 = arith.addi %add3A_563, %and3A_569 : vector<16xi32>
      %and3A_571 = arith.constant -65536 : i32
      %and3A_572 = vector.broadcast %and3A_571 : i32 to vector<16xi32>
      %and3A_573 = arith.andi %add3A_570, %and3A_572 : vector<16xi32>
      %bitcast_convert_type3A_574 = tpu.bitcast %and3A_573 : vector<16xi32> -> vector<16xf32>
      %bitcast_convert_type3A_575 = tpu.bitcast %get3A_559 : vector<16xf32> -> vector<16xi32>
      %add3A_576 = arith.constant 32767 : i32
      %add3A_577 = vector.broadcast %add3A_576 : i32 to vector<16xi32>
      %add3A_578 = arith.addi %bitcast_convert_type3A_575, %add3A_577 : vector<16xi32>
      %shift_right_arithmetic3A_579 = arith.constant 16 : i32
      %shift_right_arithmetic3A_580 = vector.broadcast %shift_right_arithmetic3A_579 : i32 to vector<16xi32>
      %shift_right_arithmetic3A_581 = arith.shrsi %bitcast_convert_type3A_575, %shift_right_arithmetic3A_580 : vector<16xi32>
      %and3A_582 = arith.constant 1 : i32
      %and3A_583 = vector.broadcast %and3A_582 : i32 to vector<16xi32>
      %and3A_584 = arith.andi %shift_right_arithmetic3A_581, %and3A_583 : vector<16xi32>
      %add3A_585 = arith.addi %add3A_578, %and3A_584 : vector<16xi32>
      %and3A_586 = arith.constant -65536 : i32
      %and3A_587 = vector.broadcast %and3A_586 : i32 to vector<16xi32>
      %and3A_588 = arith.andi %add3A_585, %and3A_587 : vector<16xi32>
      %bitcast_convert_type3A_589 = tpu.bitcast %and3A_588 : vector<16xi32> -> vector<16xf32>
      %slice3A_590 = vector.extract_strided_slice %get3A_5 {offsets = [8], sizes = [1], strides = [1]} : vector<16xf32> to vector<1xf32>
      %squeeze3A_591 = vector.extract %slice3A_590[0] : f32 from vector<1xf32>
      %mul3A_592 = vector.broadcast %squeeze3A_591 : f32 to vector<16xf32>
      %mul3A_593 = arith.mulf %mul3A_592, %bitcast_convert_type3A_574 : vector<16xf32>
      %add3A_594 = arith.addf %add3A_525, %mul3A_593 : vector<16xf32>
      %slice3A_595 = vector.extract_strided_slice %get3A_5 {offsets = [9], sizes = [1], strides = [1]} : vector<16xf32> to vector<1xf32>
      %squeeze3A_596 = vector.extract %slice3A_595[0] : f32 from vector<1xf32>
      %mul3A_597 = vector.broadcast %squeeze3A_596 : f32 to vector<16xf32>
      %mul3A_598 = arith.mulf %mul3A_597, %bitcast_convert_type3A_589 : vector<16xf32>
      %add3A_599 = arith.addf %add3A_594, %mul3A_598 : vector<16xf32>
      %slice3A_600 = vector.extract_strided_slice %get3A_8 {offsets = [8], sizes = [1], strides = [1]} : vector<16xf32> to vector<1xf32>
      %squeeze3A_601 = vector.extract %slice3A_600[0] : f32 from vector<1xf32>
      %mul3A_602 = vector.broadcast %squeeze3A_601 : f32 to vector<16xf32>
      %mul3A_603 = arith.mulf %mul3A_602, %bitcast_convert_type3A_574 : vector<16xf32>
      %add3A_604 = arith.addf %add3A_535, %mul3A_603 : vector<16xf32>
      %slice3A_605 = vector.extract_strided_slice %get3A_8 {offsets = [9], sizes = [1], strides = [1]} : vector<16xf32> to vector<1xf32>
      %squeeze3A_606 = vector.extract %slice3A_605[0] : f32 from vector<1xf32>
      %mul3A_607 = vector.broadcast %squeeze3A_606 : f32 to vector<16xf32>
      %mul3A_608 = arith.mulf %mul3A_607, %bitcast_convert_type3A_589 : vector<16xf32>
      %add3A_609 = arith.addf %add3A_604, %mul3A_608 : vector<16xf32>
      %add3A_610 = arith.constant 16 : i32
      %add3A_611 = arith.addi %add3A_610, %select_n3A_197 : i32
      %mul3A_612 = arith.constant 8 : i32
      %mul3A_613 = arith.muli %add3A_611, %mul3A_612 : i32
      %add3A_614 = arith.constant 2 : i32
      %add3A_615 = arith.addi %mul3A_613, %add3A_614 : i32
      %mul3A_616 = arith.constant 128 : i32
      %mul3A_617 = arith.muli %add3A_615, %mul3A_616 : i32
      %add3A_618 = arith.addi %mul3A_617, %mul3A_213 : i32
      %get3A_619 = arith.index_cast %add3A_618 : i32 to index
      %get3A_620 = tpu.vector_load %arg12[%get3A_619] {strides = array<i32>} : memref<32768xf32, #tpu.memory_space<vmem>>, vector<16xf32>,
      %get3A_621 = vector.shape_cast %get3A_620 : vector<16xf32> to vector<16xf32>
      %add3A_622 = arith.constant 16 : i32
      %add3A_623 = arith.addi %add3A_622, %select_n3A_197 : i32
      %mul3A_624 = arith.constant 8 : i32
      %mul3A_625 = arith.muli %add3A_623, %mul3A_624 : i32
      %add3A_626 = arith.constant 3 : i32
      %add3A_627 = arith.addi %mul3A_625, %add3A_626 : i32
      %mul3A_628 = arith.constant 128 : i32
      %mul3A_629 = arith.muli %add3A_627, %mul3A_628 : i32
      %add3A_630 = arith.addi %mul3A_629, %mul3A_213 : i32
      %get3A_631 = arith.index_cast %add3A_630 : i32 to index
      %get3A_632 = tpu.vector_load %arg12[%get3A_631] {strides = array<i32>} : memref<32768xf32, #tpu.memory_space<vmem>>, vector<16xf32>,
      %get3A_633 = vector.shape_cast %get3A_632 : vector<16xf32> to vector<16xf32>
      %bitcast_convert_type3A_634 = tpu.bitcast %get3A_621 : vector<16xf32> -> vector<16xi32>
      %add3A_635 = arith.constant 32767 : i32
      %add3A_636 = vector.broadcast %add3A_635 : i32 to vector<16xi32>
      %add3A_637 = arith.addi %bitcast_convert_type3A_634, %add3A_636 : vector<16xi32>
      %shift_right_arithmetic3A_638 = arith.constant 16 : i32
      %shift_right_arithmetic3A_639 = vector.broadcast %shift_right_arithmetic3A_638 : i32 to vector<16xi32>
      %shift_right_arithmetic3A_640 = arith.shrsi %bitcast_convert_type3A_634, %shift_right_arithmetic3A_639 : vector<16xi32>
      %and3A_641 = arith.constant 1 : i32
      %and3A_642 = vector.broadcast %and3A_641 : i32 to vector<16xi32>
      %and3A_643 = arith.andi %shift_right_arithmetic3A_640, %and3A_642 : vector<16xi32>
      %add3A_644 = arith.addi %add3A_637, %and3A_643 : vector<16xi32>
      %and3A_645 = arith.constant -65536 : i32
      %and3A_646 = vector.broadcast %and3A_645 : i32 to vector<16xi32>
      %and3A_647 = arith.andi %add3A_644, %and3A_646 : vector<16xi32>
      %bitcast_convert_type3A_648 = tpu.bitcast %and3A_647 : vector<16xi32> -> vector<16xf32>
      %bitcast_convert_type3A_649 = tpu.bitcast %get3A_633 : vector<16xf32> -> vector<16xi32>
      %add3A_650 = arith.constant 32767 : i32
      %add3A_651 = vector.broadcast %add3A_650 : i32 to vector<16xi32>
      %add3A_652 = arith.addi %bitcast_convert_type3A_649, %add3A_651 : vector<16xi32>
      %shift_right_arithmetic3A_653 = arith.constant 16 : i32
      %shift_right_arithmetic3A_654 = vector.broadcast %shift_right_arithmetic3A_653 : i32 to vector<16xi32>
      %shift_right_arithmetic3A_655 = arith.shrsi %bitcast_convert_type3A_649, %shift_right_arithmetic3A_654 : vector<16xi32>
      %and3A_656 = arith.constant 1 : i32
      %and3A_657 = vector.broadcast %and3A_656 : i32 to vector<16xi32>
      %and3A_658 = arith.andi %shift_right_arithmetic3A_655, %and3A_657 : vector<16xi32>
      %add3A_659 = arith.addi %add3A_652, %and3A_658 : vector<16xi32>
      %and3A_660 = arith.constant -65536 : i32
      %and3A_661 = vector.broadcast %and3A_660 : i32 to vector<16xi32>
      %and3A_662 = arith.andi %add3A_659, %and3A_661 : vector<16xi32>
      %bitcast_convert_type3A_663 = tpu.bitcast %and3A_662 : vector<16xi32> -> vector<16xf32>
      %slice3A_664 = vector.extract_strided_slice %get3A_5 {offsets = [10], sizes = [1], strides = [1]} : vector<16xf32> to vector<1xf32>
      %squeeze3A_665 = vector.extract %slice3A_664[0] : f32 from vector<1xf32>
      %mul3A_666 = vector.broadcast %squeeze3A_665 : f32 to vector<16xf32>
      %mul3A_667 = arith.mulf %mul3A_666, %bitcast_convert_type3A_648 : vector<16xf32>
      %add3A_668 = arith.addf %add3A_599, %mul3A_667 : vector<16xf32>
      %slice3A_669 = vector.extract_strided_slice %get3A_5 {offsets = [11], sizes = [1], strides = [1]} : vector<16xf32> to vector<1xf32>
      %squeeze3A_670 = vector.extract %slice3A_669[0] : f32 from vector<1xf32>
      %mul3A_671 = vector.broadcast %squeeze3A_670 : f32 to vector<16xf32>
      %mul3A_672 = arith.mulf %mul3A_671, %bitcast_convert_type3A_663 : vector<16xf32>
      %add3A_673 = arith.addf %add3A_668, %mul3A_672 : vector<16xf32>
      %slice3A_674 = vector.extract_strided_slice %get3A_8 {offsets = [10], sizes = [1], strides = [1]} : vector<16xf32> to vector<1xf32>
      %squeeze3A_675 = vector.extract %slice3A_674[0] : f32 from vector<1xf32>
      %mul3A_676 = vector.broadcast %squeeze3A_675 : f32 to vector<16xf32>
      %mul3A_677 = arith.mulf %mul3A_676, %bitcast_convert_type3A_648 : vector<16xf32>
      %add3A_678 = arith.addf %add3A_609, %mul3A_677 : vector<16xf32>
      %slice3A_679 = vector.extract_strided_slice %get3A_8 {offsets = [11], sizes = [1], strides = [1]} : vector<16xf32> to vector<1xf32>
      %squeeze3A_680 = vector.extract %slice3A_679[0] : f32 from vector<1xf32>
      %mul3A_681 = vector.broadcast %squeeze3A_680 : f32 to vector<16xf32>
      %mul3A_682 = arith.mulf %mul3A_681, %bitcast_convert_type3A_663 : vector<16xf32>
      %add3A_683 = arith.addf %add3A_678, %mul3A_682 : vector<16xf32>
      %add3A_684 = arith.constant 16 : i32
      %add3A_685 = arith.addi %add3A_684, %select_n3A_197 : i32
      %mul3A_686 = arith.constant 8 : i32
      %mul3A_687 = arith.muli %add3A_685, %mul3A_686 : i32
      %add3A_688 = arith.constant 4 : i32
      %add3A_689 = arith.addi %mul3A_687, %add3A_688 : i32
      %mul3A_690 = arith.constant 128 : i32
      %mul3A_691 = arith.muli %add3A_689, %mul3A_690 : i32
      %add3A_692 = arith.addi %mul3A_691, %mul3A_213 : i32
      %get3A_693 = arith.index_cast %add3A_692 : i32 to index
      %get3A_694 = tpu.vector_load %arg12[%get3A_693] {strides = array<i32>} : memref<32768xf32, #tpu.memory_space<vmem>>, vector<16xf32>,
      %get3A_695 = vector.shape_cast %get3A_694 : vector<16xf32> to vector<16xf32>
      %add3A_696 = arith.constant 16 : i32
      %add3A_697 = arith.addi %add3A_696, %select_n3A_197 : i32
      %mul3A_698 = arith.constant 8 : i32
      %mul3A_699 = arith.muli %add3A_697, %mul3A_698 : i32
      %add3A_700 = arith.constant 5 : i32
      %add3A_701 = arith.addi %mul3A_699, %add3A_700 : i32
      %mul3A_702 = arith.constant 128 : i32
      %mul3A_703 = arith.muli %add3A_701, %mul3A_702 : i32
      %add3A_704 = arith.addi %mul3A_703, %mul3A_213 : i32
      %get3A_705 = arith.index_cast %add3A_704 : i32 to index
      %get3A_706 = tpu.vector_load %arg12[%get3A_705] {strides = array<i32>} : memref<32768xf32, #tpu.memory_space<vmem>>, vector<16xf32>,
      %get3A_707 = vector.shape_cast %get3A_706 : vector<16xf32> to vector<16xf32>
      %bitcast_convert_type3A_708 = tpu.bitcast %get3A_695 : vector<16xf32> -> vector<16xi32>
      %add3A_709 = arith.constant 32767 : i32
      %add3A_710 = vector.broadcast %add3A_709 : i32 to vector<16xi32>
      %add3A_711 = arith.addi %bitcast_convert_type3A_708, %add3A_710 : vector<16xi32>
      %shift_right_arithmetic3A_712 = arith.constant 16 : i32
      %shift_right_arithmetic3A_713 = vector.broadcast %shift_right_arithmetic3A_712 : i32 to vector<16xi32>
      %shift_right_arithmetic3A_714 = arith.shrsi %bitcast_convert_type3A_708, %shift_right_arithmetic3A_713 : vector<16xi32>
      %and3A_715 = arith.constant 1 : i32
      %and3A_716 = vector.broadcast %and3A_715 : i32 to vector<16xi32>
      %and3A_717 = arith.andi %shift_right_arithmetic3A_714, %and3A_716 : vector<16xi32>
      %add3A_718 = arith.addi %add3A_711, %and3A_717 : vector<16xi32>
      %and3A_719 = arith.constant -65536 : i32
      %and3A_720 = vector.broadcast %and3A_719 : i32 to vector<16xi32>
      %and3A_721 = arith.andi %add3A_718, %and3A_720 : vector<16xi32>
      %bitcast_convert_type3A_722 = tpu.bitcast %and3A_721 : vector<16xi32> -> vector<16xf32>
      %bitcast_convert_type3A_723 = tpu.bitcast %get3A_707 : vector<16xf32> -> vector<16xi32>
      %add3A_724 = arith.constant 32767 : i32
      %add3A_725 = vector.broadcast %add3A_724 : i32 to vector<16xi32>
      %add3A_726 = arith.addi %bitcast_convert_type3A_723, %add3A_725 : vector<16xi32>
      %shift_right_arithmetic3A_727 = arith.constant 16 : i32
      %shift_right_arithmetic3A_728 = vector.broadcast %shift_right_arithmetic3A_727 : i32 to vector<16xi32>
      %shift_right_arithmetic3A_729 = arith.shrsi %bitcast_convert_type3A_723, %shift_right_arithmetic3A_728 : vector<16xi32>
      %and3A_730 = arith.constant 1 : i32
      %and3A_731 = vector.broadcast %and3A_730 : i32 to vector<16xi32>
      %and3A_732 = arith.andi %shift_right_arithmetic3A_729, %and3A_731 : vector<16xi32>
      %add3A_733 = arith.addi %add3A_726, %and3A_732 : vector<16xi32>
      %and3A_734 = arith.constant -65536 : i32
      %and3A_735 = vector.broadcast %and3A_734 : i32 to vector<16xi32>
      %and3A_736 = arith.andi %add3A_733, %and3A_735 : vector<16xi32>
      %bitcast_convert_type3A_737 = tpu.bitcast %and3A_736 : vector<16xi32> -> vector<16xf32>
      %slice3A_738 = vector.extract_strided_slice %get3A_5 {offsets = [12], sizes = [1], strides = [1]} : vector<16xf32> to vector<1xf32>
      %squeeze3A_739 = vector.extract %slice3A_738[0] : f32 from vector<1xf32>
      %mul3A_740 = vector.broadcast %squeeze3A_739 : f32 to vector<16xf32>
      %mul3A_741 = arith.mulf %mul3A_740, %bitcast_convert_type3A_722 : vector<16xf32>
      %add3A_742 = arith.addf %add3A_673, %mul3A_741 : vector<16xf32>
      %slice3A_743 = vector.extract_strided_slice %get3A_5 {offsets = [13], sizes = [1], strides = [1]} : vector<16xf32> to vector<1xf32>
      %squeeze3A_744 = vector.extract %slice3A_743[0] : f32 from vector<1xf32>
      %mul3A_745 = vector.broadcast %squeeze3A_744 : f32 to vector<16xf32>
      %mul3A_746 = arith.mulf %mul3A_745, %bitcast_convert_type3A_737 : vector<16xf32>
      %add3A_747 = arith.addf %add3A_742, %mul3A_746 : vector<16xf32>
      %slice3A_748 = vector.extract_strided_slice %get3A_8 {offsets = [12], sizes = [1], strides = [1]} : vector<16xf32> to vector<1xf32>
      %squeeze3A_749 = vector.extract %slice3A_748[0] : f32 from vector<1xf32>
      %mul3A_750 = vector.broadcast %squeeze3A_749 : f32 to vector<16xf32>
      %mul3A_751 = arith.mulf %mul3A_750, %bitcast_convert_type3A_722 : vector<16xf32>
      %add3A_752 = arith.addf %add3A_683, %mul3A_751 : vector<16xf32>
      %slice3A_753 = vector.extract_strided_slice %get3A_8 {offsets = [13], sizes = [1], strides = [1]} : vector<16xf32> to vector<1xf32>
      %squeeze3A_754 = vector.extract %slice3A_753[0] : f32 from vector<1xf32>
      %mul3A_755 = vector.broadcast %squeeze3A_754 : f32 to vector<16xf32>
      %mul3A_756 = arith.mulf %mul3A_755, %bitcast_convert_type3A_737 : vector<16xf32>
      %add3A_757 = arith.addf %add3A_752, %mul3A_756 : vector<16xf32>
      %add3A_758 = arith.constant 16 : i32
      %add3A_759 = arith.addi %add3A_758, %select_n3A_197 : i32
      %mul3A_760 = arith.constant 8 : i32
      %mul3A_761 = arith.muli %add3A_759, %mul3A_760 : i32
      %add3A_762 = arith.constant 6 : i32
      %add3A_763 = arith.addi %mul3A_761, %add3A_762 : i32
      %mul3A_764 = arith.constant 128 : i32
      %mul3A_765 = arith.muli %add3A_763, %mul3A_764 : i32
      %add3A_766 = arith.addi %mul3A_765, %mul3A_213 : i32
      %get3A_767 = arith.index_cast %add3A_766 : i32 to index
      %get3A_768 = tpu.vector_load %arg12[%get3A_767] {strides = array<i32>} : memref<32768xf32, #tpu.memory_space<vmem>>, vector<16xf32>,
      %get3A_769 = vector.shape_cast %get3A_768 : vector<16xf32> to vector<16xf32>
      %add3A_770 = arith.constant 16 : i32
      %add3A_771 = arith.addi %add3A_770, %select_n3A_197 : i32
      %mul3A_772 = arith.constant 8 : i32
      %mul3A_773 = arith.muli %add3A_771, %mul3A_772 : i32
      %add3A_774 = arith.constant 7 : i32
      %add3A_775 = arith.addi %mul3A_773, %add3A_774 : i32
      %mul3A_776 = arith.constant 128 : i32
      %mul3A_777 = arith.muli %add3A_775, %mul3A_776 : i32
      %add3A_778 = arith.addi %mul3A_777, %mul3A_213 : i32
      %get3A_779 = arith.index_cast %add3A_778 : i32 to index
      %get3A_780 = tpu.vector_load %arg12[%get3A_779] {strides = array<i32>} : memref<32768xf32, #tpu.memory_space<vmem>>, vector<16xf32>,
      %get3A_781 = vector.shape_cast %get3A_780 : vector<16xf32> to vector<16xf32>
      %bitcast_convert_type3A_782 = tpu.bitcast %get3A_769 : vector<16xf32> -> vector<16xi32>
      %add3A_783 = arith.constant 32767 : i32
      %add3A_784 = vector.broadcast %add3A_783 : i32 to vector<16xi32>
      %add3A_785 = arith.addi %bitcast_convert_type3A_782, %add3A_784 : vector<16xi32>
      %shift_right_arithmetic3A_786 = arith.constant 16 : i32
      %shift_right_arithmetic3A_787 = vector.broadcast %shift_right_arithmetic3A_786 : i32 to vector<16xi32>
      %shift_right_arithmetic3A_788 = arith.shrsi %bitcast_convert_type3A_782, %shift_right_arithmetic3A_787 : vector<16xi32>
      %and3A_789 = arith.constant 1 : i32
      %and3A_790 = vector.broadcast %and3A_789 : i32 to vector<16xi32>
      %and3A_791 = arith.andi %shift_right_arithmetic3A_788, %and3A_790 : vector<16xi32>
      %add3A_792 = arith.addi %add3A_785, %and3A_791 : vector<16xi32>
      %and3A_793 = arith.constant -65536 : i32
      %and3A_794 = vector.broadcast %and3A_793 : i32 to vector<16xi32>
      %and3A_795 = arith.andi %add3A_792, %and3A_794 : vector<16xi32>
      %bitcast_convert_type3A_796 = tpu.bitcast %and3A_795 : vector<16xi32> -> vector<16xf32>
      %bitcast_convert_type3A_797 = tpu.bitcast %get3A_781 : vector<16xf32> -> vector<16xi32>
      %add3A_798 = arith.constant 32767 : i32
      %add3A_799 = vector.broadcast %add3A_798 : i32 to vector<16xi32>
      %add3A_800 = arith.addi %bitcast_convert_type3A_797, %add3A_799 : vector<16xi32>
      %shift_right_arithmetic3A_801 = arith.constant 16 : i32
      %shift_right_arithmetic3A_802 = vector.broadcast %shift_right_arithmetic3A_801 : i32 to vector<16xi32>
      %shift_right_arithmetic3A_803 = arith.shrsi %bitcast_convert_type3A_797, %shift_right_arithmetic3A_802 : vector<16xi32>
      %and3A_804 = arith.constant 1 : i32
      %and3A_805 = vector.broadcast %and3A_804 : i32 to vector<16xi32>
      %and3A_806 = arith.andi %shift_right_arithmetic3A_803, %and3A_805 : vector<16xi32>
      %add3A_807 = arith.addi %add3A_800, %and3A_806 : vector<16xi32>
      %and3A_808 = arith.constant -65536 : i32
      %and3A_809 = vector.broadcast %and3A_808 : i32 to vector<16xi32>
      %and3A_810 = arith.andi %add3A_807, %and3A_809 : vector<16xi32>
      %bitcast_convert_type3A_811 = tpu.bitcast %and3A_810 : vector<16xi32> -> vector<16xf32>
      %slice3A_812 = vector.extract_strided_slice %get3A_5 {offsets = [14], sizes = [1], strides = [1]} : vector<16xf32> to vector<1xf32>
      %squeeze3A_813 = vector.extract %slice3A_812[0] : f32 from vector<1xf32>
      %mul3A_814 = vector.broadcast %squeeze3A_813 : f32 to vector<16xf32>
      %mul3A_815 = arith.mulf %mul3A_814, %bitcast_convert_type3A_796 : vector<16xf32>
      %add3A_816 = arith.addf %add3A_747, %mul3A_815 : vector<16xf32>
      %slice3A_817 = vector.extract_strided_slice %get3A_5 {offsets = [15], sizes = [1], strides = [1]} : vector<16xf32> to vector<1xf32>
      %squeeze3A_818 = vector.extract %slice3A_817[0] : f32 from vector<1xf32>
      %mul3A_819 = vector.broadcast %squeeze3A_818 : f32 to vector<16xf32>
      %mul3A_820 = arith.mulf %mul3A_819, %bitcast_convert_type3A_811 : vector<16xf32>
      %add3A_821 = arith.addf %add3A_816, %mul3A_820 : vector<16xf32>
      %slice3A_822 = vector.extract_strided_slice %get3A_8 {offsets = [14], sizes = [1], strides = [1]} : vector<16xf32> to vector<1xf32>
      %squeeze3A_823 = vector.extract %slice3A_822[0] : f32 from vector<1xf32>
      %mul3A_824 = vector.broadcast %squeeze3A_823 : f32 to vector<16xf32>
      %mul3A_825 = arith.mulf %mul3A_824, %bitcast_convert_type3A_796 : vector<16xf32>
      %add3A_826 = arith.addf %add3A_757, %mul3A_825 : vector<16xf32>
      %slice3A_827 = vector.extract_strided_slice %get3A_8 {offsets = [15], sizes = [1], strides = [1]} : vector<16xf32> to vector<1xf32>
      %squeeze3A_828 = vector.extract %slice3A_827[0] : f32 from vector<1xf32>
      %mul3A_829 = vector.broadcast %squeeze3A_828 : f32 to vector<16xf32>
      %mul3A_830 = arith.mulf %mul3A_829, %bitcast_convert_type3A_811 : vector<16xf32>
      %add3A_831 = arith.addf %add3A_826, %mul3A_830 : vector<16xf32>
      %mul3A_832 = arith.constant 0.318309873 : f32
      %mul3A_833 = vector.broadcast %mul3A_832 : f32 to vector<16xf32>
      %mul3A_834 = arith.mulf %add3A_821, %mul3A_833 : vector<16xf32>
      %ge3A = arith.constant 0.000000e+00 : f32
      %ge3A_835 = vector.broadcast %ge3A : f32 to vector<16xf32>
      %ge3A_836 = arith.cmpf oge, %mul3A_834, %ge3A_835 : vector<16xf32>
      %jit3A_837 = arith.constant 5.000000e-01 : f32
      %jit3A_838 = arith.constant -5.000000e-01 : f32
      %broadcast_in_dim3A = vector.broadcast %jit3A_837 : f32 to vector<16xf32>
      %broadcast_in_dim3A_839 = vector.broadcast %jit3A_838 : f32 to vector<16xf32>
      %select_n3A_840 = arith.select %ge3A_836, %broadcast_in_dim3A, %broadcast_in_dim3A_839 : vector<16xi1>, vector<16xf32>
      %add3A_841 = arith.addf %mul3A_834, %select_n3A_840 : vector<16xf32>
      %convert_element_type3A = arith.fptosi %add3A_841 : vector<16xf32> to vector<16xi32>
      %convert_element_type3A_842 = arith.sitofp %convert_element_type3A : vector<16xi32> to vector<16xf32>
      %and3A_843 = arith.constant 1 : i32
      %and3A_844 = vector.broadcast %and3A_843 : i32 to vector<16xi32>
      %and3A_845 = arith.andi %convert_element_type3A, %and3A_844 : vector<16xi32>
      %eq3A_846 = arith.constant 1 : i32
      %eq3A_847 = vector.broadcast %eq3A_846 : i32 to vector<16xi32>
      %eq3A_848 = arith.cmpi eq, %and3A_845, %eq3A_847 : vector<16xi32>
      %jit3A_849 = arith.constant -1.000000e+00 : f32
      %jit3A_850 = arith.constant 1.000000e+00 : f32
      %broadcast_in_dim3A_851 = vector.broadcast %jit3A_849 : f32 to vector<16xf32>
      %broadcast_in_dim3A_852 = vector.broadcast %jit3A_850 : f32 to vector<16xf32>
      %select_n3A_853 = arith.select %eq3A_848, %broadcast_in_dim3A_851, %broadcast_in_dim3A_852 : vector<16xi1>, vector<16xf32>
      %mul3A_854 = arith.constant 3.140625 : f32
      %mul3A_855 = vector.broadcast %mul3A_854 : f32 to vector<16xf32>
      %mul3A_856 = arith.mulf %convert_element_type3A_842, %mul3A_855 : vector<16xf32>
      %sub3A_857 = arith.subf %add3A_821, %mul3A_856 : vector<16xf32>
      %mul3A_858 = arith.constant 9.67653584E-4 : f32
      %mul3A_859 = vector.broadcast %mul3A_858 : f32 to vector<16xf32>
      %mul3A_860 = arith.mulf %convert_element_type3A_842, %mul3A_859 : vector<16xf32>
      %sub3A_861 = arith.subf %sub3A_857, %mul3A_860 : vector<16xf32>
      %mul3A_862 = arith.mulf %sub3A_861, %sub3A_861 : vector<16xf32>
      %mul3A_863 = arith.constant 2.75573188E-6 : f32
      %mul3A_864 = vector.broadcast %mul3A_863 : f32 to vector<16xf32>
      %mul3A_865 = arith.mulf %mul3A_862, %mul3A_864 : vector<16xf32>
      %add3A_866 = arith.constant -1.98412701E-4 : f32
      %add3A_867 = vector.broadcast %add3A_866 : f32 to vector<16xf32>
      %add3A_868 = arith.addf %add3A_867, %mul3A_865 : vector<16xf32>
      %mul3A_869 = arith.mulf %mul3A_862, %add3A_868 : vector<16xf32>
      %add3A_870 = arith.constant 0.00833333377 : f32
      %add3A_871 = vector.broadcast %add3A_870 : f32 to vector<16xf32>
      %add3A_872 = arith.addf %add3A_871, %mul3A_869 : vector<16xf32>
      %mul3A_873 = arith.mulf %mul3A_862, %add3A_872 : vector<16xf32>
      %add3A_874 = arith.constant -0.166666672 : f32
      %add3A_875 = vector.broadcast %add3A_874 : f32 to vector<16xf32>
      %add3A_876 = arith.addf %add3A_875, %mul3A_873 : vector<16xf32>
      %mul3A_877 = arith.mulf %mul3A_862, %add3A_876 : vector<16xf32>
      %add3A_878 = arith.constant 1.000000e+00 : f32
      %add3A_879 = vector.broadcast %add3A_878 : f32 to vector<16xf32>
      %add3A_880 = arith.addf %add3A_879, %mul3A_877 : vector<16xf32>
      %mul3A_881 = arith.mulf %sub3A_861, %add3A_880 : vector<16xf32>
      %mul3A_882 = arith.mulf %select_n3A_853, %mul3A_881 : vector<16xf32>
      %slice3A_883 = vector.extract_strided_slice %get3A_2 {offsets = [4], sizes = [1], strides = [1]} : vector<16xf32> to vector<1xf32>
      %squeeze3A_884 = vector.extract %slice3A_883[0] : f32 from vector<1xf32>
      %mul3A_885 = vector.broadcast %squeeze3A_884 : f32 to vector<16xf32>
      %mul3A_886 = arith.mulf %mul3A_885, %mul3A_882 : vector<16xf32>
      %add3A_887 = arith.addf %add3A_831, %mul3A_886 : vector<16xf32>
      %mul3A_888 = arith.constant -5.000000e-01 : f32
      %mul3A_889 = vector.broadcast %mul3A_888 : f32 to vector<16xf32>
      %mul3A_890 = arith.mulf %mul3A_889, %add3A_887 : vector<16xf32>
      %mul3A_891 = arith.mulf %mul3A_890, %add3A_887 : vector<16xf32>
      %exp3A = math.exp %mul3A_891 : vector<16xf32>
      %mul3A_892 = arith.constant 0.398942292 : f32
      %mul3A_893 = vector.broadcast %mul3A_892 : f32 to vector<16xf32>
      %mul3A_894 = arith.mulf %mul3A_893, %exp3A : vector<16xf32>
      %bitcast_convert_type3A_895 = tpu.bitcast %mul3A_882 : vector<16xf32> -> vector<16xi32>
      %add3A_896 = arith.constant 32767 : i32
      %add3A_897 = vector.broadcast %add3A_896 : i32 to vector<16xi32>
      %add3A_898 = arith.addi %bitcast_convert_type3A_895, %add3A_897 : vector<16xi32>
      %shift_right_arithmetic3A_899 = arith.constant 16 : i32
      %shift_right_arithmetic3A_900 = vector.broadcast %shift_right_arithmetic3A_899 : i32 to vector<16xi32>
      %shift_right_arithmetic3A_901 = arith.shrsi %bitcast_convert_type3A_895, %shift_right_arithmetic3A_900 : vector<16xi32>
      %and3A_902 = arith.constant 1 : i32
      %and3A_903 = vector.broadcast %and3A_902 : i32 to vector<16xi32>
      %and3A_904 = arith.andi %shift_right_arithmetic3A_901, %and3A_903 : vector<16xi32>
      %add3A_905 = arith.addi %add3A_898, %and3A_904 : vector<16xi32>
      %and3A_906 = arith.constant -65536 : i32
      %and3A_907 = vector.broadcast %and3A_906 : i32 to vector<16xi32>
      %and3A_908 = arith.andi %add3A_905, %and3A_907 : vector<16xi32>
      %bitcast_convert_type3A_909 = tpu.bitcast %and3A_908 : vector<16xi32> -> vector<16xf32>
      %bitcast_convert_type3A_910 = tpu.bitcast %mul3A_894 : vector<16xf32> -> vector<16xi32>
      %add3A_911 = arith.constant 32767 : i32
      %add3A_912 = vector.broadcast %add3A_911 : i32 to vector<16xi32>
      %add3A_913 = arith.addi %bitcast_convert_type3A_910, %add3A_912 : vector<16xi32>
      %shift_right_arithmetic3A_914 = arith.constant 16 : i32
      %shift_right_arithmetic3A_915 = vector.broadcast %shift_right_arithmetic3A_914 : i32 to vector<16xi32>
      %shift_right_arithmetic3A_916 = arith.shrsi %bitcast_convert_type3A_910, %shift_right_arithmetic3A_915 : vector<16xi32>
      %and3A_917 = arith.constant 1 : i32
      %and3A_918 = vector.broadcast %and3A_917 : i32 to vector<16xi32>
      %and3A_919 = arith.andi %shift_right_arithmetic3A_916, %and3A_918 : vector<16xi32>
      %add3A_920 = arith.addi %add3A_913, %and3A_919 : vector<16xi32>
      %and3A_921 = arith.constant -65536 : i32
      %and3A_922 = vector.broadcast %and3A_921 : i32 to vector<16xi32>
      %and3A_923 = arith.andi %add3A_920, %and3A_922 : vector<16xi32>
      %bitcast_convert_type3A_924 = tpu.bitcast %and3A_923 : vector<16xi32> -> vector<16xf32>
      %slice3A_925 = vector.extract_strided_slice %get3A_11 {offsets = [0], sizes = [1], strides = [1]} : vector<16xf32> to vector<1xf32>
      %squeeze3A_926 = vector.extract %slice3A_925[0] : f32 from vector<1xf32>
      %mul3A_927 = vector.broadcast %squeeze3A_926 : f32 to vector<16xf32>
      %mul3A_928 = arith.mulf %mul3A_927, %bitcast_convert_type3A_909 : vector<16xf32>
      %slice3A_929 = vector.extract_strided_slice %get3A_11 {offsets = [3], sizes = [1], strides = [1]} : vector<16xf32> to vector<1xf32>
      %squeeze3A_930 = vector.extract %slice3A_929[0] : f32 from vector<1xf32>
      %mul3A_931 = vector.broadcast %squeeze3A_930 : f32 to vector<16xf32>
      %mul3A_932 = arith.mulf %mul3A_931, %bitcast_convert_type3A_924 : vector<16xf32>
      %add3A_933 = arith.addf %mul3A_928, %mul3A_932 : vector<16xf32>
      %neg3A = arith.constant 0.000000e+00 : f32
      %neg3A_934 = vector.broadcast %neg3A : f32 to vector<16xf32>
      %neg3A_935 = arith.subf %neg3A_934, %add3A_933 : vector<16xf32>
      %exp3A_936 = math.exp %neg3A_935 : vector<16xf32>
      %add3A_937 = arith.constant 1.000000e+00 : f32
      %add3A_938 = vector.broadcast %add3A_937 : f32 to vector<16xf32>
      %add3A_939 = arith.addf %add3A_938, %exp3A_936 : vector<16xf32>
      %div3A_940 = arith.constant 1.000000e+00 : f32
      %div3A_941 = vector.broadcast %div3A_940 : f32 to vector<16xf32>
      %div3A_942 = arith.divf %div3A_941, %add3A_939 : vector<16xf32>
      %mul3A_943 = arith.constant 4 : i32
      %mul3A_944 = arith.muli %mul3A_943, %select_n3A_197 : i32
      %add3A_945 = arith.constant 0 : i32
      %add3A_946 = arith.addi %mul3A_944, %add3A_945 : i32
      %mul3A_947 = arith.constant 128 : i32
      %mul3A_948 = arith.muli %add3A_946, %mul3A_947 : i32
      %add3A_949 = arith.addi %mul3A_948, %mul3A_213 : i32
      %swap3A = arith.index_cast %add3A_949 : i32 to index
      %swap3A_950 = tpu.vector_load %arg13[%swap3A] {strides = array<i32>} : memref<8192xf32, #tpu.memory_space<vmem>>, vector<16xf32>,
      %swap3A_951 = vector.shape_cast %swap3A_950 : vector<16xf32> to vector<16xf32>
      %swap3A_952 = vector.shape_cast %div3A_942 : vector<16xf32> to vector<16xf32>
      tpu.vector_store %arg13[%swap3A], %swap3A_952 {strides = array<i32>} : memref<8192xf32, #tpu.memory_space<vmem>>, vector<16xf32>,
      %slice3A_953 = vector.extract_strided_slice %get3A_11 {offsets = [1], sizes = [1], strides = [1]} : vector<16xf32> to vector<1xf32>
      %squeeze3A_954 = vector.extract %slice3A_953[0] : f32 from vector<1xf32>
      %mul3A_955 = vector.broadcast %squeeze3A_954 : f32 to vector<16xf32>
      %mul3A_956 = arith.mulf %mul3A_955, %bitcast_convert_type3A_909 : vector<16xf32>
      %slice3A_957 = vector.extract_strided_slice %get3A_11 {offsets = [4], sizes = [1], strides = [1]} : vector<16xf32> to vector<1xf32>
      %squeeze3A_958 = vector.extract %slice3A_957[0] : f32 from vector<1xf32>
      %mul3A_959 = vector.broadcast %squeeze3A_958 : f32 to vector<16xf32>
      %mul3A_960 = arith.mulf %mul3A_959, %bitcast_convert_type3A_924 : vector<16xf32>
      %add3A_961 = arith.addf %mul3A_956, %mul3A_960 : vector<16xf32>
      %neg3A_962 = arith.constant 0.000000e+00 : f32
      %neg3A_963 = vector.broadcast %neg3A_962 : f32 to vector<16xf32>
      %neg3A_964 = arith.subf %neg3A_963, %add3A_961 : vector<16xf32>
      %exp3A_965 = math.exp %neg3A_964 : vector<16xf32>
      %add3A_966 = arith.constant 1.000000e+00 : f32
      %add3A_967 = vector.broadcast %add3A_966 : f32 to vector<16xf32>
      %add3A_968 = arith.addf %add3A_967, %exp3A_965 : vector<16xf32>
      %div3A_969 = arith.constant 1.000000e+00 : f32
      %div3A_970 = vector.broadcast %div3A_969 : f32 to vector<16xf32>
      %div3A_971 = arith.divf %div3A_970, %add3A_968 : vector<16xf32>
      %mul3A_972 = arith.constant 4 : i32
      %mul3A_973 = arith.muli %mul3A_972, %select_n3A_197 : i32
      %add3A_974 = arith.constant 1 : i32
      %add3A_975 = arith.addi %mul3A_973, %add3A_974 : i32
      %mul3A_976 = arith.constant 128 : i32
      %mul3A_977 = arith.muli %add3A_975, %mul3A_976 : i32
      %add3A_978 = arith.addi %mul3A_977, %mul3A_213 : i32
      %swap3A_979 = arith.index_cast %add3A_978 : i32 to index
      %swap3A_980 = tpu.vector_load %arg13[%swap3A_979] {strides = array<i32>} : memref<8192xf32, #tpu.memory_space<vmem>>, vector<16xf32>,
      %swap3A_981 = vector.shape_cast %swap3A_980 : vector<16xf32> to vector<16xf32>
      %swap3A_982 = vector.shape_cast %div3A_971 : vector<16xf32> to vector<16xf32>
      tpu.vector_store %arg13[%swap3A_979], %swap3A_982 {strides = array<i32>} : memref<8192xf32, #tpu.memory_space<vmem>>, vector<16xf32>,
      %slice3A_983 = vector.extract_strided_slice %get3A_11 {offsets = [2], sizes = [1], strides = [1]} : vector<16xf32> to vector<1xf32>
      %squeeze3A_984 = vector.extract %slice3A_983[0] : f32 from vector<1xf32>
      %mul3A_985 = vector.broadcast %squeeze3A_984 : f32 to vector<16xf32>
      %mul3A_986 = arith.mulf %mul3A_985, %bitcast_convert_type3A_909 : vector<16xf32>
      %slice3A_987 = vector.extract_strided_slice %get3A_11 {offsets = [5], sizes = [1], strides = [1]} : vector<16xf32> to vector<1xf32>
      %squeeze3A_988 = vector.extract %slice3A_987[0] : f32 from vector<1xf32>
      %mul3A_989 = vector.broadcast %squeeze3A_988 : f32 to vector<16xf32>
      %mul3A_990 = arith.mulf %mul3A_989, %bitcast_convert_type3A_924 : vector<16xf32>
      %add3A_991 = arith.addf %mul3A_986, %mul3A_990 : vector<16xf32>
      %neg3A_992 = arith.constant 0.000000e+00 : f32
      %neg3A_993 = vector.broadcast %neg3A_992 : f32 to vector<16xf32>
      %neg3A_994 = arith.subf %neg3A_993, %add3A_991 : vector<16xf32>
      %exp3A_995 = math.exp %neg3A_994 : vector<16xf32>
      %add3A_996 = arith.constant 1.000000e+00 : f32
      %add3A_997 = vector.broadcast %add3A_996 : f32 to vector<16xf32>
      %add3A_998 = arith.addf %add3A_997, %exp3A_995 : vector<16xf32>
      %div3A_999 = arith.constant 1.000000e+00 : f32
      %div3A_1000 = vector.broadcast %div3A_999 : f32 to vector<16xf32>
      %div3A_1001 = arith.divf %div3A_1000, %add3A_998 : vector<16xf32>
      %mul3A_1002 = arith.constant 4 : i32
      %mul3A_1003 = arith.muli %mul3A_1002, %select_n3A_197 : i32
      %add3A_1004 = arith.constant 2 : i32
      %add3A_1005 = arith.addi %mul3A_1003, %add3A_1004 : i32
      %mul3A_1006 = arith.constant 128 : i32
      %mul3A_1007 = arith.muli %add3A_1005, %mul3A_1006 : i32
      %add3A_1008 = arith.addi %mul3A_1007, %mul3A_213 : i32
      %swap3A_1009 = arith.index_cast %add3A_1008 : i32 to index
      %swap3A_1010 = tpu.vector_load %arg13[%swap3A_1009] {strides = array<i32>} : memref<8192xf32, #tpu.memory_space<vmem>>, vector<16xf32>,
      %swap3A_1011 = vector.shape_cast %swap3A_1010 : vector<16xf32> to vector<16xf32>
      %swap3A_1012 = vector.shape_cast %div3A_1001 : vector<16xf32> to vector<16xf32>
      tpu.vector_store %arg13[%swap3A_1009], %swap3A_1012 {strides = array<i32>} : memref<8192xf32, #tpu.memory_space<vmem>>, vector<16xf32>,
      %broadcast_in_dim3A_1013 = arith.constant 0.000000e+00 : f32
      %broadcast_in_dim3A_1014 = vector.broadcast %broadcast_in_dim3A_1013 : f32 to vector<16xf32>
      %mul3A_1015 = arith.constant 4 : i32
      %mul3A_1016 = arith.muli %mul3A_1015, %select_n3A_197 : i32
      %add3A_1017 = arith.constant 3 : i32
      %add3A_1018 = arith.addi %mul3A_1016, %add3A_1017 : i32
      %mul3A_1019 = arith.constant 128 : i32
      %mul3A_1020 = arith.muli %add3A_1018, %mul3A_1019 : i32
      %add3A_1021 = arith.addi %mul3A_1020, %mul3A_213 : i32
      %swap3A_1022 = arith.index_cast %add3A_1021 : i32 to index
      %swap3A_1023 = tpu.vector_load %arg13[%swap3A_1022] {strides = array<i32>} : memref<8192xf32, #tpu.memory_space<vmem>>, vector<16xf32>,
      %swap3A_1024 = vector.shape_cast %swap3A_1023 : vector<16xf32> to vector<16xf32>
      %swap3A_1025 = vector.shape_cast %broadcast_in_dim3A_1014 : vector<16xf32> to vector<16xf32>
      tpu.vector_store %arg13[%swap3A_1022], %swap3A_1025 {strides = array<i32>} : memref<8192xf32, #tpu.memory_space<vmem>>, vector<16xf32>,
    }
    %scan3A_170 = arith.constant 128 : i32
    %mul3A_171 = arith.constant 4 : i32
    %mul3A_172 = arith.muli %mul3A_171, %add3A_132 : i32
    "tpu.region"() ({
      %run_scoped3A = tpu.sem_alloc : memref<!tpu.dma_semaphore, #tpu.memory_space<semaphore_mem>>
      %dma_start3A = tpu.memref_slice %arg7[%mul3A_172] : memref<1048576xf32, #tpu.memory_space<hbm>> -> memref<8192xf32, #tpu.memory_space<hbm>>
      %dma_start3A_173 = tpu.memref_slice %arg7[%mul3A_172] : memref<1048576xf32, #tpu.memory_space<hbm>> -> memref<8192xf32, #tpu.memory_space<hbm>>
      tpu.enqueue_dma source(%arg13 : memref<8192xf32, #tpu.memory_space<vmem>>) target(%dma_start3A_173 : memref<8192xf32, #tpu.memory_space<hbm>>) target_semaphore(%run_scoped3A : memref<!tpu.dma_semaphore, #tpu.memory_space<semaphore_mem>>)
      %dma_wait3A = tpu.memref_slice %arg7[%mul3A_172] : memref<1048576xf32, #tpu.memory_space<hbm>> -> memref<8192xf32, #tpu.memory_space<hbm>>
      %dma_wait3A_174 = tpu.memref_slice %arg7[%mul3A_172] : memref<1048576xf32, #tpu.memory_space<hbm>> -> memref<8192xf32, #tpu.memory_space<hbm>>
      tpu.wait_dma2 semaphore(%run_scoped3A : memref<!tpu.dma_semaphore, #tpu.memory_space<semaphore_mem>>) src(%arg13 : memref<8192xf32, #tpu.memory_space<vmem>>) dst(%dma_wait3A_174 : memref<8192xf32, #tpu.memory_space<hbm>>)
      tpu.yield
    }) : () -> ()
    return
  }
}

</mosaic_0001>

<sc_bundles>
// kernel: _run_sc.3.cloned.1.call-start
scs
__scs_entry_jumppad:
0x0: {  	(pc) =	sbr.rel $0x88, $3  }
0x1: {  	(tag) =	ssettag $0x0;
	lr =	simm.s32 $0x1  }
0x2: {  	[smem:$0x3F9B] =	sst lr;
	_ =	strace $0xD0000000  }
0x3: {  	_ = 	snop  }
0x4: {  	_ = 	snop  }
0x5: {  	_ = 	snop  }
0x6: {  	_ = 	snop  }
0x7: {  	_ = 	snop  }
__scs_overlays_trampoline_lowered:
0x8: {  	[smem:$0x3FAA] =	sst s0  }
0x9: {  	[smem:$0x3FAB] =	sst s1  }
0xa: {  	[smem:$0x3FAC] =	sst s2  }
0xb: {  	[smem:$0x3FAD] =	sst s3  }
0xc: {  	[smem:$0x3FAE] =	sst s4  }
0xd: {  	[smem:$0x3FAF] =	sst s5  }
0xe: {  	[smem:$0x3FB0] =	sst s6  }
0xf: {  	[smem:$0x3FB1] =	sst s7  }
0x10: {  	[smem:$0x3FB2] =	sst s8  }
0x11: {  	[smem:$0x3FB3] =	sst s9;
	s0 =	simm.s32 @!p0 $0x0  }
0x12: {  	s1 =	sld [smem:$0x3F99];
	s0 =	simm.s32 @p0 $0x1  }
0x13: {  	[smem:$0x3FB4] =	sst s0;
	s0 =	simm.s32 @!p1 $0x0  }
0x14: {  	s2 =	sld [smem:$0x3F98];
	s0 =	simm.s32 @p1 $0x1  }
0x15: {  	[smem:$0x3FB5] =	sst s0;
	s0 =	simm.s32 @!p2 $0x0  }
0x16: {  	s3 =	sld [smem:$0x3FDB];
	s0 =	simm.s32 @p2 $0x1  }
0x17: {  	s4 =	simm.s32 $0x1BF5;
	[smem:$0x3FB7] =	sst s0  }
0x18: {  	s0 =	sld [smem:$0x3F9A];
	_ =	swait.ge [sflag:s4], $0x0  }
0x19: {  	s7 =	sld [smem:$0x3F9B]  }
0x1a: {  	s8 =	sadd.s32 $0xFFFFE003, lr  }
0x1b: {  	s9 =	sadd.s32 $0xFFFFFEF7, lr;
	s5 =	simm.s32 $0xFFFFFFFF;
	p2 =	slt.u32 s8, $0xFFFFF086  }
0x1c: {  	p1 =	slt.u32 s9, $0xF7A;
	s5 =	simm.s32 @!p2 $0x0  }
0x1d: {  	s5 =	simm.s32 @p1 $0x1;
	p0 =	seq.s32 s7, s2  }
0x1e: {  	s7 =	smul.u32 @!p0 $0xF7A, s2;
	p2 =	seq.s32 @!p0 s5, $0x0  }
0x1f: {  	s9 =	smul.u32 $0xF7A, s1;
	s8 =	simm.s32 @!p0 $0x1BF5;
	p2 =	por !p2, p0  }
0x20: {  	[sflag:s8] =	ssyncset.s32 @!p0 $0xFFFFF086;
	s6 =	sadd.s32 @!p0 s3, s7;
	s7 =	simm.s32 @!p0 $0x108  }
0x21: {  	s3 =	sadd.s32 s3, s9;
	s6 =	sadd.s32 @!p0 $0x88, s6;
	s7 =	simm.s32 @p2 $0x1082  }
0x22: {  	[simem:s7], [sflag:s8] =	dma.local @!p0 [hbm:s6], $0xF7A  }
0x23: {  	s9 =	sor.u32 $0xD0000000, s2;
	s6 =	simm.s32 $0x108;
	_ =	swait.ge @!p0 [sflag:s8], $0x0  }
0x24: {  	s3 =	sadd.s32 $0x88, s3;
	s6 =	simm.s32 @!p1 $0x1082;
	[sflag:s4] =	ssyncset.s32 $0xFFFFF086  }
0x25: {  	[simem:s6], [sflag:s4] =	dma.local [hbm:s3], $0xF7A  }
0x26: {  	[smem:$0x3F9B] =	sst s1;
	(tag) =	ssettag s2;
	_ =	strace s9  }
0x27: {  	s1 =	sld [smem:$0x3FAB]  }
0x28: {  	s2 =	sld [smem:$0x3FAC]  }
0x29: {  	s4 =	sld [smem:$0x3FAE]  }
0x2a: {  	p0 =	seq.s32 s5, $0x0;
	s5 =	sld [smem:$0x3FAF]  }
0x2b: {  	s6 =	sld [smem:$0x3FB0]  }
0x2c: {  	s7 =	sld [smem:$0x3FB1]  }
0x2d: {  	s3 =	simm.s32 $0x108;
	s8 =	sld [smem:$0x3FB2]  }
0x2e: {  	s3 =	simm.s32 @!p0 $0x1082;
	s9 =	sld [smem:$0x3FB3]  }
0x2f: {  	lr =	sadd.s32 s0, s3;
	s0 =	sld [smem:$0x3FAA]  }
0x30: {  	s3 =	sld [smem:$0x3FAD]  }
0x31: {  	[smem:$0x3FB6] =	sst s10  }
0x32: {  	s10 =	sld [smem:$0x3FB4];
	_ =	sdelay $0x3  }
0x33: {  	p0 =	seq.s32 s10, $0x1;
	s10 =	sld [smem:$0x3FB6];
	_ =	sdelay $0x3  }
0x34: {  	[smem:$0x3FB6] =	sst s10  }
0x35: {  	s10 =	sld [smem:$0x3FB5];
	_ =	sdelay $0x3  }
0x36: {  	p1 =	seq.s32 s10, $0x1;
	s10 =	sld [smem:$0x3FB6];
	_ =	sdelay $0x3  }
0x37: {  	[smem:$0x3FB6] =	sst s10  }
0x38: {  	s10 =	sld [smem:$0x3FB7]  }
0x39: {  	_ = 	snop;
	(pc) =	sbr.ind lr, $3  }
0x3a: {  	_ = 	snop  }
0x3b: {  	_ = 	snop  }
0x3c: {  	p2 =	seq.s32 s10, $0x1;
	s10 =	sld [smem:$0x3FB6]  }
0x3d: {  	_ =	shalt  }
0x3e: {  	_ =	shalt  }
0x3f: {  	_ =	shalt  }
0x40: {  	_ =	shalt  }
0x41: {  	_ =	shalt  }
0x42: {  	_ =	shalt  }
0x43: {  	_ =	shalt  }
0x44: {  	_ =	shalt  }
0x45: {  	_ =	shalt  }
0x46: {  	_ =	shalt  }
0x47: {  	_ =	shalt  }
0x48: {  	_ =	shalt  }
0x49: {  	_ =	shalt  }
0x4a: {  	_ =	shalt  }
0x4b: {  	_ =	shalt  }
0x4c: {  	_ =	shalt  }
0x4d: {  	_ =	shalt  }
0x4e: {  	_ =	shalt  }
0x4f: {  	_ =	shalt  }
0x50: {  	_ =	shalt  }
0x51: {  	_ =	shalt  }
0x52: {  	_ =	shalt  }
0x53: {  	_ =	shalt  }
0x54: {  	_ =	shalt  }
0x55: {  	_ =	shalt  }
0x56: {  	_ =	shalt  }
0x57: {  	_ =	shalt  }
0x58: {  	_ =	shalt  }
0x59: {  	_ =	shalt  }
0x5a: {  	_ =	shalt  }
0x5b: {  	_ =	shalt  }
0x5c: {  	_ =	shalt  }
0x5d: {  	_ =	shalt  }
0x5e: {  	_ =	shalt  }
0x5f: {  	_ =	shalt  }
0x60: {  	_ =	shalt  }
0x61: {  	_ =	shalt  }
0x62: {  	_ =	shalt  }
0x63: {  	_ =	shalt  }
0x64: {  	_ =	shalt  }
0x65: {  	_ =	shalt  }
0x66: {  	_ =	shalt  }
0x67: {  	_ =	shalt  }
0x68: {  	_ =	shalt  }
0x69: {  	_ =	shalt  }
0x6a: {  	_ =	shalt  }
0x6b: {  	_ =	shalt  }
0x6c: {  	_ =	shalt  }
0x6d: {  	_ =	shalt  }
0x6e: {  	_ =	shalt  }
0x6f: {  	_ =	shalt  }
0x70: {  	_ =	shalt  }
0x71: {  	_ =	shalt  }
0x72: {  	_ =	shalt  }
0x73: {  	_ =	shalt  }
0x74: {  	_ =	shalt  }
0x75: {  	_ =	shalt  }
0x76: {  	_ =	shalt  }
0x77: {  	_ =	shalt  }
0x78: {  	_ =	shalt  }
0x79: {  	_ =	shalt  }
0x7a: {  	_ =	shalt  }
0x7b: {  	_ =	shalt  }
0x7c: {  	_ =	shalt  }
0x7d: {  	_ =	shalt  }
0x7e: {  	_ =	shalt  }
0x7f: {  	_ =	shalt  }
0x80: {  	_ =	shalt  }
0x81: {  	_ =	shalt  }
0x82: {  	_ =	shalt  }
0x83: {  	_ =	shalt  }
0x84: {  	_ =	shalt  }
0x85: {  	_ =	shalt  }
0x86: {  	_ =	shalt  }
0x87: {  	_ =	shalt  }
.Lfunc_end0:
.L_simem_size_0:
called_computation_lowered:
.L_overlay_start_0:
0x88: {  	s2 =	sld [smem:$0x3FD9]  }
0x89: {  	s3 =	sld [smem:$0x3FFE];
	_ =	sdelay $0x1  }
0x8a: {  	s1 =	srdreg.scid  }
0x8b: {  	s0 =	sand.u32 $0x1, s1  }
0x8c: {  	s17 =	sshll.u32 s0, $0xA;
	s2 =	sadd.s32 s3, s2  }
0x8d: {  	s2 =	sadd.s32 s2, s17  }
0x8e: {  	[smem:$0x3FC2] =	sst s2  }
0x8f: {  	_ = 	snop  }
0x90: {  	s2 =	sld [smem:$0x3FC9]  }
0x91: {  	s18 =	sld [smem:$0x3FC8]  }
0x92: {  	s4 =	sld [smem:$0x3FC7]  }
0x93: {  	s5 =	sld [smem:$0x3FD0];
	(tm) =	ssettm $0x1  }
0x94: {  	s6 =	sld [smem:$0x3FFB];
	_ =	sdelay $0x3  }
0x95: {  	_ =	strace s6  }
0x96: {  	s6 =	sld [smem:$0x3FFC];
	_ =	sdelay $0x3  }
0x97: {  	_ =	strace s6  }
0x98: {  	s6 =	sld [smem:$0x3FFD];
	_ =	sdelay $0x3  }
0x99: {  	_ =	strace s6  }
0x9a: {  	_ =	strace $0x8FFFFFFF  }
0x9b: {  	s19 =	sld [smem:$0x3FDB];
	_ =	sdelay $0x1  }
0x9c: {  	s7 =	simm.s32 $_scs_section_size  }
0x9d: {  	s8 =	simm.s32 $_size__tile_overlayer_lowered;
	s9 =	simm.s32 $_tile_overlayer_lowered  }
0x9e: {  	s22 =	simm.s32 $0x1BFF;
	s21 =	sshll.u32 s9, $0x1;
	s6 =	sadd.s32 s7, s19  }
0x9f: {  	s10 =	simm.s32 $0x0;
	s20 =	sshll.u32 s8, $0x1;
	s8 =	sadd.s32 s21, s6  }
0xa0: {  	[timem:s10], [sflag:s22] =	dma.local [hbm:s8], s20  }
0xa1: {  	_ =	swait.ge [sflag:s22], s20  }
0xa2: {  	s7 =	ssub.s32 $0x0, s20;
	[sflag:s22] =	ssyncset.done $0x0  }
0xa3: {  	[sflag:s22] =	ssyncadd.s32 s7;
	_ =	sdelay $0x1  }
0xa4: {  	s23 =	simm.s32 $0x1B8B  }
0xa5: {  	_ =	swait.ge [sflag:s23], $0x1  }
0xa6: {  	[sflag:s23] =	ssyncset.done $0x0  }
0xa7: {  	s25 =	simm.s32 $0x1B8E;
	s24 =	sld [smem:$0x3FFE];
	[sflag:s23] =	ssyncadd.s32 $0xFFFFFFFF  }
0xa8: {  	s26 =	simm.s32 $execute0_lowered;
	[smem:$0x3FD2] =	sst s25  }
0xa9: {  	s8 =	sshll.u32 s26, $0x1;
	_ =	strace $0x80000046;
	[dreg:$0x1] =	wrdreg $0xFFFFFFFF  }
0xaa: {  	s28 =	simm.s32 $_size_execute0_lowered;
	s6 =	sadd.s32 s6, s8;
	[dreg:$0x0] =	wrdreg $0x0  }
0xab: {  	s8 =	sshll.u32 s28, $0x1;
	[dreg:$0x2] =	wrdreg s6  }
0xac: {  	[dreg:$0x3] =	wrdreg s8  }
0xad: {  	[dreg:$0x4] =	wrdreg $0xC0  }
0xae: {  	_ =	task [dreg:s10], $0x5FFFF  }
0xaf: {  	[dreg:$0x1] =	wrdreg $0xFFFFFFFF  }
0xb0: {  	[dreg:$0x0] =	wrdreg $0x60  }
0xb1: {  	[dreg:$0x2] =	wrdreg s24  }
0xb2: {  	[dreg:$0x3] =	wrdreg s2  }
0xb3: {  	[dreg:$0x4] =	wrdreg s18  }
0xb4: {  	[dreg:$0x5] =	wrdreg s4  }
0xb5: {  	[dreg:$0x6] =	wrdreg s5  }
0xb6: {  	[dreg:$0x7] =	wrdreg $0x9  }
0xb7: {  	_ =	task.clear_ibuf [dreg:s10], $0x8FFFF;
	_ =	strace $0x90000046  }
0xb8: {  	s29 =	simm.s32 $0x9;
	_ =	strace $0x80000048  }
0xb9: {  	_ =	swait.ge [sflag:s29], $0x1  }
0xba: {  	[sflag:s29] =	ssyncadd.s32 $0xFFFFFFFF  }
0xbb: {  	_ =	strace $0x90000048  }
0xbc: {  	_ =	sfence  }
0xbd: {  	s30 =	sld [smem:$0x0];
	_ =	sdelay $0x2  }
0xbe: {  	s31 =	sshll.u32 s1, $0xD;
	s1 =	sshrl.u32 s1, $0x2  }
0xbf: {  	s3 =	sand.u32 $0x4000, s31;
	s1 =	sadd.s32 s1, s30  }
0xc0: {  	s0 =	sor.u32 s3, s0;
	s1 =	sshll.u32 s1, $0x11  }
0xc1: {  	s0 =	sor.u32 s1, s0  }
0xc2: {  	s0 =	sadd.s32 $0x8F2B, s0  }
0xc3: {  	[sflag:s0] =	ssyncadd.remote.s32 $0x1  }
0xc4: {  	_ =	sfence.sel $0xFFFF  }
0xc5: {  	[dreg:$0x0] =	wrdreg $0xFFFFFFFF;
	(pc) =	sbr.abs _section_cstart, $3  }
0xc6: {  	[dreg:$0x1] =	wrdreg $0xFFFFFFFF  }
0xc7: {  	_ =	task.clear_ibuf [dreg:s10], $0x2FFFF;
	_ =	strace $0x9FFFFFFF  }
0xc8: {  	(tm) =	ssettm $0x7FFFFFFF  }
0xc9: {  	_ =	shalt  }
tec
execute0_lowered:
.L_overlay_start_1:
0x0: {  	(tag) =	ssettag $0x1  }
0x1: {  	s0 =	rddreg [dreg:$0x0]  }
0x2: {  	s1 =	rddreg [dreg:$0x1]  }
0x3: {  	s3 =	rddreg [dreg:$0x2]  }
0x4: {  	s4 =	rddreg [dreg:$0x3]  }
0x5: {  	s5 =	rddreg [dreg:$0x4]  }
0x6: {  	s2 =	simm.s32 $0x0;
	s6 =	srdreg.scid;
	s8 =	stileid.u32  }
0x7: {  	s29 =	simm.s32 $0x100;
	s30 =	simm.s32 $0x900;
	s31 =	simm.s32 $0x1100  }
0x8: {  	s28 =	simm.s32 $0x0;
	[smem:$0x7FF] =	sst s2;
	s6 =	sand.u32 $0x1, s6  }
0x9: {  	s7 =	sadd.s32 $0x800, s0;
	s8 =	sshll.u32 s8, $0x1;
	s0 =	sadd.s32 $0xA00, s0  }
0xa: {  	_ =	strace $0x80000047;
	[dreg:$0x6] =	wrdreg s7;
	s18 =	ssub.s32 $0x2, s6  }
0xb: {  	[dreg:$0x7] =	wrdreg s0;
	s6 =	sor.u32 s6, s8;
	s19 =	sshrl.u32 s18, $0x1  }
0xc: {  	s8 =	sshll.u32 s6, $0xD;
	s20 =	sshll.u32 s6, $0xA;
	s6 =	sshll.u32 s6, $0xC  }
0xd: {  	s0 =	ssub.s32 s18, s19;
	s9 =	sadd.s32 s1, s20;
	s7 =	sadd.s32 s3, s20  }
0xe: {  	s21 =	sor.u32 $0x800, s8;
	s6 =	sadd.s32 s5, s6;
	[dreg:$0x8] =	wrdreg s9  }
0xf: {  	s23 =	sor.u32 $0x1000, s8;
	[dreg:$0x9] =	wrdreg s7;
	s7 =	sadd.s32 s4, s8  }
0x10: {  	s11 =	sshrl.u32 s21, $0x3;
	[dreg:$0xb] =	wrdreg s6;
	s12 =	sadd.s32 s4, s21  }
0x11: {  	s9 =	sshrl.u32 s21, $0x1;
	s16 =	sshrl.u32 s23, $0x3;
	s8 =	sor.u32 $0x1800, s8  }
0x12: {  	s17 =	sadd.s32 s4, s23;
	s25 =	sshrl.u32 s23, $0x1;
	s10 =	sadd.s32 $0x40000, s7  }
0x13: {  	s22 =	sadd.s32 s1, s11;
	s11 =	sadd.s32 s3, s11;
	s13 =	sadd.s32 $0x40800, s7  }
0x14: {  	s14 =	sadd.s32 s5, s9;
	s15 =	sadd.s32 s1, s16;
	s16 =	sadd.s32 s3, s16  }
0x15: {  	s24 =	sshrl.u32 s8, $0x3;
	s20 =	sadd.s32 $0x41000, s7;
	[dreg:$0xa] =	wrdreg s10  }
0x16: {  	s21 =	sadd.s32 s4, s8;
	s26 =	sshrl.u32 s8, $0x1;
	[dreg:$0xc] =	wrdreg s22  }
0x17: {  	s18 =	sadd.s32 s1, s24;
	s19 =	sadd.s32 s3, s24;
	s22 =	sadd.s32 s5, s25  }
0x18: {  	s23 =	sadd.s32 s5, s26;
	s24 =	sadd.s32 $0x41800, s7;
	s25 =	smax.u32 s0, $0x1  }
0x19: {  	v0 =	vimm.f32 $0.0e+00;
	v1 =	vimm.f32 $-5.000000000e-01;
	s26 =	simm.s32 $0x1;
	s0 =	simm.s32 $0x5100;
	s1 =	simm.s32 $0x9100  }
.LBB2_1:
0x1a: {  	s3 =	rddreg [dreg:$0x6]  }
0x1b: {  	[tilespmem:s2], [sflag:$0x1] =	stream.linear.gather [hbm4b:s3+s2], $0x80, $0x38;
	[tilespmem:$0xB100] =	vst v63  }
0x1c: {  	_ =	swait.ge [sflag:s26], $0x80  }
0x1d: {  	[sflag:s26] =	ssyncset.done $0x0  }
0x1e: {  	s4 =	simm.s32 $0x80;
	s10 =	rddreg [dreg:$0x7];
	[sflag:s26] =	ssyncadd.s32 $0xFFFFFF80  }
0x1f: {  	[tilespmem:s4], [sflag:$0x1] =	stream.linear.gather [hbm4b:s10+s2], $0x80, $0x38;
	[tilespmem:$0xB100] =	vst v63  }
0x20: {  	_ =	swait.ge [sflag:s26], $0x80  }
0x21: {  	[sflag:s26] =	ssyncset.done $0x0  }
0x22: {  	[sflag:s26] =	ssyncadd.s32 $0xFFFFFF80  }
0x23: {  	v38 =	vld [tilespmem:$0x0]  }
0x24: {  	v19 =	vld [tilespmem:$0x90]  }
0x25: {  	s4 =	rddreg [dreg:$0x8];
	v37 =	vld [tilespmem:$0xA0]  }
0x26: {  	v44 =	vld [tilespmem:$0xB0];
	[tilespmem:s29], [sflag:$0x1] =	stream.linear.gather [hbm4b:s4+s2], $0x800, $0x38  }
0x27: {  	_ =	swait.ge [sflag:s26], $0x800  }
0x28: {  	[sflag:s26] =	ssyncset.done $0x0  }
0x29: {  	s5 =	rddreg [dreg:$0x9];
	[sflag:s26] =	ssyncadd.s32 $0xFFFFF800  }
0x2a: {  	[tilespmem:s30], [sflag:$0x1] =	stream.linear.gather [hbm4b:s5+s2], $0x800, $0x38;
	[tilespmem:$0xB100] =	vst v63  }
0x2b: {  	_ =	swait.ge [sflag:s26], $0x800  }
0x2c: {  	[sflag:s26] =	ssyncset.done $0x0  }
0x2d: {  	[sflag:s26] =	ssyncadd.s32 $0xFFFFF800  }
0x2e: {  	[tilespmem:s31], [sflag:$0x1] =	stream.linear.gather [hbm4b:s7+s2], $0x4000, $0x38;
	[tilespmem:$0xB100] =	vst v63  }
0x2f: {  	_ =	swait.ge [sflag:s26], $0x4000  }
0x30: {  	[sflag:s26] =	ssyncset.done $0x0  }
0x31: {  	s6 =	rddreg [dreg:$0xa];
	[sflag:s26] =	ssyncadd.s32 $0xFFFFC000  }
0x32: {  	[tilespmem:s0], [sflag:$0x1] =	stream.linear.gather [hbm4b:s6+s2], $0x4000, $0x38;
	[tilespmem:$0xB100] =	vst v63  }
0x33: {  	s8 =	simm.s32 $0x0;
	_ =	swait.ge [sflag:s26], $0x4000  }
0x34: {  	s9 =	sand.u32 $0x70, s2;
	s4 =	sand.u32 $0x3FFFFC00, s8;
	[sflag:s26] =	ssyncset.done $0x0  }
0x35: {  	s4 =	sor.u32 s9, s4;
	s5 =	simm.s32 $0x0;
	v2 =	vbroadcast v38, $0x0;
	v3 =	vbroadcast v38, $0x1;
	[sflag:s26] =	ssyncadd.s32 $0xFFFFC000  }
0x36: {  	v4 =	vbroadcast v19, $0x0;
	v5 =	vbroadcast v19, $0x1;
	s5 =	sand.u32 $0xFFFFFF80, s5;
	v20 =	vld [tilespmem:s4+$0x1100]  }
0x37: {  	v6 =	vbroadcast v19, $0x2;
	v7 =	vbroadcast v19, $0x3;
	s5 =	sor.u32 s9, s5;
	v21 =	vld [tilespmem:s4+$0x1180]  }
0x38: {  	v8 =	vbroadcast v19, $0x4;
	v9 =	vbroadcast v19, $0x5;
	v23 =	vld [tilespmem:s5+$0x900]  }
0x39: {  	v10 =	vbroadcast v19, $0x6;
	v11 =	vbroadcast v19, $0x7;
	v24 =	vld [tilespmem:s5+$0x100]  }
0x3a: {  	v12 =	vbroadcast v19, $0x8;
	v13 =	vbroadcast v19, $0x9;
	v29 =	vld [tilespmem:s4+$0x1300]  }
0x3b: {  	v14 =	vbroadcast v19, $0xA;
	v15 =	vbroadcast v19, $0xB;
	v22 =	vld [tilespmem:s4+$0x1200];
	v18 =	vshrl.u32 v20, $0x10  }
0x3c: {  	v16 =	vbroadcast v19, $0xC;
	v17 =	vbroadcast v19, $0xD;
	v27 =	vld [tilespmem:s4+$0x1280];
	v25 =	vand.u32 $0x1, v18  }
0x3d: {  	v28 =	vmul.f32 v23, v3;
	v20 =	vadd.s32 v25, v20;
	v25 =	vshrl.u32 v21, $0x10  }
0x3e: {  	v30 =	vmul.f32 v24, v2;
	v20 =	vadd.s32 $0x7FFF, v20;
	v26 =	vand.u32 $0x1, v25  }
0x3f: {  	v33 =	vshrl.u32 v29, $0x10;
	v25 =	vand.u32 $0xFFFF0000, v20;
	v20 =	vadd.s32 v26, v21  }
0x40: {  	v28 =	vadd.f32 v28, v30;
	v21 =	vshrl.u32 v22, $0x10;
	v20 =	vadd.s32 $0x7FFF, v20  }
0x41: {  	v26 =	vand.u32 $0xFFFF0000, v20;
	v20 =	vand.u32 $0x1, v21;
	v21 =	vshrl.u32 v27, $0x10  }
0x42: {  	v31 =	vmul.f32 v25, v4;
	v20 =	vadd.s32 v20, v22;
	v22 =	vld [tilespmem:s4+$0x1380];
	v21 =	vand.u32 $0x1, v21  }
0x43: {  	v30 =	vand.u32 $0x1, v33;
	v32 =	vmul.f32 v26, v5;
	v21 =	vadd.s32 v21, v27;
	v27 =	vld [tilespmem:s4+$0x1400]  }
0x44: {  	v28 =	vadd.f32 v31, v28;
	v20 =	vadd.s32 $0x7FFF, v20;
	v21 =	vadd.s32 $0x7FFF, v21  }
0x45: {  	v54 =	vand.u32 $0xFFFF0000, v20;
	v20 =	vadd.s32 v30, v29;
	v34 =	vand.u32 $0xFFFF0000, v21;
	v21 =	vld [tilespmem:s4+$0x1480]  }
0x46: {  	v18 =	vbroadcast v19, $0xE;
	v28 =	vadd.f32 v32, v28;
	v20 =	vadd.s32 $0x7FFF, v20  }
0x47: {  	v29 =	vmul.f32 v54, v6;
	v30 =	vmul.f32 v34, v7;
	v35 =	vand.u32 $0xFFFF0000, v20  }
0x48: {  	v36 =	vld [tilespmem:s4+$0x5100];
	v31 =	vshrl.u32 v22, $0x10;
	v55 =	vmul.f32 v35, v8;
	v20 =	vshrl.u32 v27, $0x10  }
0x49: {  	v28 =	vadd.f32 v29, v28;
	v31 =	vand.u32 $0x1, v31;
	v20 =	vand.u32 $0x1, v20  }
0x4a: {  	v22 =	vadd.s32 v31, v22;
	v20 =	vadd.s32 v20, v27;
	v27 =	vld [tilespmem:s4+$0x5180];
	v29 =	vshrl.u32 v21, $0x10  }
0x4b: {  	v22 =	vadd.s32 $0x7FFF, v22;
	v20 =	vadd.s32 $0x7FFF, v20;
	v29 =	vand.u32 $0x1, v29  }
0x4c: {  	v31 =	vand.u32 $0xFFFF0000, v20;
	v20 =	vadd.f32 v30, v28;
	v21 =	vadd.s32 v29, v21  }
0x4d: {  	v29 =	vld [tilespmem:s4+$0x5200];
	v30 =	vand.u32 $0xFFFF0000, v22;
	v22 =	vshrl.u32 v36, $0x10;
	v21 =	vadd.s32 $0x7FFF, v21  }
0x4e: {  	v28 =	vmul.f32 v31, v10;
	v39 =	vmul.f32 v30, v9;
	v40 =	vand.u32 $0xFFFF0000, v21  }
0x4f: {  	v20 =	vadd.f32 v55, v20;
	v21 =	vand.u32 $0x1, v22;
	v22 =	vld [tilespmem:s4+$0x5280];
	v56 =	vshrl.u32 v27, $0x10  }
0x50: {  	v41 =	vmul.f32 v40, v11;
	v21 =	vadd.s32 v21, v36;
	v32 =	vand.u32 $0x1, v56  }
0x51: {  	v20 =	vadd.f32 v39, v20;
	v21 =	vadd.s32 $0x7FFF, v21;
	v27 =	vadd.s32 v32, v27  }
0x52: {  	v57 =	vld [tilespmem:s4+$0x5300];
	v58 =	vand.u32 $0xFFFF0000, v21;
	v21 =	vshrl.u32 v29, $0x10;
	v27 =	vadd.s32 $0x7FFF, v27  }
0x53: {  	v59 =	vmul.f32 v58, v12;
	v21 =	vand.u32 $0x1, v21;
	v20 =	vadd.f32 v28, v20  }
0x54: {  	v42 =	vand.u32 $0xFFFF0000, v27;
	v21 =	vadd.s32 v21, v29;
	v27 =	vld [tilespmem:s4+$0x5380];
	v28 =	vshrl.u32 v22, $0x10  }
0x55: {  	v21 =	vadd.s32 $0x7FFF, v21;
	v28 =	vand.u32 $0x1, v28;
	v20 =	vadd.f32 v41, v20  }
0x56: {  	v29 =	vmul.f32 v42, v13;
	v41 =	vand.u32 $0xFFFF0000, v21;
	v21 =	vadd.s32 v28, v22;
	v22 =	vld [tilespmem:s4+$0x5400]  }
0x57: {  	v28 =	vshrl.u32 v57, $0x10;
	v21 =	vadd.s32 $0x7FFF, v21;
	v20 =	vadd.f32 v59, v20  }
0x58: {  	v60 =	vmul.f32 v41, v14;
	v43 =	vand.u32 $0xFFFF0000, v21;
	v21 =	vand.u32 $0x1, v28  }
0x59: {  	v28 =	vld [tilespmem:s4+$0x5480];
	v21 =	vadd.s32 v21, v57;
	v61 =	vshrl.u32 v27, $0x10;
	v20 =	vadd.f32 v29, v20  }
0x5a: {  	v29 =	vmul.f32 v43, v15;
	v21 =	vadd.s32 $0x7FFF, v21;
	v32 =	vand.u32 $0x1, v61  }
0x5b: {  	v27 =	vadd.s32 v32, v27;
	v62 =	vshrl.u32 v22, $0x10;
	v20 =	vadd.f32 v60, v20  }
0x5c: {  	v63 =	vand.u32 $0xFFFF0000, v21;
	v21 =	vadd.s32 $0x7FFF, v27;
	v27 =	vand.u32 $0x1, v62  }
0x5d: {  	v45 =	vand.u32 $0xFFFF0000, v21;
	v21 =	vmul.f32 v63, v16;
	v20 =	vadd.f32 v29, v20  }
0x5e: {  	v22 =	vadd.s32 v27, v22;
	v29 =	vshrl.u32 v28, $0x10;
	v27 =	vmul.f32 v45, v17  }
0x5f: {  	v22 =	vadd.s32 $0x7FFF, v22;
	v20 =	vadd.f32 v21, v20;
	v21 =	vand.u32 $0x1, v29  }
0x60: {  	v19 =	vbroadcast v19, $0xF;
	v46 =	vand.u32 $0xFFFF0000, v22;
	v21 =	vadd.s32 v21, v28  }
0x61: {  	v22 =	vmul.f32 v46, v18;
	v20 =	vadd.f32 v27, v20;
	v21 =	vadd.s32 $0x7FFF, v21  }
0x62: {  	v47 =	vand.u32 $0xFFFF0000, v21  }
0x63: {  	v20 =	vadd.f32 v22, v20;
	v21 =	vmul.f32 v47, v19;
	_ =	sdelay $0x1  }
0x64: {  	v27 =	vadd.f32 v21, v20;
	_ =	sdelay $0x1  }
0x65: {  	v28 =	vmul.f32 $3.183098730e-01, v27;
	_ =	sdelay $0x1  }
0x66: {  	vm0 =	vge.f32 v28, $0.0e+00  }
0x67: {  	v20 =	vbroadcast v38, $0x2;
	v21 =	vbroadcast v38, $0x3;
	v29 =	vsel vm0, $0x3F000000, v1  }
0x68: {  	v22 =	vbroadcast v37, $0x0;
	v28 =	vadd.f32 v29, v28  }
0x69: {  	v24 =	vmul.f32 v24, v20;
	v29 =	vmul.f32 v23, v21  }
0x6a: {  	v25 =	vmul.f32 v25, v22;
	v28 =	vtrunc.f32 v28  }
0x6b: {  	v23 =	vbroadcast v37, $0x1;
	v29 =	vadd.f32 v29, v24;
	v48 =	vcvt.f32.s32 v28  }
0x6c: {  	v24 =	vbroadcast v37, $0x2  }
0x6d: {  	v26 =	vmul.f32 v26, v23;
	v28 =	vadd.f32 v25, v29;
	v29 =	vcvt.s32.f32 v48  }
0x6e: {  	v25 =	vbroadcast v37, $0x3  }
0x6f: {  	v51 =	vmul.f32 v54, v24;
	v28 =	vadd.f32 v26, v28;
	v52 =	vmul.f32 $-3.140625000e+00, v29  }
0x70: {  	v26 =	vbroadcast v37, $0x4;
	v34 =	vmul.f32 v34, v25  }
0x71: {  	v29 =	vmul.f32 $-9.676535840e-04, v29;
	v28 =	vadd.f32 v51, v28;
	v53 =	vadd.f32 v52, v27  }
0x72: {  	v54 =	vmul.f32 v35, v26  }
0x73: {  	v27 =	vbroadcast v37, $0x5;
	v34 =	vadd.f32 v34, v28;
	v49 =	vadd.f32 v29, v53  }
0x74: {  	v28 =	vbroadcast v37, $0x6  }
0x75: {  	v30 =	vmul.f32 v30, v27;
	v55 =	vadd.f32 v54, v34;
	v50 =	vmul.f32 v49, v49  }
0x76: {  	v29 =	vbroadcast v37, $0x7  }
0x77: {  	v31 =	vmul.f32 v31, v28;
	v32 =	vadd.f32 v30, v55;
	v56 =	vmul.f32 $2.755731880e-06, v50  }
0x78: {  	v57 =	vmul.f32 v40, v29  }
0x79: {  	v30 =	vbroadcast v37, $0x8;
	v32 =	vadd.f32 v31, v32;
	v33 =	vadd.f32 $-1.984127010e-04, v56  }
0x7a: {  	v31 =	vbroadcast v37, $0x9  }
0x7b: {  	v58 =	vmul.f32 v58, v30;
	v34 =	vadd.f32 v57, v32;
	v33 =	vmul.f32 v33, v50  }
0x7c: {  	v32 =	vbroadcast v37, $0xA  }
0x7d: {  	v59 =	vmul.f32 v42, v31;
	v34 =	vadd.f32 v58, v34;
	v60 =	vadd.f32 $8.333333770e-03, v33  }
0x7e: {  	v61 =	vmul.f32 v41, v32  }
0x7f: {  	v33 =	vbroadcast v37, $0xB;
	v35 =	vadd.f32 v59, v34;
	v36 =	vmul.f32 v60, v50  }
0x80: {  	v34 =	vbroadcast v37, $0xC  }
0x81: {  	v62 =	vmul.f32 v43, v33;
	v40 =	vadd.f32 v61, v35;
	v36 =	vadd.f32 $-1.666666720e-01, v36  }
0x82: {  	v35 =	vbroadcast v37, $0xD  }
0x83: {  	v39 =	vmul.f32 v63, v34;
	v40 =	vadd.f32 v62, v40;
	v63 =	vmul.f32 v36, v50  }
0x84: {  	v45 =	vmul.f32 v45, v35  }
0x85: {  	v36 =	vbroadcast v37, $0xE;
	v39 =	vadd.f32 v39, v40;
	v41 =	vadd.f32 $1.000000000e+00, v63  }
0x86: {  	v48 =	vand.u32 $0x1, v48;
	v37 =	vbroadcast v37, $0xF  }
0x87: {  	v46 =	vmul.f32 v46, v36;
	v39 =	vadd.f32 v45, v39;
	v41 =	vmul.f32 v41, v49  }
0x88: {  	v38 =	vbroadcast v38, $0x4;
	vm15 =	veq.s32 v48, $0x0  }
0x89: {  	v47 =	vmul.f32 v47, v37;
	v39 =	vadd.f32 v46, v39;
	v49 =	vxor.u32 $0x80000000, v41  }
0x8a: {  	v43 =	vsel vm15, v41, v49  }
0x8b: {  	v39 =	vadd.f32 v47, v39;
	v40 =	vmul.f32 v43, v38;
	_ =	sdelay $0x1  }
0x8c: {  	v39 =	vadd.f32 v40, v39;
	_ =	sdelay $0x1  }
0x8d: {  	v40 =	vmul.f32 $-5.000000000e-01, v39;
	_ =	sdelay $0x1  }
0x8e: {  	v39 =	vmul.f32 v40, v39;
	_ =	sdelay $0x1  }
0x8f: {  	v39 =	vmul.f32 $1.442695020e+00, v39;
	_ =	sdelay $0x1  }
0x90: {  	(erf) = vpow2.f32 v39;
	_ =	sdelay $0x8  }
0x91: {  	v39 =	vpop (erf)  }
0x92: {  	v50 =	vmul.f32 $3.989422920e-01, v39  }
0x93: {  	v51 =	vshrl.u32 v43, $0x10  }
0x94: {  	v42 =	vbroadcast v44, $0x4;
	v53 =	vand.u32 $0x1, v51;
	v52 =	vshrl.u32 v50, $0x10  }
0x95: {  	v41 =	vbroadcast v44, $0x1;
	v47 =	vadd.s32 v53, v43;
	v46 =	vand.u32 $0x1, v52  }
0x96: {  	v43 =	vbroadcast v44, $0x2;
	v54 =	vadd.s32 $0x7FFF, v47;
	v45 =	vadd.s32 v46, v50  }
0x97: {  	v40 =	vbroadcast v44, $0x3;
	v39 =	vbroadcast v44, $0x0;
	v45 =	vadd.s32 $0x7FFF, v45  }
0x98: {  	v44 =	vbroadcast v44, $0x5;
	v46 =	vand.u32 $0xFFFF0000, v54;
	v45 =	vand.u32 $0xFFFF0000, v45  }
0x99: {  	v55 =	vmul.f32 v46, v39;
	v56 =	vmul.f32 v45, v40  }
0x9a: {  	v57 =	vmul.f32 v46, v43;
	v58 =	vmul.f32 v45, v44  }
0x9b: {  	v46 =	vmul.f32 v46, v41;
	v45 =	vmul.f32 v45, v42;
	v47 =	vadd.f32 v56, v55  }
0x9c: {  	v59 =	vadd.f32 v58, v57  }
0x9d: {  	v45 =	vadd.f32 v45, v46;
	v60 =	vsub.f32 $0.0e+00, v47  }
0x9e: {  	v61 =	vsub.f32 $0.0e+00, v59  }
0x9f: {  	v45 =	vsub.f32 $0.0e+00, v45;
	v46 =	vmul.f32 $1.442695020e+00, v60  }
0xa0: {  	v47 =	vmul.f32 $1.442695020e+00, v61  }
0xa1: {  	v45 =	vmul.f32 $1.442695020e+00, v45;
	(erf) = vpow2.f32 v46  }
0xa2: {  	(erf) = vpow2.f32 v47  }
0xa3: {  	(erf) = vpow2.f32 v45;
	_ =	sdelay $0x5  }
0xa4: {  	s10 =	simm.s32 $0x0  }
0xa5: {  	s4 =	sand.u32 $0x3FFFFE00, s10;
	v62 =	vpop (erf)  }
0xa6: {  	s5 =	sor.u32 s9, s4;
	v63 =	vpop (erf)  }
0xa7: {  	s3 =	simm.s32 $0x1;
	s4 =	simm.s32 $0x0;
	[tilespmem:s5+$0x9280] =	vst v0;
	v45 =	vadd.f32 $1.000000000e+00, v62;
	v47 =	vadd.f32 $1.000000000e+00, v63;
	v46 =	vpop (erf)  }
.LBB2_2:
0xa8: {  	p0 =	sne.s32 s3, $0x7F  }
0xa9: {  	s4 =	sadd.s32 $0x10, s4;
	s6 =	smov.u32 s3;
	s3 =	sadd.s32 $0x1, s3  }
0xaa: {  	(erf) = vrcp.f32 v47;
	_ =	sdelay $0x1  }
0xab: {  	v46 =	vadd.f32 $1.000000000e+00, v46  }
0xac: {  	(erf) = vrcp.f32 v45  }
0xad: {  	(erf) = vrcp.f32 v46;
	_ =	sdelay $0x4  }
0xae: {  	v45 =	vpop (erf)  }
0xaf: {  	[tilespmem:s5+$0x9200] =	vst v45;
	_ =	sdelay $0x1  }
0xb0: {  	s9 =	sshll.u32 s6, $0x7;
	v45 =	vpop (erf)  }
0xb1: {  	s8 =	sand.u32 $0x70, s4;
	s10 =	sshll.u32 s6, $0x4;
	s9 =	sand.u32 $0x3FFFFC00, s9;
	[tilespmem:s5+$0x9100] =	vst v45;
	v45 =	vpop (erf)  }
0xb2: {  	s10 =	sand.u32 $0xFFFFFF80, s10;
	s9 =	sor.u32 s8, s9;
	[tilespmem:s5+$0x9180] =	vst v45  }
0xb3: {  	s5 =	sor.u32 s8, s10;
	v45 =	vld [tilespmem:s9+$0x1100]  }
0xb4: {  	v46 =	vld [tilespmem:s5+$0x900]  }
0xb5: {  	v47 =	vld [tilespmem:s9+$0x1180]  }
0xb6: {  	v48 =	vld [tilespmem:s5+$0x100]  }
0xb7: {  	v49 =	vld [tilespmem:s9+$0x1200]  }
0xb8: {  	v50 =	vshrl.u32 v45, $0x10  }
0xb9: {  	v51 =	vmul.f32 v46, v3;
	v50 =	vand.u32 $0x1, v50;
	v52 =	vld [tilespmem:s9+$0x1280]  }
0xba: {  	v46 =	vmul.f32 v46, v21;
	v45 =	vadd.s32 v50, v45;
	v50 =	vshrl.u32 v47, $0x10  }
0xbb: {  	v53 =	vmul.f32 v48, v2;
	v45 =	vadd.s32 $0x7FFF, v45;
	v50 =	vand.u32 $0x1, v50  }
0xbc: {  	v45 =	vand.u32 $0xFFFF0000, v45;
	v47 =	vadd.s32 v50, v47;
	v50 =	vshrl.u32 v49, $0x10;
	v54 =	vld [tilespmem:s9+$0x1300]  }
0xbd: {  	v47 =	vadd.s32 $0x7FFF, v47;
	v55 =	vmul.f32 v45, v4;
	v45 =	vmul.f32 v45, v22  }
0xbe: {  	v48 =	vmul.f32 v48, v20;
	v50 =	vand.u32 $0x1, v50;
	v47 =	vand.u32 $0xFFFF0000, v47  }
0xbf: {  	v49 =	vadd.s32 v50, v49;
	v50 =	vshrl.u32 v52, $0x10;
	v56 =	vmul.f32 v47, v5;
	v57 =	vld [tilespmem:s9+$0x1380]  }
0xc0: {  	v46 =	vadd.f32 v46, v48;
	v48 =	vadd.s32 $0x7FFF, v49;
	v49 =	vand.u32 $0x1, v50  }
0xc1: {  	v50 =	vadd.f32 v51, v53;
	v47 =	vmul.f32 v47, v23;
	v49 =	vadd.s32 v49, v52;
	v51 =	vld [tilespmem:s9+$0x1400]  }
0xc2: {  	v48 =	vand.u32 $0xFFFF0000, v48;
	v49 =	vadd.s32 $0x7FFF, v49;
	v52 =	vshrl.u32 v54, $0x10  }
0xc3: {  	v53 =	vmul.f32 v48, v24;
	v49 =	vand.u32 $0xFFFF0000, v49;
	v52 =	vand.u32 $0x1, v52  }
0xc4: {  	v48 =	vmul.f32 v48, v6;
	v58 =	vmul.f32 v49, v7;
	v52 =	vadd.s32 v52, v54;
	v54 =	vld [tilespmem:s9+$0x1480]  }
0xc5: {  	v45 =	vadd.f32 v45, v46;
	v46 =	vadd.s32 $0x7FFF, v52;
	v52 =	vshrl.u32 v57, $0x10  }
0xc6: {  	v50 =	vadd.f32 v55, v50;
	v46 =	vand.u32 $0xFFFF0000, v46;
	v55 =	vshrl.u32 v51, $0x10  }
0xc7: {  	v52 =	vand.u32 $0x1, v52;
	v59 =	vmul.f32 v46, v8;
	v46 =	vmul.f32 v46, v26;
	v60 =	vld [tilespmem:s9+$0x5100]  }
0xc8: {  	v45 =	vadd.f32 v47, v45;
	v50 =	vadd.f32 v56, v50;
	v47 =	vand.u32 $0x1, v55  }
0xc9: {  	v49 =	vmul.f32 v49, v25;
	v52 =	vadd.s32 v52, v57;
	v47 =	vadd.s32 v47, v51;
	v51 =	vld [tilespmem:s9+$0x5180]  }
0xca: {  	v48 =	vadd.f32 v48, v50;
	v47 =	vadd.s32 $0x7FFF, v47;
	v50 =	vshrl.u32 v54, $0x10  }
0xcb: {  	v52 =	vadd.s32 $0x7FFF, v52;
	v47 =	vand.u32 $0xFFFF0000, v47;
	v50 =	vand.u32 $0x1, v50  }
0xcc: {  	v48 =	vadd.f32 v58, v48;
	v50 =	vadd.s32 v50, v54;
	v54 =	vmul.f32 v47, v10;
	v55 =	vld [tilespmem:s9+$0x5200]  }
0xcd: {  	v52 =	vand.u32 $0xFFFF0000, v52;
	v50 =	vadd.s32 $0x7FFF, v50;
	v56 =	vshrl.u32 v60, $0x10  }
0xce: {  	v45 =	vadd.f32 v53, v45;
	v53 =	vmul.f32 v52, v9;
	v50 =	vand.u32 $0xFFFF0000, v50  }
0xcf: {  	v48 =	vadd.f32 v59, v48;
	v56 =	vand.u32 $0x1, v56;
	v57 =	vmul.f32 v50, v11;
	v58 =	vld [tilespmem:s9+$0x5280]  }
0xd0: {  	v45 =	vadd.f32 v49, v45;
	v49 =	vadd.s32 v56, v60;
	v56 =	vshrl.u32 v51, $0x10  }
0xd1: {  	v48 =	vadd.f32 v53, v48;
	v49 =	vadd.s32 $0x7FFF, v49;
	v53 =	vand.u32 $0x1, v56;
	v56 =	vld [tilespmem:s9+$0x5300]  }
0xd2: {  	v49 =	vand.u32 $0xFFFF0000, v49;
	v51 =	vadd.s32 v53, v51;
	v53 =	vshrl.u32 v55, $0x10  }
0xd3: {  	v51 =	vadd.s32 $0x7FFF, v51;
	v59 =	vmul.f32 v49, v12;
	v53 =	vand.u32 $0x1, v53  }
0xd4: {  	v48 =	vadd.f32 v54, v48;
	v51 =	vand.u32 $0xFFFF0000, v51;
	v53 =	vadd.s32 v53, v55;
	v54 =	vld [tilespmem:s9+$0x5380]  }
0xd5: {  	v52 =	vmul.f32 v52, v27;
	v53 =	vadd.s32 $0x7FFF, v53;
	v55 =	vshrl.u32 v58, $0x10  }
0xd6: {  	v60 =	vmul.f32 v51, v13;
	v53 =	vand.u32 $0xFFFF0000, v53;
	v55 =	vand.u32 $0x1, v55  }
0xd7: {  	s5 =	sshll.u32 s6, $0x6;
	v48 =	vadd.f32 v57, v48;
	v55 =	vadd.s32 v55, v58;
	v57 =	vmul.f32 v53, v14;
	v58 =	vld [tilespmem:s9+$0x5400]  }
0xd8: {  	s5 =	sand.u32 $0x3FFFFE00, s5;
	v53 =	vmul.f32 v53, v32;
	v61 =	vshrl.u32 v56, $0x10;
	v55 =	vadd.s32 $0x7FFF, v55  }
0xd9: {  	s5 =	sor.u32 s8, s5;
	v48 =	vadd.f32 v59, v48;
	v59 =	vand.u32 $0x1, v61;
	v55 =	vand.u32 $0xFFFF0000, v55;
	v61 =	vld [tilespmem:s9+$0x5480]  }
0xda: {  	v56 =	vadd.s32 v59, v56;
	v62 =	vmul.f32 v55, v15;
	v59 =	vshrl.u32 v54, $0x10;
	[tilespmem:s5+$0x9280] =	vst v0  }
0xdb: {  	v48 =	vadd.f32 v60, v48;
	v56 =	vadd.s32 $0x7FFF, v56;
	v59 =	vand.u32 $0x1, v59  }
0xdc: {  	v56 =	vand.u32 $0xFFFF0000, v56;
	v54 =	vadd.s32 v59, v54;
	v59 =	vshrl.u32 v58, $0x10  }
0xdd: {  	v48 =	vadd.f32 v57, v48;
	v54 =	vadd.s32 $0x7FFF, v54;
	v57 =	vand.u32 $0x1, v59  }
0xde: {  	v54 =	vand.u32 $0xFFFF0000, v54;
	v59 =	vmul.f32 v56, v16;
	v57 =	vadd.s32 v57, v58  }
0xdf: {  	v48 =	vadd.f32 v62, v48;
	v58 =	vmul.f32 v54, v17;
	v57 =	vadd.s32 $0x7FFF, v57  }
0xe0: {  	v45 =	vadd.f32 v46, v45;
	v46 =	vand.u32 $0xFFFF0000, v57;
	v57 =	vshrl.u32 v61, $0x10  }
0xe1: {  	v48 =	vadd.f32 v59, v48;
	v57 =	vand.u32 $0x1, v57;
	v59 =	vmul.f32 v46, v18  }
0xe2: {  	v45 =	vadd.f32 v52, v45;
	v47 =	vmul.f32 v47, v28;
	v52 =	vadd.s32 v57, v61  }
0xe3: {  	v48 =	vadd.f32 v58, v48;
	v52 =	vadd.s32 $0x7FFF, v52  }
0xe4: {  	v45 =	vadd.f32 v47, v45;
	v47 =	vmul.f32 v50, v29;
	v50 =	vand.u32 $0xFFFF0000, v52  }
0xe5: {  	v48 =	vadd.f32 v59, v48;
	v52 =	vmul.f32 v50, v19;
	v50 =	vmul.f32 v50, v37  }
0xe6: {  	v45 =	vadd.f32 v47, v45;
	v47 =	vmul.f32 v49, v30  }
0xe7: {  	v48 =	vadd.f32 v52, v48  }
0xe8: {  	v45 =	vadd.f32 v47, v45;
	v47 =	vmul.f32 v51, v31  }
0xe9: {  	v49 =	vmul.f32 $3.183098730e-01, v48  }
0xea: {  	v45 =	vadd.f32 v47, v45  }
0xeb: {  	vm0 =	vge.f32 v49, $0.0e+00  }
0xec: {  	v45 =	vadd.f32 v53, v45;
	v47 =	vmul.f32 v55, v33;
	v51 =	vsel vm0, $0x3F000000, v1  }
0xed: {  	v49 =	vadd.f32 v51, v49  }
0xee: {  	v45 =	vadd.f32 v47, v45;
	v47 =	vmul.f32 v56, v34  }
0xef: {  	v49 =	vtrunc.f32 v49  }
0xf0: {  	v45 =	vadd.f32 v47, v45;
	v47 =	vmul.f32 v54, v35;
	v49 =	vcvt.f32.s32 v49;
	_ =	sdelay $0x1  }
0xf1: {  	v45 =	vadd.f32 v47, v45;
	v46 =	vmul.f32 v46, v36;
	v47 =	vcvt.s32.f32 v49  }
0xf2: {  	v49 =	vand.u32 $0x1, v49  }
0xf3: {  	v45 =	vadd.f32 v46, v45;
	v46 =	vmul.f32 $-3.140625000e+00, v47;
	_ =	sdelay $0x1  }
0xf4: {  	v45 =	vadd.f32 v50, v45;
	v47 =	vmul.f32 $-9.676535840e-04, v47;
	v46 =	vadd.f32 v46, v48;
	_ =	sdelay $0x1  }
0xf5: {  	v46 =	vadd.f32 v47, v46;
	_ =	sdelay $0x1  }
0xf6: {  	v47 =	vmul.f32 v46, v46;
	_ =	sdelay $0x1  }
0xf7: {  	v48 =	vmul.f32 $2.755731880e-06, v47;
	_ =	sdelay $0x1  }
0xf8: {  	v48 =	vadd.f32 $-1.984127010e-04, v48;
	_ =	sdelay $0x1  }
0xf9: {  	v48 =	vmul.f32 v48, v47;
	_ =	sdelay $0x1  }
0xfa: {  	v48 =	vadd.f32 $8.333333770e-03, v48;
	_ =	sdelay $0x1  }
0xfb: {  	v48 =	vmul.f32 v48, v47;
	_ =	sdelay $0x1  }
0xfc: {  	v48 =	vadd.f32 $-1.666666720e-01, v48;
	_ =	sdelay $0x1  }
0xfd: {  	v47 =	vmul.f32 v48, v47;
	_ =	sdelay $0x1  }
0xfe: {  	v47 =	vadd.f32 $1.000000000e+00, v47;
	_ =	sdelay $0x1  }
0xff: {  	v46 =	vmul.f32 v47, v46;
	_ =	sdelay $0x1  }
0x100: {  	vm0 =	veq.s32 v49, $0x0;
	v47 =	vxor.u32 $0x80000000, v46  }
0x101: {  	v46 =	vsel vm0, v46, v47  }
0x102: {  	v47 =	vmul.f32 v46, v38;
	v48 =	vshrl.u32 v46, $0x10  }
0x103: {  	v48 =	vand.u32 $0x1, v48  }
0x104: {  	v45 =	vadd.f32 v47, v45;
	v46 =	vadd.s32 v48, v46  }
0x105: {  	v46 =	vadd.s32 $0x7FFF, v46  }
0x106: {  	v47 =	vmul.f32 $-5.000000000e-01, v45;
	v46 =	vand.u32 $0xFFFF0000, v46;
	_ =	sdelay $0x1  }
0x107: {  	v45 =	vmul.f32 v47, v45;
	_ =	sdelay $0x1  }
0x108: {  	v45 =	vmul.f32 $1.442695020e+00, v45;
	_ =	sdelay $0x1  }
0x109: {  	(erf) = vpow2.f32 v45;
	_ =	sdelay $0x8  }
0x10a: {  	v45 =	vpop (erf)  }
0x10b: {  	v45 =	vmul.f32 $3.989422920e-01, v45;
	_ =	sdelay $0x1  }
0x10c: {  	v47 =	vshrl.u32 v45, $0x10  }
0x10d: {  	v47 =	vand.u32 $0x1, v47  }
0x10e: {  	v45 =	vadd.s32 v47, v45  }
0x10f: {  	v45 =	vadd.s32 $0x7FFF, v45  }
0x110: {  	v48 =	vmul.f32 v46, v41;
	v47 =	vmul.f32 v46, v39;
	v45 =	vand.u32 $0xFFFF0000, v45  }
0x111: {  	v49 =	vmul.f32 v45, v40;
	v50 =	vmul.f32 v45, v42  }
0x112: {  	v46 =	vmul.f32 v46, v43;
	v45 =	vmul.f32 v45, v44  }
0x113: {  	v47 =	vadd.f32 v49, v47;
	v48 =	vadd.f32 v50, v48  }
0x114: {  	v45 =	vadd.f32 v45, v46  }
0x115: {  	v46 =	vsub.f32 $0.0e+00, v47;
	v47 =	vsub.f32 $0.0e+00, v48  }
0x116: {  	v45 =	vsub.f32 $0.0e+00, v45  }
0x117: {  	v46 =	vmul.f32 $1.442695020e+00, v46;
	v47 =	vmul.f32 $1.442695020e+00, v47  }
0x118: {  	v45 =	vmul.f32 $1.442695020e+00, v45  }
0x119: {  	(erf) = vpow2.f32 v46  }
0x11a: {  	(erf) = vpow2.f32 v45  }
0x11b: {  	(erf) = vpow2.f32 v47;
	_ =	sdelay $0x4  }
.Ltmp0:
0x11c: {  	(pc) =	sbr.rel @p0 .LBB2_2-.Ltmp0, $4  }
0x11d: {  	_ = 	snop  }
0x11e: {  	v45 =	vpop (erf)  }
0x11f: {  	v45 =	vadd.f32 $1.000000000e+00, v45;
	v46 =	vpop (erf)  }
0x120: {  	v47 =	vadd.f32 $1.000000000e+00, v46;
	v46 =	vpop (erf)  }
0x121: {  	_ = 	snop  }
0x122: {  	v46 =	vadd.f32 $1.000000000e+00, v46;
	(erf) = vrcp.f32 v47  }
0x123: {  	(erf) = vrcp.f32 v45  }
0x124: {  	(erf) = vrcp.f32 v46;
	_ =	sdelay $0x6  }
0x125: {  	v55 =	vpop (erf)  }
0x126: {  	[tilespmem:s5+$0x9200] =	vst v55;
	v56 =	vpop (erf)  }
0x127: {  	[tilespmem:s5+$0x9100] =	vst v56;
	v57 =	vpop (erf)  }
0x128: {  	s3 =	simm.s32 $0x0;
	s4 =	rddreg [dreg:$0xb];
	[tilespmem:s5+$0x9180] =	vst v57  }
0x129: {  	[hbm4b:s4+s3] =	stream.linear.scatter [tilespmem:s1], [sflag:$0x1], $0x2000, $0x38;
	[tilespmem:$0xB100] =	vst v63  }
0x12a: {  	_ =	swait.ge [sflag:s26], $0x2000  }
0x12b: {  	[sflag:s26] =	ssyncset.done $0x0  }
0x12c: {  	s6 =	rddreg [dreg:$0xc];
	[sflag:s26] =	ssyncadd.s32 $0xFFFFE000  }
0x12d: {  	[tilespmem:s29], [sflag:$0x1] =	stream.linear.gather [hbm4b:s6+s3], $0x800, $0x38;
	[tilespmem:$0xB100] =	vst v63  }
0x12e: {  	_ =	swait.ge [sflag:s26], $0x800  }
0x12f: {  	[sflag:s26] =	ssyncset.done $0x0  }
0x130: {  	[sflag:s26] =	ssyncadd.s32 $0xFFFFF800  }
0x131: {  	[tilespmem:s30], [sflag:$0x1] =	stream.linear.gather [hbm4b:s11+s3], $0x800, $0x38;
	[tilespmem:$0xB100] =	vst v63  }
0x132: {  	_ =	swait.ge [sflag:s26], $0x800  }
0x133: {  	[sflag:s26] =	ssyncset.done $0x0  }
0x134: {  	[sflag:s26] =	ssyncadd.s32 $0xFFFFF800  }
0x135: {  	[tilespmem:s31], [sflag:$0x1] =	stream.linear.gather [hbm4b:s12+s3], $0x4000, $0x38;
	[tilespmem:$0xB100] =	vst v63  }
0x136: {  	_ =	swait.ge [sflag:s26], $0x4000  }
0x137: {  	[sflag:s26] =	ssyncset.done $0x0  }
0x138: {  	[sflag:s26] =	ssyncadd.s32 $0xFFFFC000  }
0x139: {  	[tilespmem:s0], [sflag:$0x1] =	stream.linear.gather [hbm4b:s13+s3], $0x4000, $0x38;
	[tilespmem:$0xB100] =	vst v63  }
0x13a: {  	s8 =	simm.s32 $0x0;
	_ =	swait.ge [sflag:s26], $0x4000  }
0x13b: {  	s9 =	sand.u32 $0x70, s3;
	s5 =	sand.u32 $0x3FFFFC00, s8;
	[sflag:s26] =	ssyncset.done $0x0  }
0x13c: {  	s5 =	sor.u32 s9, s5;
	s6 =	simm.s32 $0x0;
	[sflag:s26] =	ssyncadd.s32 $0xFFFFC000  }
0x13d: {  	s6 =	sand.u32 $0xFFFFFF80, s6;
	v58 =	vld [tilespmem:s5+$0x1100]  }
0x13e: {  	s6 =	sor.u32 s9, s6;
	v48 =	vld [tilespmem:s5+$0x1180]  }
0x13f: {  	v59 =	vld [tilespmem:s6+$0x900]  }
0x140: {  	v60 =	vld [tilespmem:s6+$0x100]  }
0x141: {  	v51 =	vld [tilespmem:s5+$0x1280]  }
0x142: {  	v49 =	vld [tilespmem:s5+$0x1200]  }
0x143: {  	v53 =	vld [tilespmem:s5+$0x1300];
	_ =	sdelay $0x1  }
0x144: {  	v50 =	vshrl.u32 v58, $0x10;
	v61 =	vshrl.u32 v48, $0x10;
	v52 =	vmul.f32 v59, v3  }
0x145: {  	v54 =	vmul.f32 v60, v2;
	v56 =	vshrl.u32 v51, $0x10;
	v50 =	vand.u32 $0x1, v50  }
0x146: {  	v63 =	vshrl.u32 v49, $0x10;
	v56 =	vand.u32 $0x1, v56;
	v47 =	vadd.s32 v50, v58  }
0x147: {  	v50 =	vand.u32 $0x1, v61;
	v51 =	vadd.s32 v56, v51;
	v58 =	vshrl.u32 v53, $0x10  }
0x148: {  	v52 =	vadd.f32 v52, v54;
	v47 =	vadd.s32 $0x7FFF, v47;
	v48 =	vadd.s32 v50, v48  }
0x149: {  	v56 =	vld [tilespmem:s5+$0x1400];
	v50 =	vand.u32 $0x1, v63;
	v51 =	vadd.s32 $0x7FFF, v51;
	v46 =	vand.u32 $0x1, v58  }
0x14a: {  	v54 =	vld [tilespmem:s5+$0x1480];
	v62 =	vand.u32 $0xFFFF0000, v47;
	v48 =	vadd.s32 $0x7FFF, v48;
	v49 =	vadd.s32 v50, v49  }
0x14b: {  	v50 =	vld [tilespmem:s5+$0x1380];
	v51 =	vand.u32 $0xFFFF0000, v51;
	v53 =	vadd.s32 v46, v53;
	v55 =	vmul.f32 v62, v4  }
0x14c: {  	v48 =	vand.u32 $0xFFFF0000, v48;
	v49 =	vadd.s32 $0x7FFF, v49;
	v53 =	vadd.s32 $0x7FFF, v53  }
0x14d: {  	v45 =	vmul.f32 v51, v7;
	v57 =	vmul.f32 v48, v5;
	v49 =	vand.u32 $0xFFFF0000, v49  }
0x14e: {  	[tilespmem:$0x1FFE0] =	vst v60;
	v53 =	vand.u32 $0xFFFF0000, v53;
	v52 =	vadd.f32 v55, v52;
	v60 =	vshrl.u32 v56, $0x10  }
0x14f: {  	v61 =	vld [tilespmem:s5+$0x5100];
	v47 =	vmul.f32 v49, v6;
	v46 =	vshrl.u32 v54, $0x10;
	v60 =	vand.u32 $0x1, v60  }
0x150: {  	[tilespmem:$0x1FFD0] =	vst v59;
	v58 =	vand.u32 $0x1, v46;
	v59 =	vshrl.u32 v50, $0x10;
	v52 =	vadd.f32 v57, v52  }
0x151: {  	v55 =	vld [tilespmem:s5+$0x5200];
	v56 =	vadd.s32 v60, v56;
	v54 =	vadd.s32 v58, v54;
	v59 =	vand.u32 $0x1, v59  }
0x152: {  	v56 =	vadd.s32 $0x7FFF, v56;
	v50 =	vadd.s32 v59, v50;
	v52 =	vadd.f32 v47, v52;
	v59 =	vld [tilespmem:s5+$0x5180]  }
0x153: {  	v57 =	vmul.f32 v53, v8;
	v54 =	vadd.s32 $0x7FFF, v54;
	v56 =	vand.u32 $0xFFFF0000, v56  }
0x154: {  	v47 =	vshrl.u32 v61, $0x10;
	v50 =	vadd.s32 $0x7FFF, v50;
	v52 =	vadd.f32 v45, v52  }
0x155: {  	v54 =	vand.u32 $0xFFFF0000, v54;
	v46 =	vand.u32 $0x1, v47;
	v50 =	vand.u32 $0xFFFF0000, v50  }
0x156: {  	v47 =	vmul.f32 v56, v10;
	v45 =	vmul.f32 v50, v9;
	v52 =	vadd.f32 v57, v52  }
0x157: {  	[tilespmem:$0x1FFF0] =	vst v62;
	v57 =	vadd.s32 v46, v61;
	v61 =	vld [tilespmem:s5+$0x5280];
	v46 =	vshrl.u32 v55, $0x10;
	v62 =	vshrl.u32 v59, $0x10  }
0x158: {  	v57 =	vadd.s32 $0x7FFF, v57;
	v52 =	vadd.f32 v45, v52;
	v62 =	vand.u32 $0x1, v62  }
0x159: {  	v58 =	vld [tilespmem:s5+$0x5300];
	v45 =	vmul.f32 v54, v11;
	v57 =	vand.u32 $0xFFFF0000, v57;
	v59 =	vadd.s32 v62, v59  }
0x15a: {  	v62 =	vand.u32 $0x1, v46;
	v52 =	vadd.f32 v47, v52;
	v59 =	vadd.s32 $0x7FFF, v59  }
0x15b: {  	v60 =	vld [tilespmem:s5+$0x5380];
	v63 =	vmul.f32 v57, v12;
	v55 =	vadd.s32 v62, v55;
	v59 =	vand.u32 $0xFFFF0000, v59  }
0x15c: {  	v55 =	vadd.s32 $0x7FFF, v55;
	v62 =	vshrl.u32 v61, $0x10;
	v52 =	vadd.f32 v45, v52  }
0x15d: {  	v46 =	vmul.f32 v59, v13;
	v55 =	vand.u32 $0xFFFF0000, v55;
	v62 =	vand.u32 $0x1, v62  }
0x15e: {  	v45 =	vshrl.u32 v58, $0x10;
	v61 =	vadd.s32 v62, v61;
	v52 =	vadd.f32 v63, v52  }
0x15f: {  	v62 =	vmul.f32 v55, v14;
	v45 =	vand.u32 $0x1, v45;
	v63 =	vld [tilespmem:s5+$0x5400];
	v61 =	vadd.s32 $0x7FFF, v61  }
0x160: {  	v45 =	vadd.s32 v45, v58;
	v58 =	vshrl.u32 v60, $0x10;
	v46 =	vadd.f32 v46, v52  }
0x161: {  	v45 =	vadd.s32 $0x7FFF, v45;
	v58 =	vand.u32 $0x1, v58;
	v52 =	vand.u32 $0xFFFF0000, v61;
	v61 =	vld [tilespmem:s5+$0x5480]  }
0x162: {  	v58 =	vadd.s32 v58, v60;
	v46 =	vadd.f32 v62, v46;
	v62 =	vmul.f32 v52, v15  }
0x163: {  	v45 =	vand.u32 $0xFFFF0000, v45;
	v58 =	vadd.s32 $0x7FFF, v58  }
0x164: {  	v47 =	vmul.f32 v45, v16;
	v60 =	vshrl.u32 v63, $0x10;
	v46 =	vadd.f32 v62, v46  }
0x165: {  	v58 =	vand.u32 $0xFFFF0000, v58;
	v60 =	vand.u32 $0x1, v60  }
0x166: {  	v60 =	vadd.s32 v60, v63;
	v63 =	vshrl.u32 v61, $0x10;
	v46 =	vadd.f32 v47, v46  }
0x167: {  	v47 =	vmul.f32 v58, v17;
	v60 =	vadd.s32 $0x7FFF, v60;
	v63 =	vand.u32 $0x1, v63  }
0x168: {  	v60 =	vand.u32 $0xFFFF0000, v60;
	v61 =	vadd.s32 v63, v61  }
0x169: {  	v63 =	vmul.f32 v60, v18;
	v46 =	vadd.f32 v47, v46;
	v61 =	vadd.s32 $0x7FFF, v61  }
0x16a: {  	v61 =	vand.u32 $0xFFFF0000, v61  }
0x16b: {  	v46 =	vadd.f32 v63, v46;
	v47 =	vmul.f32 v61, v19;
	_ =	sdelay $0x1  }
0x16c: {  	v46 =	vadd.f32 v47, v46;
	_ =	sdelay $0x1  }
0x16d: {  	v62 =	vmul.f32 $3.183098730e-01, v46;
	_ =	sdelay $0x1  }
0x16e: {  	vm0 =	vge.f32 v62, $0.0e+00  }
0x16f: {  	v63 =	vld [tilespmem:$0x1FFD0];
	v47 =	vsel vm0, $0x3F000000, v1  }
0x170: {  	v62 =	vadd.f32 v47, v62;
	v47 =	vld [tilespmem:$0x1FFE0];
	_ =	sdelay $0x4  }
0x171: {  	v63 =	vmul.f32 v63, v21;
	v47 =	vmul.f32 v47, v20;
	_ =	sdelay $0x1  }
0x172: {  	v47 =	vadd.f32 v63, v47;
	v63 =	vld [tilespmem:$0x1FFF0];
	_ =	sdelay $0x3  }
0x173: {  	v62 =	vtrunc.f32 v62  }
0x174: {  	v62 =	vcvt.f32.s32 v62;
	v63 =	vmul.f32 v63, v22;
	_ =	sdelay $0x1  }
0x175: {  	v48 =	vmul.f32 v48, v23;
	v47 =	vadd.f32 v63, v47;
	v63 =	vcvt.s32.f32 v62;
	_ =	sdelay $0x1  }
0x176: {  	v49 =	vmul.f32 v49, v24;
	v47 =	vadd.f32 v48, v47;
	v48 =	vmul.f32 $-3.140625000e+00, v63  }
0x177: {  	v63 =	vmul.f32 $-9.676535840e-04, v63  }
0x178: {  	v47 =	vadd.f32 v49, v47;
	v49 =	vmul.f32 v51, v25;
	v46 =	vadd.f32 v48, v46;
	_ =	sdelay $0x1  }
0x179: {  	v51 =	vmul.f32 v53, v26;
	v47 =	vadd.f32 v49, v47;
	v46 =	vadd.f32 v63, v46;
	_ =	sdelay $0x1  }
0x17a: {  	v63 =	vmul.f32 v50, v27;
	v47 =	vadd.f32 v51, v47;
	v49 =	vmul.f32 v46, v46;
	_ =	sdelay $0x1  }
0x17b: {  	v53 =	vmul.f32 v56, v28;
	v47 =	vadd.f32 v63, v47;
	v56 =	vmul.f32 $2.755731880e-06, v49;
	_ =	sdelay $0x1  }
0x17c: {  	v63 =	vmul.f32 v54, v29;
	v47 =	vadd.f32 v53, v47;
	v50 =	vadd.f32 $-1.984127010e-04, v56;
	_ =	sdelay $0x1  }
0x17d: {  	v53 =	vmul.f32 v57, v30;
	v47 =	vadd.f32 v63, v47;
	v50 =	vmul.f32 v50, v49;
	_ =	sdelay $0x1  }
0x17e: {  	v54 =	vmul.f32 v59, v31;
	v47 =	vadd.f32 v53, v47;
	v50 =	vadd.f32 $8.333333770e-03, v50;
	_ =	sdelay $0x1  }
0x17f: {  	v55 =	vmul.f32 v55, v32;
	v47 =	vadd.f32 v54, v47;
	v56 =	vmul.f32 v50, v49;
	_ =	sdelay $0x1  }
0x180: {  	v57 =	vmul.f32 v52, v33;
	v47 =	vadd.f32 v55, v47;
	v48 =	vadd.f32 $-1.666666720e-01, v56;
	_ =	sdelay $0x1  }
0x181: {  	v45 =	vmul.f32 v45, v34;
	v47 =	vadd.f32 v57, v47;
	v48 =	vmul.f32 v48, v49;
	_ =	sdelay $0x1  }
0x182: {  	v59 =	vmul.f32 v58, v35;
	v45 =	vadd.f32 v45, v47;
	v48 =	vadd.f32 $1.000000000e+00, v48;
	_ =	sdelay $0x1  }
0x183: {  	v60 =	vmul.f32 v60, v36;
	v45 =	vadd.f32 v59, v45;
	v46 =	vmul.f32 v48, v46  }
0x184: {  	v61 =	vmul.f32 v61, v37;
	v63 =	vand.u32 $0x1, v62  }
0x185: {  	vm15 =	veq.s32 v63, $0x0;
	v45 =	vadd.f32 v60, v45;
	v52 =	vxor.u32 $0x80000000, v46  }
0x186: {  	v46 =	vsel vm15, v46, v52  }
0x187: {  	v45 =	vadd.f32 v61, v45;
	v47 =	vmul.f32 v46, v38;
	_ =	sdelay $0x1  }
0x188: {  	v45 =	vadd.f32 v47, v45;
	_ =	sdelay $0x1  }
0x189: {  	v47 =	vmul.f32 $-5.000000000e-01, v45;
	_ =	sdelay $0x1  }
0x18a: {  	v45 =	vmul.f32 v47, v45;
	_ =	sdelay $0x1  }
0x18b: {  	v45 =	vmul.f32 $1.442695020e+00, v45;
	_ =	sdelay $0x1  }
0x18c: {  	(erf) = vpow2.f32 v45;
	_ =	sdelay $0x8  }
0x18d: {  	v45 =	vpop (erf)  }
0x18e: {  	v45 =	vmul.f32 $3.989422920e-01, v45;
	_ =	sdelay $0x1  }
0x18f: {  	v53 =	vshrl.u32 v46, $0x10;
	v54 =	vshrl.u32 v45, $0x10  }
0x190: {  	v47 =	vand.u32 $0x1, v53;
	v48 =	vand.u32 $0x1, v54  }
0x191: {  	v46 =	vadd.s32 v47, v46;
	v45 =	vadd.s32 v48, v45  }
0x192: {  	v46 =	vadd.s32 $0x7FFF, v46;
	v45 =	vadd.s32 $0x7FFF, v45  }
0x193: {  	v46 =	vand.u32 $0xFFFF0000, v46;
	v45 =	vand.u32 $0xFFFF0000, v45  }
0x194: {  	v55 =	vmul.f32 v46, v39;
	v56 =	vmul.f32 v45, v40  }
0x195: {  	v57 =	vmul.f32 v46, v43;
	v58 =	vmul.f32 v45, v44  }
0x196: {  	v46 =	vmul.f32 v46, v41;
	v45 =	vmul.f32 v45, v42;
	v47 =	vadd.f32 v56, v55  }
0x197: {  	v59 =	vadd.f32 v58, v57  }
0x198: {  	v45 =	vadd.f32 v45, v46;
	v60 =	vsub.f32 $0.0e+00, v47  }
0x199: {  	v61 =	vsub.f32 $0.0e+00, v59  }
0x19a: {  	v45 =	vsub.f32 $0.0e+00, v45;
	v46 =	vmul.f32 $1.442695020e+00, v60  }
0x19b: {  	v47 =	vmul.f32 $1.442695020e+00, v61  }
0x19c: {  	v45 =	vmul.f32 $1.442695020e+00, v45;
	(erf) = vpow2.f32 v46  }
0x19d: {  	(erf) = vpow2.f32 v47  }
0x19e: {  	(erf) = vpow2.f32 v45;
	_ =	sdelay $0x5  }
0x19f: {  	s10 =	simm.s32 $0x0  }
0x1a0: {  	s5 =	sand.u32 $0x3FFFFE00, s10;
	v62 =	vpop (erf)  }
0x1a1: {  	s5 =	sor.u32 s9, s5;
	v63 =	vpop (erf)  }
0x1a2: {  	s4 =	simm.s32 $0x1;
	[tilespmem:s5+$0x9280] =	vst v0;
	v45 =	vadd.f32 $1.000000000e+00, v62;
	v47 =	vadd.f32 $1.000000000e+00, v63;
	v46 =	vpop (erf)  }
.LBB2_4:
0x1a3: {  	p0 =	sne.s32 s4, $0x7F  }
0x1a4: {  	s3 =	sadd.s32 $0x10, s3;
	s6 =	smov.u32 s4;
	s4 =	sadd.s32 $0x1, s4  }
0x1a5: {  	(erf) = vrcp.f32 v47;
	_ =	sdelay $0x1  }
0x1a6: {  	v46 =	vadd.f32 $1.000000000e+00, v46  }
0x1a7: {  	(erf) = vrcp.f32 v45  }
0x1a8: {  	(erf) = vrcp.f32 v46;
	_ =	sdelay $0x4  }
0x1a9: {  	v45 =	vpop (erf)  }
0x1aa: {  	[tilespmem:s5+$0x9200] =	vst v45;
	_ =	sdelay $0x1  }
0x1ab: {  	s9 =	sshll.u32 s6, $0x7;
	v45 =	vpop (erf)  }
0x1ac: {  	s8 =	sand.u32 $0x70, s3;
	s10 =	sshll.u32 s6, $0x4;
	s9 =	sand.u32 $0x3FFFFC00, s9;
	[tilespmem:s5+$0x9100] =	vst v45;
	v45 =	vpop (erf)  }
0x1ad: {  	s10 =	sand.u32 $0xFFFFFF80, s10;
	s9 =	sor.u32 s8, s9;
	[tilespmem:s5+$0x9180] =	vst v45  }
0x1ae: {  	s5 =	sor.u32 s8, s10;
	v45 =	vld [tilespmem:s9+$0x1100]  }
0x1af: {  	v46 =	vld [tilespmem:s5+$0x900]  }
0x1b0: {  	v47 =	vld [tilespmem:s9+$0x1180]  }
0x1b1: {  	v48 =	vld [tilespmem:s5+$0x100]  }
0x1b2: {  	v49 =	vld [tilespmem:s9+$0x1200]  }
0x1b3: {  	v50 =	vshrl.u32 v45, $0x10  }
0x1b4: {  	v51 =	vmul.f32 v46, v3;
	v50 =	vand.u32 $0x1, v50;
	v52 =	vld [tilespmem:s9+$0x1280]  }
0x1b5: {  	v46 =	vmul.f32 v46, v21;
	v45 =	vadd.s32 v50, v45;
	v50 =	vshrl.u32 v47, $0x10  }
0x1b6: {  	v53 =	vmul.f32 v48, v2;
	v45 =	vadd.s32 $0x7FFF, v45;
	v50 =	vand.u32 $0x1, v50  }
0x1b7: {  	v45 =	vand.u32 $0xFFFF0000, v45;
	v47 =	vadd.s32 v50, v47;
	v50 =	vshrl.u32 v49, $0x10;
	v54 =	vld [tilespmem:s9+$0x1300]  }
0x1b8: {  	v47 =	vadd.s32 $0x7FFF, v47;
	v55 =	vmul.f32 v45, v4;
	v45 =	vmul.f32 v45, v22  }
0x1b9: {  	v48 =	vmul.f32 v48, v20;
	v50 =	vand.u32 $0x1, v50;
	v47 =	vand.u32 $0xFFFF0000, v47  }
0x1ba: {  	v49 =	vadd.s32 v50, v49;
	v50 =	vshrl.u32 v52, $0x10;
	v56 =	vmul.f32 v47, v5;
	v57 =	vld [tilespmem:s9+$0x1380]  }
0x1bb: {  	v46 =	vadd.f32 v46, v48;
	v48 =	vadd.s32 $0x7FFF, v49;
	v49 =	vand.u32 $0x1, v50  }
0x1bc: {  	v50 =	vadd.f32 v51, v53;
	v47 =	vmul.f32 v47, v23;
	v49 =	vadd.s32 v49, v52;
	v51 =	vld [tilespmem:s9+$0x1400]  }
0x1bd: {  	v48 =	vand.u32 $0xFFFF0000, v48;
	v49 =	vadd.s32 $0x7FFF, v49;
	v52 =	vshrl.u32 v54, $0x10  }
0x1be: {  	v53 =	vmul.f32 v48, v24;
	v49 =	vand.u32 $0xFFFF0000, v49;
	v52 =	vand.u32 $0x1, v52  }
0x1bf: {  	v48 =	vmul.f32 v48, v6;
	v58 =	vmul.f32 v49, v7;
	v52 =	vadd.s32 v52, v54;
	v54 =	vld [tilespmem:s9+$0x1480]  }
0x1c0: {  	v45 =	vadd.f32 v45, v46;
	v46 =	vadd.s32 $0x7FFF, v52;
	v52 =	vshrl.u32 v57, $0x10  }
0x1c1: {  	v50 =	vadd.f32 v55, v50;
	v46 =	vand.u32 $0xFFFF0000, v46;
	v55 =	vshrl.u32 v51, $0x10  }
0x1c2: {  	v52 =	vand.u32 $0x1, v52;
	v59 =	vmul.f32 v46, v8;
	v46 =	vmul.f32 v46, v26;
	v60 =	vld [tilespmem:s9+$0x5100]  }
0x1c3: {  	v45 =	vadd.f32 v47, v45;
	v50 =	vadd.f32 v56, v50;
	v47 =	vand.u32 $0x1, v55  }
0x1c4: {  	v49 =	vmul.f32 v49, v25;
	v52 =	vadd.s32 v52, v57;
	v47 =	vadd.s32 v47, v51;
	v51 =	vld [tilespmem:s9+$0x5180]  }
0x1c5: {  	v48 =	vadd.f32 v48, v50;
	v47 =	vadd.s32 $0x7FFF, v47;
	v50 =	vshrl.u32 v54, $0x10  }
0x1c6: {  	v52 =	vadd.s32 $0x7FFF, v52;
	v47 =	vand.u32 $0xFFFF0000, v47;
	v50 =	vand.u32 $0x1, v50  }
0x1c7: {  	v48 =	vadd.f32 v58, v48;
	v50 =	vadd.s32 v50, v54;
	v54 =	vmul.f32 v47, v10;
	v55 =	vld [tilespmem:s9+$0x5200]  }
0x1c8: {  	v52 =	vand.u32 $0xFFFF0000, v52;
	v50 =	vadd.s32 $0x7FFF, v50;
	v56 =	vshrl.u32 v60, $0x10  }
0x1c9: {  	v45 =	vadd.f32 v53, v45;
	v53 =	vmul.f32 v52, v9;
	v50 =	vand.u32 $0xFFFF0000, v50  }
0x1ca: {  	v48 =	vadd.f32 v59, v48;
	v56 =	vand.u32 $0x1, v56;
	v57 =	vmul.f32 v50, v11;
	v58 =	vld [tilespmem:s9+$0x5280]  }
0x1cb: {  	v45 =	vadd.f32 v49, v45;
	v49 =	vadd.s32 v56, v60;
	v56 =	vshrl.u32 v51, $0x10  }
0x1cc: {  	v48 =	vadd.f32 v53, v48;
	v49 =	vadd.s32 $0x7FFF, v49;
	v53 =	vand.u32 $0x1, v56;
	v56 =	vld [tilespmem:s9+$0x5300]  }
0x1cd: {  	v49 =	vand.u32 $0xFFFF0000, v49;
	v51 =	vadd.s32 v53, v51;
	v53 =	vshrl.u32 v55, $0x10  }
0x1ce: {  	v51 =	vadd.s32 $0x7FFF, v51;
	v59 =	vmul.f32 v49, v12;
	v53 =	vand.u32 $0x1, v53  }
0x1cf: {  	v48 =	vadd.f32 v54, v48;
	v51 =	vand.u32 $0xFFFF0000, v51;
	v53 =	vadd.s32 v53, v55;
	v54 =	vld [tilespmem:s9+$0x5380]  }
0x1d0: {  	v52 =	vmul.f32 v52, v27;
	v53 =	vadd.s32 $0x7FFF, v53;
	v55 =	vshrl.u32 v58, $0x10  }
0x1d1: {  	v60 =	vmul.f32 v51, v13;
	v53 =	vand.u32 $0xFFFF0000, v53;
	v55 =	vand.u32 $0x1, v55  }
0x1d2: {  	s5 =	sshll.u32 s6, $0x6;
	v48 =	vadd.f32 v57, v48;
	v55 =	vadd.s32 v55, v58;
	v57 =	vmul.f32 v53, v14;
	v58 =	vld [tilespmem:s9+$0x5400]  }
0x1d3: {  	s5 =	sand.u32 $0x3FFFFE00, s5;
	v53 =	vmul.f32 v53, v32;
	v61 =	vshrl.u32 v56, $0x10;
	v55 =	vadd.s32 $0x7FFF, v55  }
0x1d4: {  	s5 =	sor.u32 s8, s5;
	v48 =	vadd.f32 v59, v48;
	v59 =	vand.u32 $0x1, v61;
	v55 =	vand.u32 $0xFFFF0000, v55;
	v61 =	vld [tilespmem:s9+$0x5480]  }
0x1d5: {  	v56 =	vadd.s32 v59, v56;
	v62 =	vmul.f32 v55, v15;
	v59 =	vshrl.u32 v54, $0x10;
	[tilespmem:s5+$0x9280] =	vst v0  }
0x1d6: {  	v48 =	vadd.f32 v60, v48;
	v56 =	vadd.s32 $0x7FFF, v56;
	v59 =	vand.u32 $0x1, v59  }
0x1d7: {  	v56 =	vand.u32 $0xFFFF0000, v56;
	v54 =	vadd.s32 v59, v54;
	v59 =	vshrl.u32 v58, $0x10  }
0x1d8: {  	v48 =	vadd.f32 v57, v48;
	v54 =	vadd.s32 $0x7FFF, v54;
	v57 =	vand.u32 $0x1, v59  }
0x1d9: {  	v54 =	vand.u32 $0xFFFF0000, v54;
	v59 =	vmul.f32 v56, v16;
	v57 =	vadd.s32 v57, v58  }
0x1da: {  	v48 =	vadd.f32 v62, v48;
	v58 =	vmul.f32 v54, v17;
	v57 =	vadd.s32 $0x7FFF, v57  }
0x1db: {  	v45 =	vadd.f32 v46, v45;
	v46 =	vand.u32 $0xFFFF0000, v57;
	v57 =	vshrl.u32 v61, $0x10  }
0x1dc: {  	v48 =	vadd.f32 v59, v48;
	v57 =	vand.u32 $0x1, v57;
	v59 =	vmul.f32 v46, v18  }
0x1dd: {  	v45 =	vadd.f32 v52, v45;
	v47 =	vmul.f32 v47, v28;
	v52 =	vadd.s32 v57, v61  }
0x1de: {  	v48 =	vadd.f32 v58, v48;
	v52 =	vadd.s32 $0x7FFF, v52  }
0x1df: {  	v45 =	vadd.f32 v47, v45;
	v47 =	vmul.f32 v50, v29;
	v50 =	vand.u32 $0xFFFF0000, v52  }
0x1e0: {  	v48 =	vadd.f32 v59, v48;
	v52 =	vmul.f32 v50, v19;
	v50 =	vmul.f32 v50, v37  }
0x1e1: {  	v45 =	vadd.f32 v47, v45;
	v47 =	vmul.f32 v49, v30  }
0x1e2: {  	v48 =	vadd.f32 v52, v48  }
0x1e3: {  	v45 =	vadd.f32 v47, v45;
	v47 =	vmul.f32 v51, v31  }
0x1e4: {  	v49 =	vmul.f32 $3.183098730e-01, v48  }
0x1e5: {  	v45 =	vadd.f32 v47, v45  }
0x1e6: {  	vm0 =	vge.f32 v49, $0.0e+00  }
0x1e7: {  	v45 =	vadd.f32 v53, v45;
	v47 =	vmul.f32 v55, v33;
	v51 =	vsel vm0, $0x3F000000, v1  }
0x1e8: {  	v49 =	vadd.f32 v51, v49  }
0x1e9: {  	v45 =	vadd.f32 v47, v45;
	v47 =	vmul.f32 v56, v34  }
0x1ea: {  	v49 =	vtrunc.f32 v49  }
0x1eb: {  	v45 =	vadd.f32 v47, v45;
	v47 =	vmul.f32 v54, v35;
	v49 =	vcvt.f32.s32 v49;
	_ =	sdelay $0x1  }
0x1ec: {  	v45 =	vadd.f32 v47, v45;
	v46 =	vmul.f32 v46, v36;
	v47 =	vcvt.s32.f32 v49  }
0x1ed: {  	v49 =	vand.u32 $0x1, v49  }
0x1ee: {  	v45 =	vadd.f32 v46, v45;
	v46 =	vmul.f32 $-3.140625000e+00, v47;
	_ =	sdelay $0x1  }
0x1ef: {  	v45 =	vadd.f32 v50, v45;
	v47 =	vmul.f32 $-9.676535840e-04, v47;
	v46 =	vadd.f32 v46, v48;
	_ =	sdelay $0x1  }
0x1f0: {  	v46 =	vadd.f32 v47, v46;
	_ =	sdelay $0x1  }
0x1f1: {  	v47 =	vmul.f32 v46, v46;
	_ =	sdelay $0x1  }
0x1f2: {  	v48 =	vmul.f32 $2.755731880e-06, v47;
	_ =	sdelay $0x1  }
0x1f3: {  	v48 =	vadd.f32 $-1.984127010e-04, v48;
	_ =	sdelay $0x1  }
0x1f4: {  	v48 =	vmul.f32 v48, v47;
	_ =	sdelay $0x1  }
0x1f5: {  	v48 =	vadd.f32 $8.333333770e-03, v48;
	_ =	sdelay $0x1  }
0x1f6: {  	v48 =	vmul.f32 v48, v47;
	_ =	sdelay $0x1  }
0x1f7: {  	v48 =	vadd.f32 $-1.666666720e-01, v48;
	_ =	sdelay $0x1  }
0x1f8: {  	v47 =	vmul.f32 v48, v47;
	_ =	sdelay $0x1  }
0x1f9: {  	v47 =	vadd.f32 $1.000000000e+00, v47;
	_ =	sdelay $0x1  }
0x1fa: {  	v46 =	vmul.f32 v47, v46;
	_ =	sdelay $0x1  }
0x1fb: {  	vm0 =	veq.s32 v49, $0x0;
	v47 =	vxor.u32 $0x80000000, v46  }
0x1fc: {  	v46 =	vsel vm0, v46, v47  }
0x1fd: {  	v47 =	vmul.f32 v46, v38;
	v48 =	vshrl.u32 v46, $0x10  }
0x1fe: {  	v48 =	vand.u32 $0x1, v48  }
0x1ff: {  	v45 =	vadd.f32 v47, v45;
	v46 =	vadd.s32 v48, v46  }
0x200: {  	v46 =	vadd.s32 $0x7FFF, v46  }
0x201: {  	v47 =	vmul.f32 $-5.000000000e-01, v45;
	v46 =	vand.u32 $0xFFFF0000, v46;
	_ =	sdelay $0x1  }
0x202: {  	v45 =	vmul.f32 v47, v45;
	_ =	sdelay $0x1  }
0x203: {  	v45 =	vmul.f32 $1.442695020e+00, v45;
	_ =	sdelay $0x1  }
0x204: {  	(erf) = vpow2.f32 v45;
	_ =	sdelay $0x8  }
0x205: {  	v45 =	vpop (erf)  }
0x206: {  	v45 =	vmul.f32 $3.989422920e-01, v45;
	_ =	sdelay $0x1  }
0x207: {  	v47 =	vshrl.u32 v45, $0x10  }
0x208: {  	v47 =	vand.u32 $0x1, v47  }
0x209: {  	v45 =	vadd.s32 v47, v45  }
0x20a: {  	v45 =	vadd.s32 $0x7FFF, v45  }
0x20b: {  	v48 =	vmul.f32 v46, v41;
	v47 =	vmul.f32 v46, v39;
	v45 =	vand.u32 $0xFFFF0000, v45  }
0x20c: {  	v49 =	vmul.f32 v45, v40;
	v50 =	vmul.f32 v45, v42  }
0x20d: {  	v46 =	vmul.f32 v46, v43;
	v45 =	vmul.f32 v45, v44  }
0x20e: {  	v47 =	vadd.f32 v49, v47;
	v48 =	vadd.f32 v50, v48  }
0x20f: {  	v45 =	vadd.f32 v45, v46  }
0x210: {  	v46 =	vsub.f32 $0.0e+00, v47;
	v47 =	vsub.f32 $0.0e+00, v48  }
0x211: {  	v45 =	vsub.f32 $0.0e+00, v45  }
0x212: {  	v46 =	vmul.f32 $1.442695020e+00, v46;
	v47 =	vmul.f32 $1.442695020e+00, v47  }
0x213: {  	v45 =	vmul.f32 $1.442695020e+00, v45  }
0x214: {  	(erf) = vpow2.f32 v46  }
0x215: {  	(erf) = vpow2.f32 v45  }
0x216: {  	(erf) = vpow2.f32 v47;
	_ =	sdelay $0x4  }
.Ltmp1:
0x217: {  	(pc) =	sbr.rel @p0 .LBB2_4-.Ltmp1, $4  }
0x218: {  	_ = 	snop  }
0x219: {  	v45 =	vpop (erf)  }
0x21a: {  	v45 =	vadd.f32 $1.000000000e+00, v45;
	v46 =	vpop (erf)  }
0x21b: {  	v47 =	vadd.f32 $1.000000000e+00, v46;
	v46 =	vpop (erf)  }
0x21c: {  	_ = 	snop  }
0x21d: {  	v46 =	vadd.f32 $1.000000000e+00, v46;
	(erf) = vrcp.f32 v47  }
0x21e: {  	(erf) = vrcp.f32 v45  }
0x21f: {  	(erf) = vrcp.f32 v46;
	_ =	sdelay $0x6  }
0x220: {  	v55 =	vpop (erf)  }
0x221: {  	[tilespmem:s5+$0x9200] =	vst v55;
	v56 =	vpop (erf)  }
0x222: {  	[tilespmem:s5+$0x9100] =	vst v56;
	v57 =	vpop (erf)  }
0x223: {  	s3 =	simm.s32 $0x0;
	[tilespmem:s5+$0x9180] =	vst v57  }
0x224: {  	[hbm4b:s14+s3] =	stream.linear.scatter [tilespmem:s1], [sflag:$0x1], $0x2000, $0x38;
	[tilespmem:$0xB100] =	vst v63  }
0x225: {  	_ =	swait.ge [sflag:s26], $0x2000  }
0x226: {  	[sflag:s26] =	ssyncset.done $0x0  }
0x227: {  	[sflag:s26] =	ssyncadd.s32 $0xFFFFE000  }
0x228: {  	[tilespmem:s29], [sflag:$0x1] =	stream.linear.gather [hbm4b:s15+s3], $0x800, $0x38;
	[tilespmem:$0xB100] =	vst v63  }
0x229: {  	_ =	swait.ge [sflag:s26], $0x800  }
0x22a: {  	[sflag:s26] =	ssyncset.done $0x0  }
0x22b: {  	[sflag:s26] =	ssyncadd.s32 $0xFFFFF800  }
0x22c: {  	[tilespmem:s30], [sflag:$0x1] =	stream.linear.gather [hbm4b:s16+s3], $0x800, $0x38;
	[tilespmem:$0xB100] =	vst v63  }
0x22d: {  	_ =	swait.ge [sflag:s26], $0x800  }
0x22e: {  	[sflag:s26] =	ssyncset.done $0x0  }
0x22f: {  	[sflag:s26] =	ssyncadd.s32 $0xFFFFF800  }
0x230: {  	[tilespmem:s31], [sflag:$0x1] =	stream.linear.gather [hbm4b:s17+s3], $0x4000, $0x38;
	[tilespmem:$0xB100] =	vst v63  }
0x231: {  	_ =	swait.ge [sflag:s26], $0x4000  }
0x232: {  	[sflag:s26] =	ssyncset.done $0x0  }
0x233: {  	[sflag:s26] =	ssyncadd.s32 $0xFFFFC000  }
0x234: {  	[tilespmem:s0], [sflag:$0x1] =	stream.linear.gather [hbm4b:s20+s3], $0x4000, $0x38;
	[tilespmem:$0xB100] =	vst v63  }
0x235: {  	s9 =	simm.s32 $0x0;
	_ =	swait.ge [sflag:s26], $0x4000  }
0x236: {  	s4 =	sand.u32 $0x70, s3;
	s5 =	sand.u32 $0x3FFFFC00, s9;
	[sflag:s26] =	ssyncset.done $0x0  }
0x237: {  	s6 =	simm.s32 $0x0;
	s5 =	sor.u32 s4, s5;
	[sflag:s26] =	ssyncadd.s32 $0xFFFFC000  }
0x238: {  	s6 =	sand.u32 $0xFFFFFF80, s6;
	v58 =	vld [tilespmem:s5+$0x1100]  }
0x239: {  	s6 =	sor.u32 s4, s6;
	v48 =	vld [tilespmem:s5+$0x1180]  }
0x23a: {  	v59 =	vld [tilespmem:s6+$0x900]  }
0x23b: {  	v60 =	vld [tilespmem:s6+$0x100]  }
0x23c: {  	v51 =	vld [tilespmem:s5+$0x1280]  }
0x23d: {  	v49 =	vld [tilespmem:s5+$0x1200]  }
0x23e: {  	v53 =	vld [tilespmem:s5+$0x1300];
	_ =	sdelay $0x1  }
0x23f: {  	v50 =	vshrl.u32 v58, $0x10;
	v61 =	vshrl.u32 v48, $0x10;
	v52 =	vmul.f32 v59, v3  }
0x240: {  	v54 =	vmul.f32 v60, v2;
	v56 =	vshrl.u32 v51, $0x10;
	v50 =	vand.u32 $0x1, v50  }
0x241: {  	v63 =	vshrl.u32 v49, $0x10;
	v56 =	vand.u32 $0x1, v56;
	v47 =	vadd.s32 v50, v58  }
0x242: {  	v50 =	vand.u32 $0x1, v61;
	v51 =	vadd.s32 v56, v51;
	v58 =	vshrl.u32 v53, $0x10  }
0x243: {  	v52 =	vadd.f32 v52, v54;
	v47 =	vadd.s32 $0x7FFF, v47;
	v48 =	vadd.s32 v50, v48  }
0x244: {  	v56 =	vld [tilespmem:s5+$0x1400];
	v50 =	vand.u32 $0x1, v63;
	v51 =	vadd.s32 $0x7FFF, v51;
	v46 =	vand.u32 $0x1, v58  }
0x245: {  	v54 =	vld [tilespmem:s5+$0x1480];
	v62 =	vand.u32 $0xFFFF0000, v47;
	v48 =	vadd.s32 $0x7FFF, v48;
	v49 =	vadd.s32 v50, v49  }
0x246: {  	v50 =	vld [tilespmem:s5+$0x1380];
	v51 =	vand.u32 $0xFFFF0000, v51;
	v53 =	vadd.s32 v46, v53;
	v55 =	vmul.f32 v62, v4  }
0x247: {  	v48 =	vand.u32 $0xFFFF0000, v48;
	v49 =	vadd.s32 $0x7FFF, v49;
	v53 =	vadd.s32 $0x7FFF, v53  }
0x248: {  	v45 =	vmul.f32 v51, v7;
	v57 =	vmul.f32 v48, v5;
	v49 =	vand.u32 $0xFFFF0000, v49  }
0x249: {  	[tilespmem:$0x1FFB0] =	vst v60;
	v53 =	vand.u32 $0xFFFF0000, v53;
	v52 =	vadd.f32 v55, v52;
	v60 =	vshrl.u32 v56, $0x10  }
0x24a: {  	v61 =	vld [tilespmem:s5+$0x5100];
	v47 =	vmul.f32 v49, v6;
	v46 =	vshrl.u32 v54, $0x10;
	v60 =	vand.u32 $0x1, v60  }
0x24b: {  	[tilespmem:$0x1FFA0] =	vst v59;
	v58 =	vand.u32 $0x1, v46;
	v59 =	vshrl.u32 v50, $0x10;
	v52 =	vadd.f32 v57, v52  }
0x24c: {  	v55 =	vld [tilespmem:s5+$0x5200];
	v56 =	vadd.s32 v60, v56;
	v54 =	vadd.s32 v58, v54;
	v59 =	vand.u32 $0x1, v59  }
0x24d: {  	v56 =	vadd.s32 $0x7FFF, v56;
	v50 =	vadd.s32 v59, v50;
	v52 =	vadd.f32 v47, v52;
	v59 =	vld [tilespmem:s5+$0x5180]  }
0x24e: {  	v57 =	vmul.f32 v53, v8;
	v54 =	vadd.s32 $0x7FFF, v54;
	v56 =	vand.u32 $0xFFFF0000, v56  }
0x24f: {  	v47 =	vshrl.u32 v61, $0x10;
	v50 =	vadd.s32 $0x7FFF, v50;
	v52 =	vadd.f32 v45, v52  }
0x250: {  	v54 =	vand.u32 $0xFFFF0000, v54;
	v46 =	vand.u32 $0x1, v47;
	v50 =	vand.u32 $0xFFFF0000, v50  }
0x251: {  	v47 =	vmul.f32 v56, v10;
	v45 =	vmul.f32 v50, v9;
	v52 =	vadd.f32 v57, v52  }
0x252: {  	[tilespmem:$0x1FFC0] =	vst v62;
	v57 =	vadd.s32 v46, v61;
	v61 =	vld [tilespmem:s5+$0x5280];
	v46 =	vshrl.u32 v55, $0x10;
	v62 =	vshrl.u32 v59, $0x10  }
0x253: {  	v57 =	vadd.s32 $0x7FFF, v57;
	v52 =	vadd.f32 v45, v52;
	v62 =	vand.u32 $0x1, v62  }
0x254: {  	v58 =	vld [tilespmem:s5+$0x5300];
	v45 =	vmul.f32 v54, v11;
	v57 =	vand.u32 $0xFFFF0000, v57;
	v59 =	vadd.s32 v62, v59  }
0x255: {  	v62 =	vand.u32 $0x1, v46;
	v52 =	vadd.f32 v47, v52;
	v59 =	vadd.s32 $0x7FFF, v59  }
0x256: {  	v60 =	vld [tilespmem:s5+$0x5380];
	v63 =	vmul.f32 v57, v12;
	v55 =	vadd.s32 v62, v55;
	v59 =	vand.u32 $0xFFFF0000, v59  }
0x257: {  	v55 =	vadd.s32 $0x7FFF, v55;
	v62 =	vshrl.u32 v61, $0x10;
	v52 =	vadd.f32 v45, v52  }
0x258: {  	v46 =	vmul.f32 v59, v13;
	v55 =	vand.u32 $0xFFFF0000, v55;
	v62 =	vand.u32 $0x1, v62  }
0x259: {  	v45 =	vshrl.u32 v58, $0x10;
	v61 =	vadd.s32 v62, v61;
	v52 =	vadd.f32 v63, v52  }
0x25a: {  	v62 =	vmul.f32 v55, v14;
	v45 =	vand.u32 $0x1, v45;
	v63 =	vld [tilespmem:s5+$0x5400];
	v61 =	vadd.s32 $0x7FFF, v61  }
0x25b: {  	v45 =	vadd.s32 v45, v58;
	v58 =	vshrl.u32 v60, $0x10;
	v46 =	vadd.f32 v46, v52  }
0x25c: {  	v45 =	vadd.s32 $0x7FFF, v45;
	v58 =	vand.u32 $0x1, v58;
	v52 =	vand.u32 $0xFFFF0000, v61;
	v61 =	vld [tilespmem:s5+$0x5480]  }
0x25d: {  	v58 =	vadd.s32 v58, v60;
	v46 =	vadd.f32 v62, v46;
	v62 =	vmul.f32 v52, v15  }
0x25e: {  	v45 =	vand.u32 $0xFFFF0000, v45;
	v58 =	vadd.s32 $0x7FFF, v58  }
0x25f: {  	v47 =	vmul.f32 v45, v16;
	v60 =	vshrl.u32 v63, $0x10;
	v46 =	vadd.f32 v62, v46  }
0x260: {  	v58 =	vand.u32 $0xFFFF0000, v58;
	v60 =	vand.u32 $0x1, v60  }
0x261: {  	v60 =	vadd.s32 v60, v63;
	v63 =	vshrl.u32 v61, $0x10;
	v46 =	vadd.f32 v47, v46  }
0x262: {  	v47 =	vmul.f32 v58, v17;
	v60 =	vadd.s32 $0x7FFF, v60;
	v63 =	vand.u32 $0x1, v63  }
0x263: {  	v60 =	vand.u32 $0xFFFF0000, v60;
	v61 =	vadd.s32 v63, v61  }
0x264: {  	v63 =	vmul.f32 v60, v18;
	v46 =	vadd.f32 v47, v46;
	v61 =	vadd.s32 $0x7FFF, v61  }
0x265: {  	v61 =	vand.u32 $0xFFFF0000, v61  }
0x266: {  	v46 =	vadd.f32 v63, v46;
	v47 =	vmul.f32 v61, v19;
	_ =	sdelay $0x1  }
0x267: {  	v46 =	vadd.f32 v47, v46;
	_ =	sdelay $0x1  }
0x268: {  	v62 =	vmul.f32 $3.183098730e-01, v46;
	_ =	sdelay $0x1  }
0x269: {  	vm0 =	vge.f32 v62, $0.0e+00  }
0x26a: {  	v63 =	vld [tilespmem:$0x1FFA0];
	v47 =	vsel vm0, $0x3F000000, v1  }
0x26b: {  	v62 =	vadd.f32 v47, v62;
	v47 =	vld [tilespmem:$0x1FFB0];
	_ =	sdelay $0x4  }
0x26c: {  	v63 =	vmul.f32 v63, v21;
	v47 =	vmul.f32 v47, v20;
	_ =	sdelay $0x1  }
0x26d: {  	v47 =	vadd.f32 v63, v47;
	v63 =	vld [tilespmem:$0x1FFC0];
	_ =	sdelay $0x3  }
0x26e: {  	v62 =	vtrunc.f32 v62  }
0x26f: {  	v62 =	vcvt.f32.s32 v62;
	v63 =	vmul.f32 v63, v22;
	_ =	sdelay $0x1  }
0x270: {  	v48 =	vmul.f32 v48, v23;
	v47 =	vadd.f32 v63, v47;
	v63 =	vcvt.s32.f32 v62;
	_ =	sdelay $0x1  }
0x271: {  	v49 =	vmul.f32 v49, v24;
	v47 =	vadd.f32 v48, v47;
	v48 =	vmul.f32 $-3.140625000e+00, v63  }
0x272: {  	v63 =	vmul.f32 $-9.676535840e-04, v63  }
0x273: {  	v47 =	vadd.f32 v49, v47;
	v49 =	vmul.f32 v51, v25;
	v46 =	vadd.f32 v48, v46;
	_ =	sdelay $0x1  }
0x274: {  	v51 =	vmul.f32 v53, v26;
	v47 =	vadd.f32 v49, v47;
	v46 =	vadd.f32 v63, v46;
	_ =	sdelay $0x1  }
0x275: {  	v63 =	vmul.f32 v50, v27;
	v47 =	vadd.f32 v51, v47;
	v49 =	vmul.f32 v46, v46;
	_ =	sdelay $0x1  }
0x276: {  	v53 =	vmul.f32 v56, v28;
	v47 =	vadd.f32 v63, v47;
	v56 =	vmul.f32 $2.755731880e-06, v49;
	_ =	sdelay $0x1  }
0x277: {  	v63 =	vmul.f32 v54, v29;
	v47 =	vadd.f32 v53, v47;
	v50 =	vadd.f32 $-1.984127010e-04, v56;
	_ =	sdelay $0x1  }
0x278: {  	v53 =	vmul.f32 v57, v30;
	v47 =	vadd.f32 v63, v47;
	v50 =	vmul.f32 v50, v49;
	_ =	sdelay $0x1  }
0x279: {  	v54 =	vmul.f32 v59, v31;
	v47 =	vadd.f32 v53, v47;
	v50 =	vadd.f32 $8.333333770e-03, v50;
	_ =	sdelay $0x1  }
0x27a: {  	v55 =	vmul.f32 v55, v32;
	v47 =	vadd.f32 v54, v47;
	v56 =	vmul.f32 v50, v49;
	_ =	sdelay $0x1  }
0x27b: {  	v57 =	vmul.f32 v52, v33;
	v47 =	vadd.f32 v55, v47;
	v48 =	vadd.f32 $-1.666666720e-01, v56;
	_ =	sdelay $0x1  }
0x27c: {  	v45 =	vmul.f32 v45, v34;
	v47 =	vadd.f32 v57, v47;
	v48 =	vmul.f32 v48, v49;
	_ =	sdelay $0x1  }
0x27d: {  	v59 =	vmul.f32 v58, v35;
	v45 =	vadd.f32 v45, v47;
	v48 =	vadd.f32 $1.000000000e+00, v48;
	_ =	sdelay $0x1  }
0x27e: {  	v60 =	vmul.f32 v60, v36;
	v45 =	vadd.f32 v59, v45;
	v46 =	vmul.f32 v48, v46  }
0x27f: {  	v61 =	vmul.f32 v61, v37;
	v63 =	vand.u32 $0x1, v62  }
0x280: {  	vm15 =	veq.s32 v63, $0x0;
	v45 =	vadd.f32 v60, v45;
	v52 =	vxor.u32 $0x80000000, v46  }
0x281: {  	v46 =	vsel vm15, v46, v52  }
0x282: {  	v45 =	vadd.f32 v61, v45;
	v47 =	vmul.f32 v46, v38;
	_ =	sdelay $0x1  }
0x283: {  	v45 =	vadd.f32 v47, v45;
	_ =	sdelay $0x1  }
0x284: {  	v47 =	vmul.f32 $-5.000000000e-01, v45;
	_ =	sdelay $0x1  }
0x285: {  	v45 =	vmul.f32 v47, v45;
	_ =	sdelay $0x1  }
0x286: {  	v45 =	vmul.f32 $1.442695020e+00, v45;
	_ =	sdelay $0x1  }
0x287: {  	(erf) = vpow2.f32 v45;
	_ =	sdelay $0x8  }
0x288: {  	v45 =	vpop (erf)  }
0x289: {  	v45 =	vmul.f32 $3.989422920e-01, v45;
	_ =	sdelay $0x1  }
0x28a: {  	v53 =	vshrl.u32 v46, $0x10;
	v54 =	vshrl.u32 v45, $0x10  }
0x28b: {  	v47 =	vand.u32 $0x1, v53;
	v48 =	vand.u32 $0x1, v54  }
0x28c: {  	v46 =	vadd.s32 v47, v46;
	v45 =	vadd.s32 v48, v45  }
0x28d: {  	v46 =	vadd.s32 $0x7FFF, v46;
	v45 =	vadd.s32 $0x7FFF, v45  }
0x28e: {  	v46 =	vand.u32 $0xFFFF0000, v46;
	v45 =	vand.u32 $0xFFFF0000, v45  }
0x28f: {  	v55 =	vmul.f32 v46, v39;
	v56 =	vmul.f32 v45, v40  }
0x290: {  	v57 =	vmul.f32 v46, v43;
	v58 =	vmul.f32 v45, v44  }
0x291: {  	v46 =	vmul.f32 v46, v41;
	v45 =	vmul.f32 v45, v42;
	v47 =	vadd.f32 v56, v55  }
0x292: {  	v59 =	vadd.f32 v58, v57  }
0x293: {  	v45 =	vadd.f32 v45, v46;
	v60 =	vsub.f32 $0.0e+00, v47  }
0x294: {  	v61 =	vsub.f32 $0.0e+00, v59  }
0x295: {  	v45 =	vsub.f32 $0.0e+00, v45;
	v46 =	vmul.f32 $1.442695020e+00, v60  }
0x296: {  	v47 =	vmul.f32 $1.442695020e+00, v61  }
0x297: {  	v45 =	vmul.f32 $1.442695020e+00, v45;
	(erf) = vpow2.f32 v46  }
0x298: {  	(erf) = vpow2.f32 v47  }
0x299: {  	(erf) = vpow2.f32 v45;
	_ =	sdelay $0x5  }
0x29a: {  	s10 =	simm.s32 $0x0  }
0x29b: {  	s5 =	sand.u32 $0x3FFFFE00, s10;
	v62 =	vpop (erf)  }
0x29c: {  	s5 =	sor.u32 s4, s5;
	v63 =	vpop (erf)  }
0x29d: {  	s4 =	simm.s32 $0x1;
	[tilespmem:s5+$0x9280] =	vst v0;
	v45 =	vadd.f32 $1.000000000e+00, v62;
	v47 =	vadd.f32 $1.000000000e+00, v63;
	v46 =	vpop (erf)  }
.LBB2_6:
0x29e: {  	p0 =	sne.s32 s4, $0x7F  }
0x29f: {  	s3 =	sadd.s32 $0x10, s3;
	s6 =	smov.u32 s4;
	s4 =	sadd.s32 $0x1, s4  }
0x2a0: {  	(erf) = vrcp.f32 v47;
	_ =	sdelay $0x1  }
0x2a1: {  	v46 =	vadd.f32 $1.000000000e+00, v46  }
0x2a2: {  	(erf) = vrcp.f32 v45  }
0x2a3: {  	(erf) = vrcp.f32 v46;
	_ =	sdelay $0x4  }
0x2a4: {  	v45 =	vpop (erf)  }
0x2a5: {  	[tilespmem:s5+$0x9200] =	vst v45;
	_ =	sdelay $0x1  }
0x2a6: {  	s9 =	sshll.u32 s6, $0x7;
	v45 =	vpop (erf)  }
0x2a7: {  	s8 =	sand.u32 $0x70, s3;
	s10 =	sshll.u32 s6, $0x4;
	s9 =	sand.u32 $0x3FFFFC00, s9;
	[tilespmem:s5+$0x9100] =	vst v45;
	v45 =	vpop (erf)  }
0x2a8: {  	s10 =	sand.u32 $0xFFFFFF80, s10;
	s9 =	sor.u32 s8, s9;
	[tilespmem:s5+$0x9180] =	vst v45  }
0x2a9: {  	s5 =	sor.u32 s8, s10;
	v45 =	vld [tilespmem:s9+$0x1100]  }
0x2aa: {  	v46 =	vld [tilespmem:s5+$0x900]  }
0x2ab: {  	v47 =	vld [tilespmem:s9+$0x1180]  }
0x2ac: {  	v48 =	vld [tilespmem:s5+$0x100]  }
0x2ad: {  	v49 =	vld [tilespmem:s9+$0x1200]  }
0x2ae: {  	v50 =	vshrl.u32 v45, $0x10  }
0x2af: {  	v51 =	vmul.f32 v46, v3;
	v50 =	vand.u32 $0x1, v50;
	v52 =	vld [tilespmem:s9+$0x1280]  }
0x2b0: {  	v46 =	vmul.f32 v46, v21;
	v45 =	vadd.s32 v50, v45;
	v50 =	vshrl.u32 v47, $0x10  }
0x2b1: {  	v53 =	vmul.f32 v48, v2;
	v45 =	vadd.s32 $0x7FFF, v45;
	v50 =	vand.u32 $0x1, v50  }
0x2b2: {  	v45 =	vand.u32 $0xFFFF0000, v45;
	v47 =	vadd.s32 v50, v47;
	v50 =	vshrl.u32 v49, $0x10;
	v54 =	vld [tilespmem:s9+$0x1300]  }
0x2b3: {  	v47 =	vadd.s32 $0x7FFF, v47;
	v55 =	vmul.f32 v45, v4;
	v45 =	vmul.f32 v45, v22  }
0x2b4: {  	v48 =	vmul.f32 v48, v20;
	v50 =	vand.u32 $0x1, v50;
	v47 =	vand.u32 $0xFFFF0000, v47  }
0x2b5: {  	v49 =	vadd.s32 v50, v49;
	v50 =	vshrl.u32 v52, $0x10;
	v56 =	vmul.f32 v47, v5;
	v57 =	vld [tilespmem:s9+$0x1380]  }
0x2b6: {  	v46 =	vadd.f32 v46, v48;
	v48 =	vadd.s32 $0x7FFF, v49;
	v49 =	vand.u32 $0x1, v50  }
0x2b7: {  	v50 =	vadd.f32 v51, v53;
	v47 =	vmul.f32 v47, v23;
	v49 =	vadd.s32 v49, v52;
	v51 =	vld [tilespmem:s9+$0x1400]  }
0x2b8: {  	v48 =	vand.u32 $0xFFFF0000, v48;
	v49 =	vadd.s32 $0x7FFF, v49;
	v52 =	vshrl.u32 v54, $0x10  }
0x2b9: {  	v53 =	vmul.f32 v48, v24;
	v49 =	vand.u32 $0xFFFF0000, v49;
	v52 =	vand.u32 $0x1, v52  }
0x2ba: {  	v48 =	vmul.f32 v48, v6;
	v58 =	vmul.f32 v49, v7;
	v52 =	vadd.s32 v52, v54;
	v54 =	vld [tilespmem:s9+$0x1480]  }
0x2bb: {  	v45 =	vadd.f32 v45, v46;
	v46 =	vadd.s32 $0x7FFF, v52;
	v52 =	vshrl.u32 v57, $0x10  }
0x2bc: {  	v50 =	vadd.f32 v55, v50;
	v46 =	vand.u32 $0xFFFF0000, v46;
	v55 =	vshrl.u32 v51, $0x10  }
0x2bd: {  	v52 =	vand.u32 $0x1, v52;
	v59 =	vmul.f32 v46, v8;
	v46 =	vmul.f32 v46, v26;
	v60 =	vld [tilespmem:s9+$0x5100]  }
0x2be: {  	v45 =	vadd.f32 v47, v45;
	v50 =	vadd.f32 v56, v50;
	v47 =	vand.u32 $0x1, v55  }
0x2bf: {  	v49 =	vmul.f32 v49, v25;
	v52 =	vadd.s32 v52, v57;
	v47 =	vadd.s32 v47, v51;
	v51 =	vld [tilespmem:s9+$0x5180]  }
0x2c0: {  	v48 =	vadd.f32 v48, v50;
	v47 =	vadd.s32 $0x7FFF, v47;
	v50 =	vshrl.u32 v54, $0x10  }
0x2c1: {  	v52 =	vadd.s32 $0x7FFF, v52;
	v47 =	vand.u32 $0xFFFF0000, v47;
	v50 =	vand.u32 $0x1, v50  }
0x2c2: {  	v48 =	vadd.f32 v58, v48;
	v50 =	vadd.s32 v50, v54;
	v54 =	vmul.f32 v47, v10;
	v55 =	vld [tilespmem:s9+$0x5200]  }
0x2c3: {  	v52 =	vand.u32 $0xFFFF0000, v52;
	v50 =	vadd.s32 $0x7FFF, v50;
	v56 =	vshrl.u32 v60, $0x10  }
0x2c4: {  	v45 =	vadd.f32 v53, v45;
	v53 =	vmul.f32 v52, v9;
	v50 =	vand.u32 $0xFFFF0000, v50  }
0x2c5: {  	v48 =	vadd.f32 v59, v48;
	v56 =	vand.u32 $0x1, v56;
	v57 =	vmul.f32 v50, v11;
	v58 =	vld [tilespmem:s9+$0x5280]  }
0x2c6: {  	v45 =	vadd.f32 v49, v45;
	v49 =	vadd.s32 v56, v60;
	v56 =	vshrl.u32 v51, $0x10  }
0x2c7: {  	v48 =	vadd.f32 v53, v48;
	v49 =	vadd.s32 $0x7FFF, v49;
	v53 =	vand.u32 $0x1, v56;
	v56 =	vld [tilespmem:s9+$0x5300]  }
0x2c8: {  	v49 =	vand.u32 $0xFFFF0000, v49;
	v51 =	vadd.s32 v53, v51;
	v53 =	vshrl.u32 v55, $0x10  }
0x2c9: {  	v51 =	vadd.s32 $0x7FFF, v51;
	v59 =	vmul.f32 v49, v12;
	v53 =	vand.u32 $0x1, v53  }
0x2ca: {  	v48 =	vadd.f32 v54, v48;
	v51 =	vand.u32 $0xFFFF0000, v51;
	v53 =	vadd.s32 v53, v55;
	v54 =	vld [tilespmem:s9+$0x5380]  }
0x2cb: {  	v52 =	vmul.f32 v52, v27;
	v53 =	vadd.s32 $0x7FFF, v53;
	v55 =	vshrl.u32 v58, $0x10  }
0x2cc: {  	v60 =	vmul.f32 v51, v13;
	v53 =	vand.u32 $0xFFFF0000, v53;
	v55 =	vand.u32 $0x1, v55  }
0x2cd: {  	s5 =	sshll.u32 s6, $0x6;
	v48 =	vadd.f32 v57, v48;
	v55 =	vadd.s32 v55, v58;
	v57 =	vmul.f32 v53, v14;
	v58 =	vld [tilespmem:s9+$0x5400]  }
0x2ce: {  	s5 =	sand.u32 $0x3FFFFE00, s5;
	v53 =	vmul.f32 v53, v32;
	v61 =	vshrl.u32 v56, $0x10;
	v55 =	vadd.s32 $0x7FFF, v55  }
0x2cf: {  	s5 =	sor.u32 s8, s5;
	v48 =	vadd.f32 v59, v48;
	v59 =	vand.u32 $0x1, v61;
	v55 =	vand.u32 $0xFFFF0000, v55;
	v61 =	vld [tilespmem:s9+$0x5480]  }
0x2d0: {  	v56 =	vadd.s32 v59, v56;
	v62 =	vmul.f32 v55, v15;
	v59 =	vshrl.u32 v54, $0x10;
	[tilespmem:s5+$0x9280] =	vst v0  }
0x2d1: {  	v48 =	vadd.f32 v60, v48;
	v56 =	vadd.s32 $0x7FFF, v56;
	v59 =	vand.u32 $0x1, v59  }
0x2d2: {  	v56 =	vand.u32 $0xFFFF0000, v56;
	v54 =	vadd.s32 v59, v54;
	v59 =	vshrl.u32 v58, $0x10  }
0x2d3: {  	v48 =	vadd.f32 v57, v48;
	v54 =	vadd.s32 $0x7FFF, v54;
	v57 =	vand.u32 $0x1, v59  }
0x2d4: {  	v54 =	vand.u32 $0xFFFF0000, v54;
	v59 =	vmul.f32 v56, v16;
	v57 =	vadd.s32 v57, v58  }
0x2d5: {  	v48 =	vadd.f32 v62, v48;
	v58 =	vmul.f32 v54, v17;
	v57 =	vadd.s32 $0x7FFF, v57  }
0x2d6: {  	v45 =	vadd.f32 v46, v45;
	v46 =	vand.u32 $0xFFFF0000, v57;
	v57 =	vshrl.u32 v61, $0x10  }
0x2d7: {  	v48 =	vadd.f32 v59, v48;
	v57 =	vand.u32 $0x1, v57;
	v59 =	vmul.f32 v46, v18  }
0x2d8: {  	v45 =	vadd.f32 v52, v45;
	v47 =	vmul.f32 v47, v28;
	v52 =	vadd.s32 v57, v61  }
0x2d9: {  	v48 =	vadd.f32 v58, v48;
	v52 =	vadd.s32 $0x7FFF, v52  }
0x2da: {  	v45 =	vadd.f32 v47, v45;
	v47 =	vmul.f32 v50, v29;
	v50 =	vand.u32 $0xFFFF0000, v52  }
0x2db: {  	v48 =	vadd.f32 v59, v48;
	v52 =	vmul.f32 v50, v19;
	v50 =	vmul.f32 v50, v37  }
0x2dc: {  	v45 =	vadd.f32 v47, v45;
	v47 =	vmul.f32 v49, v30  }
0x2dd: {  	v48 =	vadd.f32 v52, v48  }
0x2de: {  	v45 =	vadd.f32 v47, v45;
	v47 =	vmul.f32 v51, v31  }
0x2df: {  	v49 =	vmul.f32 $3.183098730e-01, v48  }
0x2e0: {  	v45 =	vadd.f32 v47, v45  }
0x2e1: {  	vm0 =	vge.f32 v49, $0.0e+00  }
0x2e2: {  	v45 =	vadd.f32 v53, v45;
	v47 =	vmul.f32 v55, v33;
	v51 =	vsel vm0, $0x3F000000, v1  }
0x2e3: {  	v49 =	vadd.f32 v51, v49  }
0x2e4: {  	v45 =	vadd.f32 v47, v45;
	v47 =	vmul.f32 v56, v34  }
0x2e5: {  	v49 =	vtrunc.f32 v49  }
0x2e6: {  	v45 =	vadd.f32 v47, v45;
	v47 =	vmul.f32 v54, v35;
	v49 =	vcvt.f32.s32 v49;
	_ =	sdelay $0x1  }
0x2e7: {  	v45 =	vadd.f32 v47, v45;
	v46 =	vmul.f32 v46, v36;
	v47 =	vcvt.s32.f32 v49  }
0x2e8: {  	v49 =	vand.u32 $0x1, v49  }
0x2e9: {  	v45 =	vadd.f32 v46, v45;
	v46 =	vmul.f32 $-3.140625000e+00, v47;
	_ =	sdelay $0x1  }
0x2ea: {  	v45 =	vadd.f32 v50, v45;
	v47 =	vmul.f32 $-9.676535840e-04, v47;
	v46 =	vadd.f32 v46, v48;
	_ =	sdelay $0x1  }
0x2eb: {  	v46 =	vadd.f32 v47, v46;
	_ =	sdelay $0x1  }
0x2ec: {  	v47 =	vmul.f32 v46, v46;
	_ =	sdelay $0x1  }
0x2ed: {  	v48 =	vmul.f32 $2.755731880e-06, v47;
	_ =	sdelay $0x1  }
0x2ee: {  	v48 =	vadd.f32 $-1.984127010e-04, v48;
	_ =	sdelay $0x1  }
0x2ef: {  	v48 =	vmul.f32 v48, v47;
	_ =	sdelay $0x1  }
0x2f0: {  	v48 =	vadd.f32 $8.333333770e-03, v48;
	_ =	sdelay $0x1  }
0x2f1: {  	v48 =	vmul.f32 v48, v47;
	_ =	sdelay $0x1  }
0x2f2: {  	v48 =	vadd.f32 $-1.666666720e-01, v48;
	_ =	sdelay $0x1  }
0x2f3: {  	v47 =	vmul.f32 v48, v47;
	_ =	sdelay $0x1  }
0x2f4: {  	v47 =	vadd.f32 $1.000000000e+00, v47;
	_ =	sdelay $0x1  }
0x2f5: {  	v46 =	vmul.f32 v47, v46;
	_ =	sdelay $0x1  }
0x2f6: {  	vm0 =	veq.s32 v49, $0x0;
	v47 =	vxor.u32 $0x80000000, v46  }
0x2f7: {  	v46 =	vsel vm0, v46, v47  }
0x2f8: {  	v47 =	vmul.f32 v46, v38;
	v48 =	vshrl.u32 v46, $0x10  }
0x2f9: {  	v48 =	vand.u32 $0x1, v48  }
0x2fa: {  	v45 =	vadd.f32 v47, v45;
	v46 =	vadd.s32 v48, v46  }
0x2fb: {  	v46 =	vadd.s32 $0x7FFF, v46  }
0x2fc: {  	v47 =	vmul.f32 $-5.000000000e-01, v45;
	v46 =	vand.u32 $0xFFFF0000, v46;
	_ =	sdelay $0x1  }
0x2fd: {  	v45 =	vmul.f32 v47, v45;
	_ =	sdelay $0x1  }
0x2fe: {  	v45 =	vmul.f32 $1.442695020e+00, v45;
	_ =	sdelay $0x1  }
0x2ff: {  	(erf) = vpow2.f32 v45;
	_ =	sdelay $0x8  }
0x300: {  	v45 =	vpop (erf)  }
0x301: {  	v45 =	vmul.f32 $3.989422920e-01, v45;
	_ =	sdelay $0x1  }
0x302: {  	v47 =	vshrl.u32 v45, $0x10  }
0x303: {  	v47 =	vand.u32 $0x1, v47  }
0x304: {  	v45 =	vadd.s32 v47, v45  }
0x305: {  	v45 =	vadd.s32 $0x7FFF, v45  }
0x306: {  	v48 =	vmul.f32 v46, v41;
	v47 =	vmul.f32 v46, v39;
	v45 =	vand.u32 $0xFFFF0000, v45  }
0x307: {  	v49 =	vmul.f32 v45, v40;
	v50 =	vmul.f32 v45, v42  }
0x308: {  	v46 =	vmul.f32 v46, v43;
	v45 =	vmul.f32 v45, v44  }
0x309: {  	v47 =	vadd.f32 v49, v47;
	v48 =	vadd.f32 v50, v48  }
0x30a: {  	v45 =	vadd.f32 v45, v46  }
0x30b: {  	v46 =	vsub.f32 $0.0e+00, v47;
	v47 =	vsub.f32 $0.0e+00, v48  }
0x30c: {  	v45 =	vsub.f32 $0.0e+00, v45  }
0x30d: {  	v46 =	vmul.f32 $1.442695020e+00, v46;
	v47 =	vmul.f32 $1.442695020e+00, v47  }
0x30e: {  	v45 =	vmul.f32 $1.442695020e+00, v45  }
0x30f: {  	(erf) = vpow2.f32 v46  }
0x310: {  	(erf) = vpow2.f32 v45  }
0x311: {  	(erf) = vpow2.f32 v47;
	_ =	sdelay $0x4  }
.Ltmp2:
0x312: {  	(pc) =	sbr.rel @p0 .LBB2_6-.Ltmp2, $4  }
0x313: {  	_ = 	snop  }
0x314: {  	v45 =	vpop (erf)  }
0x315: {  	v45 =	vadd.f32 $1.000000000e+00, v45;
	v46 =	vpop (erf)  }
0x316: {  	v47 =	vadd.f32 $1.000000000e+00, v46;
	v46 =	vpop (erf)  }
0x317: {  	_ = 	snop  }
0x318: {  	v46 =	vadd.f32 $1.000000000e+00, v46;
	(erf) = vrcp.f32 v47  }
0x319: {  	(erf) = vrcp.f32 v45  }
0x31a: {  	(erf) = vrcp.f32 v46;
	_ =	sdelay $0x6  }
0x31b: {  	v55 =	vpop (erf)  }
0x31c: {  	[tilespmem:s5+$0x9200] =	vst v55;
	v56 =	vpop (erf)  }
0x31d: {  	[tilespmem:s5+$0x9100] =	vst v56;
	v57 =	vpop (erf)  }
0x31e: {  	s3 =	simm.s32 $0x0;
	[tilespmem:s5+$0x9180] =	vst v57  }
0x31f: {  	[hbm4b:s22+s3] =	stream.linear.scatter [tilespmem:s1], [sflag:$0x1], $0x2000, $0x38;
	[tilespmem:$0xB100] =	vst v63  }
0x320: {  	_ =	swait.ge [sflag:s26], $0x2000  }
0x321: {  	[sflag:s26] =	ssyncset.done $0x0  }
0x322: {  	[sflag:s26] =	ssyncadd.s32 $0xFFFFE000  }
0x323: {  	[tilespmem:s29], [sflag:$0x1] =	stream.linear.gather [hbm4b:s18+s3], $0x800, $0x38;
	[tilespmem:$0xB100] =	vst v63  }
0x324: {  	_ =	swait.ge [sflag:s26], $0x800  }
0x325: {  	[sflag:s26] =	ssyncset.done $0x0  }
0x326: {  	[sflag:s26] =	ssyncadd.s32 $0xFFFFF800  }
0x327: {  	[tilespmem:s30], [sflag:$0x1] =	stream.linear.gather [hbm4b:s19+s3], $0x800, $0x38;
	[tilespmem:$0xB100] =	vst v63  }
0x328: {  	_ =	swait.ge [sflag:s26], $0x800  }
0x329: {  	[sflag:s26] =	ssyncset.done $0x0  }
0x32a: {  	[sflag:s26] =	ssyncadd.s32 $0xFFFFF800  }
0x32b: {  	[tilespmem:s31], [sflag:$0x1] =	stream.linear.gather [hbm4b:s21+s3], $0x4000, $0x38;
	[tilespmem:$0xB100] =	vst v63  }
0x32c: {  	_ =	swait.ge [sflag:s26], $0x4000  }
0x32d: {  	[sflag:s26] =	ssyncset.done $0x0  }
0x32e: {  	[sflag:s26] =	ssyncadd.s32 $0xFFFFC000  }
0x32f: {  	[tilespmem:s0], [sflag:$0x1] =	stream.linear.gather [hbm4b:s24+s3], $0x4000, $0x38;
	[tilespmem:$0xB100] =	vst v63  }
0x330: {  	s9 =	simm.s32 $0x0;
	_ =	swait.ge [sflag:s26], $0x4000  }
0x331: {  	s4 =	sand.u32 $0x70, s3;
	s5 =	sand.u32 $0x3FFFFC00, s9;
	[sflag:s26] =	ssyncset.done $0x0  }
0x332: {  	s6 =	simm.s32 $0x0;
	s5 =	sor.u32 s4, s5;
	[sflag:s26] =	ssyncadd.s32 $0xFFFFC000  }
0x333: {  	s6 =	sand.u32 $0xFFFFFF80, s6;
	v58 =	vld [tilespmem:s5+$0x1100]  }
0x334: {  	s6 =	sor.u32 s4, s6;
	v48 =	vld [tilespmem:s5+$0x1180]  }
0x335: {  	v59 =	vld [tilespmem:s6+$0x900]  }
0x336: {  	v60 =	vld [tilespmem:s6+$0x100]  }
0x337: {  	v51 =	vld [tilespmem:s5+$0x1280]  }
0x338: {  	v49 =	vld [tilespmem:s5+$0x1200]  }
0x339: {  	v53 =	vld [tilespmem:s5+$0x1300];
	_ =	sdelay $0x1  }
0x33a: {  	v50 =	vshrl.u32 v58, $0x10;
	v61 =	vshrl.u32 v48, $0x10;
	v52 =	vmul.f32 v59, v3  }
0x33b: {  	v54 =	vmul.f32 v60, v2;
	v56 =	vshrl.u32 v51, $0x10;
	v50 =	vand.u32 $0x1, v50  }
0x33c: {  	v63 =	vshrl.u32 v49, $0x10;
	v56 =	vand.u32 $0x1, v56;
	v47 =	vadd.s32 v50, v58  }
0x33d: {  	v50 =	vand.u32 $0x1, v61;
	v51 =	vadd.s32 v56, v51;
	v58 =	vshrl.u32 v53, $0x10  }
0x33e: {  	v52 =	vadd.f32 v52, v54;
	v47 =	vadd.s32 $0x7FFF, v47;
	v48 =	vadd.s32 v50, v48  }
0x33f: {  	v56 =	vld [tilespmem:s5+$0x1400];
	v50 =	vand.u32 $0x1, v63;
	v51 =	vadd.s32 $0x7FFF, v51;
	v46 =	vand.u32 $0x1, v58  }
0x340: {  	v54 =	vld [tilespmem:s5+$0x1480];
	v62 =	vand.u32 $0xFFFF0000, v47;
	v48 =	vadd.s32 $0x7FFF, v48;
	v49 =	vadd.s32 v50, v49  }
0x341: {  	v50 =	vld [tilespmem:s5+$0x1380];
	v51 =	vand.u32 $0xFFFF0000, v51;
	v53 =	vadd.s32 v46, v53;
	v55 =	vmul.f32 v62, v4  }
0x342: {  	v48 =	vand.u32 $0xFFFF0000, v48;
	v49 =	vadd.s32 $0x7FFF, v49;
	v53 =	vadd.s32 $0x7FFF, v53  }
0x343: {  	v45 =	vmul.f32 v51, v7;
	v57 =	vmul.f32 v48, v5;
	v49 =	vand.u32 $0xFFFF0000, v49  }
0x344: {  	[tilespmem:$0x1FF80] =	vst v60;
	v53 =	vand.u32 $0xFFFF0000, v53;
	v52 =	vadd.f32 v55, v52;
	v60 =	vshrl.u32 v56, $0x10  }
0x345: {  	v61 =	vld [tilespmem:s5+$0x5100];
	v47 =	vmul.f32 v49, v6;
	v46 =	vshrl.u32 v54, $0x10;
	v60 =	vand.u32 $0x1, v60  }
0x346: {  	[tilespmem:$0x1FF70] =	vst v59;
	v58 =	vand.u32 $0x1, v46;
	v59 =	vshrl.u32 v50, $0x10;
	v52 =	vadd.f32 v57, v52  }
0x347: {  	v55 =	vld [tilespmem:s5+$0x5200];
	v56 =	vadd.s32 v60, v56;
	v54 =	vadd.s32 v58, v54;
	v59 =	vand.u32 $0x1, v59  }
0x348: {  	v56 =	vadd.s32 $0x7FFF, v56;
	v50 =	vadd.s32 v59, v50;
	v52 =	vadd.f32 v47, v52;
	v59 =	vld [tilespmem:s5+$0x5180]  }
0x349: {  	v57 =	vmul.f32 v53, v8;
	v54 =	vadd.s32 $0x7FFF, v54;
	v56 =	vand.u32 $0xFFFF0000, v56  }
0x34a: {  	v47 =	vshrl.u32 v61, $0x10;
	v50 =	vadd.s32 $0x7FFF, v50;
	v52 =	vadd.f32 v45, v52  }
0x34b: {  	v54 =	vand.u32 $0xFFFF0000, v54;
	v46 =	vand.u32 $0x1, v47;
	v50 =	vand.u32 $0xFFFF0000, v50  }
0x34c: {  	v47 =	vmul.f32 v56, v10;
	v45 =	vmul.f32 v50, v9;
	v52 =	vadd.f32 v57, v52  }
0x34d: {  	[tilespmem:$0x1FF90] =	vst v62;
	v57 =	vadd.s32 v46, v61;
	v61 =	vld [tilespmem:s5+$0x5280];
	v46 =	vshrl.u32 v55, $0x10;
	v62 =	vshrl.u32 v59, $0x10  }
0x34e: {  	v57 =	vadd.s32 $0x7FFF, v57;
	v52 =	vadd.f32 v45, v52;
	v62 =	vand.u32 $0x1, v62  }
0x34f: {  	v58 =	vld [tilespmem:s5+$0x5300];
	v45 =	vmul.f32 v54, v11;
	v57 =	vand.u32 $0xFFFF0000, v57;
	v59 =	vadd.s32 v62, v59  }
0x350: {  	v62 =	vand.u32 $0x1, v46;
	v52 =	vadd.f32 v47, v52;
	v59 =	vadd.s32 $0x7FFF, v59  }
0x351: {  	v60 =	vld [tilespmem:s5+$0x5380];
	v63 =	vmul.f32 v57, v12;
	v55 =	vadd.s32 v62, v55;
	v59 =	vand.u32 $0xFFFF0000, v59  }
0x352: {  	v55 =	vadd.s32 $0x7FFF, v55;
	v62 =	vshrl.u32 v61, $0x10;
	v52 =	vadd.f32 v45, v52  }
0x353: {  	v46 =	vmul.f32 v59, v13;
	v55 =	vand.u32 $0xFFFF0000, v55;
	v62 =	vand.u32 $0x1, v62  }
0x354: {  	v45 =	vshrl.u32 v58, $0x10;
	v61 =	vadd.s32 v62, v61;
	v52 =	vadd.f32 v63, v52  }
0x355: {  	v62 =	vmul.f32 v55, v14;
	v45 =	vand.u32 $0x1, v45;
	v63 =	vld [tilespmem:s5+$0x5400];
	v61 =	vadd.s32 $0x7FFF, v61  }
0x356: {  	v45 =	vadd.s32 v45, v58;
	v58 =	vshrl.u32 v60, $0x10;
	v46 =	vadd.f32 v46, v52  }
0x357: {  	v45 =	vadd.s32 $0x7FFF, v45;
	v58 =	vand.u32 $0x1, v58;
	v52 =	vand.u32 $0xFFFF0000, v61;
	v61 =	vld [tilespmem:s5+$0x5480]  }
0x358: {  	v58 =	vadd.s32 v58, v60;
	v46 =	vadd.f32 v62, v46;
	v62 =	vmul.f32 v52, v15  }
0x359: {  	v45 =	vand.u32 $0xFFFF0000, v45;
	v58 =	vadd.s32 $0x7FFF, v58  }
0x35a: {  	v47 =	vmul.f32 v45, v16;
	v60 =	vshrl.u32 v63, $0x10;
	v46 =	vadd.f32 v62, v46  }
0x35b: {  	v58 =	vand.u32 $0xFFFF0000, v58;
	v60 =	vand.u32 $0x1, v60  }
0x35c: {  	v60 =	vadd.s32 v60, v63;
	v63 =	vshrl.u32 v61, $0x10;
	v46 =	vadd.f32 v47, v46  }
0x35d: {  	v47 =	vmul.f32 v58, v17;
	v60 =	vadd.s32 $0x7FFF, v60;
	v63 =	vand.u32 $0x1, v63  }
0x35e: {  	v60 =	vand.u32 $0xFFFF0000, v60;
	v61 =	vadd.s32 v63, v61  }
0x35f: {  	v63 =	vmul.f32 v60, v18;
	v46 =	vadd.f32 v47, v46;
	v61 =	vadd.s32 $0x7FFF, v61  }
0x360: {  	v61 =	vand.u32 $0xFFFF0000, v61  }
0x361: {  	v46 =	vadd.f32 v63, v46;
	v47 =	vmul.f32 v61, v19;
	_ =	sdelay $0x1  }
0x362: {  	v46 =	vadd.f32 v47, v46;
	_ =	sdelay $0x1  }
0x363: {  	v62 =	vmul.f32 $3.183098730e-01, v46;
	_ =	sdelay $0x1  }
0x364: {  	vm0 =	vge.f32 v62, $0.0e+00  }
0x365: {  	v63 =	vld [tilespmem:$0x1FF70];
	v47 =	vsel vm0, $0x3F000000, v1  }
0x366: {  	v62 =	vadd.f32 v47, v62;
	v47 =	vld [tilespmem:$0x1FF80];
	_ =	sdelay $0x4  }
0x367: {  	v63 =	vmul.f32 v63, v21;
	v47 =	vmul.f32 v47, v20;
	_ =	sdelay $0x1  }
0x368: {  	v47 =	vadd.f32 v63, v47;
	v63 =	vld [tilespmem:$0x1FF90];
	_ =	sdelay $0x3  }
0x369: {  	v62 =	vtrunc.f32 v62  }
0x36a: {  	v62 =	vcvt.f32.s32 v62;
	v63 =	vmul.f32 v63, v22;
	_ =	sdelay $0x1  }
0x36b: {  	v48 =	vmul.f32 v48, v23;
	v47 =	vadd.f32 v63, v47;
	v63 =	vcvt.s32.f32 v62;
	_ =	sdelay $0x1  }
0x36c: {  	v49 =	vmul.f32 v49, v24;
	v47 =	vadd.f32 v48, v47;
	v48 =	vmul.f32 $-3.140625000e+00, v63  }
0x36d: {  	v63 =	vmul.f32 $-9.676535840e-04, v63  }
0x36e: {  	v47 =	vadd.f32 v49, v47;
	v49 =	vmul.f32 v51, v25;
	v46 =	vadd.f32 v48, v46;
	_ =	sdelay $0x1  }
0x36f: {  	v51 =	vmul.f32 v53, v26;
	v47 =	vadd.f32 v49, v47;
	v46 =	vadd.f32 v63, v46;
	_ =	sdelay $0x1  }
0x370: {  	v63 =	vmul.f32 v50, v27;
	v47 =	vadd.f32 v51, v47;
	v49 =	vmul.f32 v46, v46;
	_ =	sdelay $0x1  }
0x371: {  	v53 =	vmul.f32 v56, v28;
	v47 =	vadd.f32 v63, v47;
	v56 =	vmul.f32 $2.755731880e-06, v49;
	_ =	sdelay $0x1  }
0x372: {  	v63 =	vmul.f32 v54, v29;
	v47 =	vadd.f32 v53, v47;
	v50 =	vadd.f32 $-1.984127010e-04, v56;
	_ =	sdelay $0x1  }
0x373: {  	v53 =	vmul.f32 v57, v30;
	v47 =	vadd.f32 v63, v47;
	v50 =	vmul.f32 v50, v49;
	_ =	sdelay $0x1  }
0x374: {  	v54 =	vmul.f32 v59, v31;
	v47 =	vadd.f32 v53, v47;
	v50 =	vadd.f32 $8.333333770e-03, v50;
	_ =	sdelay $0x1  }
0x375: {  	v55 =	vmul.f32 v55, v32;
	v47 =	vadd.f32 v54, v47;
	v56 =	vmul.f32 v50, v49;
	_ =	sdelay $0x1  }
0x376: {  	v57 =	vmul.f32 v52, v33;
	v47 =	vadd.f32 v55, v47;
	v48 =	vadd.f32 $-1.666666720e-01, v56;
	_ =	sdelay $0x1  }
0x377: {  	v45 =	vmul.f32 v45, v34;
	v47 =	vadd.f32 v57, v47;
	v48 =	vmul.f32 v48, v49;
	_ =	sdelay $0x1  }
0x378: {  	v59 =	vmul.f32 v58, v35;
	v45 =	vadd.f32 v45, v47;
	v48 =	vadd.f32 $1.000000000e+00, v48;
	_ =	sdelay $0x1  }
0x379: {  	v60 =	vmul.f32 v60, v36;
	v45 =	vadd.f32 v59, v45;
	v46 =	vmul.f32 v48, v46  }
0x37a: {  	v61 =	vmul.f32 v61, v37;
	v63 =	vand.u32 $0x1, v62  }
0x37b: {  	vm15 =	veq.s32 v63, $0x0;
	v45 =	vadd.f32 v60, v45;
	v52 =	vxor.u32 $0x80000000, v46  }
0x37c: {  	v46 =	vsel vm15, v46, v52  }
0x37d: {  	v45 =	vadd.f32 v61, v45;
	v47 =	vmul.f32 v46, v38;
	_ =	sdelay $0x1  }
0x37e: {  	v45 =	vadd.f32 v47, v45;
	_ =	sdelay $0x1  }
0x37f: {  	v47 =	vmul.f32 $-5.000000000e-01, v45;
	_ =	sdelay $0x1  }
0x380: {  	v45 =	vmul.f32 v47, v45;
	_ =	sdelay $0x1  }
0x381: {  	v45 =	vmul.f32 $1.442695020e+00, v45;
	_ =	sdelay $0x1  }
0x382: {  	(erf) = vpow2.f32 v45;
	_ =	sdelay $0x8  }
0x383: {  	v45 =	vpop (erf)  }
0x384: {  	v45 =	vmul.f32 $3.989422920e-01, v45;
	_ =	sdelay $0x1  }
0x385: {  	v53 =	vshrl.u32 v46, $0x10;
	v54 =	vshrl.u32 v45, $0x10  }
0x386: {  	v47 =	vand.u32 $0x1, v53;
	v48 =	vand.u32 $0x1, v54  }
0x387: {  	v46 =	vadd.s32 v47, v46;
	v45 =	vadd.s32 v48, v45  }
0x388: {  	v46 =	vadd.s32 $0x7FFF, v46;
	v45 =	vadd.s32 $0x7FFF, v45  }
0x389: {  	v46 =	vand.u32 $0xFFFF0000, v46;
	v45 =	vand.u32 $0xFFFF0000, v45  }
0x38a: {  	v55 =	vmul.f32 v46, v39;
	v56 =	vmul.f32 v45, v40  }
0x38b: {  	v57 =	vmul.f32 v46, v43;
	v58 =	vmul.f32 v45, v44  }
0x38c: {  	v46 =	vmul.f32 v46, v41;
	v45 =	vmul.f32 v45, v42;
	v47 =	vadd.f32 v56, v55  }
0x38d: {  	v59 =	vadd.f32 v58, v57  }
0x38e: {  	v45 =	vadd.f32 v45, v46;
	v60 =	vsub.f32 $0.0e+00, v47  }
0x38f: {  	v61 =	vsub.f32 $0.0e+00, v59  }
0x390: {  	v45 =	vsub.f32 $0.0e+00, v45;
	v46 =	vmul.f32 $1.442695020e+00, v60  }
0x391: {  	v47 =	vmul.f32 $1.442695020e+00, v61  }
0x392: {  	v45 =	vmul.f32 $1.442695020e+00, v45;
	(erf) = vpow2.f32 v46  }
0x393: {  	(erf) = vpow2.f32 v47  }
0x394: {  	(erf) = vpow2.f32 v45;
	_ =	sdelay $0x5  }
0x395: {  	s10 =	simm.s32 $0x0  }
0x396: {  	s5 =	sand.u32 $0x3FFFFE00, s10;
	v62 =	vpop (erf)  }
0x397: {  	s5 =	sor.u32 s4, s5;
	v63 =	vpop (erf)  }
0x398: {  	s4 =	simm.s32 $0x1;
	[tilespmem:s5+$0x9280] =	vst v0;
	v45 =	vadd.f32 $1.000000000e+00, v62;
	v47 =	vadd.f32 $1.000000000e+00, v63;
	v46 =	vpop (erf)  }
.LBB2_8:
0x399: {  	p0 =	sne.s32 s4, $0x7F  }
0x39a: {  	s3 =	sadd.s32 $0x10, s3;
	s6 =	smov.u32 s4;
	s4 =	sadd.s32 $0x1, s4  }
0x39b: {  	(erf) = vrcp.f32 v47;
	_ =	sdelay $0x1  }
0x39c: {  	v46 =	vadd.f32 $1.000000000e+00, v46  }
0x39d: {  	(erf) = vrcp.f32 v45  }
0x39e: {  	(erf) = vrcp.f32 v46;
	_ =	sdelay $0x4  }
0x39f: {  	v45 =	vpop (erf)  }
0x3a0: {  	[tilespmem:s5+$0x9200] =	vst v45;
	_ =	sdelay $0x1  }
0x3a1: {  	s9 =	sshll.u32 s6, $0x7;
	v45 =	vpop (erf)  }
0x3a2: {  	s8 =	sand.u32 $0x70, s3;
	s10 =	sshll.u32 s6, $0x4;
	s9 =	sand.u32 $0x3FFFFC00, s9;
	[tilespmem:s5+$0x9100] =	vst v45;
	v45 =	vpop (erf)  }
0x3a3: {  	s10 =	sand.u32 $0xFFFFFF80, s10;
	s9 =	sor.u32 s8, s9;
	[tilespmem:s5+$0x9180] =	vst v45  }
0x3a4: {  	s5 =	sor.u32 s8, s10;
	v45 =	vld [tilespmem:s9+$0x1100]  }
0x3a5: {  	v46 =	vld [tilespmem:s5+$0x900]  }
0x3a6: {  	v47 =	vld [tilespmem:s9+$0x1180]  }
0x3a7: {  	v48 =	vld [tilespmem:s5+$0x100]  }
0x3a8: {  	v49 =	vld [tilespmem:s9+$0x1200]  }
0x3a9: {  	v50 =	vshrl.u32 v45, $0x10  }
0x3aa: {  	v51 =	vmul.f32 v46, v3;
	v50 =	vand.u32 $0x1, v50;
	v52 =	vld [tilespmem:s9+$0x1280]  }
0x3ab: {  	v46 =	vmul.f32 v46, v21;
	v45 =	vadd.s32 v50, v45;
	v50 =	vshrl.u32 v47, $0x10  }
0x3ac: {  	v53 =	vmul.f32 v48, v2;
	v45 =	vadd.s32 $0x7FFF, v45;
	v50 =	vand.u32 $0x1, v50  }
0x3ad: {  	v45 =	vand.u32 $0xFFFF0000, v45;
	v47 =	vadd.s32 v50, v47;
	v50 =	vshrl.u32 v49, $0x10;
	v54 =	vld [tilespmem:s9+$0x1300]  }
0x3ae: {  	v47 =	vadd.s32 $0x7FFF, v47;
	v55 =	vmul.f32 v45, v4;
	v45 =	vmul.f32 v45, v22  }
0x3af: {  	v48 =	vmul.f32 v48, v20;
	v50 =	vand.u32 $0x1, v50;
	v47 =	vand.u32 $0xFFFF0000, v47  }
0x3b0: {  	v49 =	vadd.s32 v50, v49;
	v50 =	vshrl.u32 v52, $0x10;
	v56 =	vmul.f32 v47, v5;
	v57 =	vld [tilespmem:s9+$0x1380]  }
0x3b1: {  	v46 =	vadd.f32 v46, v48;
	v48 =	vadd.s32 $0x7FFF, v49;
	v49 =	vand.u32 $0x1, v50  }
0x3b2: {  	v50 =	vadd.f32 v51, v53;
	v47 =	vmul.f32 v47, v23;
	v49 =	vadd.s32 v49, v52;
	v51 =	vld [tilespmem:s9+$0x1400]  }
0x3b3: {  	v48 =	vand.u32 $0xFFFF0000, v48;
	v49 =	vadd.s32 $0x7FFF, v49;
	v52 =	vshrl.u32 v54, $0x10  }
0x3b4: {  	v53 =	vmul.f32 v48, v24;
	v49 =	vand.u32 $0xFFFF0000, v49;
	v52 =	vand.u32 $0x1, v52  }
0x3b5: {  	v48 =	vmul.f32 v48, v6;
	v58 =	vmul.f32 v49, v7;
	v52 =	vadd.s32 v52, v54;
	v54 =	vld [tilespmem:s9+$0x1480]  }
0x3b6: {  	v45 =	vadd.f32 v45, v46;
	v46 =	vadd.s32 $0x7FFF, v52;
	v52 =	vshrl.u32 v57, $0x10  }
0x3b7: {  	v50 =	vadd.f32 v55, v50;
	v46 =	vand.u32 $0xFFFF0000, v46;
	v55 =	vshrl.u32 v51, $0x10  }
0x3b8: {  	v52 =	vand.u32 $0x1, v52;
	v59 =	vmul.f32 v46, v8;
	v46 =	vmul.f32 v46, v26;
	v60 =	vld [tilespmem:s9+$0x5100]  }
0x3b9: {  	v45 =	vadd.f32 v47, v45;
	v50 =	vadd.f32 v56, v50;
	v47 =	vand.u32 $0x1, v55  }
0x3ba: {  	v49 =	vmul.f32 v49, v25;
	v52 =	vadd.s32 v52, v57;
	v47 =	vadd.s32 v47, v51;
	v51 =	vld [tilespmem:s9+$0x5180]  }
0x3bb: {  	v48 =	vadd.f32 v48, v50;
	v47 =	vadd.s32 $0x7FFF, v47;
	v50 =	vshrl.u32 v54, $0x10  }
0x3bc: {  	v52 =	vadd.s32 $0x7FFF, v52;
	v47 =	vand.u32 $0xFFFF0000, v47;
	v50 =	vand.u32 $0x1, v50  }
0x3bd: {  	v48 =	vadd.f32 v58, v48;
	v50 =	vadd.s32 v50, v54;
	v54 =	vmul.f32 v47, v10;
	v55 =	vld [tilespmem:s9+$0x5200]  }
0x3be: {  	v52 =	vand.u32 $0xFFFF0000, v52;
	v50 =	vadd.s32 $0x7FFF, v50;
	v56 =	vshrl.u32 v60, $0x10  }
0x3bf: {  	v45 =	vadd.f32 v53, v45;
	v53 =	vmul.f32 v52, v9;
	v50 =	vand.u32 $0xFFFF0000, v50  }
0x3c0: {  	v48 =	vadd.f32 v59, v48;
	v56 =	vand.u32 $0x1, v56;
	v57 =	vmul.f32 v50, v11;
	v58 =	vld [tilespmem:s9+$0x5280]  }
0x3c1: {  	v45 =	vadd.f32 v49, v45;
	v49 =	vadd.s32 v56, v60;
	v56 =	vshrl.u32 v51, $0x10  }
0x3c2: {  	v48 =	vadd.f32 v53, v48;
	v49 =	vadd.s32 $0x7FFF, v49;
	v53 =	vand.u32 $0x1, v56;
	v56 =	vld [tilespmem:s9+$0x5300]  }
0x3c3: {  	v49 =	vand.u32 $0xFFFF0000, v49;
	v51 =	vadd.s32 v53, v51;
	v53 =	vshrl.u32 v55, $0x10  }
0x3c4: {  	v51 =	vadd.s32 $0x7FFF, v51;
	v59 =	vmul.f32 v49, v12;
	v53 =	vand.u32 $0x1, v53  }
0x3c5: {  	v48 =	vadd.f32 v54, v48;
	v51 =	vand.u32 $0xFFFF0000, v51;
	v53 =	vadd.s32 v53, v55;
	v54 =	vld [tilespmem:s9+$0x5380]  }
0x3c6: {  	v52 =	vmul.f32 v52, v27;
	v53 =	vadd.s32 $0x7FFF, v53;
	v55 =	vshrl.u32 v58, $0x10  }
0x3c7: {  	v60 =	vmul.f32 v51, v13;
	v53 =	vand.u32 $0xFFFF0000, v53;
	v55 =	vand.u32 $0x1, v55  }
0x3c8: {  	s5 =	sshll.u32 s6, $0x6;
	v48 =	vadd.f32 v57, v48;
	v55 =	vadd.s32 v55, v58;
	v57 =	vmul.f32 v53, v14;
	v58 =	vld [tilespmem:s9+$0x5400]  }
0x3c9: {  	s5 =	sand.u32 $0x3FFFFE00, s5;
	v53 =	vmul.f32 v53, v32;
	v61 =	vshrl.u32 v56, $0x10;
	v55 =	vadd.s32 $0x7FFF, v55  }
0x3ca: {  	s5 =	sor.u32 s8, s5;
	v48 =	vadd.f32 v59, v48;
	v59 =	vand.u32 $0x1, v61;
	v55 =	vand.u32 $0xFFFF0000, v55;
	v61 =	vld [tilespmem:s9+$0x5480]  }
0x3cb: {  	v56 =	vadd.s32 v59, v56;
	v62 =	vmul.f32 v55, v15;
	v59 =	vshrl.u32 v54, $0x10;
	[tilespmem:s5+$0x9280] =	vst v0  }
0x3cc: {  	v48 =	vadd.f32 v60, v48;
	v56 =	vadd.s32 $0x7FFF, v56;
	v59 =	vand.u32 $0x1, v59  }
0x3cd: {  	v56 =	vand.u32 $0xFFFF0000, v56;
	v54 =	vadd.s32 v59, v54;
	v59 =	vshrl.u32 v58, $0x10  }
0x3ce: {  	v48 =	vadd.f32 v57, v48;
	v54 =	vadd.s32 $0x7FFF, v54;
	v57 =	vand.u32 $0x1, v59  }
0x3cf: {  	v54 =	vand.u32 $0xFFFF0000, v54;
	v59 =	vmul.f32 v56, v16;
	v57 =	vadd.s32 v57, v58  }
0x3d0: {  	v48 =	vadd.f32 v62, v48;
	v58 =	vmul.f32 v54, v17;
	v57 =	vadd.s32 $0x7FFF, v57  }
0x3d1: {  	v45 =	vadd.f32 v46, v45;
	v46 =	vand.u32 $0xFFFF0000, v57;
	v57 =	vshrl.u32 v61, $0x10  }
0x3d2: {  	v48 =	vadd.f32 v59, v48;
	v57 =	vand.u32 $0x1, v57;
	v59 =	vmul.f32 v46, v18  }
0x3d3: {  	v45 =	vadd.f32 v52, v45;
	v47 =	vmul.f32 v47, v28;
	v52 =	vadd.s32 v57, v61  }
0x3d4: {  	v48 =	vadd.f32 v58, v48;
	v52 =	vadd.s32 $0x7FFF, v52  }
0x3d5: {  	v45 =	vadd.f32 v47, v45;
	v47 =	vmul.f32 v50, v29;
	v50 =	vand.u32 $0xFFFF0000, v52  }
0x3d6: {  	v48 =	vadd.f32 v59, v48;
	v52 =	vmul.f32 v50, v19;
	v50 =	vmul.f32 v50, v37  }
0x3d7: {  	v45 =	vadd.f32 v47, v45;
	v47 =	vmul.f32 v49, v30  }
0x3d8: {  	v48 =	vadd.f32 v52, v48  }
0x3d9: {  	v45 =	vadd.f32 v47, v45;
	v47 =	vmul.f32 v51, v31  }
0x3da: {  	v49 =	vmul.f32 $3.183098730e-01, v48  }
0x3db: {  	v45 =	vadd.f32 v47, v45  }
0x3dc: {  	vm0 =	vge.f32 v49, $0.0e+00  }
0x3dd: {  	v45 =	vadd.f32 v53, v45;
	v47 =	vmul.f32 v55, v33;
	v51 =	vsel vm0, $0x3F000000, v1  }
0x3de: {  	v49 =	vadd.f32 v51, v49  }
0x3df: {  	v45 =	vadd.f32 v47, v45;
	v47 =	vmul.f32 v56, v34  }
0x3e0: {  	v49 =	vtrunc.f32 v49  }
0x3e1: {  	v45 =	vadd.f32 v47, v45;
	v47 =	vmul.f32 v54, v35;
	v49 =	vcvt.f32.s32 v49;
	_ =	sdelay $0x1  }
0x3e2: {  	v45 =	vadd.f32 v47, v45;
	v46 =	vmul.f32 v46, v36;
	v47 =	vcvt.s32.f32 v49  }
0x3e3: {  	v49 =	vand.u32 $0x1, v49  }
0x3e4: {  	v45 =	vadd.f32 v46, v45;
	v46 =	vmul.f32 $-3.140625000e+00, v47;
	_ =	sdelay $0x1  }
0x3e5: {  	v45 =	vadd.f32 v50, v45;
	v47 =	vmul.f32 $-9.676535840e-04, v47;
	v46 =	vadd.f32 v46, v48;
	_ =	sdelay $0x1  }
0x3e6: {  	v46 =	vadd.f32 v47, v46;
	_ =	sdelay $0x1  }
0x3e7: {  	v47 =	vmul.f32 v46, v46;
	_ =	sdelay $0x1  }
0x3e8: {  	v48 =	vmul.f32 $2.755731880e-06, v47;
	_ =	sdelay $0x1  }
0x3e9: {  	v48 =	vadd.f32 $-1.984127010e-04, v48;
	_ =	sdelay $0x1  }
0x3ea: {  	v48 =	vmul.f32 v48, v47;
	_ =	sdelay $0x1  }
0x3eb: {  	v48 =	vadd.f32 $8.333333770e-03, v48;
	_ =	sdelay $0x1  }
0x3ec: {  	v48 =	vmul.f32 v48, v47;
	_ =	sdelay $0x1  }
0x3ed: {  	v48 =	vadd.f32 $-1.666666720e-01, v48;
	_ =	sdelay $0x1  }
0x3ee: {  	v47 =	vmul.f32 v48, v47;
	_ =	sdelay $0x1  }
0x3ef: {  	v47 =	vadd.f32 $1.000000000e+00, v47;
	_ =	sdelay $0x1  }
0x3f0: {  	v46 =	vmul.f32 v47, v46;
	_ =	sdelay $0x1  }
0x3f1: {  	vm0 =	veq.s32 v49, $0x0;
	v47 =	vxor.u32 $0x80000000, v46  }
0x3f2: {  	v46 =	vsel vm0, v46, v47  }
0x3f3: {  	v47 =	vmul.f32 v46, v38;
	v48 =	vshrl.u32 v46, $0x10  }
0x3f4: {  	v48 =	vand.u32 $0x1, v48  }
0x3f5: {  	v45 =	vadd.f32 v47, v45;
	v46 =	vadd.s32 v48, v46  }
0x3f6: {  	v46 =	vadd.s32 $0x7FFF, v46  }
0x3f7: {  	v47 =	vmul.f32 $-5.000000000e-01, v45;
	v46 =	vand.u32 $0xFFFF0000, v46;
	_ =	sdelay $0x1  }
0x3f8: {  	v45 =	vmul.f32 v47, v45;
	_ =	sdelay $0x1  }
0x3f9: {  	v45 =	vmul.f32 $1.442695020e+00, v45;
	_ =	sdelay $0x1  }
0x3fa: {  	(erf) = vpow2.f32 v45;
	_ =	sdelay $0x8  }
0x3fb: {  	v45 =	vpop (erf)  }
0x3fc: {  	v45 =	vmul.f32 $3.989422920e-01, v45;
	_ =	sdelay $0x1  }
0x3fd: {  	v47 =	vshrl.u32 v45, $0x10  }
0x3fe: {  	v47 =	vand.u32 $0x1, v47  }
0x3ff: {  	v45 =	vadd.s32 v47, v45  }
0x400: {  	v45 =	vadd.s32 $0x7FFF, v45  }
0x401: {  	v48 =	vmul.f32 v46, v41;
	v47 =	vmul.f32 v46, v39;
	v45 =	vand.u32 $0xFFFF0000, v45  }
0x402: {  	v49 =	vmul.f32 v45, v40;
	v50 =	vmul.f32 v45, v42  }
0x403: {  	v46 =	vmul.f32 v46, v43;
	v45 =	vmul.f32 v45, v44  }
0x404: {  	v47 =	vadd.f32 v49, v47;
	v48 =	vadd.f32 v50, v48  }
0x405: {  	v45 =	vadd.f32 v45, v46  }
0x406: {  	v46 =	vsub.f32 $0.0e+00, v47;
	v47 =	vsub.f32 $0.0e+00, v48  }
0x407: {  	v45 =	vsub.f32 $0.0e+00, v45  }
0x408: {  	v46 =	vmul.f32 $1.442695020e+00, v46;
	v47 =	vmul.f32 $1.442695020e+00, v47  }
0x409: {  	v45 =	vmul.f32 $1.442695020e+00, v45  }
0x40a: {  	(erf) = vpow2.f32 v46  }
0x40b: {  	(erf) = vpow2.f32 v45  }
0x40c: {  	(erf) = vpow2.f32 v47;
	_ =	sdelay $0x4  }
.Ltmp3:
0x40d: {  	(pc) =	sbr.rel @p0 .LBB2_8-.Ltmp3, $4  }
0x40e: {  	_ = 	snop  }
0x40f: {  	v45 =	vpop (erf)  }
0x410: {  	v45 =	vadd.f32 $1.000000000e+00, v45;
	v46 =	vpop (erf)  }
0x411: {  	v47 =	vadd.f32 $1.000000000e+00, v46;
	v46 =	vpop (erf)  }
0x412: {  	_ = 	snop  }
0x413: {  	v2 =	vadd.f32 $1.000000000e+00, v46;
	(erf) = vrcp.f32 v47  }
0x414: {  	(erf) = vrcp.f32 v45  }
0x415: {  	(erf) = vrcp.f32 v2;
	_ =	sdelay $0x6  }
0x416: {  	v2 =	vpop (erf)  }
0x417: {  	s28 =	sadd.s32 $0x1, s28;
	[tilespmem:s5+$0x9200] =	vst v2;
	v2 =	vpop (erf)  }
0x418: {  	p0 =	sne.s32 s28, s25;
	[tilespmem:s5+$0x9100] =	vst v2;
	v2 =	vpop (erf)  }
.Ltmp4:
0x419: {  	[tilespmem:s5+$0x9180] =	vst v2;
	(pc) =	sbr.rel @p0 .LBB2_1-.Ltmp4, $4  }
0x41a: {  	[hbm4b:s23+s2] =	stream.linear.scatter [tilespmem:s1], [sflag:$0x1], $0x2000, $0x38;
	[tilespmem:$0xB100] =	vst v63  }
0x41b: {  	_ =	swait.ge [sflag:s26], $0x2000  }
0x41c: {  	[sflag:s26] =	ssyncset.done $0x0  }
0x41d: {  	[sflag:s26] =	ssyncadd.s32 $0xFFFFE000  }
0x41e: {  	_ =	sfence.sel $0x180000  }
0x41f: {  	[bflag:$0x0] =	sbarrier.arrive $0xFFFF  }
0x420: {  	_ =	strace $0x90000047  }
0x421: {  	s0 =	stileid.u32;
	[bflag:$0x2] =	sbarrier.arrive $0xFFFF  }
0x422: {  	p0 =	sne.s32 s0, $0x0;
	s0 =	rddreg [dreg:$0x5]  }
0x423: {  	s0 =	sadd.s32 @!p0 $0x100000, s0  }
0x424: {  	[sflag:s0] =	ssyncadd.tile.s32 @!p0 $0x1;
	_ =	shalt  }
.Lfunc_end2:
_tile_overlayer_lowered:
.L_overlay_start_2:
0x425: {  	(tag) =	ssettag $0x2  }
0x426: {  	s0 =	rddreg [dreg:$0x0];
	s2 =	stileid.u32  }
0x427: {  	s1 =	rddreg [dreg:$0x1];
	p0 =	sne.s32 s2, $0x0  }
0x428: {  	s3 =	rddreg [dreg:$0x2];
	[bflag:$0x3] =	sbarrier.arrive $0xFFFF;
	s2 =	simm.s32 @!p0 $0x1C01  }
0x429: {  	[timem:s3], [sflag:s2] =	dma.local @!p0 [hbm:s0], s1  }
0x42a: {  	s0 =	simm.s32 @!p0 $0x1  }
0x42b: {  	_ =	swait.ge @!p0 [sflag:s0], s1  }
0x42c: {  	s1 =	ssub.s32 @!p0 $0x0, s1;
	[sflag:s0] =	ssyncset.done @!p0 $0x0  }
0x42d: {  	[sflag:s0] =	ssyncadd.s32 @!p0 s1  }
0x42e: {  	[bflag:$0x3] =	sbarrier.arrive $0xFFFF  }
0x42f: {  	_ =	shalt  }

</sc_bundles>
